<compile_context>
chip_gen: v7x
topology: tpu7x:2x2x1
jax: 0.10.2.dev20260603
libtpu: 0.0.44.dev20260713+nightly
codegen_flags: <defaults>
</compile_context>

<pallas_src>
import functools

import jax
import jax.numpy as jnp
from jax import lax
from jax.experimental import pallas as pl
from jax.experimental.pallas import tpu as pltpu
from jax.experimental.pallas import tpu_sc as plsc

NC = 2
NS = 16
NW = NC * NS
CHUNK = 128
GI = 8
CB = 128


def _slab_chunks(rps):
  chunks = []
  off = 0
  while off < rps:
    sz = min(CHUNK, rps - off)
    chunks.append((off, sz))
    off += sz
  return chunks


def _fill(buf, rows_n, cols, value):
  vec = jnp.full((16,), value, jnp.float32)

  @pl.loop(0, rows_n)
  def _(i):
    for j in range(cols // 16):
      buf[i, pl.ds(j * 16, 16)] = vec


def _make_sc_agg(n_pad, d, k_steps):
  rps = n_pad // NS
  chunks = _slab_chunks(rps)

  mesh = plsc.VectorSubcoreMesh(core_axis_name="c", subcore_axis_name="s")

  @functools.partial(
      pl.kernel, mesh=mesh,
      out_type=jax.ShapeDtypeStruct((NC, n_pad, d), jnp.float32),
      scratch_types=(
          pltpu.VMEM_SHARED((n_pad, d), jnp.float32),
          pltpu.VMEM((2, CHUNK), jnp.int32),
          pltpu.VMEM((CHUNK,), jnp.int32),
          pltpu.VMEM((2, CHUNK, d), jnp.float32),
          pltpu.SemaphoreType.DMA,
      ),
  )
  def fn(feats, srci, dsti, part, sh_agg, idx_s, idx_d, rows2, sem):
    c = lax.axis_index("c")
    s = lax.axis_index("s")
    wid = s * NC + c
    base = s * rps

    _fill(rows2.at[0], CHUNK, d, 0.0)
    for off, sz in chunks:
      pltpu.sync_copy(rows2.at[0, pl.ds(0, sz)],
                      sh_agg.at[pl.ds(base + off, sz)])
    plsc.subcore_barrier()

    pltpu.sync_copy(srci.at[wid, 0], idx_s.at[0])
    pltpu.async_copy(feats.at[idx_s.at[0]], rows2.at[0], sem)

    @pl.loop(0, k_steps)
    def _(k):
      par = lax.rem(k, 2)
      nxt = lax.rem(k + 1, 2)

      @pl.when(k + 1 < k_steps)
      def _():
        pltpu.sync_copy(srci.at[wid, k + 1], idx_s.at[nxt])
        pltpu.async_copy(feats.at[idx_s.at[nxt]], rows2.at[nxt], sem)

      pltpu.sync_copy(dsti.at[wid, k], idx_d)
      pltpu.make_async_copy(feats.at[idx_s.at[0]], rows2.at[par], sem).wait()
      pltpu.sync_copy(rows2.at[par], sh_agg.at[idx_d], add=True)

    plsc.subcore_barrier()

    for off, sz in chunks:
      pltpu.sync_copy(sh_agg.at[pl.ds(base + off, sz)],
                      rows2.at[0, pl.ds(0, sz)])
      pltpu.sync_copy(rows2.at[0, pl.ds(0, sz)],
                      part.at[c, pl.ds(base + off, sz)])

  return fn


def _make_sc_cnt(n_pad, k_steps):
  rps = n_pad // NS
  chunks = _slab_chunks(rps)

  mesh = plsc.VectorSubcoreMesh(core_axis_name="c", subcore_axis_name="s")

  @functools.partial(
      pl.kernel, mesh=mesh,
      out_type=jax.ShapeDtypeStruct((NC, n_pad, CB), jnp.float32),
      scratch_types=(
          pltpu.VMEM_SHARED((n_pad, CB), jnp.float32),
          pltpu.VMEM((2, CHUNK), jnp.int32),
          pltpu.VMEM((CHUNK, CB), jnp.float32),
          pltpu.SemaphoreType.DMA,
      ),
  )
  def fn(dsti, cntp, sh_cnt, idx_d2, ones_v, sem):
    c = lax.axis_index("c")
    s = lax.axis_index("s")
    wid = s * NC + c
    base = s * rps

    _fill(ones_v, CHUNK, CB, 0.0)
    for off, sz in chunks:
      pltpu.sync_copy(ones_v.at[pl.ds(0, sz)], sh_cnt.at[pl.ds(base + off, sz)])
    _fill(ones_v, CHUNK, CB, 1.0)
    plsc.subcore_barrier()

    pltpu.sync_copy(dsti.at[wid, 0], idx_d2.at[0])

    @pl.loop(0, k_steps)
    def _(k):
      par = lax.rem(k, 2)
      nxt = lax.rem(k + 1, 2)

      @pl.when(k + 1 < k_steps)
      def _():
        pltpu.async_copy(dsti.at[wid, k + 1], idx_d2.at[nxt], sem)

      pltpu.sync_copy(ones_v, sh_cnt.at[idx_d2.at[par]], add=True)

      @pl.when(k + 1 < k_steps)
      def _():
        pltpu.make_async_copy(dsti.at[wid, 0], idx_d2.at[nxt], sem).wait()

    plsc.subcore_barrier()
    for off, sz in chunks:
      pltpu.sync_copy(sh_cnt.at[pl.ds(base + off, sz)], ones_v.at[pl.ds(0, sz)])
      pltpu.sync_copy(ones_v.at[pl.ds(0, sz)], cntp.at[c, pl.ds(base + off, sz)])

  return fn


def _tc_dense(part, cnt3, x, w_l, w_r, b, *, relu, n, d):
  rblk = 1000
  grid = (n // rblk,)

  def body(part_ref, cnt_ref, x_ref, wl_ref, wr_ref, b_ref, o_ref):
    p = part_ref[0] + part_ref[1]
    cn = cnt_ref[0, :, 0:1] + cnt_ref[1, :, 0:1]
    mean = p / jnp.maximum(cn, 1.0)
    acc = (jnp.dot(mean, wl_ref[...], preferred_element_type=jnp.float32)
           + jnp.dot(x_ref[...], wr_ref[...], preferred_element_type=jnp.float32)
           + b_ref[...])
    if relu:
      acc = jnp.maximum(acc, 0.0)
    o_ref[...] = acc

  return pl.pallas_call(
      body,
      grid=grid,
      in_specs=[
          pl.BlockSpec((NC, rblk, d), lambda i: (0, i, 0)),
          pl.BlockSpec((NC, rblk, CB), lambda i: (0, i, 0)),
          pl.BlockSpec((rblk, d), lambda i: (i, 0)),
          pl.BlockSpec((d, d), lambda i: (0, 0)),
          pl.BlockSpec((d, d), lambda i: (0, 0)),
          pl.BlockSpec((1, d), lambda i: (0, 0)),
      ],
      out_specs=pl.BlockSpec((rblk, d), lambda i: (i, 0)),
      out_shape=jax.ShapeDtypeStruct((n, d), jnp.float32),
  )(part, cnt3, x, w_l, w_r, b)


def kernel(x, edge_index, node_features, W1_l, b1, W1_r, W2_l, b2, W2_r):
  del x
  n, d = node_features.shape
  e = edge_index.shape[1]

  n_pad = -(-(n + 1) // (NS * 32)) * (NS * 32)
  k_steps = -(-e // (NW * CHUNK))
  e_pad = NW * k_steps * CHUNK

  src = edge_index[0]
  dst = edge_index[1]
  pad = e_pad - e
  if e % NW == 0:
    epw = e // NW
    ppw = pad // NW
    trash = (n + (jnp.arange(NW * ppw, dtype=jnp.int32) % 128)).reshape(NW, ppw)
    srcp = jnp.concatenate(
        [src.reshape(NW, epw), jnp.zeros((NW, ppw), jnp.int32)],
        axis=1).reshape(NW, k_steps, CHUNK)
    dstp = jnp.concatenate(
        [dst.reshape(NW, epw), trash], axis=1).reshape(NW, k_steps, CHUNK)
  else:
    trash = n + (jnp.arange(pad, dtype=jnp.int32) % 128)
    srcp = jnp.concatenate([src, jnp.zeros((pad,), jnp.int32)]).reshape(
        NW, k_steps, CHUNK)
    dstp = jnp.concatenate([dst, trash]).reshape(NW, k_steps, CHUNK)
  agg = _make_sc_agg(n_pad, d, k_steps)
  cntp = _make_sc_cnt(n_pad, k_steps)(dstp)

  part1 = agg(node_features, srcp, dstp)
  b1r = b1.reshape(1, d)
  b2r = b2.reshape(1, d)
  h1 = _tc_dense(part1, cntp, node_features, W1_l, W1_r, b1r,
                 relu=True, n=n, d=d)
  part2 = agg(h1, srcp, dstp)
  out = _tc_dense(part2, cntp, h1, W2_l, W2_r, b2r, relu=False, n=n, d=d)
  return out

# --- scband reference (transcript-rebuilt; emitter-appended) ---
"""Pipeline reference for scband-graph-sagemodel-89292370083874 (READ-ONLY COPY).

The authoritative reference and input builder live on the scoring server;
editing this copy changes nothing except your own understanding.
"""

import jax, jax.numpy as jnp
import numpy as np

N = 10000
D = 128
E = 320000


def _sage_conv(x, edge_index, W_l, b_l, W_r):
    # PyG SAGEConv with mean aggregation, root_weight=True, bias on lin_l
    src = edge_index[0]
    dst = edge_index[1]
    msg = jnp.take(x, src, axis=0)                                   # gather x_j
    agg = jax.ops.segment_sum(msg, dst, num_segments=x.shape[0])     # scatter-add
    cnt = jax.ops.segment_sum(jnp.ones((edge_index.shape[1],), dtype=x.dtype), dst, num_segments=x.shape[0])
    mean = agg / jnp.clip(cnt, 1.0)[:, None]
    return mean @ W_l + b_l + x @ W_r


def setup_inputs(seed: int = 0):
    key = jax.random.key(seed)
    ks = jax.random.split(key, 9)
    scale = 1.0 / np.sqrt(D)
    x = jax.random.normal(ks[0], (N, D), dtype=jnp.float32)
    edge_index = jax.random.randint(ks[1], (2, E), 0, N, dtype=jnp.int32)
    node_features = jax.random.normal(ks[2], (N, D), dtype=jnp.float32)
    W1_l = jax.random.normal(ks[3], (D, D), dtype=jnp.float32) * scale
    b1 = jnp.zeros((D,), dtype=jnp.float32)
    W1_r = jax.random.normal(ks[4], (D, D), dtype=jnp.float32) * scale
    W2_l = jax.random.normal(ks[5], (D, D), dtype=jnp.float32) * scale
    b2 = jnp.zeros((D,), dtype=jnp.float32)
    W2_r = jax.random.normal(ks[6], (D, D), dtype=jnp.float32) * scale
    return {"x": x, "edge_index": edge_index, "node_features": node_features,
            "W1_l": W1_l, "b1": b1, "W1_r": W1_r,
            "W2_l": W2_l, "b2": b2, "W2_r": W2_r}


def reference(x, edge_index, node_features, W1_l, b1, W1_r, W2_l, b2, W2_r):
    # Faithful to the torch module: the x argument is ignored; node_features
    # (a learned parameter) is used as the node feature matrix.
    h = node_features
    h = _sage_conv(h, edge_index, W1_l, b1, W1_r)
    h = jax.nn.relu(h)
    h = _sage_conv(h, edge_index, W2_l, b2, W2_r)
    return h

if __name__ == "__main__":
    import jax
    _d = setup_inputs()
    print(jax.jit(kernel)(*tuple(_d.values())))

</pallas_src>

<mosaic_0001>
#map = affine_map<(d0, d1) -> (0, 0, 0)>
module attributes {stable_mosaic.version = 14 : i64} {
  func.func @fn(%arg0: i32, %arg1: i32, %arg2: memref<32x79x128xi32, #tpu.memory_space<hbm>>, %arg3: memref<2x10240x128xf32, #tpu.memory_space<hbm>>, %arg4: memref<10240x128xf32, #tpu.memory_space<vmem_shared>>, %arg5: memref<2x128xi32, #tpu.memory_space<vmem>>, %arg6: memref<128x128xf32, #tpu.memory_space<vmem>>, %arg7: memref<!tpu.dma_semaphore, #tpu.memory_space<semaphore_mem>>) attributes {dimension_semantics = [#tpu.dimension_semantics<core_parallel>, #tpu.dimension_semantics<subcore_parallel>], iteration_bounds = array<i64: 2, 16>, scalar_prefetch = 0 : i64, scratch_operands = 4 : i64, tpu.core_type = #tpu.core_type<sc_vector_subcore>, window_params = [{transform_indices = #map}, {transform_indices = #map}]} {
    %mul3A = arith.constant 2 : i32
    %mul3A_0 = arith.muli %arg1, %mul3A : i32
    %add3A = arith.addi %mul3A_0, %arg0 : i32
    %mul3A_1 = arith.constant 640 : i32
    %mul3A_2 = arith.muli %arg1, %mul3A_1 : i32
    %broadcast_in_dim3A = arith.constant 0.000000e+00 : f32
    %broadcast_in_dim3A_3 = vector.broadcast %broadcast_in_dim3A : f32 to vector<16xf32>
    %scan3A = arith.constant 0 : i32
    %scan3A_4 = arith.constant 128 : i32
    %scan3A_5 = arith.addi %scan3A, %scan3A_4 : i32
    %scan3A_6 = arith.constant 1 : i32
    scf.for %scan3A_52 = %scan3A to %scan3A_5 step %scan3A_6  : i32 {
      %mul3A_53 = arith.constant 1 : i32
      %mul3A_54 = arith.muli %scan3A_52, %mul3A_53 : i32
      %add3A_55 = arith.constant 0 : i32
      %add3A_56 = arith.addi %add3A_55, %mul3A_54 : i32
      %swap3A = arith.index_cast %add3A_56 : i32 to index
      %swap3A_57 = arith.constant 0 : index
      %swap3A_58 = tpu.vector_load %arg6[%swap3A, %swap3A_57] {strides = array<i32>} : memref<128x128xf32, #tpu.memory_space<vmem>>, vector<1x16xf32>,
      %swap3A_59 = vector.shape_cast %swap3A_58 : vector<1x16xf32> to vector<16xf32>
      %swap3A_60 = vector.shape_cast %broadcast_in_dim3A_3 : vector<16xf32> to vector<1x16xf32>
      tpu.vector_store %arg6[%swap3A, %swap3A_57], %swap3A_60 {strides = array<i32>} : memref<128x128xf32, #tpu.memory_space<vmem>>, vector<1x16xf32>,
      %swap3A_61 = arith.index_cast %add3A_56 : i32 to index
      %swap3A_62 = arith.constant 16 : index
      %swap3A_63 = tpu.vector_load %arg6[%swap3A_61, %swap3A_62] {strides = array<i32>} : memref<128x128xf32, #tpu.memory_space<vmem>>, vector<1x16xf32>,
      %swap3A_64 = vector.shape_cast %swap3A_63 : vector<1x16xf32> to vector<16xf32>
      %swap3A_65 = vector.shape_cast %broadcast_in_dim3A_3 : vector<16xf32> to vector<1x16xf32>
      tpu.vector_store %arg6[%swap3A_61, %swap3A_62], %swap3A_65 {strides = array<i32>} : memref<128x128xf32, #tpu.memory_space<vmem>>, vector<1x16xf32>,
      %swap3A_66 = arith.index_cast %add3A_56 : i32 to index
      %swap3A_67 = arith.constant 32 : index
      %swap3A_68 = tpu.vector_load %arg6[%swap3A_66, %swap3A_67] {strides = array<i32>} : memref<128x128xf32, #tpu.memory_space<vmem>>, vector<1x16xf32>,
      %swap3A_69 = vector.shape_cast %swap3A_68 : vector<1x16xf32> to vector<16xf32>
      %swap3A_70 = vector.shape_cast %broadcast_in_dim3A_3 : vector<16xf32> to vector<1x16xf32>
      tpu.vector_store %arg6[%swap3A_66, %swap3A_67], %swap3A_70 {strides = array<i32>} : memref<128x128xf32, #tpu.memory_space<vmem>>, vector<1x16xf32>,
      %swap3A_71 = arith.index_cast %add3A_56 : i32 to index
      %swap3A_72 = arith.constant 48 : index
      %swap3A_73 = tpu.vector_load %arg6[%swap3A_71, %swap3A_72] {strides = array<i32>} : memref<128x128xf32, #tpu.memory_space<vmem>>, vector<1x16xf32>,
      %swap3A_74 = vector.shape_cast %swap3A_73 : vector<1x16xf32> to vector<16xf32>
      %swap3A_75 = vector.shape_cast %broadcast_in_dim3A_3 : vector<16xf32> to vector<1x16xf32>
      tpu.vector_store %arg6[%swap3A_71, %swap3A_72], %swap3A_75 {strides = array<i32>} : memref<128x128xf32, #tpu.memory_space<vmem>>, vector<1x16xf32>,
      %swap3A_76 = arith.index_cast %add3A_56 : i32 to index
      %swap3A_77 = arith.constant 64 : index
      %swap3A_78 = tpu.vector_load %arg6[%swap3A_76, %swap3A_77] {strides = array<i32>} : memref<128x128xf32, #tpu.memory_space<vmem>>, vector<1x16xf32>,
      %swap3A_79 = vector.shape_cast %swap3A_78 : vector<1x16xf32> to vector<16xf32>
      %swap3A_80 = vector.shape_cast %broadcast_in_dim3A_3 : vector<16xf32> to vector<1x16xf32>
      tpu.vector_store %arg6[%swap3A_76, %swap3A_77], %swap3A_80 {strides = array<i32>} : memref<128x128xf32, #tpu.memory_space<vmem>>, vector<1x16xf32>,
      %swap3A_81 = arith.index_cast %add3A_56 : i32 to index
      %swap3A_82 = arith.constant 80 : index
      %swap3A_83 = tpu.vector_load %arg6[%swap3A_81, %swap3A_82] {strides = array<i32>} : memref<128x128xf32, #tpu.memory_space<vmem>>, vector<1x16xf32>,
      %swap3A_84 = vector.shape_cast %swap3A_83 : vector<1x16xf32> to vector<16xf32>
      %swap3A_85 = vector.shape_cast %broadcast_in_dim3A_3 : vector<16xf32> to vector<1x16xf32>
      tpu.vector_store %arg6[%swap3A_81, %swap3A_82], %swap3A_85 {strides = array<i32>} : memref<128x128xf32, #tpu.memory_space<vmem>>, vector<1x16xf32>,
      %swap3A_86 = arith.index_cast %add3A_56 : i32 to index
      %swap3A_87 = arith.constant 96 : index
      %swap3A_88 = tpu.vector_load %arg6[%swap3A_86, %swap3A_87] {strides = array<i32>} : memref<128x128xf32, #tpu.memory_space<vmem>>, vector<1x16xf32>,
      %swap3A_89 = vector.shape_cast %swap3A_88 : vector<1x16xf32> to vector<16xf32>
      %swap3A_90 = vector.shape_cast %broadcast_in_dim3A_3 : vector<16xf32> to vector<1x16xf32>
      tpu.vector_store %arg6[%swap3A_86, %swap3A_87], %swap3A_90 {strides = array<i32>} : memref<128x128xf32, #tpu.memory_space<vmem>>, vector<1x16xf32>,
      %swap3A_91 = arith.index_cast %add3A_56 : i32 to index
      %swap3A_92 = arith.constant 112 : index
      %swap3A_93 = tpu.vector_load %arg6[%swap3A_91, %swap3A_92] {strides = array<i32>} : memref<128x128xf32, #tpu.memory_space<vmem>>, vector<1x16xf32>,
      %swap3A_94 = vector.shape_cast %swap3A_93 : vector<1x16xf32> to vector<16xf32>
      %swap3A_95 = vector.shape_cast %broadcast_in_dim3A_3 : vector<16xf32> to vector<1x16xf32>
      tpu.vector_store %arg6[%swap3A_91, %swap3A_92], %swap3A_95 {strides = array<i32>} : memref<128x128xf32, #tpu.memory_space<vmem>>, vector<1x16xf32>,
    }
    %scan3A_7 = arith.constant 128 : i32
    %add3A_8 = arith.constant 0 : i32
    %add3A_9 = arith.addi %mul3A_2, %add3A_8 : i32
    "tpu.region"() ({
      %run_scoped3A_52 = tpu.sem_alloc : memref<!tpu.dma_semaphore, #tpu.memory_space<semaphore_mem>>
      %dma_start3A = arith.constant 0 : i32
      %dma_start3A_53 = arith.constant 0 : i32
      %dma_start3A_54 = tpu.memref_slice %arg6[%dma_start3A, %dma_start3A_53] : memref<128x128xf32, #tpu.memory_space<vmem>> -> memref<128x128xf32, #tpu.memory_space<vmem>>
      %dma_start3A_55 = arith.constant 0 : i32
      %dma_start3A_56 = tpu.memref_slice %arg4[%add3A_9, %dma_start3A_55] : memref<10240x128xf32, #tpu.memory_space<vmem_shared>> -> memref<128x128xf32, #tpu.memory_space<vmem_shared>>
      %dma_start3A_57 = arith.constant 0 : i32
      %dma_start3A_58 = tpu.memref_slice %arg4[%add3A_9, %dma_start3A_57] : memref<10240x128xf32, #tpu.memory_space<vmem_shared>> -> memref<128x128xf32, #tpu.memory_space<vmem_shared>>
      %dma_start3A_59 = arith.constant 0 : i32
      %dma_start3A_60 = arith.constant 0 : i32
      %dma_start3A_61 = tpu.memref_slice %arg6[%dma_start3A_59, %dma_start3A_60] : memref<128x128xf32, #tpu.memory_space<vmem>> -> memref<128x128xf32, #tpu.memory_space<vmem>>
      tpu.enqueue_dma source(%dma_start3A_61 : memref<128x128xf32, #tpu.memory_space<vmem>>) target(%dma_start3A_58 : memref<128x128xf32, #tpu.memory_space<vmem_shared>>) target_semaphore(%run_scoped3A_52 : memref<!tpu.dma_semaphore, #tpu.memory_space<semaphore_mem>>)
      %dma_wait3A = arith.constant 0 : i32
      %dma_wait3A_62 = arith.constant 0 : i32
      %dma_wait3A_63 = tpu.memref_slice %arg6[%dma_wait3A, %dma_wait3A_62] : memref<128x128xf32, #tpu.memory_space<vmem>> -> memref<128x128xf32, #tpu.memory_space<vmem>>
      %dma_wait3A_64 = arith.constant 0 : i32
      %dma_wait3A_65 = tpu.memref_slice %arg4[%add3A_9, %dma_wait3A_64] : memref<10240x128xf32, #tpu.memory_space<vmem_shared>> -> memref<128x128xf32, #tpu.memory_space<vmem_shared>>
      %dma_wait3A_66 = arith.constant 0 : i32
      %dma_wait3A_67 = tpu.memref_slice %arg4[%add3A_9, %dma_wait3A_66] : memref<10240x128xf32, #tpu.memory_space<vmem_shared>> -> memref<128x128xf32, #tpu.memory_space<vmem_shared>>
      %dma_wait3A_68 = arith.constant 0 : i32
      %dma_wait3A_69 = arith.constant 0 : i32
      %dma_wait3A_70 = tpu.memref_slice %arg6[%dma_wait3A_68, %dma_wait3A_69] : memref<128x128xf32, #tpu.memory_space<vmem>> -> memref<128x128xf32, #tpu.memory_space<vmem>>
      tpu.wait_dma2 semaphore(%run_scoped3A_52 : memref<!tpu.dma_semaphore, #tpu.memory_space<semaphore_mem>>) src(%dma_wait3A_70 : memref<128x128xf32, #tpu.memory_space<vmem>>) dst(%dma_wait3A_67 : memref<128x128xf32, #tpu.memory_space<vmem_shared>>)
      tpu.yield
    }) : () -> ()
    %add3A_10 = arith.constant 128 : i32
    %add3A_11 = arith.addi %mul3A_2, %add3A_10 : i32
    "tpu.region"() ({
      %run_scoped3A_52 = tpu.sem_alloc : memref<!tpu.dma_semaphore, #tpu.memory_space<semaphore_mem>>
      %dma_start3A = arith.constant 0 : i32
      %dma_start3A_53 = arith.constant 0 : i32
      %dma_start3A_54 = tpu.memref_slice %arg6[%dma_start3A, %dma_start3A_53] : memref<128x128xf32, #tpu.memory_space<vmem>> -> memref<128x128xf32, #tpu.memory_space<vmem>>
      %dma_start3A_55 = arith.constant 0 : i32
      %dma_start3A_56 = tpu.memref_slice %arg4[%add3A_11, %dma_start3A_55] : memref<10240x128xf32, #tpu.memory_space<vmem_shared>> -> memref<128x128xf32, #tpu.memory_space<vmem_shared>>
      %dma_start3A_57 = arith.constant 0 : i32
      %dma_start3A_58 = tpu.memref_slice %arg4[%add3A_11, %dma_start3A_57] : memref<10240x128xf32, #tpu.memory_space<vmem_shared>> -> memref<128x128xf32, #tpu.memory_space<vmem_shared>>
      %dma_start3A_59 = arith.constant 0 : i32
      %dma_start3A_60 = arith.constant 0 : i32
      %dma_start3A_61 = tpu.memref_slice %arg6[%dma_start3A_59, %dma_start3A_60] : memref<128x128xf32, #tpu.memory_space<vmem>> -> memref<128x128xf32, #tpu.memory_space<vmem>>
      tpu.enqueue_dma source(%dma_start3A_61 : memref<128x128xf32, #tpu.memory_space<vmem>>) target(%dma_start3A_58 : memref<128x128xf32, #tpu.memory_space<vmem_shared>>) target_semaphore(%run_scoped3A_52 : memref<!tpu.dma_semaphore, #tpu.memory_space<semaphore_mem>>)
      %dma_wait3A = arith.constant 0 : i32
      %dma_wait3A_62 = arith.constant 0 : i32
      %dma_wait3A_63 = tpu.memref_slice %arg6[%dma_wait3A, %dma_wait3A_62] : memref<128x128xf32, #tpu.memory_space<vmem>> -> memref<128x128xf32, #tpu.memory_space<vmem>>
      %dma_wait3A_64 = arith.constant 0 : i32
      %dma_wait3A_65 = tpu.memref_slice %arg4[%add3A_11, %dma_wait3A_64] : memref<10240x128xf32, #tpu.memory_space<vmem_shared>> -> memref<128x128xf32, #tpu.memory_space<vmem_shared>>
      %dma_wait3A_66 = arith.constant 0 : i32
      %dma_wait3A_67 = tpu.memref_slice %arg4[%add3A_11, %dma_wait3A_66] : memref<10240x128xf32, #tpu.memory_space<vmem_shared>> -> memref<128x128xf32, #tpu.memory_space<vmem_shared>>
      %dma_wait3A_68 = arith.constant 0 : i32
      %dma_wait3A_69 = arith.constant 0 : i32
      %dma_wait3A_70 = tpu.memref_slice %arg6[%dma_wait3A_68, %dma_wait3A_69] : memref<128x128xf32, #tpu.memory_space<vmem>> -> memref<128x128xf32, #tpu.memory_space<vmem>>
      tpu.wait_dma2 semaphore(%run_scoped3A_52 : memref<!tpu.dma_semaphore, #tpu.memory_space<semaphore_mem>>) src(%dma_wait3A_70 : memref<128x128xf32, #tpu.memory_space<vmem>>) dst(%dma_wait3A_67 : memref<128x128xf32, #tpu.memory_space<vmem_shared>>)
      tpu.yield
    }) : () -> ()
    %add3A_12 = arith.constant 256 : i32
    %add3A_13 = arith.addi %mul3A_2, %add3A_12 : i32
    "tpu.region"() ({
      %run_scoped3A_52 = tpu.sem_alloc : memref<!tpu.dma_semaphore, #tpu.memory_space<semaphore_mem>>
      %dma_start3A = arith.constant 0 : i32
      %dma_start3A_53 = arith.constant 0 : i32
      %dma_start3A_54 = tpu.memref_slice %arg6[%dma_start3A, %dma_start3A_53] : memref<128x128xf32, #tpu.memory_space<vmem>> -> memref<128x128xf32, #tpu.memory_space<vmem>>
      %dma_start3A_55 = arith.constant 0 : i32
      %dma_start3A_56 = tpu.memref_slice %arg4[%add3A_13, %dma_start3A_55] : memref<10240x128xf32, #tpu.memory_space<vmem_shared>> -> memref<128x128xf32, #tpu.memory_space<vmem_shared>>
      %dma_start3A_57 = arith.constant 0 : i32
      %dma_start3A_58 = tpu.memref_slice %arg4[%add3A_13, %dma_start3A_57] : memref<10240x128xf32, #tpu.memory_space<vmem_shared>> -> memref<128x128xf32, #tpu.memory_space<vmem_shared>>
      %dma_start3A_59 = arith.constant 0 : i32
      %dma_start3A_60 = arith.constant 0 : i32
      %dma_start3A_61 = tpu.memref_slice %arg6[%dma_start3A_59, %dma_start3A_60] : memref<128x128xf32, #tpu.memory_space<vmem>> -> memref<128x128xf32, #tpu.memory_space<vmem>>
      tpu.enqueue_dma source(%dma_start3A_61 : memref<128x128xf32, #tpu.memory_space<vmem>>) target(%dma_start3A_58 : memref<128x128xf32, #tpu.memory_space<vmem_shared>>) target_semaphore(%run_scoped3A_52 : memref<!tpu.dma_semaphore, #tpu.memory_space<semaphore_mem>>)
      %dma_wait3A = arith.constant 0 : i32
      %dma_wait3A_62 = arith.constant 0 : i32
      %dma_wait3A_63 = tpu.memref_slice %arg6[%dma_wait3A, %dma_wait3A_62] : memref<128x128xf32, #tpu.memory_space<vmem>> -> memref<128x128xf32, #tpu.memory_space<vmem>>
      %dma_wait3A_64 = arith.constant 0 : i32
      %dma_wait3A_65 = tpu.memref_slice %arg4[%add3A_13, %dma_wait3A_64] : memref<10240x128xf32, #tpu.memory_space<vmem_shared>> -> memref<128x128xf32, #tpu.memory_space<vmem_shared>>
      %dma_wait3A_66 = arith.constant 0 : i32
      %dma_wait3A_67 = tpu.memref_slice %arg4[%add3A_13, %dma_wait3A_66] : memref<10240x128xf32, #tpu.memory_space<vmem_shared>> -> memref<128x128xf32, #tpu.memory_space<vmem_shared>>
      %dma_wait3A_68 = arith.constant 0 : i32
      %dma_wait3A_69 = arith.constant 0 : i32
      %dma_wait3A_70 = tpu.memref_slice %arg6[%dma_wait3A_68, %dma_wait3A_69] : memref<128x128xf32, #tpu.memory_space<vmem>> -> memref<128x128xf32, #tpu.memory_space<vmem>>
      tpu.wait_dma2 semaphore(%run_scoped3A_52 : memref<!tpu.dma_semaphore, #tpu.memory_space<semaphore_mem>>) src(%dma_wait3A_70 : memref<128x128xf32, #tpu.memory_space<vmem>>) dst(%dma_wait3A_67 : memref<128x128xf32, #tpu.memory_space<vmem_shared>>)
      tpu.yield
    }) : () -> ()
    %add3A_14 = arith.constant 384 : i32
    %add3A_15 = arith.addi %mul3A_2, %add3A_14 : i32
    "tpu.region"() ({
      %run_scoped3A_52 = tpu.sem_alloc : memref<!tpu.dma_semaphore, #tpu.memory_space<semaphore_mem>>
      %dma_start3A = arith.constant 0 : i32
      %dma_start3A_53 = arith.constant 0 : i32
      %dma_start3A_54 = tpu.memref_slice %arg6[%dma_start3A, %dma_start3A_53] : memref<128x128xf32, #tpu.memory_space<vmem>> -> memref<128x128xf32, #tpu.memory_space<vmem>>
      %dma_start3A_55 = arith.constant 0 : i32
      %dma_start3A_56 = tpu.memref_slice %arg4[%add3A_15, %dma_start3A_55] : memref<10240x128xf32, #tpu.memory_space<vmem_shared>> -> memref<128x128xf32, #tpu.memory_space<vmem_shared>>
      %dma_start3A_57 = arith.constant 0 : i32
      %dma_start3A_58 = tpu.memref_slice %arg4[%add3A_15, %dma_start3A_57] : memref<10240x128xf32, #tpu.memory_space<vmem_shared>> -> memref<128x128xf32, #tpu.memory_space<vmem_shared>>
      %dma_start3A_59 = arith.constant 0 : i32
      %dma_start3A_60 = arith.constant 0 : i32
      %dma_start3A_61 = tpu.memref_slice %arg6[%dma_start3A_59, %dma_start3A_60] : memref<128x128xf32, #tpu.memory_space<vmem>> -> memref<128x128xf32, #tpu.memory_space<vmem>>
      tpu.enqueue_dma source(%dma_start3A_61 : memref<128x128xf32, #tpu.memory_space<vmem>>) target(%dma_start3A_58 : memref<128x128xf32, #tpu.memory_space<vmem_shared>>) target_semaphore(%run_scoped3A_52 : memref<!tpu.dma_semaphore, #tpu.memory_space<semaphore_mem>>)
      %dma_wait3A = arith.constant 0 : i32
      %dma_wait3A_62 = arith.constant 0 : i32
      %dma_wait3A_63 = tpu.memref_slice %arg6[%dma_wait3A, %dma_wait3A_62] : memref<128x128xf32, #tpu.memory_space<vmem>> -> memref<128x128xf32, #tpu.memory_space<vmem>>
      %dma_wait3A_64 = arith.constant 0 : i32
      %dma_wait3A_65 = tpu.memref_slice %arg4[%add3A_15, %dma_wait3A_64] : memref<10240x128xf32, #tpu.memory_space<vmem_shared>> -> memref<128x128xf32, #tpu.memory_space<vmem_shared>>
      %dma_wait3A_66 = arith.constant 0 : i32
      %dma_wait3A_67 = tpu.memref_slice %arg4[%add3A_15, %dma_wait3A_66] : memref<10240x128xf32, #tpu.memory_space<vmem_shared>> -> memref<128x128xf32, #tpu.memory_space<vmem_shared>>
      %dma_wait3A_68 = arith.constant 0 : i32
      %dma_wait3A_69 = arith.constant 0 : i32
      %dma_wait3A_70 = tpu.memref_slice %arg6[%dma_wait3A_68, %dma_wait3A_69] : memref<128x128xf32, #tpu.memory_space<vmem>> -> memref<128x128xf32, #tpu.memory_space<vmem>>
      tpu.wait_dma2 semaphore(%run_scoped3A_52 : memref<!tpu.dma_semaphore, #tpu.memory_space<semaphore_mem>>) src(%dma_wait3A_70 : memref<128x128xf32, #tpu.memory_space<vmem>>) dst(%dma_wait3A_67 : memref<128x128xf32, #tpu.memory_space<vmem_shared>>)
      tpu.yield
    }) : () -> ()
    %add3A_16 = arith.constant 512 : i32
    %add3A_17 = arith.addi %mul3A_2, %add3A_16 : i32
    "tpu.region"() ({
      %run_scoped3A_52 = tpu.sem_alloc : memref<!tpu.dma_semaphore, #tpu.memory_space<semaphore_mem>>
      %dma_start3A = arith.constant 0 : i32
      %dma_start3A_53 = arith.constant 0 : i32
      %dma_start3A_54 = tpu.memref_slice %arg6[%dma_start3A, %dma_start3A_53] : memref<128x128xf32, #tpu.memory_space<vmem>> -> memref<128x128xf32, #tpu.memory_space<vmem>>
      %dma_start3A_55 = arith.constant 0 : i32
      %dma_start3A_56 = tpu.memref_slice %arg4[%add3A_17, %dma_start3A_55] : memref<10240x128xf32, #tpu.memory_space<vmem_shared>> -> memref<128x128xf32, #tpu.memory_space<vmem_shared>>
      %dma_start3A_57 = arith.constant 0 : i32
      %dma_start3A_58 = tpu.memref_slice %arg4[%add3A_17, %dma_start3A_57] : memref<10240x128xf32, #tpu.memory_space<vmem_shared>> -> memref<128x128xf32, #tpu.memory_space<vmem_shared>>
      %dma_start3A_59 = arith.constant 0 : i32
      %dma_start3A_60 = arith.constant 0 : i32
      %dma_start3A_61 = tpu.memref_slice %arg6[%dma_start3A_59, %dma_start3A_60] : memref<128x128xf32, #tpu.memory_space<vmem>> -> memref<128x128xf32, #tpu.memory_space<vmem>>
      tpu.enqueue_dma source(%dma_start3A_61 : memref<128x128xf32, #tpu.memory_space<vmem>>) target(%dma_start3A_58 : memref<128x128xf32, #tpu.memory_space<vmem_shared>>) target_semaphore(%run_scoped3A_52 : memref<!tpu.dma_semaphore, #tpu.memory_space<semaphore_mem>>)
      %dma_wait3A = arith.constant 0 : i32
      %dma_wait3A_62 = arith.constant 0 : i32
      %dma_wait3A_63 = tpu.memref_slice %arg6[%dma_wait3A, %dma_wait3A_62] : memref<128x128xf32, #tpu.memory_space<vmem>> -> memref<128x128xf32, #tpu.memory_space<vmem>>
      %dma_wait3A_64 = arith.constant 0 : i32
      %dma_wait3A_65 = tpu.memref_slice %arg4[%add3A_17, %dma_wait3A_64] : memref<10240x128xf32, #tpu.memory_space<vmem_shared>> -> memref<128x128xf32, #tpu.memory_space<vmem_shared>>
      %dma_wait3A_66 = arith.constant 0 : i32
      %dma_wait3A_67 = tpu.memref_slice %arg4[%add3A_17, %dma_wait3A_66] : memref<10240x128xf32, #tpu.memory_space<vmem_shared>> -> memref<128x128xf32, #tpu.memory_space<vmem_shared>>
      %dma_wait3A_68 = arith.constant 0 : i32
      %dma_wait3A_69 = arith.constant 0 : i32
      %dma_wait3A_70 = tpu.memref_slice %arg6[%dma_wait3A_68, %dma_wait3A_69] : memref<128x128xf32, #tpu.memory_space<vmem>> -> memref<128x128xf32, #tpu.memory_space<vmem>>
      tpu.wait_dma2 semaphore(%run_scoped3A_52 : memref<!tpu.dma_semaphore, #tpu.memory_space<semaphore_mem>>) src(%dma_wait3A_70 : memref<128x128xf32, #tpu.memory_space<vmem>>) dst(%dma_wait3A_67 : memref<128x128xf32, #tpu.memory_space<vmem_shared>>)
      tpu.yield
    }) : () -> ()
    %broadcast_in_dim3A_18 = arith.constant 1.000000e+00 : f32
    %broadcast_in_dim3A_19 = vector.broadcast %broadcast_in_dim3A_18 : f32 to vector<16xf32>
    %scan3A_20 = arith.constant 0 : i32
    %scan3A_21 = arith.constant 128 : i32
    %scan3A_22 = arith.addi %scan3A_20, %scan3A_21 : i32
    %scan3A_23 = arith.constant 1 : i32
    scf.for %scan3A_52 = %scan3A_20 to %scan3A_22 step %scan3A_23  : i32 {
      %mul3A_53 = arith.constant 1 : i32
      %mul3A_54 = arith.muli %scan3A_52, %mul3A_53 : i32
      %add3A_55 = arith.constant 0 : i32
      %add3A_56 = arith.addi %add3A_55, %mul3A_54 : i32
      %swap3A = arith.index_cast %add3A_56 : i32 to index
      %swap3A_57 = arith.constant 0 : index
      %swap3A_58 = tpu.vector_load %arg6[%swap3A, %swap3A_57] {strides = array<i32>} : memref<128x128xf32, #tpu.memory_space<vmem>>, vector<1x16xf32>,
      %swap3A_59 = vector.shape_cast %swap3A_58 : vector<1x16xf32> to vector<16xf32>
      %swap3A_60 = vector.shape_cast %broadcast_in_dim3A_19 : vector<16xf32> to vector<1x16xf32>
      tpu.vector_store %arg6[%swap3A, %swap3A_57], %swap3A_60 {strides = array<i32>} : memref<128x128xf32, #tpu.memory_space<vmem>>, vector<1x16xf32>,
      %swap3A_61 = arith.index_cast %add3A_56 : i32 to index
      %swap3A_62 = arith.constant 16 : index
      %swap3A_63 = tpu.vector_load %arg6[%swap3A_61, %swap3A_62] {strides = array<i32>} : memref<128x128xf32, #tpu.memory_space<vmem>>, vector<1x16xf32>,
      %swap3A_64 = vector.shape_cast %swap3A_63 : vector<1x16xf32> to vector<16xf32>
      %swap3A_65 = vector.shape_cast %broadcast_in_dim3A_19 : vector<16xf32> to vector<1x16xf32>
      tpu.vector_store %arg6[%swap3A_61, %swap3A_62], %swap3A_65 {strides = array<i32>} : memref<128x128xf32, #tpu.memory_space<vmem>>, vector<1x16xf32>,
      %swap3A_66 = arith.index_cast %add3A_56 : i32 to index
      %swap3A_67 = arith.constant 32 : index
      %swap3A_68 = tpu.vector_load %arg6[%swap3A_66, %swap3A_67] {strides = array<i32>} : memref<128x128xf32, #tpu.memory_space<vmem>>, vector<1x16xf32>,
      %swap3A_69 = vector.shape_cast %swap3A_68 : vector<1x16xf32> to vector<16xf32>
      %swap3A_70 = vector.shape_cast %broadcast_in_dim3A_19 : vector<16xf32> to vector<1x16xf32>
      tpu.vector_store %arg6[%swap3A_66, %swap3A_67], %swap3A_70 {strides = array<i32>} : memref<128x128xf32, #tpu.memory_space<vmem>>, vector<1x16xf32>,
      %swap3A_71 = arith.index_cast %add3A_56 : i32 to index
      %swap3A_72 = arith.constant 48 : index
      %swap3A_73 = tpu.vector_load %arg6[%swap3A_71, %swap3A_72] {strides = array<i32>} : memref<128x128xf32, #tpu.memory_space<vmem>>, vector<1x16xf32>,
      %swap3A_74 = vector.shape_cast %swap3A_73 : vector<1x16xf32> to vector<16xf32>
      %swap3A_75 = vector.shape_cast %broadcast_in_dim3A_19 : vector<16xf32> to vector<1x16xf32>
      tpu.vector_store %arg6[%swap3A_71, %swap3A_72], %swap3A_75 {strides = array<i32>} : memref<128x128xf32, #tpu.memory_space<vmem>>, vector<1x16xf32>,
      %swap3A_76 = arith.index_cast %add3A_56 : i32 to index
      %swap3A_77 = arith.constant 64 : index
      %swap3A_78 = tpu.vector_load %arg6[%swap3A_76, %swap3A_77] {strides = array<i32>} : memref<128x128xf32, #tpu.memory_space<vmem>>, vector<1x16xf32>,
      %swap3A_79 = vector.shape_cast %swap3A_78 : vector<1x16xf32> to vector<16xf32>
      %swap3A_80 = vector.shape_cast %broadcast_in_dim3A_19 : vector<16xf32> to vector<1x16xf32>
      tpu.vector_store %arg6[%swap3A_76, %swap3A_77], %swap3A_80 {strides = array<i32>} : memref<128x128xf32, #tpu.memory_space<vmem>>, vector<1x16xf32>,
      %swap3A_81 = arith.index_cast %add3A_56 : i32 to index
      %swap3A_82 = arith.constant 80 : index
      %swap3A_83 = tpu.vector_load %arg6[%swap3A_81, %swap3A_82] {strides = array<i32>} : memref<128x128xf32, #tpu.memory_space<vmem>>, vector<1x16xf32>,
      %swap3A_84 = vector.shape_cast %swap3A_83 : vector<1x16xf32> to vector<16xf32>
      %swap3A_85 = vector.shape_cast %broadcast_in_dim3A_19 : vector<16xf32> to vector<1x16xf32>
      tpu.vector_store %arg6[%swap3A_81, %swap3A_82], %swap3A_85 {strides = array<i32>} : memref<128x128xf32, #tpu.memory_space<vmem>>, vector<1x16xf32>,
      %swap3A_86 = arith.index_cast %add3A_56 : i32 to index
      %swap3A_87 = arith.constant 96 : index
      %swap3A_88 = tpu.vector_load %arg6[%swap3A_86, %swap3A_87] {strides = array<i32>} : memref<128x128xf32, #tpu.memory_space<vmem>>, vector<1x16xf32>,
      %swap3A_89 = vector.shape_cast %swap3A_88 : vector<1x16xf32> to vector<16xf32>
      %swap3A_90 = vector.shape_cast %broadcast_in_dim3A_19 : vector<16xf32> to vector<1x16xf32>
      tpu.vector_store %arg6[%swap3A_86, %swap3A_87], %swap3A_90 {strides = array<i32>} : memref<128x128xf32, #tpu.memory_space<vmem>>, vector<1x16xf32>,
      %swap3A_91 = arith.index_cast %add3A_56 : i32 to index
      %swap3A_92 = arith.constant 112 : index
      %swap3A_93 = tpu.vector_load %arg6[%swap3A_91, %swap3A_92] {strides = array<i32>} : memref<128x128xf32, #tpu.memory_space<vmem>>, vector<1x16xf32>,
      %swap3A_94 = vector.shape_cast %swap3A_93 : vector<1x16xf32> to vector<16xf32>
      %swap3A_95 = vector.shape_cast %broadcast_in_dim3A_19 : vector<16xf32> to vector<1x16xf32>
      tpu.vector_store %arg6[%swap3A_91, %swap3A_92], %swap3A_95 {strides = array<i32>} : memref<128x128xf32, #tpu.memory_space<vmem>>, vector<1x16xf32>,
    }
    %scan3A_24 = arith.constant 128 : i32
    %barrier3A = arith.constant 0 : index
    tpu.barrier barrier_id(%barrier3A)
    %run_scoped3A = arith.constant 0 : i32
    %run_scoped3A_25 = arith.constant 0 : i32
    "tpu.region"() ({
      %run_scoped3A_52 = tpu.sem_alloc : memref<!tpu.dma_semaphore, #tpu.memory_space<semaphore_mem>>
      %dma_start3A = arith.constant 0 : i32
      %dma_start3A_53 = tpu.memref_slice %arg5[%run_scoped3A_25, %dma_start3A] : memref<2x128xi32, #tpu.memory_space<vmem>> -> memref<1x128xi32, #tpu.memory_space<vmem>>
      %dma_start3A_54 = tpu.memref_squeeze %dma_start3A_53 : memref<1x128xi32, #tpu.memory_space<vmem>> -> memref<128xi32, #tpu.memory_space<vmem>>
      %dma_start3A_55 = arith.constant 0 : i32
      %dma_start3A_56 = tpu.memref_slice %arg2[%add3A, %run_scoped3A, %dma_start3A_55] : memref<32x79x128xi32, #tpu.memory_space<hbm>> -> memref<1x1x128xi32, #tpu.memory_space<hbm>>
      %dma_start3A_57 = tpu.memref_squeeze %dma_start3A_56 : memref<1x1x128xi32, #tpu.memory_space<hbm>> -> memref<128xi32, #tpu.memory_space<hbm>>
      %dma_start3A_58 = arith.constant 0 : i32
      %dma_start3A_59 = tpu.memref_slice %arg5[%run_scoped3A_25, %dma_start3A_58] : memref<2x128xi32, #tpu.memory_space<vmem>> -> memref<1x128xi32, #tpu.memory_space<vmem>>
      %dma_start3A_60 = tpu.memref_squeeze %dma_start3A_59 : memref<1x128xi32, #tpu.memory_space<vmem>> -> memref<128xi32, #tpu.memory_space<vmem>>
      %dma_start3A_61 = arith.constant 0 : i32
      %dma_start3A_62 = tpu.memref_slice %arg2[%add3A, %run_scoped3A, %dma_start3A_61] : memref<32x79x128xi32, #tpu.memory_space<hbm>> -> memref<1x1x128xi32, #tpu.memory_space<hbm>>
      %dma_start3A_63 = tpu.memref_squeeze %dma_start3A_62 : memref<1x1x128xi32, #tpu.memory_space<hbm>> -> memref<128xi32, #tpu.memory_space<hbm>>
      tpu.enqueue_dma source(%dma_start3A_63 : memref<128xi32, #tpu.memory_space<hbm>>) target(%dma_start3A_60 : memref<128xi32, #tpu.memory_space<vmem>>) target_semaphore(%run_scoped3A_52 : memref<!tpu.dma_semaphore, #tpu.memory_space<semaphore_mem>>)
      %dma_wait3A = arith.constant 0 : i32
      %dma_wait3A_64 = tpu.memref_slice %arg5[%run_scoped3A_25, %dma_wait3A] : memref<2x128xi32, #tpu.memory_space<vmem>> -> memref<1x128xi32, #tpu.memory_space<vmem>>
      %dma_wait3A_65 = tpu.memref_squeeze %dma_wait3A_64 : memref<1x128xi32, #tpu.memory_space<vmem>> -> memref<128xi32, #tpu.memory_space<vmem>>
      %dma_wait3A_66 = arith.constant 0 : i32
      %dma_wait3A_67 = tpu.memref_slice %arg2[%add3A, %run_scoped3A, %dma_wait3A_66] : memref<32x79x128xi32, #tpu.memory_space<hbm>> -> memref<1x1x128xi32, #tpu.memory_space<hbm>>
      %dma_wait3A_68 = tpu.memref_squeeze %dma_wait3A_67 : memref<1x1x128xi32, #tpu.memory_space<hbm>> -> memref<128xi32, #tpu.memory_space<hbm>>
      %dma_wait3A_69 = arith.constant 0 : i32
      %dma_wait3A_70 = tpu.memref_slice %arg5[%run_scoped3A_25, %dma_wait3A_69] : memref<2x128xi32, #tpu.memory_space<vmem>> -> memref<1x128xi32, #tpu.memory_space<vmem>>
      %dma_wait3A_71 = tpu.memref_squeeze %dma_wait3A_70 : memref<1x128xi32, #tpu.memory_space<vmem>> -> memref<128xi32, #tpu.memory_space<vmem>>
      %dma_wait3A_72 = arith.constant 0 : i32
      %dma_wait3A_73 = tpu.memref_slice %arg2[%add3A, %run_scoped3A, %dma_wait3A_72] : memref<32x79x128xi32, #tpu.memory_space<hbm>> -> memref<1x1x128xi32, #tpu.memory_space<hbm>>
      %dma_wait3A_74 = tpu.memref_squeeze %dma_wait3A_73 : memref<1x1x128xi32, #tpu.memory_space<hbm>> -> memref<128xi32, #tpu.memory_space<hbm>>
      tpu.wait_dma2 semaphore(%run_scoped3A_52 : memref<!tpu.dma_semaphore, #tpu.memory_space<semaphore_mem>>) src(%dma_wait3A_74 : memref<128xi32, #tpu.memory_space<hbm>>) dst(%dma_wait3A_71 : memref<128xi32, #tpu.memory_space<vmem>>)
      tpu.yield
    }) : () -> ()
    %scan3A_26 = arith.constant 0 : i32
    %scan3A_27 = arith.constant 79 : i32
    %scan3A_28 = arith.addi %scan3A_26, %scan3A_27 : i32
    %scan3A_29 = arith.constant 1 : i32
    scf.for %scan3A_52 = %scan3A_26 to %scan3A_28 step %scan3A_29  : i32 {
      %mul3A_53 = arith.constant 1 : i32
      %mul3A_54 = arith.muli %scan3A_52, %mul3A_53 : i32
      %add3A_55 = arith.constant 0 : i32
      %add3A_56 = arith.addi %add3A_55, %mul3A_54 : i32
      %rem3A = arith.constant 2 : i32
      %rem3A_57 = arith.remsi %add3A_56, %rem3A : i32
      %add3A_58 = arith.constant 1 : i32
      %add3A_59 = arith.addi %add3A_56, %add3A_58 : i32
      %rem3A_60 = arith.constant 2 : i32
      %rem3A_61 = arith.remsi %add3A_59, %rem3A_60 : i32
      %add3A_62 = arith.constant 1 : i32
      %add3A_63 = arith.addi %add3A_56, %add3A_62 : i32
      %lt3A = arith.constant 79 : i32
      %lt3A_64 = arith.cmpi slt, %add3A_63, %lt3A : i32
      %convert_element_type3A = arith.extui %lt3A_64 : i1 to i32
      %cond3A = arith.constant 0 : i32
      %cond3A_65 = arith.cmpi ne, %convert_element_type3A, %cond3A : i32
      scf.if %cond3A_65 {
        %add3A_73 = arith.constant 1 : i32
        %add3A_74 = arith.addi %add3A_56, %add3A_73 : i32
        %dma_start3A = arith.constant 0 : i32
        %dma_start3A_75 = tpu.memref_slice %arg5[%rem3A_61, %dma_start3A] : memref<2x128xi32, #tpu.memory_space<vmem>> -> memref<1x128xi32, #tpu.memory_space<vmem>>
        %dma_start3A_76 = tpu.memref_squeeze %dma_start3A_75 : memref<1x128xi32, #tpu.memory_space<vmem>> -> memref<128xi32, #tpu.memory_space<vmem>>
        %dma_start3A_77 = arith.constant 0 : i32
        %dma_start3A_78 = tpu.memref_slice %arg2[%add3A, %add3A_74, %dma_start3A_77] : memref<32x79x128xi32, #tpu.memory_space<hbm>> -> memref<1x1x128xi32, #tpu.memory_space<hbm>>
        %dma_start3A_79 = tpu.memref_squeeze %dma_start3A_78 : memref<1x1x128xi32, #tpu.memory_space<hbm>> -> memref<128xi32, #tpu.memory_space<hbm>>
        %dma_start3A_80 = arith.constant 0 : i32
        %dma_start3A_81 = tpu.memref_slice %arg5[%rem3A_61, %dma_start3A_80] : memref<2x128xi32, #tpu.memory_space<vmem>> -> memref<1x128xi32, #tpu.memory_space<vmem>>
        %dma_start3A_82 = tpu.memref_squeeze %dma_start3A_81 : memref<1x128xi32, #tpu.memory_space<vmem>> -> memref<128xi32, #tpu.memory_space<vmem>>
        %dma_start3A_83 = arith.constant 0 : i32
        %dma_start3A_84 = tpu.memref_slice %arg2[%add3A, %add3A_74, %dma_start3A_83] : memref<32x79x128xi32, #tpu.memory_space<hbm>> -> memref<1x1x128xi32, #tpu.memory_space<hbm>>
        %dma_start3A_85 = tpu.memref_squeeze %dma_start3A_84 : memref<1x1x128xi32, #tpu.memory_space<hbm>> -> memref<128xi32, #tpu.memory_space<hbm>>
        tpu.enqueue_dma source(%dma_start3A_85 : memref<128xi32, #tpu.memory_space<hbm>>) target(%dma_start3A_82 : memref<128xi32, #tpu.memory_space<vmem>>) target_semaphore(%arg7 : memref<!tpu.dma_semaphore, #tpu.memory_space<semaphore_mem>>)
      } else {
      }
      "tpu.region"() ({
        %run_scoped3A_73 = tpu.sem_alloc : memref<!tpu.dma_semaphore, #tpu.memory_space<semaphore_mem>>
        %dma_start3A = arith.constant 0 : i32
        %dma_start3A_74 = tpu.memref_slice %arg5[%rem3A_57, %dma_start3A] : memref<2x128xi32, #tpu.memory_space<vmem>> -> memref<1x128xi32, #tpu.memory_space<vmem>>
        %dma_start3A_75 = tpu.memref_squeeze %dma_start3A_74 : memref<1x128xi32, #tpu.memory_space<vmem>> -> memref<128xi32, #tpu.memory_space<vmem>>
        %dma_start3A_76 = arith.constant 0 : i32
        %dma_start3A_77 = arith.constant 0 : i32
        %dma_start3A_78 = tpu.memref_slice %arg4[%dma_start3A_76, %dma_start3A_77] : memref<10240x128xf32, #tpu.memory_space<vmem_shared>> -> memref<10240x128xf32, #tpu.memory_space<vmem_shared>>
        tpu.enqueue_indirect_dma source(%arg6 : memref<128x128xf32, #tpu.memory_space<vmem>>) target(%dma_start3A_78 : memref<10240x128xf32, #tpu.memory_space<vmem_shared>>) offsets(%dma_start3A_75 : memref<128xi32, #tpu.memory_space<vmem>>) semaphore(%run_scoped3A_73 : memref<!tpu.dma_semaphore, #tpu.memory_space<semaphore_mem>>) {add = true}
        %dma_wait3A = arith.constant 0 : i32
        %dma_wait3A_79 = tpu.memref_slice %arg5[%rem3A_57, %dma_wait3A] : memref<2x128xi32, #tpu.memory_space<vmem>> -> memref<1x128xi32, #tpu.memory_space<vmem>>
        %dma_wait3A_80 = tpu.memref_squeeze %dma_wait3A_79 : memref<1x128xi32, #tpu.memory_space<vmem>> -> memref<128xi32, #tpu.memory_space<vmem>>
        %dma_wait3A_81 = arith.constant 0 : i32
        %dma_wait3A_82 = arith.constant 0 : i32
        %dma_wait3A_83 = tpu.memref_slice %arg4[%dma_wait3A_81, %dma_wait3A_82] : memref<10240x128xf32, #tpu.memory_space<vmem_shared>> -> memref<10240x128xf32, #tpu.memory_space<vmem_shared>>
        tpu.wait_indirect_dma semaphore(%run_scoped3A_73 : memref<!tpu.dma_semaphore, #tpu.memory_space<semaphore_mem>>) src(%arg6 : memref<128x128xf32, #tpu.memory_space<vmem>>) dst(%dma_wait3A_83 : memref<10240x128xf32, #tpu.memory_space<vmem_shared>>)
        tpu.yield
      }) : () -> ()
      %add3A_66 = arith.constant 1 : i32
      %add3A_67 = arith.addi %add3A_56, %add3A_66 : i32
      %lt3A_68 = arith.constant 79 : i32
      %lt3A_69 = arith.cmpi slt, %add3A_67, %lt3A_68 : i32
      %convert_element_type3A_70 = arith.extui %lt3A_69 : i1 to i32
      %cond3A_71 = arith.constant 0 : i32
      %cond3A_72 = arith.cmpi ne, %convert_element_type3A_70, %cond3A_71 : i32
      scf.if %cond3A_72 {
        %dma_wait3A = arith.constant 0 : i32
        %dma_wait3A_73 = arith.constant 0 : i32
        %dma_wait3A_74 = tpu.memref_slice %arg5[%rem3A_61, %dma_wait3A_73] : memref<2x128xi32, #tpu.memory_space<vmem>> -> memref<1x128xi32, #tpu.memory_space<vmem>>
        %dma_wait3A_75 = tpu.memref_squeeze %dma_wait3A_74 : memref<1x128xi32, #tpu.memory_space<vmem>> -> memref<128xi32, #tpu.memory_space<vmem>>
        %dma_wait3A_76 = arith.constant 0 : i32
        %dma_wait3A_77 = tpu.memref_slice %arg2[%add3A, %dma_wait3A, %dma_wait3A_76] : memref<32x79x128xi32, #tpu.memory_space<hbm>> -> memref<1x1x128xi32, #tpu.memory_space<hbm>>
        %dma_wait3A_78 = tpu.memref_squeeze %dma_wait3A_77 : memref<1x1x128xi32, #tpu.memory_space<hbm>> -> memref<128xi32, #tpu.memory_space<hbm>>
        %dma_wait3A_79 = arith.constant 0 : i32
        %dma_wait3A_80 = tpu.memref_slice %arg5[%rem3A_61, %dma_wait3A_79] : memref<2x128xi32, #tpu.memory_space<vmem>> -> memref<1x128xi32, #tpu.memory_space<vmem>>
        %dma_wait3A_81 = tpu.memref_squeeze %dma_wait3A_80 : memref<1x128xi32, #tpu.memory_space<vmem>> -> memref<128xi32, #tpu.memory_space<vmem>>
        %dma_wait3A_82 = arith.constant 0 : i32
        %dma_wait3A_83 = tpu.memref_slice %arg2[%add3A, %dma_wait3A, %dma_wait3A_82] : memref<32x79x128xi32, #tpu.memory_space<hbm>> -> memref<1x1x128xi32, #tpu.memory_space<hbm>>
        %dma_wait3A_84 = tpu.memref_squeeze %dma_wait3A_83 : memref<1x1x128xi32, #tpu.memory_space<hbm>> -> memref<128xi32, #tpu.memory_space<hbm>>
        tpu.wait_dma2 semaphore(%arg7 : memref<!tpu.dma_semaphore, #tpu.memory_space<semaphore_mem>>) src(%dma_wait3A_84 : memref<128xi32, #tpu.memory_space<hbm>>) dst(%dma_wait3A_81 : memref<128xi32, #tpu.memory_space<vmem>>)
      } else {
      }
    }
    %scan3A_30 = arith.constant 79 : i32
    %barrier3A_31 = arith.constant 0 : index
    tpu.barrier barrier_id(%barrier3A_31)
    %add3A_32 = arith.constant 0 : i32
    %add3A_33 = arith.addi %mul3A_2, %add3A_32 : i32
    "tpu.region"() ({
      %run_scoped3A_52 = tpu.sem_alloc : memref<!tpu.dma_semaphore, #tpu.memory_space<semaphore_mem>>
      %dma_start3A = arith.constant 0 : i32
      %dma_start3A_53 = arith.constant 0 : i32
      %dma_start3A_54 = tpu.memref_slice %arg6[%dma_start3A, %dma_start3A_53] : memref<128x128xf32, #tpu.memory_space<vmem>> -> memref<128x128xf32, #tpu.memory_space<vmem>>
      %dma_start3A_55 = arith.constant 0 : i32
      %dma_start3A_56 = tpu.memref_slice %arg4[%add3A_33, %dma_start3A_55] : memref<10240x128xf32, #tpu.memory_space<vmem_shared>> -> memref<128x128xf32, #tpu.memory_space<vmem_shared>>
      %dma_start3A_57 = arith.constant 0 : i32
      %dma_start3A_58 = arith.constant 0 : i32
      %dma_start3A_59 = tpu.memref_slice %arg6[%dma_start3A_57, %dma_start3A_58] : memref<128x128xf32, #tpu.memory_space<vmem>> -> memref<128x128xf32, #tpu.memory_space<vmem>>
      %dma_start3A_60 = arith.constant 0 : i32
      %dma_start3A_61 = tpu.memref_slice %arg4[%add3A_33, %dma_start3A_60] : memref<10240x128xf32, #tpu.memory_space<vmem_shared>> -> memref<128x128xf32, #tpu.memory_space<vmem_shared>>
      tpu.enqueue_dma source(%dma_start3A_61 : memref<128x128xf32, #tpu.memory_space<vmem_shared>>) target(%dma_start3A_59 : memref<128x128xf32, #tpu.memory_space<vmem>>) target_semaphore(%run_scoped3A_52 : memref<!tpu.dma_semaphore, #tpu.memory_space<semaphore_mem>>)
      %dma_wait3A = arith.constant 0 : i32
      %dma_wait3A_62 = arith.constant 0 : i32
      %dma_wait3A_63 = tpu.memref_slice %arg6[%dma_wait3A, %dma_wait3A_62] : memref<128x128xf32, #tpu.memory_space<vmem>> -> memref<128x128xf32, #tpu.memory_space<vmem>>
      %dma_wait3A_64 = arith.constant 0 : i32
      %dma_wait3A_65 = tpu.memref_slice %arg4[%add3A_33, %dma_wait3A_64] : memref<10240x128xf32, #tpu.memory_space<vmem_shared>> -> memref<128x128xf32, #tpu.memory_space<vmem_shared>>
      %dma_wait3A_66 = arith.constant 0 : i32
      %dma_wait3A_67 = arith.constant 0 : i32
      %dma_wait3A_68 = tpu.memref_slice %arg6[%dma_wait3A_66, %dma_wait3A_67] : memref<128x128xf32, #tpu.memory_space<vmem>> -> memref<128x128xf32, #tpu.memory_space<vmem>>
      %dma_wait3A_69 = arith.constant 0 : i32
      %dma_wait3A_70 = tpu.memref_slice %arg4[%add3A_33, %dma_wait3A_69] : memref<10240x128xf32, #tpu.memory_space<vmem_shared>> -> memref<128x128xf32, #tpu.memory_space<vmem_shared>>
      tpu.wait_dma2 semaphore(%run_scoped3A_52 : memref<!tpu.dma_semaphore, #tpu.memory_space<semaphore_mem>>) src(%dma_wait3A_70 : memref<128x128xf32, #tpu.memory_space<vmem_shared>>) dst(%dma_wait3A_68 : memref<128x128xf32, #tpu.memory_space<vmem>>)
      tpu.yield
    }) : () -> ()
    %add3A_34 = arith.constant 0 : i32
    %add3A_35 = arith.addi %mul3A_2, %add3A_34 : i32
    "tpu.region"() ({
      %run_scoped3A_52 = tpu.sem_alloc : memref<!tpu.dma_semaphore, #tpu.memory_space<semaphore_mem>>
      %dma_start3A = arith.constant 0 : i32
      %dma_start3A_53 = arith.constant 0 : i32
      %dma_start3A_54 = tpu.memref_slice %arg6[%dma_start3A, %dma_start3A_53] : memref<128x128xf32, #tpu.memory_space<vmem>> -> memref<128x128xf32, #tpu.memory_space<vmem>>
      %dma_start3A_55 = arith.constant 0 : i32
      %dma_start3A_56 = tpu.memref_slice %arg3[%arg0, %add3A_35, %dma_start3A_55] : memref<2x10240x128xf32, #tpu.memory_space<hbm>> -> memref<1x128x128xf32, #tpu.memory_space<hbm>>
      %dma_start3A_57 = tpu.memref_squeeze %dma_start3A_56 : memref<1x128x128xf32, #tpu.memory_space<hbm>> -> memref<128x128xf32, #tpu.memory_space<hbm>>
      %dma_start3A_58 = arith.constant 0 : i32
      %dma_start3A_59 = tpu.memref_slice %arg3[%arg0, %add3A_35, %dma_start3A_58] : memref<2x10240x128xf32, #tpu.memory_space<hbm>> -> memref<1x128x128xf32, #tpu.memory_space<hbm>>
      %dma_start3A_60 = tpu.memref_squeeze %dma_start3A_59 : memref<1x128x128xf32, #tpu.memory_space<hbm>> -> memref<128x128xf32, #tpu.memory_space<hbm>>
      %dma_start3A_61 = arith.constant 0 : i32
      %dma_start3A_62 = arith.constant 0 : i32
      %dma_start3A_63 = tpu.memref_slice %arg6[%dma_start3A_61, %dma_start3A_62] : memref<128x128xf32, #tpu.memory_space<vmem>> -> memref<128x128xf32, #tpu.memory_space<vmem>>
      tpu.enqueue_dma source(%dma_start3A_63 : memref<128x128xf32, #tpu.memory_space<vmem>>) target(%dma_start3A_60 : memref<128x128xf32, #tpu.memory_space<hbm>>) target_semaphore(%run_scoped3A_52 : memref<!tpu.dma_semaphore, #tpu.memory_space<semaphore_mem>>)
      %dma_wait3A = arith.constant 0 : i32
      %dma_wait3A_64 = arith.constant 0 : i32
      %dma_wait3A_65 = tpu.memref_slice %arg6[%dma_wait3A, %dma_wait3A_64] : memref<128x128xf32, #tpu.memory_space<vmem>> -> memref<128x128xf32, #tpu.memory_space<vmem>>
      %dma_wait3A_66 = arith.constant 0 : i32
      %dma_wait3A_67 = tpu.memref_slice %arg3[%arg0, %add3A_35, %dma_wait3A_66] : memref<2x10240x128xf32, #tpu.memory_space<hbm>> -> memref<1x128x128xf32, #tpu.memory_space<hbm>>
      %dma_wait3A_68 = tpu.memref_squeeze %dma_wait3A_67 : memref<1x128x128xf32, #tpu.memory_space<hbm>> -> memref<128x128xf32, #tpu.memory_space<hbm>>
      %dma_wait3A_69 = arith.constant 0 : i32
      %dma_wait3A_70 = tpu.memref_slice %arg3[%arg0, %add3A_35, %dma_wait3A_69] : memref<2x10240x128xf32, #tpu.memory_space<hbm>> -> memref<1x128x128xf32, #tpu.memory_space<hbm>>
      %dma_wait3A_71 = tpu.memref_squeeze %dma_wait3A_70 : memref<1x128x128xf32, #tpu.memory_space<hbm>> -> memref<128x128xf32, #tpu.memory_space<hbm>>
      %dma_wait3A_72 = arith.constant 0 : i32
      %dma_wait3A_73 = arith.constant 0 : i32
      %dma_wait3A_74 = tpu.memref_slice %arg6[%dma_wait3A_72, %dma_wait3A_73] : memref<128x128xf32, #tpu.memory_space<vmem>> -> memref<128x128xf32, #tpu.memory_space<vmem>>
      tpu.wait_dma2 semaphore(%run_scoped3A_52 : memref<!tpu.dma_semaphore, #tpu.memory_space<semaphore_mem>>) src(%dma_wait3A_74 : memref<128x128xf32, #tpu.memory_space<vmem>>) dst(%dma_wait3A_71 : memref<128x128xf32, #tpu.memory_space<hbm>>)
      tpu.yield
    }) : () -> ()
    %add3A_36 = arith.constant 128 : i32
    %add3A_37 = arith.addi %mul3A_2, %add3A_36 : i32
    "tpu.region"() ({
      %run_scoped3A_52 = tpu.sem_alloc : memref<!tpu.dma_semaphore, #tpu.memory_space<semaphore_mem>>
      %dma_start3A = arith.constant 0 : i32
      %dma_start3A_53 = arith.constant 0 : i32
      %dma_start3A_54 = tpu.memref_slice %arg6[%dma_start3A, %dma_start3A_53] : memref<128x128xf32, #tpu.memory_space<vmem>> -> memref<128x128xf32, #tpu.memory_space<vmem>>
      %dma_start3A_55 = arith.constant 0 : i32
      %dma_start3A_56 = tpu.memref_slice %arg4[%add3A_37, %dma_start3A_55] : memref<10240x128xf32, #tpu.memory_space<vmem_shared>> -> memref<128x128xf32, #tpu.memory_space<vmem_shared>>
      %dma_start3A_57 = arith.constant 0 : i32
      %dma_start3A_58 = arith.constant 0 : i32
      %dma_start3A_59 = tpu.memref_slice %arg6[%dma_start3A_57, %dma_start3A_58] : memref<128x128xf32, #tpu.memory_space<vmem>> -> memref<128x128xf32, #tpu.memory_space<vmem>>
      %dma_start3A_60 = arith.constant 0 : i32
      %dma_start3A_61 = tpu.memref_slice %arg4[%add3A_37, %dma_start3A_60] : memref<10240x128xf32, #tpu.memory_space<vmem_shared>> -> memref<128x128xf32, #tpu.memory_space<vmem_shared>>
      tpu.enqueue_dma source(%dma_start3A_61 : memref<128x128xf32, #tpu.memory_space<vmem_shared>>) target(%dma_start3A_59 : memref<128x128xf32, #tpu.memory_space<vmem>>) target_semaphore(%run_scoped3A_52 : memref<!tpu.dma_semaphore, #tpu.memory_space<semaphore_mem>>)
      %dma_wait3A = arith.constant 0 : i32
      %dma_wait3A_62 = arith.constant 0 : i32
      %dma_wait3A_63 = tpu.memref_slice %arg6[%dma_wait3A, %dma_wait3A_62] : memref<128x128xf32, #tpu.memory_space<vmem>> -> memref<128x128xf32, #tpu.memory_space<vmem>>
      %dma_wait3A_64 = arith.constant 0 : i32
      %dma_wait3A_65 = tpu.memref_slice %arg4[%add3A_37, %dma_wait3A_64] : memref<10240x128xf32, #tpu.memory_space<vmem_shared>> -> memref<128x128xf32, #tpu.memory_space<vmem_shared>>
      %dma_wait3A_66 = arith.constant 0 : i32
      %dma_wait3A_67 = arith.constant 0 : i32
      %dma_wait3A_68 = tpu.memref_slice %arg6[%dma_wait3A_66, %dma_wait3A_67] : memref<128x128xf32, #tpu.memory_space<vmem>> -> memref<128x128xf32, #tpu.memory_space<vmem>>
      %dma_wait3A_69 = arith.constant 0 : i32
      %dma_wait3A_70 = tpu.memref_slice %arg4[%add3A_37, %dma_wait3A_69] : memref<10240x128xf32, #tpu.memory_space<vmem_shared>> -> memref<128x128xf32, #tpu.memory_space<vmem_shared>>
      tpu.wait_dma2 semaphore(%run_scoped3A_52 : memref<!tpu.dma_semaphore, #tpu.memory_space<semaphore_mem>>) src(%dma_wait3A_70 : memref<128x128xf32, #tpu.memory_space<vmem_shared>>) dst(%dma_wait3A_68 : memref<128x128xf32, #tpu.memory_space<vmem>>)
      tpu.yield
    }) : () -> ()
    %add3A_38 = arith.constant 128 : i32
    %add3A_39 = arith.addi %mul3A_2, %add3A_38 : i32
    "tpu.region"() ({
      %run_scoped3A_52 = tpu.sem_alloc : memref<!tpu.dma_semaphore, #tpu.memory_space<semaphore_mem>>
      %dma_start3A = arith.constant 0 : i32
      %dma_start3A_53 = arith.constant 0 : i32
      %dma_start3A_54 = tpu.memref_slice %arg6[%dma_start3A, %dma_start3A_53] : memref<128x128xf32, #tpu.memory_space<vmem>> -> memref<128x128xf32, #tpu.memory_space<vmem>>
      %dma_start3A_55 = arith.constant 0 : i32
      %dma_start3A_56 = tpu.memref_slice %arg3[%arg0, %add3A_39, %dma_start3A_55] : memref<2x10240x128xf32, #tpu.memory_space<hbm>> -> memref<1x128x128xf32, #tpu.memory_space<hbm>>
      %dma_start3A_57 = tpu.memref_squeeze %dma_start3A_56 : memref<1x128x128xf32, #tpu.memory_space<hbm>> -> memref<128x128xf32, #tpu.memory_space<hbm>>
      %dma_start3A_58 = arith.constant 0 : i32
      %dma_start3A_59 = tpu.memref_slice %arg3[%arg0, %add3A_39, %dma_start3A_58] : memref<2x10240x128xf32, #tpu.memory_space<hbm>> -> memref<1x128x128xf32, #tpu.memory_space<hbm>>
      %dma_start3A_60 = tpu.memref_squeeze %dma_start3A_59 : memref<1x128x128xf32, #tpu.memory_space<hbm>> -> memref<128x128xf32, #tpu.memory_space<hbm>>
      %dma_start3A_61 = arith.constant 0 : i32
      %dma_start3A_62 = arith.constant 0 : i32
      %dma_start3A_63 = tpu.memref_slice %arg6[%dma_start3A_61, %dma_start3A_62] : memref<128x128xf32, #tpu.memory_space<vmem>> -> memref<128x128xf32, #tpu.memory_space<vmem>>
      tpu.enqueue_dma source(%dma_start3A_63 : memref<128x128xf32, #tpu.memory_space<vmem>>) target(%dma_start3A_60 : memref<128x128xf32, #tpu.memory_space<hbm>>) target_semaphore(%run_scoped3A_52 : memref<!tpu.dma_semaphore, #tpu.memory_space<semaphore_mem>>)
      %dma_wait3A = arith.constant 0 : i32
      %dma_wait3A_64 = arith.constant 0 : i32
      %dma_wait3A_65 = tpu.memref_slice %arg6[%dma_wait3A, %dma_wait3A_64] : memref<128x128xf32, #tpu.memory_space<vmem>> -> memref<128x128xf32, #tpu.memory_space<vmem>>
      %dma_wait3A_66 = arith.constant 0 : i32
      %dma_wait3A_67 = tpu.memref_slice %arg3[%arg0, %add3A_39, %dma_wait3A_66] : memref<2x10240x128xf32, #tpu.memory_space<hbm>> -> memref<1x128x128xf32, #tpu.memory_space<hbm>>
      %dma_wait3A_68 = tpu.memref_squeeze %dma_wait3A_67 : memref<1x128x128xf32, #tpu.memory_space<hbm>> -> memref<128x128xf32, #tpu.memory_space<hbm>>
      %dma_wait3A_69 = arith.constant 0 : i32
      %dma_wait3A_70 = tpu.memref_slice %arg3[%arg0, %add3A_39, %dma_wait3A_69] : memref<2x10240x128xf32, #tpu.memory_space<hbm>> -> memref<1x128x128xf32, #tpu.memory_space<hbm>>
      %dma_wait3A_71 = tpu.memref_squeeze %dma_wait3A_70 : memref<1x128x128xf32, #tpu.memory_space<hbm>> -> memref<128x128xf32, #tpu.memory_space<hbm>>
      %dma_wait3A_72 = arith.constant 0 : i32
      %dma_wait3A_73 = arith.constant 0 : i32
      %dma_wait3A_74 = tpu.memref_slice %arg6[%dma_wait3A_72, %dma_wait3A_73] : memref<128x128xf32, #tpu.memory_space<vmem>> -> memref<128x128xf32, #tpu.memory_space<vmem>>
      tpu.wait_dma2 semaphore(%run_scoped3A_52 : memref<!tpu.dma_semaphore, #tpu.memory_space<semaphore_mem>>) src(%dma_wait3A_74 : memref<128x128xf32, #tpu.memory_space<vmem>>) dst(%dma_wait3A_71 : memref<128x128xf32, #tpu.memory_space<hbm>>)
      tpu.yield
    }) : () -> ()
    %add3A_40 = arith.constant 256 : i32
    %add3A_41 = arith.addi %mul3A_2, %add3A_40 : i32
    "tpu.region"() ({
      %run_scoped3A_52 = tpu.sem_alloc : memref<!tpu.dma_semaphore, #tpu.memory_space<semaphore_mem>>
      %dma_start3A = arith.constant 0 : i32
      %dma_start3A_53 = arith.constant 0 : i32
      %dma_start3A_54 = tpu.memref_slice %arg6[%dma_start3A, %dma_start3A_53] : memref<128x128xf32, #tpu.memory_space<vmem>> -> memref<128x128xf32, #tpu.memory_space<vmem>>
      %dma_start3A_55 = arith.constant 0 : i32
      %dma_start3A_56 = tpu.memref_slice %arg4[%add3A_41, %dma_start3A_55] : memref<10240x128xf32, #tpu.memory_space<vmem_shared>> -> memref<128x128xf32, #tpu.memory_space<vmem_shared>>
      %dma_start3A_57 = arith.constant 0 : i32
      %dma_start3A_58 = arith.constant 0 : i32
      %dma_start3A_59 = tpu.memref_slice %arg6[%dma_start3A_57, %dma_start3A_58] : memref<128x128xf32, #tpu.memory_space<vmem>> -> memref<128x128xf32, #tpu.memory_space<vmem>>
      %dma_start3A_60 = arith.constant 0 : i32
      %dma_start3A_61 = tpu.memref_slice %arg4[%add3A_41, %dma_start3A_60] : memref<10240x128xf32, #tpu.memory_space<vmem_shared>> -> memref<128x128xf32, #tpu.memory_space<vmem_shared>>
      tpu.enqueue_dma source(%dma_start3A_61 : memref<128x128xf32, #tpu.memory_space<vmem_shared>>) target(%dma_start3A_59 : memref<128x128xf32, #tpu.memory_space<vmem>>) target_semaphore(%run_scoped3A_52 : memref<!tpu.dma_semaphore, #tpu.memory_space<semaphore_mem>>)
      %dma_wait3A = arith.constant 0 : i32
      %dma_wait3A_62 = arith.constant 0 : i32
      %dma_wait3A_63 = tpu.memref_slice %arg6[%dma_wait3A, %dma_wait3A_62] : memref<128x128xf32, #tpu.memory_space<vmem>> -> memref<128x128xf32, #tpu.memory_space<vmem>>
      %dma_wait3A_64 = arith.constant 0 : i32
      %dma_wait3A_65 = tpu.memref_slice %arg4[%add3A_41, %dma_wait3A_64] : memref<10240x128xf32, #tpu.memory_space<vmem_shared>> -> memref<128x128xf32, #tpu.memory_space<vmem_shared>>
      %dma_wait3A_66 = arith.constant 0 : i32
      %dma_wait3A_67 = arith.constant 0 : i32
      %dma_wait3A_68 = tpu.memref_slice %arg6[%dma_wait3A_66, %dma_wait3A_67] : memref<128x128xf32, #tpu.memory_space<vmem>> -> memref<128x128xf32, #tpu.memory_space<vmem>>
      %dma_wait3A_69 = arith.constant 0 : i32
      %dma_wait3A_70 = tpu.memref_slice %arg4[%add3A_41, %dma_wait3A_69] : memref<10240x128xf32, #tpu.memory_space<vmem_shared>> -> memref<128x128xf32, #tpu.memory_space<vmem_shared>>
      tpu.wait_dma2 semaphore(%run_scoped3A_52 : memref<!tpu.dma_semaphore, #tpu.memory_space<semaphore_mem>>) src(%dma_wait3A_70 : memref<128x128xf32, #tpu.memory_space<vmem_shared>>) dst(%dma_wait3A_68 : memref<128x128xf32, #tpu.memory_space<vmem>>)
      tpu.yield
    }) : () -> ()
    %add3A_42 = arith.constant 256 : i32
    %add3A_43 = arith.addi %mul3A_2, %add3A_42 : i32
    "tpu.region"() ({
      %run_scoped3A_52 = tpu.sem_alloc : memref<!tpu.dma_semaphore, #tpu.memory_space<semaphore_mem>>
      %dma_start3A = arith.constant 0 : i32
      %dma_start3A_53 = arith.constant 0 : i32
      %dma_start3A_54 = tpu.memref_slice %arg6[%dma_start3A, %dma_start3A_53] : memref<128x128xf32, #tpu.memory_space<vmem>> -> memref<128x128xf32, #tpu.memory_space<vmem>>
      %dma_start3A_55 = arith.constant 0 : i32
      %dma_start3A_56 = tpu.memref_slice %arg3[%arg0, %add3A_43, %dma_start3A_55] : memref<2x10240x128xf32, #tpu.memory_space<hbm>> -> memref<1x128x128xf32, #tpu.memory_space<hbm>>
      %dma_start3A_57 = tpu.memref_squeeze %dma_start3A_56 : memref<1x128x128xf32, #tpu.memory_space<hbm>> -> memref<128x128xf32, #tpu.memory_space<hbm>>
      %dma_start3A_58 = arith.constant 0 : i32
      %dma_start3A_59 = tpu.memref_slice %arg3[%arg0, %add3A_43, %dma_start3A_58] : memref<2x10240x128xf32, #tpu.memory_space<hbm>> -> memref<1x128x128xf32, #tpu.memory_space<hbm>>
      %dma_start3A_60 = tpu.memref_squeeze %dma_start3A_59 : memref<1x128x128xf32, #tpu.memory_space<hbm>> -> memref<128x128xf32, #tpu.memory_space<hbm>>
      %dma_start3A_61 = arith.constant 0 : i32
      %dma_start3A_62 = arith.constant 0 : i32
      %dma_start3A_63 = tpu.memref_slice %arg6[%dma_start3A_61, %dma_start3A_62] : memref<128x128xf32, #tpu.memory_space<vmem>> -> memref<128x128xf32, #tpu.memory_space<vmem>>
      tpu.enqueue_dma source(%dma_start3A_63 : memref<128x128xf32, #tpu.memory_space<vmem>>) target(%dma_start3A_60 : memref<128x128xf32, #tpu.memory_space<hbm>>) target_semaphore(%run_scoped3A_52 : memref<!tpu.dma_semaphore, #tpu.memory_space<semaphore_mem>>)
      %dma_wait3A = arith.constant 0 : i32
      %dma_wait3A_64 = arith.constant 0 : i32
      %dma_wait3A_65 = tpu.memref_slice %arg6[%dma_wait3A, %dma_wait3A_64] : memref<128x128xf32, #tpu.memory_space<vmem>> -> memref<128x128xf32, #tpu.memory_space<vmem>>
      %dma_wait3A_66 = arith.constant 0 : i32
      %dma_wait3A_67 = tpu.memref_slice %arg3[%arg0, %add3A_43, %dma_wait3A_66] : memref<2x10240x128xf32, #tpu.memory_space<hbm>> -> memref<1x128x128xf32, #tpu.memory_space<hbm>>
      %dma_wait3A_68 = tpu.memref_squeeze %dma_wait3A_67 : memref<1x128x128xf32, #tpu.memory_space<hbm>> -> memref<128x128xf32, #tpu.memory_space<hbm>>
      %dma_wait3A_69 = arith.constant 0 : i32
      %dma_wait3A_70 = tpu.memref_slice %arg3[%arg0, %add3A_43, %dma_wait3A_69] : memref<2x10240x128xf32, #tpu.memory_space<hbm>> -> memref<1x128x128xf32, #tpu.memory_space<hbm>>
      %dma_wait3A_71 = tpu.memref_squeeze %dma_wait3A_70 : memref<1x128x128xf32, #tpu.memory_space<hbm>> -> memref<128x128xf32, #tpu.memory_space<hbm>>
      %dma_wait3A_72 = arith.constant 0 : i32
      %dma_wait3A_73 = arith.constant 0 : i32
      %dma_wait3A_74 = tpu.memref_slice %arg6[%dma_wait3A_72, %dma_wait3A_73] : memref<128x128xf32, #tpu.memory_space<vmem>> -> memref<128x128xf32, #tpu.memory_space<vmem>>
      tpu.wait_dma2 semaphore(%run_scoped3A_52 : memref<!tpu.dma_semaphore, #tpu.memory_space<semaphore_mem>>) src(%dma_wait3A_74 : memref<128x128xf32, #tpu.memory_space<vmem>>) dst(%dma_wait3A_71 : memref<128x128xf32, #tpu.memory_space<hbm>>)
      tpu.yield
    }) : () -> ()
    %add3A_44 = arith.constant 384 : i32
    %add3A_45 = arith.addi %mul3A_2, %add3A_44 : i32
    "tpu.region"() ({
      %run_scoped3A_52 = tpu.sem_alloc : memref<!tpu.dma_semaphore, #tpu.memory_space<semaphore_mem>>
      %dma_start3A = arith.constant 0 : i32
      %dma_start3A_53 = arith.constant 0 : i32
      %dma_start3A_54 = tpu.memref_slice %arg6[%dma_start3A, %dma_start3A_53] : memref<128x128xf32, #tpu.memory_space<vmem>> -> memref<128x128xf32, #tpu.memory_space<vmem>>
      %dma_start3A_55 = arith.constant 0 : i32
      %dma_start3A_56 = tpu.memref_slice %arg4[%add3A_45, %dma_start3A_55] : memref<10240x128xf32, #tpu.memory_space<vmem_shared>> -> memref<128x128xf32, #tpu.memory_space<vmem_shared>>
      %dma_start3A_57 = arith.constant 0 : i32
      %dma_start3A_58 = arith.constant 0 : i32
      %dma_start3A_59 = tpu.memref_slice %arg6[%dma_start3A_57, %dma_start3A_58] : memref<128x128xf32, #tpu.memory_space<vmem>> -> memref<128x128xf32, #tpu.memory_space<vmem>>
      %dma_start3A_60 = arith.constant 0 : i32
      %dma_start3A_61 = tpu.memref_slice %arg4[%add3A_45, %dma_start3A_60] : memref<10240x128xf32, #tpu.memory_space<vmem_shared>> -> memref<128x128xf32, #tpu.memory_space<vmem_shared>>
      tpu.enqueue_dma source(%dma_start3A_61 : memref<128x128xf32, #tpu.memory_space<vmem_shared>>) target(%dma_start3A_59 : memref<128x128xf32, #tpu.memory_space<vmem>>) target_semaphore(%run_scoped3A_52 : memref<!tpu.dma_semaphore, #tpu.memory_space<semaphore_mem>>)
      %dma_wait3A = arith.constant 0 : i32
      %dma_wait3A_62 = arith.constant 0 : i32
      %dma_wait3A_63 = tpu.memref_slice %arg6[%dma_wait3A, %dma_wait3A_62] : memref<128x128xf32, #tpu.memory_space<vmem>> -> memref<128x128xf32, #tpu.memory_space<vmem>>
      %dma_wait3A_64 = arith.constant 0 : i32
      %dma_wait3A_65 = tpu.memref_slice %arg4[%add3A_45, %dma_wait3A_64] : memref<10240x128xf32, #tpu.memory_space<vmem_shared>> -> memref<128x128xf32, #tpu.memory_space<vmem_shared>>
      %dma_wait3A_66 = arith.constant 0 : i32
      %dma_wait3A_67 = arith.constant 0 : i32
      %dma_wait3A_68 = tpu.memref_slice %arg6[%dma_wait3A_66, %dma_wait3A_67] : memref<128x128xf32, #tpu.memory_space<vmem>> -> memref<128x128xf32, #tpu.memory_space<vmem>>
      %dma_wait3A_69 = arith.constant 0 : i32
      %dma_wait3A_70 = tpu.memref_slice %arg4[%add3A_45, %dma_wait3A_69] : memref<10240x128xf32, #tpu.memory_space<vmem_shared>> -> memref<128x128xf32, #tpu.memory_space<vmem_shared>>
      tpu.wait_dma2 semaphore(%run_scoped3A_52 : memref<!tpu.dma_semaphore, #tpu.memory_space<semaphore_mem>>) src(%dma_wait3A_70 : memref<128x128xf32, #tpu.memory_space<vmem_shared>>) dst(%dma_wait3A_68 : memref<128x128xf32, #tpu.memory_space<vmem>>)
      tpu.yield
    }) : () -> ()
    %add3A_46 = arith.constant 384 : i32
    %add3A_47 = arith.addi %mul3A_2, %add3A_46 : i32
    "tpu.region"() ({
      %run_scoped3A_52 = tpu.sem_alloc : memref<!tpu.dma_semaphore, #tpu.memory_space<semaphore_mem>>
      %dma_start3A = arith.constant 0 : i32
      %dma_start3A_53 = arith.constant 0 : i32
      %dma_start3A_54 = tpu.memref_slice %arg6[%dma_start3A, %dma_start3A_53] : memref<128x128xf32, #tpu.memory_space<vmem>> -> memref<128x128xf32, #tpu.memory_space<vmem>>
      %dma_start3A_55 = arith.constant 0 : i32
      %dma_start3A_56 = tpu.memref_slice %arg3[%arg0, %add3A_47, %dma_start3A_55] : memref<2x10240x128xf32, #tpu.memory_space<hbm>> -> memref<1x128x128xf32, #tpu.memory_space<hbm>>
      %dma_start3A_57 = tpu.memref_squeeze %dma_start3A_56 : memref<1x128x128xf32, #tpu.memory_space<hbm>> -> memref<128x128xf32, #tpu.memory_space<hbm>>
      %dma_start3A_58 = arith.constant 0 : i32
      %dma_start3A_59 = tpu.memref_slice %arg3[%arg0, %add3A_47, %dma_start3A_58] : memref<2x10240x128xf32, #tpu.memory_space<hbm>> -> memref<1x128x128xf32, #tpu.memory_space<hbm>>
      %dma_start3A_60 = tpu.memref_squeeze %dma_start3A_59 : memref<1x128x128xf32, #tpu.memory_space<hbm>> -> memref<128x128xf32, #tpu.memory_space<hbm>>
      %dma_start3A_61 = arith.constant 0 : i32
      %dma_start3A_62 = arith.constant 0 : i32
      %dma_start3A_63 = tpu.memref_slice %arg6[%dma_start3A_61, %dma_start3A_62] : memref<128x128xf32, #tpu.memory_space<vmem>> -> memref<128x128xf32, #tpu.memory_space<vmem>>
      tpu.enqueue_dma source(%dma_start3A_63 : memref<128x128xf32, #tpu.memory_space<vmem>>) target(%dma_start3A_60 : memref<128x128xf32, #tpu.memory_space<hbm>>) target_semaphore(%run_scoped3A_52 : memref<!tpu.dma_semaphore, #tpu.memory_space<semaphore_mem>>)
      %dma_wait3A = arith.constant 0 : i32
      %dma_wait3A_64 = arith.constant 0 : i32
      %dma_wait3A_65 = tpu.memref_slice %arg6[%dma_wait3A, %dma_wait3A_64] : memref<128x128xf32, #tpu.memory_space<vmem>> -> memref<128x128xf32, #tpu.memory_space<vmem>>
      %dma_wait3A_66 = arith.constant 0 : i32
      %dma_wait3A_67 = tpu.memref_slice %arg3[%arg0, %add3A_47, %dma_wait3A_66] : memref<2x10240x128xf32, #tpu.memory_space<hbm>> -> memref<1x128x128xf32, #tpu.memory_space<hbm>>
      %dma_wait3A_68 = tpu.memref_squeeze %dma_wait3A_67 : memref<1x128x128xf32, #tpu.memory_space<hbm>> -> memref<128x128xf32, #tpu.memory_space<hbm>>
      %dma_wait3A_69 = arith.constant 0 : i32
      %dma_wait3A_70 = tpu.memref_slice %arg3[%arg0, %add3A_47, %dma_wait3A_69] : memref<2x10240x128xf32, #tpu.memory_space<hbm>> -> memref<1x128x128xf32, #tpu.memory_space<hbm>>
      %dma_wait3A_71 = tpu.memref_squeeze %dma_wait3A_70 : memref<1x128x128xf32, #tpu.memory_space<hbm>> -> memref<128x128xf32, #tpu.memory_space<hbm>>
      %dma_wait3A_72 = arith.constant 0 : i32
      %dma_wait3A_73 = arith.constant 0 : i32
      %dma_wait3A_74 = tpu.memref_slice %arg6[%dma_wait3A_72, %dma_wait3A_73] : memref<128x128xf32, #tpu.memory_space<vmem>> -> memref<128x128xf32, #tpu.memory_space<vmem>>
      tpu.wait_dma2 semaphore(%run_scoped3A_52 : memref<!tpu.dma_semaphore, #tpu.memory_space<semaphore_mem>>) src(%dma_wait3A_74 : memref<128x128xf32, #tpu.memory_space<vmem>>) dst(%dma_wait3A_71 : memref<128x128xf32, #tpu.memory_space<hbm>>)
      tpu.yield
    }) : () -> ()
    %add3A_48 = arith.constant 512 : i32
    %add3A_49 = arith.addi %mul3A_2, %add3A_48 : i32
    "tpu.region"() ({
      %run_scoped3A_52 = tpu.sem_alloc : memref<!tpu.dma_semaphore, #tpu.memory_space<semaphore_mem>>
      %dma_start3A = arith.constant 0 : i32
      %dma_start3A_53 = arith.constant 0 : i32
      %dma_start3A_54 = tpu.memref_slice %arg6[%dma_start3A, %dma_start3A_53] : memref<128x128xf32, #tpu.memory_space<vmem>> -> memref<128x128xf32, #tpu.memory_space<vmem>>
      %dma_start3A_55 = arith.constant 0 : i32
      %dma_start3A_56 = tpu.memref_slice %arg4[%add3A_49, %dma_start3A_55] : memref<10240x128xf32, #tpu.memory_space<vmem_shared>> -> memref<128x128xf32, #tpu.memory_space<vmem_shared>>
      %dma_start3A_57 = arith.constant 0 : i32
      %dma_start3A_58 = arith.constant 0 : i32
      %dma_start3A_59 = tpu.memref_slice %arg6[%dma_start3A_57, %dma_start3A_58] : memref<128x128xf32, #tpu.memory_space<vmem>> -> memref<128x128xf32, #tpu.memory_space<vmem>>
      %dma_start3A_60 = arith.constant 0 : i32
      %dma_start3A_61 = tpu.memref_slice %arg4[%add3A_49, %dma_start3A_60] : memref<10240x128xf32, #tpu.memory_space<vmem_shared>> -> memref<128x128xf32, #tpu.memory_space<vmem_shared>>
      tpu.enqueue_dma source(%dma_start3A_61 : memref<128x128xf32, #tpu.memory_space<vmem_shared>>) target(%dma_start3A_59 : memref<128x128xf32, #tpu.memory_space<vmem>>) target_semaphore(%run_scoped3A_52 : memref<!tpu.dma_semaphore, #tpu.memory_space<semaphore_mem>>)
      %dma_wait3A = arith.constant 0 : i32
      %dma_wait3A_62 = arith.constant 0 : i32
      %dma_wait3A_63 = tpu.memref_slice %arg6[%dma_wait3A, %dma_wait3A_62] : memref<128x128xf32, #tpu.memory_space<vmem>> -> memref<128x128xf32, #tpu.memory_space<vmem>>
      %dma_wait3A_64 = arith.constant 0 : i32
      %dma_wait3A_65 = tpu.memref_slice %arg4[%add3A_49, %dma_wait3A_64] : memref<10240x128xf32, #tpu.memory_space<vmem_shared>> -> memref<128x128xf32, #tpu.memory_space<vmem_shared>>
      %dma_wait3A_66 = arith.constant 0 : i32
      %dma_wait3A_67 = arith.constant 0 : i32
      %dma_wait3A_68 = tpu.memref_slice %arg6[%dma_wait3A_66, %dma_wait3A_67] : memref<128x128xf32, #tpu.memory_space<vmem>> -> memref<128x128xf32, #tpu.memory_space<vmem>>
      %dma_wait3A_69 = arith.constant 0 : i32
      %dma_wait3A_70 = tpu.memref_slice %arg4[%add3A_49, %dma_wait3A_69] : memref<10240x128xf32, #tpu.memory_space<vmem_shared>> -> memref<128x128xf32, #tpu.memory_space<vmem_shared>>
      tpu.wait_dma2 semaphore(%run_scoped3A_52 : memref<!tpu.dma_semaphore, #tpu.memory_space<semaphore_mem>>) src(%dma_wait3A_70 : memref<128x128xf32, #tpu.memory_space<vmem_shared>>) dst(%dma_wait3A_68 : memref<128x128xf32, #tpu.memory_space<vmem>>)
      tpu.yield
    }) : () -> ()
    %add3A_50 = arith.constant 512 : i32
    %add3A_51 = arith.addi %mul3A_2, %add3A_50 : i32
    "tpu.region"() ({
      %run_scoped3A_52 = tpu.sem_alloc : memref<!tpu.dma_semaphore, #tpu.memory_space<semaphore_mem>>
      %dma_start3A = arith.constant 0 : i32
      %dma_start3A_53 = arith.constant 0 : i32
      %dma_start3A_54 = tpu.memref_slice %arg6[%dma_start3A, %dma_start3A_53] : memref<128x128xf32, #tpu.memory_space<vmem>> -> memref<128x128xf32, #tpu.memory_space<vmem>>
      %dma_start3A_55 = arith.constant 0 : i32
      %dma_start3A_56 = tpu.memref_slice %arg3[%arg0, %add3A_51, %dma_start3A_55] : memref<2x10240x128xf32, #tpu.memory_space<hbm>> -> memref<1x128x128xf32, #tpu.memory_space<hbm>>
      %dma_start3A_57 = tpu.memref_squeeze %dma_start3A_56 : memref<1x128x128xf32, #tpu.memory_space<hbm>> -> memref<128x128xf32, #tpu.memory_space<hbm>>
      %dma_start3A_58 = arith.constant 0 : i32
      %dma_start3A_59 = tpu.memref_slice %arg3[%arg0, %add3A_51, %dma_start3A_58] : memref<2x10240x128xf32, #tpu.memory_space<hbm>> -> memref<1x128x128xf32, #tpu.memory_space<hbm>>
      %dma_start3A_60 = tpu.memref_squeeze %dma_start3A_59 : memref<1x128x128xf32, #tpu.memory_space<hbm>> -> memref<128x128xf32, #tpu.memory_space<hbm>>
      %dma_start3A_61 = arith.constant 0 : i32
      %dma_start3A_62 = arith.constant 0 : i32
      %dma_start3A_63 = tpu.memref_slice %arg6[%dma_start3A_61, %dma_start3A_62] : memref<128x128xf32, #tpu.memory_space<vmem>> -> memref<128x128xf32, #tpu.memory_space<vmem>>
      tpu.enqueue_dma source(%dma_start3A_63 : memref<128x128xf32, #tpu.memory_space<vmem>>) target(%dma_start3A_60 : memref<128x128xf32, #tpu.memory_space<hbm>>) target_semaphore(%run_scoped3A_52 : memref<!tpu.dma_semaphore, #tpu.memory_space<semaphore_mem>>)
      %dma_wait3A = arith.constant 0 : i32
      %dma_wait3A_64 = arith.constant 0 : i32
      %dma_wait3A_65 = tpu.memref_slice %arg6[%dma_wait3A, %dma_wait3A_64] : memref<128x128xf32, #tpu.memory_space<vmem>> -> memref<128x128xf32, #tpu.memory_space<vmem>>
      %dma_wait3A_66 = arith.constant 0 : i32
      %dma_wait3A_67 = tpu.memref_slice %arg3[%arg0, %add3A_51, %dma_wait3A_66] : memref<2x10240x128xf32, #tpu.memory_space<hbm>> -> memref<1x128x128xf32, #tpu.memory_space<hbm>>
      %dma_wait3A_68 = tpu.memref_squeeze %dma_wait3A_67 : memref<1x128x128xf32, #tpu.memory_space<hbm>> -> memref<128x128xf32, #tpu.memory_space<hbm>>
      %dma_wait3A_69 = arith.constant 0 : i32
      %dma_wait3A_70 = tpu.memref_slice %arg3[%arg0, %add3A_51, %dma_wait3A_69] : memref<2x10240x128xf32, #tpu.memory_space<hbm>> -> memref<1x128x128xf32, #tpu.memory_space<hbm>>
      %dma_wait3A_71 = tpu.memref_squeeze %dma_wait3A_70 : memref<1x128x128xf32, #tpu.memory_space<hbm>> -> memref<128x128xf32, #tpu.memory_space<hbm>>
      %dma_wait3A_72 = arith.constant 0 : i32
      %dma_wait3A_73 = arith.constant 0 : i32
      %dma_wait3A_74 = tpu.memref_slice %arg6[%dma_wait3A_72, %dma_wait3A_73] : memref<128x128xf32, #tpu.memory_space<vmem>> -> memref<128x128xf32, #tpu.memory_space<vmem>>
      tpu.wait_dma2 semaphore(%run_scoped3A_52 : memref<!tpu.dma_semaphore, #tpu.memory_space<semaphore_mem>>) src(%dma_wait3A_74 : memref<128x128xf32, #tpu.memory_space<vmem>>) dst(%dma_wait3A_71 : memref<128x128xf32, #tpu.memory_space<hbm>>)
      tpu.yield
    }) : () -> ()
    return
  }
}

#map = affine_map<(d0, d1) -> (0, 0)>
#map1 = affine_map<(d0, d1) -> (0, 0, 0)>
module attributes {stable_mosaic.version = 14 : i64} {
  func.func @fn(%arg0: i32, %arg1: i32, %arg2: memref<10000x128xf32, #tpu.memory_space<hbm>>, %arg3: memref<32x79x128xi32, #tpu.memory_space<hbm>>, %arg4: memref<32x79x128xi32, #tpu.memory_space<hbm>>, %arg5: memref<2x10240x128xf32, #tpu.memory_space<hbm>>, %arg6: memref<10240x128xf32, #tpu.memory_space<vmem_shared>>, %arg7: memref<2x128xi32, #tpu.memory_space<vmem>>, %arg8: memref<128xi32, #tpu.memory_space<vmem>>, %arg9: memref<2x128x128xf32, #tpu.memory_space<vmem>>, %arg10: memref<!tpu.dma_semaphore, #tpu.memory_space<semaphore_mem>>) attributes {dimension_semantics = [#tpu.dimension_semantics<core_parallel>, #tpu.dimension_semantics<subcore_parallel>], iteration_bounds = array<i64: 2, 16>, scalar_prefetch = 0 : i64, scratch_operands = 5 : i64, tpu.core_type = #tpu.core_type<sc_vector_subcore>, window_params = [{transform_indices = #map}, {transform_indices = #map1}, {transform_indices = #map1}, {transform_indices = #map1}]} {
    %mul3A = arith.constant 2 : i32
    %mul3A_0 = arith.muli %arg1, %mul3A : i32
    %add3A = arith.addi %mul3A_0, %arg0 : i32
    %mul3A_1 = arith.constant 640 : i32
    %mul3A_2 = arith.muli %arg1, %mul3A_1 : i32
    %broadcast_in_dim3A = arith.constant 0.000000e+00 : f32
    %broadcast_in_dim3A_3 = vector.broadcast %broadcast_in_dim3A : f32 to vector<16xf32>
    %scan3A = arith.constant 0 : i32
    %scan3A_4 = arith.constant 0 : i32
    %scan3A_5 = arith.constant 128 : i32
    %scan3A_6 = arith.addi %scan3A_4, %scan3A_5 : i32
    %scan3A_7 = arith.constant 1 : i32
    scf.for %scan3A_72 = %scan3A_4 to %scan3A_6 step %scan3A_7  : i32 {
      %mul3A_73 = arith.constant 1 : i32
      %mul3A_74 = arith.muli %scan3A_72, %mul3A_73 : i32
      %add3A_75 = arith.constant 0 : i32
      %add3A_76 = arith.addi %add3A_75, %mul3A_74 : i32
      %swap3A = arith.constant 0 : i32
      %swap3A_77 = arith.constant 0 : i32
      %swap3A_78 = tpu.memref_slice %arg9[%scan3A, %swap3A, %swap3A_77] : memref<2x128x128xf32, #tpu.memory_space<vmem>> -> memref<1x128x128xf32, #tpu.memory_space<vmem>>
      %swap3A_79 = tpu.memref_squeeze %swap3A_78 : memref<1x128x128xf32, #tpu.memory_space<vmem>> -> memref<128x128xf32, #tpu.memory_space<vmem>>
      %swap3A_80 = arith.index_cast %add3A_76 : i32 to index
      %swap3A_81 = arith.constant 0 : index
      %swap3A_82 = tpu.vector_load %swap3A_79[%swap3A_80, %swap3A_81] {strides = array<i32>} : memref<128x128xf32, #tpu.memory_space<vmem>>, vector<1x16xf32>,
      %swap3A_83 = vector.shape_cast %swap3A_82 : vector<1x16xf32> to vector<16xf32>
      %swap3A_84 = vector.shape_cast %broadcast_in_dim3A_3 : vector<16xf32> to vector<1x16xf32>
      tpu.vector_store %swap3A_79[%swap3A_80, %swap3A_81], %swap3A_84 {strides = array<i32>} : memref<128x128xf32, #tpu.memory_space<vmem>>, vector<1x16xf32>,
      %swap3A_85 = arith.constant 0 : i32
      %swap3A_86 = arith.constant 0 : i32
      %swap3A_87 = tpu.memref_slice %arg9[%scan3A, %swap3A_85, %swap3A_86] : memref<2x128x128xf32, #tpu.memory_space<vmem>> -> memref<1x128x128xf32, #tpu.memory_space<vmem>>
      %swap3A_88 = tpu.memref_squeeze %swap3A_87 : memref<1x128x128xf32, #tpu.memory_space<vmem>> -> memref<128x128xf32, #tpu.memory_space<vmem>>
      %swap3A_89 = arith.index_cast %add3A_76 : i32 to index
      %swap3A_90 = arith.constant 16 : index
      %swap3A_91 = tpu.vector_load %swap3A_88[%swap3A_89, %swap3A_90] {strides = array<i32>} : memref<128x128xf32, #tpu.memory_space<vmem>>, vector<1x16xf32>,
      %swap3A_92 = vector.shape_cast %swap3A_91 : vector<1x16xf32> to vector<16xf32>
      %swap3A_93 = vector.shape_cast %broadcast_in_dim3A_3 : vector<16xf32> to vector<1x16xf32>
      tpu.vector_store %swap3A_88[%swap3A_89, %swap3A_90], %swap3A_93 {strides = array<i32>} : memref<128x128xf32, #tpu.memory_space<vmem>>, vector<1x16xf32>,
      %swap3A_94 = arith.constant 0 : i32
      %swap3A_95 = arith.constant 0 : i32
      %swap3A_96 = tpu.memref_slice %arg9[%scan3A, %swap3A_94, %swap3A_95] : memref<2x128x128xf32, #tpu.memory_space<vmem>> -> memref<1x128x128xf32, #tpu.memory_space<vmem>>
      %swap3A_97 = tpu.memref_squeeze %swap3A_96 : memref<1x128x128xf32, #tpu.memory_space<vmem>> -> memref<128x128xf32, #tpu.memory_space<vmem>>
      %swap3A_98 = arith.index_cast %add3A_76 : i32 to index
      %swap3A_99 = arith.constant 32 : index
      %swap3A_100 = tpu.vector_load %swap3A_97[%swap3A_98, %swap3A_99] {strides = array<i32>} : memref<128x128xf32, #tpu.memory_space<vmem>>, vector<1x16xf32>,
      %swap3A_101 = vector.shape_cast %swap3A_100 : vector<1x16xf32> to vector<16xf32>
      %swap3A_102 = vector.shape_cast %broadcast_in_dim3A_3 : vector<16xf32> to vector<1x16xf32>
      tpu.vector_store %swap3A_97[%swap3A_98, %swap3A_99], %swap3A_102 {strides = array<i32>} : memref<128x128xf32, #tpu.memory_space<vmem>>, vector<1x16xf32>,
      %swap3A_103 = arith.constant 0 : i32
      %swap3A_104 = arith.constant 0 : i32
      %swap3A_105 = tpu.memref_slice %arg9[%scan3A, %swap3A_103, %swap3A_104] : memref<2x128x128xf32, #tpu.memory_space<vmem>> -> memref<1x128x128xf32, #tpu.memory_space<vmem>>
      %swap3A_106 = tpu.memref_squeeze %swap3A_105 : memref<1x128x128xf32, #tpu.memory_space<vmem>> -> memref<128x128xf32, #tpu.memory_space<vmem>>
      %swap3A_107 = arith.index_cast %add3A_76 : i32 to index
      %swap3A_108 = arith.constant 48 : index
      %swap3A_109 = tpu.vector_load %swap3A_106[%swap3A_107, %swap3A_108] {strides = array<i32>} : memref<128x128xf32, #tpu.memory_space<vmem>>, vector<1x16xf32>,
      %swap3A_110 = vector.shape_cast %swap3A_109 : vector<1x16xf32> to vector<16xf32>
      %swap3A_111 = vector.shape_cast %broadcast_in_dim3A_3 : vector<16xf32> to vector<1x16xf32>
      tpu.vector_store %swap3A_106[%swap3A_107, %swap3A_108], %swap3A_111 {strides = array<i32>} : memref<128x128xf32, #tpu.memory_space<vmem>>, vector<1x16xf32>,
      %swap3A_112 = arith.constant 0 : i32
      %swap3A_113 = arith.constant 0 : i32
      %swap3A_114 = tpu.memref_slice %arg9[%scan3A, %swap3A_112, %swap3A_113] : memref<2x128x128xf32, #tpu.memory_space<vmem>> -> memref<1x128x128xf32, #tpu.memory_space<vmem>>
      %swap3A_115 = tpu.memref_squeeze %swap3A_114 : memref<1x128x128xf32, #tpu.memory_space<vmem>> -> memref<128x128xf32, #tpu.memory_space<vmem>>
      %swap3A_116 = arith.index_cast %add3A_76 : i32 to index
      %swap3A_117 = arith.constant 64 : index
      %swap3A_118 = tpu.vector_load %swap3A_115[%swap3A_116, %swap3A_117] {strides = array<i32>} : memref<128x128xf32, #tpu.memory_space<vmem>>, vector<1x16xf32>,
      %swap3A_119 = vector.shape_cast %swap3A_118 : vector<1x16xf32> to vector<16xf32>
      %swap3A_120 = vector.shape_cast %broadcast_in_dim3A_3 : vector<16xf32> to vector<1x16xf32>
      tpu.vector_store %swap3A_115[%swap3A_116, %swap3A_117], %swap3A_120 {strides = array<i32>} : memref<128x128xf32, #tpu.memory_space<vmem>>, vector<1x16xf32>,
      %swap3A_121 = arith.constant 0 : i32
      %swap3A_122 = arith.constant 0 : i32
      %swap3A_123 = tpu.memref_slice %arg9[%scan3A, %swap3A_121, %swap3A_122] : memref<2x128x128xf32, #tpu.memory_space<vmem>> -> memref<1x128x128xf32, #tpu.memory_space<vmem>>
      %swap3A_124 = tpu.memref_squeeze %swap3A_123 : memref<1x128x128xf32, #tpu.memory_space<vmem>> -> memref<128x128xf32, #tpu.memory_space<vmem>>
      %swap3A_125 = arith.index_cast %add3A_76 : i32 to index
      %swap3A_126 = arith.constant 80 : index
      %swap3A_127 = tpu.vector_load %swap3A_124[%swap3A_125, %swap3A_126] {strides = array<i32>} : memref<128x128xf32, #tpu.memory_space<vmem>>, vector<1x16xf32>,
      %swap3A_128 = vector.shape_cast %swap3A_127 : vector<1x16xf32> to vector<16xf32>
      %swap3A_129 = vector.shape_cast %broadcast_in_dim3A_3 : vector<16xf32> to vector<1x16xf32>
      tpu.vector_store %swap3A_124[%swap3A_125, %swap3A_126], %swap3A_129 {strides = array<i32>} : memref<128x128xf32, #tpu.memory_space<vmem>>, vector<1x16xf32>,
      %swap3A_130 = arith.constant 0 : i32
      %swap3A_131 = arith.constant 0 : i32
      %swap3A_132 = tpu.memref_slice %arg9[%scan3A, %swap3A_130, %swap3A_131] : memref<2x128x128xf32, #tpu.memory_space<vmem>> -> memref<1x128x128xf32, #tpu.memory_space<vmem>>
      %swap3A_133 = tpu.memref_squeeze %swap3A_132 : memref<1x128x128xf32, #tpu.memory_space<vmem>> -> memref<128x128xf32, #tpu.memory_space<vmem>>
      %swap3A_134 = arith.index_cast %add3A_76 : i32 to index
      %swap3A_135 = arith.constant 96 : index
      %swap3A_136 = tpu.vector_load %swap3A_133[%swap3A_134, %swap3A_135] {strides = array<i32>} : memref<128x128xf32, #tpu.memory_space<vmem>>, vector<1x16xf32>,
      %swap3A_137 = vector.shape_cast %swap3A_136 : vector<1x16xf32> to vector<16xf32>
      %swap3A_138 = vector.shape_cast %broadcast_in_dim3A_3 : vector<16xf32> to vector<1x16xf32>
      tpu.vector_store %swap3A_133[%swap3A_134, %swap3A_135], %swap3A_138 {strides = array<i32>} : memref<128x128xf32, #tpu.memory_space<vmem>>, vector<1x16xf32>,
      %swap3A_139 = arith.constant 0 : i32
      %swap3A_140 = arith.constant 0 : i32
      %swap3A_141 = tpu.memref_slice %arg9[%scan3A, %swap3A_139, %swap3A_140] : memref<2x128x128xf32, #tpu.memory_space<vmem>> -> memref<1x128x128xf32, #tpu.memory_space<vmem>>
      %swap3A_142 = tpu.memref_squeeze %swap3A_141 : memref<1x128x128xf32, #tpu.memory_space<vmem>> -> memref<128x128xf32, #tpu.memory_space<vmem>>
      %swap3A_143 = arith.index_cast %add3A_76 : i32 to index
      %swap3A_144 = arith.constant 112 : index
      %swap3A_145 = tpu.vector_load %swap3A_142[%swap3A_143, %swap3A_144] {strides = array<i32>} : memref<128x128xf32, #tpu.memory_space<vmem>>, vector<1x16xf32>,
      %swap3A_146 = vector.shape_cast %swap3A_145 : vector<1x16xf32> to vector<16xf32>
      %swap3A_147 = vector.shape_cast %broadcast_in_dim3A_3 : vector<16xf32> to vector<1x16xf32>
      tpu.vector_store %swap3A_142[%swap3A_143, %swap3A_144], %swap3A_147 {strides = array<i32>} : memref<128x128xf32, #tpu.memory_space<vmem>>, vector<1x16xf32>,
    }
    %scan3A_8 = arith.constant 128 : i32
    %add3A_9 = arith.constant 0 : i32
    %add3A_10 = arith.addi %mul3A_2, %add3A_9 : i32
    %run_scoped3A = arith.constant 0 : i32
    "tpu.region"() ({
      %run_scoped3A_72 = tpu.sem_alloc : memref<!tpu.dma_semaphore, #tpu.memory_space<semaphore_mem>>
      %dma_start3A_73 = arith.constant 0 : i32
      %dma_start3A_74 = arith.constant 0 : i32
      %dma_start3A_75 = tpu.memref_slice %arg9[%run_scoped3A, %dma_start3A_73, %dma_start3A_74] : memref<2x128x128xf32, #tpu.memory_space<vmem>> -> memref<1x128x128xf32, #tpu.memory_space<vmem>>
      %dma_start3A_76 = tpu.memref_squeeze %dma_start3A_75 : memref<1x128x128xf32, #tpu.memory_space<vmem>> -> memref<128x128xf32, #tpu.memory_space<vmem>>
      %dma_start3A_77 = arith.constant 0 : i32
      %dma_start3A_78 = tpu.memref_slice %arg6[%add3A_10, %dma_start3A_77] : memref<10240x128xf32, #tpu.memory_space<vmem_shared>> -> memref<128x128xf32, #tpu.memory_space<vmem_shared>>
      %dma_start3A_79 = arith.constant 0 : i32
      %dma_start3A_80 = tpu.memref_slice %arg6[%add3A_10, %dma_start3A_79] : memref<10240x128xf32, #tpu.memory_space<vmem_shared>> -> memref<128x128xf32, #tpu.memory_space<vmem_shared>>
      %dma_start3A_81 = arith.constant 0 : i32
      %dma_start3A_82 = arith.constant 0 : i32
      %dma_start3A_83 = tpu.memref_slice %arg9[%run_scoped3A, %dma_start3A_81, %dma_start3A_82] : memref<2x128x128xf32, #tpu.memory_space<vmem>> -> memref<1x128x128xf32, #tpu.memory_space<vmem>>
      %dma_start3A_84 = tpu.memref_squeeze %dma_start3A_83 : memref<1x128x128xf32, #tpu.memory_space<vmem>> -> memref<128x128xf32, #tpu.memory_space<vmem>>
      tpu.enqueue_dma source(%dma_start3A_84 : memref<128x128xf32, #tpu.memory_space<vmem>>) target(%dma_start3A_80 : memref<128x128xf32, #tpu.memory_space<vmem_shared>>) target_semaphore(%run_scoped3A_72 : memref<!tpu.dma_semaphore, #tpu.memory_space<semaphore_mem>>)
      %dma_wait3A = arith.constant 0 : i32
      %dma_wait3A_85 = arith.constant 0 : i32
      %dma_wait3A_86 = tpu.memref_slice %arg9[%run_scoped3A, %dma_wait3A, %dma_wait3A_85] : memref<2x128x128xf32, #tpu.memory_space<vmem>> -> memref<1x128x128xf32, #tpu.memory_space<vmem>>
      %dma_wait3A_87 = tpu.memref_squeeze %dma_wait3A_86 : memref<1x128x128xf32, #tpu.memory_space<vmem>> -> memref<128x128xf32, #tpu.memory_space<vmem>>
      %dma_wait3A_88 = arith.constant 0 : i32
      %dma_wait3A_89 = tpu.memref_slice %arg6[%add3A_10, %dma_wait3A_88] : memref<10240x128xf32, #tpu.memory_space<vmem_shared>> -> memref<128x128xf32, #tpu.memory_space<vmem_shared>>
      %dma_wait3A_90 = arith.constant 0 : i32
      %dma_wait3A_91 = tpu.memref_slice %arg6[%add3A_10, %dma_wait3A_90] : memref<10240x128xf32, #tpu.memory_space<vmem_shared>> -> memref<128x128xf32, #tpu.memory_space<vmem_shared>>
      %dma_wait3A_92 = arith.constant 0 : i32
      %dma_wait3A_93 = arith.constant 0 : i32
      %dma_wait3A_94 = tpu.memref_slice %arg9[%run_scoped3A, %dma_wait3A_92, %dma_wait3A_93] : memref<2x128x128xf32, #tpu.memory_space<vmem>> -> memref<1x128x128xf32, #tpu.memory_space<vmem>>
      %dma_wait3A_95 = tpu.memref_squeeze %dma_wait3A_94 : memref<1x128x128xf32, #tpu.memory_space<vmem>> -> memref<128x128xf32, #tpu.memory_space<vmem>>
      tpu.wait_dma2 semaphore(%run_scoped3A_72 : memref<!tpu.dma_semaphore, #tpu.memory_space<semaphore_mem>>) src(%dma_wait3A_95 : memref<128x128xf32, #tpu.memory_space<vmem>>) dst(%dma_wait3A_91 : memref<128x128xf32, #tpu.memory_space<vmem_shared>>)
      tpu.yield
    }) : () -> ()
    %add3A_11 = arith.constant 128 : i32
    %add3A_12 = arith.addi %mul3A_2, %add3A_11 : i32
    %run_scoped3A_13 = arith.constant 0 : i32
    "tpu.region"() ({
      %run_scoped3A_72 = tpu.sem_alloc : memref<!tpu.dma_semaphore, #tpu.memory_space<semaphore_mem>>
      %dma_start3A_73 = arith.constant 0 : i32
      %dma_start3A_74 = arith.constant 0 : i32
      %dma_start3A_75 = tpu.memref_slice %arg9[%run_scoped3A_13, %dma_start3A_73, %dma_start3A_74] : memref<2x128x128xf32, #tpu.memory_space<vmem>> -> memref<1x128x128xf32, #tpu.memory_space<vmem>>
      %dma_start3A_76 = tpu.memref_squeeze %dma_start3A_75 : memref<1x128x128xf32, #tpu.memory_space<vmem>> -> memref<128x128xf32, #tpu.memory_space<vmem>>
      %dma_start3A_77 = arith.constant 0 : i32
      %dma_start3A_78 = tpu.memref_slice %arg6[%add3A_12, %dma_start3A_77] : memref<10240x128xf32, #tpu.memory_space<vmem_shared>> -> memref<128x128xf32, #tpu.memory_space<vmem_shared>>
      %dma_start3A_79 = arith.constant 0 : i32
      %dma_start3A_80 = tpu.memref_slice %arg6[%add3A_12, %dma_start3A_79] : memref<10240x128xf32, #tpu.memory_space<vmem_shared>> -> memref<128x128xf32, #tpu.memory_space<vmem_shared>>
      %dma_start3A_81 = arith.constant 0 : i32
      %dma_start3A_82 = arith.constant 0 : i32
      %dma_start3A_83 = tpu.memref_slice %arg9[%run_scoped3A_13, %dma_start3A_81, %dma_start3A_82] : memref<2x128x128xf32, #tpu.memory_space<vmem>> -> memref<1x128x128xf32, #tpu.memory_space<vmem>>
      %dma_start3A_84 = tpu.memref_squeeze %dma_start3A_83 : memref<1x128x128xf32, #tpu.memory_space<vmem>> -> memref<128x128xf32, #tpu.memory_space<vmem>>
      tpu.enqueue_dma source(%dma_start3A_84 : memref<128x128xf32, #tpu.memory_space<vmem>>) target(%dma_start3A_80 : memref<128x128xf32, #tpu.memory_space<vmem_shared>>) target_semaphore(%run_scoped3A_72 : memref<!tpu.dma_semaphore, #tpu.memory_space<semaphore_mem>>)
      %dma_wait3A = arith.constant 0 : i32
      %dma_wait3A_85 = arith.constant 0 : i32
      %dma_wait3A_86 = tpu.memref_slice %arg9[%run_scoped3A_13, %dma_wait3A, %dma_wait3A_85] : memref<2x128x128xf32, #tpu.memory_space<vmem>> -> memref<1x128x128xf32, #tpu.memory_space<vmem>>
      %dma_wait3A_87 = tpu.memref_squeeze %dma_wait3A_86 : memref<1x128x128xf32, #tpu.memory_space<vmem>> -> memref<128x128xf32, #tpu.memory_space<vmem>>
      %dma_wait3A_88 = arith.constant 0 : i32
      %dma_wait3A_89 = tpu.memref_slice %arg6[%add3A_12, %dma_wait3A_88] : memref<10240x128xf32, #tpu.memory_space<vmem_shared>> -> memref<128x128xf32, #tpu.memory_space<vmem_shared>>
      %dma_wait3A_90 = arith.constant 0 : i32
      %dma_wait3A_91 = tpu.memref_slice %arg6[%add3A_12, %dma_wait3A_90] : memref<10240x128xf32, #tpu.memory_space<vmem_shared>> -> memref<128x128xf32, #tpu.memory_space<vmem_shared>>
      %dma_wait3A_92 = arith.constant 0 : i32
      %dma_wait3A_93 = arith.constant 0 : i32
      %dma_wait3A_94 = tpu.memref_slice %arg9[%run_scoped3A_13, %dma_wait3A_92, %dma_wait3A_93] : memref<2x128x128xf32, #tpu.memory_space<vmem>> -> memref<1x128x128xf32, #tpu.memory_space<vmem>>
      %dma_wait3A_95 = tpu.memref_squeeze %dma_wait3A_94 : memref<1x128x128xf32, #tpu.memory_space<vmem>> -> memref<128x128xf32, #tpu.memory_space<vmem>>
      tpu.wait_dma2 semaphore(%run_scoped3A_72 : memref<!tpu.dma_semaphore, #tpu.memory_space<semaphore_mem>>) src(%dma_wait3A_95 : memref<128x128xf32, #tpu.memory_space<vmem>>) dst(%dma_wait3A_91 : memref<128x128xf32, #tpu.memory_space<vmem_shared>>)
      tpu.yield
    }) : () -> ()
    %add3A_14 = arith.constant 256 : i32
    %add3A_15 = arith.addi %mul3A_2, %add3A_14 : i32
    %run_scoped3A_16 = arith.constant 0 : i32
    "tpu.region"() ({
      %run_scoped3A_72 = tpu.sem_alloc : memref<!tpu.dma_semaphore, #tpu.memory_space<semaphore_mem>>
      %dma_start3A_73 = arith.constant 0 : i32
      %dma_start3A_74 = arith.constant 0 : i32
      %dma_start3A_75 = tpu.memref_slice %arg9[%run_scoped3A_16, %dma_start3A_73, %dma_start3A_74] : memref<2x128x128xf32, #tpu.memory_space<vmem>> -> memref<1x128x128xf32, #tpu.memory_space<vmem>>
      %dma_start3A_76 = tpu.memref_squeeze %dma_start3A_75 : memref<1x128x128xf32, #tpu.memory_space<vmem>> -> memref<128x128xf32, #tpu.memory_space<vmem>>
      %dma_start3A_77 = arith.constant 0 : i32
      %dma_start3A_78 = tpu.memref_slice %arg6[%add3A_15, %dma_start3A_77] : memref<10240x128xf32, #tpu.memory_space<vmem_shared>> -> memref<128x128xf32, #tpu.memory_space<vmem_shared>>
      %dma_start3A_79 = arith.constant 0 : i32
      %dma_start3A_80 = tpu.memref_slice %arg6[%add3A_15, %dma_start3A_79] : memref<10240x128xf32, #tpu.memory_space<vmem_shared>> -> memref<128x128xf32, #tpu.memory_space<vmem_shared>>
      %dma_start3A_81 = arith.constant 0 : i32
      %dma_start3A_82 = arith.constant 0 : i32
      %dma_start3A_83 = tpu.memref_slice %arg9[%run_scoped3A_16, %dma_start3A_81, %dma_start3A_82] : memref<2x128x128xf32, #tpu.memory_space<vmem>> -> memref<1x128x128xf32, #tpu.memory_space<vmem>>
      %dma_start3A_84 = tpu.memref_squeeze %dma_start3A_83 : memref<1x128x128xf32, #tpu.memory_space<vmem>> -> memref<128x128xf32, #tpu.memory_space<vmem>>
      tpu.enqueue_dma source(%dma_start3A_84 : memref<128x128xf32, #tpu.memory_space<vmem>>) target(%dma_start3A_80 : memref<128x128xf32, #tpu.memory_space<vmem_shared>>) target_semaphore(%run_scoped3A_72 : memref<!tpu.dma_semaphore, #tpu.memory_space<semaphore_mem>>)
      %dma_wait3A = arith.constant 0 : i32
      %dma_wait3A_85 = arith.constant 0 : i32
      %dma_wait3A_86 = tpu.memref_slice %arg9[%run_scoped3A_16, %dma_wait3A, %dma_wait3A_85] : memref<2x128x128xf32, #tpu.memory_space<vmem>> -> memref<1x128x128xf32, #tpu.memory_space<vmem>>
      %dma_wait3A_87 = tpu.memref_squeeze %dma_wait3A_86 : memref<1x128x128xf32, #tpu.memory_space<vmem>> -> memref<128x128xf32, #tpu.memory_space<vmem>>
      %dma_wait3A_88 = arith.constant 0 : i32
      %dma_wait3A_89 = tpu.memref_slice %arg6[%add3A_15, %dma_wait3A_88] : memref<10240x128xf32, #tpu.memory_space<vmem_shared>> -> memref<128x128xf32, #tpu.memory_space<vmem_shared>>
      %dma_wait3A_90 = arith.constant 0 : i32
      %dma_wait3A_91 = tpu.memref_slice %arg6[%add3A_15, %dma_wait3A_90] : memref<10240x128xf32, #tpu.memory_space<vmem_shared>> -> memref<128x128xf32, #tpu.memory_space<vmem_shared>>
      %dma_wait3A_92 = arith.constant 0 : i32
      %dma_wait3A_93 = arith.constant 0 : i32
      %dma_wait3A_94 = tpu.memref_slice %arg9[%run_scoped3A_16, %dma_wait3A_92, %dma_wait3A_93] : memref<2x128x128xf32, #tpu.memory_space<vmem>> -> memref<1x128x128xf32, #tpu.memory_space<vmem>>
      %dma_wait3A_95 = tpu.memref_squeeze %dma_wait3A_94 : memref<1x128x128xf32, #tpu.memory_space<vmem>> -> memref<128x128xf32, #tpu.memory_space<vmem>>
      tpu.wait_dma2 semaphore(%run_scoped3A_72 : memref<!tpu.dma_semaphore, #tpu.memory_space<semaphore_mem>>) src(%dma_wait3A_95 : memref<128x128xf32, #tpu.memory_space<vmem>>) dst(%dma_wait3A_91 : memref<128x128xf32, #tpu.memory_space<vmem_shared>>)
      tpu.yield
    }) : () -> ()
    %add3A_17 = arith.constant 384 : i32
    %add3A_18 = arith.addi %mul3A_2, %add3A_17 : i32
    %run_scoped3A_19 = arith.constant 0 : i32
    "tpu.region"() ({
      %run_scoped3A_72 = tpu.sem_alloc : memref<!tpu.dma_semaphore, #tpu.memory_space<semaphore_mem>>
      %dma_start3A_73 = arith.constant 0 : i32
      %dma_start3A_74 = arith.constant 0 : i32
      %dma_start3A_75 = tpu.memref_slice %arg9[%run_scoped3A_19, %dma_start3A_73, %dma_start3A_74] : memref<2x128x128xf32, #tpu.memory_space<vmem>> -> memref<1x128x128xf32, #tpu.memory_space<vmem>>
      %dma_start3A_76 = tpu.memref_squeeze %dma_start3A_75 : memref<1x128x128xf32, #tpu.memory_space<vmem>> -> memref<128x128xf32, #tpu.memory_space<vmem>>
      %dma_start3A_77 = arith.constant 0 : i32
      %dma_start3A_78 = tpu.memref_slice %arg6[%add3A_18, %dma_start3A_77] : memref<10240x128xf32, #tpu.memory_space<vmem_shared>> -> memref<128x128xf32, #tpu.memory_space<vmem_shared>>
      %dma_start3A_79 = arith.constant 0 : i32
      %dma_start3A_80 = tpu.memref_slice %arg6[%add3A_18, %dma_start3A_79] : memref<10240x128xf32, #tpu.memory_space<vmem_shared>> -> memref<128x128xf32, #tpu.memory_space<vmem_shared>>
      %dma_start3A_81 = arith.constant 0 : i32
      %dma_start3A_82 = arith.constant 0 : i32
      %dma_start3A_83 = tpu.memref_slice %arg9[%run_scoped3A_19, %dma_start3A_81, %dma_start3A_82] : memref<2x128x128xf32, #tpu.memory_space<vmem>> -> memref<1x128x128xf32, #tpu.memory_space<vmem>>
      %dma_start3A_84 = tpu.memref_squeeze %dma_start3A_83 : memref<1x128x128xf32, #tpu.memory_space<vmem>> -> memref<128x128xf32, #tpu.memory_space<vmem>>
      tpu.enqueue_dma source(%dma_start3A_84 : memref<128x128xf32, #tpu.memory_space<vmem>>) target(%dma_start3A_80 : memref<128x128xf32, #tpu.memory_space<vmem_shared>>) target_semaphore(%run_scoped3A_72 : memref<!tpu.dma_semaphore, #tpu.memory_space<semaphore_mem>>)
      %dma_wait3A = arith.constant 0 : i32
      %dma_wait3A_85 = arith.constant 0 : i32
      %dma_wait3A_86 = tpu.memref_slice %arg9[%run_scoped3A_19, %dma_wait3A, %dma_wait3A_85] : memref<2x128x128xf32, #tpu.memory_space<vmem>> -> memref<1x128x128xf32, #tpu.memory_space<vmem>>
      %dma_wait3A_87 = tpu.memref_squeeze %dma_wait3A_86 : memref<1x128x128xf32, #tpu.memory_space<vmem>> -> memref<128x128xf32, #tpu.memory_space<vmem>>
      %dma_wait3A_88 = arith.constant 0 : i32
      %dma_wait3A_89 = tpu.memref_slice %arg6[%add3A_18, %dma_wait3A_88] : memref<10240x128xf32, #tpu.memory_space<vmem_shared>> -> memref<128x128xf32, #tpu.memory_space<vmem_shared>>
      %dma_wait3A_90 = arith.constant 0 : i32
      %dma_wait3A_91 = tpu.memref_slice %arg6[%add3A_18, %dma_wait3A_90] : memref<10240x128xf32, #tpu.memory_space<vmem_shared>> -> memref<128x128xf32, #tpu.memory_space<vmem_shared>>
      %dma_wait3A_92 = arith.constant 0 : i32
      %dma_wait3A_93 = arith.constant 0 : i32
      %dma_wait3A_94 = tpu.memref_slice %arg9[%run_scoped3A_19, %dma_wait3A_92, %dma_wait3A_93] : memref<2x128x128xf32, #tpu.memory_space<vmem>> -> memref<1x128x128xf32, #tpu.memory_space<vmem>>
      %dma_wait3A_95 = tpu.memref_squeeze %dma_wait3A_94 : memref<1x128x128xf32, #tpu.memory_space<vmem>> -> memref<128x128xf32, #tpu.memory_space<vmem>>
      tpu.wait_dma2 semaphore(%run_scoped3A_72 : memref<!tpu.dma_semaphore, #tpu.memory_space<semaphore_mem>>) src(%dma_wait3A_95 : memref<128x128xf32, #tpu.memory_space<vmem>>) dst(%dma_wait3A_91 : memref<128x128xf32, #tpu.memory_space<vmem_shared>>)
      tpu.yield
    }) : () -> ()
    %add3A_20 = arith.constant 512 : i32
    %add3A_21 = arith.addi %mul3A_2, %add3A_20 : i32
    %run_scoped3A_22 = arith.constant 0 : i32
    "tpu.region"() ({
      %run_scoped3A_72 = tpu.sem_alloc : memref<!tpu.dma_semaphore, #tpu.memory_space<semaphore_mem>>
      %dma_start3A_73 = arith.constant 0 : i32
      %dma_start3A_74 = arith.constant 0 : i32
      %dma_start3A_75 = tpu.memref_slice %arg9[%run_scoped3A_22, %dma_start3A_73, %dma_start3A_74] : memref<2x128x128xf32, #tpu.memory_space<vmem>> -> memref<1x128x128xf32, #tpu.memory_space<vmem>>
      %dma_start3A_76 = tpu.memref_squeeze %dma_start3A_75 : memref<1x128x128xf32, #tpu.memory_space<vmem>> -> memref<128x128xf32, #tpu.memory_space<vmem>>
      %dma_start3A_77 = arith.constant 0 : i32
      %dma_start3A_78 = tpu.memref_slice %arg6[%add3A_21, %dma_start3A_77] : memref<10240x128xf32, #tpu.memory_space<vmem_shared>> -> memref<128x128xf32, #tpu.memory_space<vmem_shared>>
      %dma_start3A_79 = arith.constant 0 : i32
      %dma_start3A_80 = tpu.memref_slice %arg6[%add3A_21, %dma_start3A_79] : memref<10240x128xf32, #tpu.memory_space<vmem_shared>> -> memref<128x128xf32, #tpu.memory_space<vmem_shared>>
      %dma_start3A_81 = arith.constant 0 : i32
      %dma_start3A_82 = arith.constant 0 : i32
      %dma_start3A_83 = tpu.memref_slice %arg9[%run_scoped3A_22, %dma_start3A_81, %dma_start3A_82] : memref<2x128x128xf32, #tpu.memory_space<vmem>> -> memref<1x128x128xf32, #tpu.memory_space<vmem>>
      %dma_start3A_84 = tpu.memref_squeeze %dma_start3A_83 : memref<1x128x128xf32, #tpu.memory_space<vmem>> -> memref<128x128xf32, #tpu.memory_space<vmem>>
      tpu.enqueue_dma source(%dma_start3A_84 : memref<128x128xf32, #tpu.memory_space<vmem>>) target(%dma_start3A_80 : memref<128x128xf32, #tpu.memory_space<vmem_shared>>) target_semaphore(%run_scoped3A_72 : memref<!tpu.dma_semaphore, #tpu.memory_space<semaphore_mem>>)
      %dma_wait3A = arith.constant 0 : i32
      %dma_wait3A_85 = arith.constant 0 : i32
      %dma_wait3A_86 = tpu.memref_slice %arg9[%run_scoped3A_22, %dma_wait3A, %dma_wait3A_85] : memref<2x128x128xf32, #tpu.memory_space<vmem>> -> memref<1x128x128xf32, #tpu.memory_space<vmem>>
      %dma_wait3A_87 = tpu.memref_squeeze %dma_wait3A_86 : memref<1x128x128xf32, #tpu.memory_space<vmem>> -> memref<128x128xf32, #tpu.memory_space<vmem>>
      %dma_wait3A_88 = arith.constant 0 : i32
      %dma_wait3A_89 = tpu.memref_slice %arg6[%add3A_21, %dma_wait3A_88] : memref<10240x128xf32, #tpu.memory_space<vmem_shared>> -> memref<128x128xf32, #tpu.memory_space<vmem_shared>>
      %dma_wait3A_90 = arith.constant 0 : i32
      %dma_wait3A_91 = tpu.memref_slice %arg6[%add3A_21, %dma_wait3A_90] : memref<10240x128xf32, #tpu.memory_space<vmem_shared>> -> memref<128x128xf32, #tpu.memory_space<vmem_shared>>
      %dma_wait3A_92 = arith.constant 0 : i32
      %dma_wait3A_93 = arith.constant 0 : i32
      %dma_wait3A_94 = tpu.memref_slice %arg9[%run_scoped3A_22, %dma_wait3A_92, %dma_wait3A_93] : memref<2x128x128xf32, #tpu.memory_space<vmem>> -> memref<1x128x128xf32, #tpu.memory_space<vmem>>
      %dma_wait3A_95 = tpu.memref_squeeze %dma_wait3A_94 : memref<1x128x128xf32, #tpu.memory_space<vmem>> -> memref<128x128xf32, #tpu.memory_space<vmem>>
      tpu.wait_dma2 semaphore(%run_scoped3A_72 : memref<!tpu.dma_semaphore, #tpu.memory_space<semaphore_mem>>) src(%dma_wait3A_95 : memref<128x128xf32, #tpu.memory_space<vmem>>) dst(%dma_wait3A_91 : memref<128x128xf32, #tpu.memory_space<vmem_shared>>)
      tpu.yield
    }) : () -> ()
    %barrier3A = arith.constant 0 : index
    tpu.barrier barrier_id(%barrier3A)
    %run_scoped3A_23 = arith.constant 0 : i32
    %run_scoped3A_24 = arith.constant 0 : i32
    "tpu.region"() ({
      %run_scoped3A_72 = tpu.sem_alloc : memref<!tpu.dma_semaphore, #tpu.memory_space<semaphore_mem>>
      %dma_start3A_73 = arith.constant 0 : i32
      %dma_start3A_74 = tpu.memref_slice %arg7[%run_scoped3A_24, %dma_start3A_73] : memref<2x128xi32, #tpu.memory_space<vmem>> -> memref<1x128xi32, #tpu.memory_space<vmem>>
      %dma_start3A_75 = tpu.memref_squeeze %dma_start3A_74 : memref<1x128xi32, #tpu.memory_space<vmem>> -> memref<128xi32, #tpu.memory_space<vmem>>
      %dma_start3A_76 = arith.constant 0 : i32
      %dma_start3A_77 = tpu.memref_slice %arg3[%add3A, %run_scoped3A_23, %dma_start3A_76] : memref<32x79x128xi32, #tpu.memory_space<hbm>> -> memref<1x1x128xi32, #tpu.memory_space<hbm>>
      %dma_start3A_78 = tpu.memref_squeeze %dma_start3A_77 : memref<1x1x128xi32, #tpu.memory_space<hbm>> -> memref<128xi32, #tpu.memory_space<hbm>>
      %dma_start3A_79 = arith.constant 0 : i32
      %dma_start3A_80 = tpu.memref_slice %arg7[%run_scoped3A_24, %dma_start3A_79] : memref<2x128xi32, #tpu.memory_space<vmem>> -> memref<1x128xi32, #tpu.memory_space<vmem>>
      %dma_start3A_81 = tpu.memref_squeeze %dma_start3A_80 : memref<1x128xi32, #tpu.memory_space<vmem>> -> memref<128xi32, #tpu.memory_space<vmem>>
      %dma_start3A_82 = arith.constant 0 : i32
      %dma_start3A_83 = tpu.memref_slice %arg3[%add3A, %run_scoped3A_23, %dma_start3A_82] : memref<32x79x128xi32, #tpu.memory_space<hbm>> -> memref<1x1x128xi32, #tpu.memory_space<hbm>>
      %dma_start3A_84 = tpu.memref_squeeze %dma_start3A_83 : memref<1x1x128xi32, #tpu.memory_space<hbm>> -> memref<128xi32, #tpu.memory_space<hbm>>
      tpu.enqueue_dma source(%dma_start3A_84 : memref<128xi32, #tpu.memory_space<hbm>>) target(%dma_start3A_81 : memref<128xi32, #tpu.memory_space<vmem>>) target_semaphore(%run_scoped3A_72 : memref<!tpu.dma_semaphore, #tpu.memory_space<semaphore_mem>>)
      %dma_wait3A = arith.constant 0 : i32
      %dma_wait3A_85 = tpu.memref_slice %arg7[%run_scoped3A_24, %dma_wait3A] : memref<2x128xi32, #tpu.memory_space<vmem>> -> memref<1x128xi32, #tpu.memory_space<vmem>>
      %dma_wait3A_86 = tpu.memref_squeeze %dma_wait3A_85 : memref<1x128xi32, #tpu.memory_space<vmem>> -> memref<128xi32, #tpu.memory_space<vmem>>
      %dma_wait3A_87 = arith.constant 0 : i32
      %dma_wait3A_88 = tpu.memref_slice %arg3[%add3A, %run_scoped3A_23, %dma_wait3A_87] : memref<32x79x128xi32, #tpu.memory_space<hbm>> -> memref<1x1x128xi32, #tpu.memory_space<hbm>>
      %dma_wait3A_89 = tpu.memref_squeeze %dma_wait3A_88 : memref<1x1x128xi32, #tpu.memory_space<hbm>> -> memref<128xi32, #tpu.memory_space<hbm>>
      %dma_wait3A_90 = arith.constant 0 : i32
      %dma_wait3A_91 = tpu.memref_slice %arg7[%run_scoped3A_24, %dma_wait3A_90] : memref<2x128xi32, #tpu.memory_space<vmem>> -> memref<1x128xi32, #tpu.memory_space<vmem>>
      %dma_wait3A_92 = tpu.memref_squeeze %dma_wait3A_91 : memref<1x128xi32, #tpu.memory_space<vmem>> -> memref<128xi32, #tpu.memory_space<vmem>>
      %dma_wait3A_93 = arith.constant 0 : i32
      %dma_wait3A_94 = tpu.memref_slice %arg3[%add3A, %run_scoped3A_23, %dma_wait3A_93] : memref<32x79x128xi32, #tpu.memory_space<hbm>> -> memref<1x1x128xi32, #tpu.memory_space<hbm>>
      %dma_wait3A_95 = tpu.memref_squeeze %dma_wait3A_94 : memref<1x1x128xi32, #tpu.memory_space<hbm>> -> memref<128xi32, #tpu.memory_space<hbm>>
      tpu.wait_dma2 semaphore(%run_scoped3A_72 : memref<!tpu.dma_semaphore, #tpu.memory_space<semaphore_mem>>) src(%dma_wait3A_95 : memref<128xi32, #tpu.memory_space<hbm>>) dst(%dma_wait3A_92 : memref<128xi32, #tpu.memory_space<vmem>>)
      tpu.yield
    }) : () -> ()
    %dma_start3A = arith.constant 0 : i32
    %dma_start3A_25 = arith.constant 0 : i32
    %dma_start3A_26 = arith.constant 0 : i32
    %dma_start3A_27 = arith.constant 0 : i32
    %dma_start3A_28 = tpu.memref_slice %arg9[%dma_start3A_25, %dma_start3A_26, %dma_start3A_27] : memref<2x128x128xf32, #tpu.memory_space<vmem>> -> memref<1x128x128xf32, #tpu.memory_space<vmem>>
    %dma_start3A_29 = tpu.memref_squeeze %dma_start3A_28 : memref<1x128x128xf32, #tpu.memory_space<vmem>> -> memref<128x128xf32, #tpu.memory_space<vmem>>
    %dma_start3A_30 = arith.constant 0 : i32
    %dma_start3A_31 = tpu.memref_slice %arg7[%dma_start3A, %dma_start3A_30] : memref<2x128xi32, #tpu.memory_space<vmem>> -> memref<1x128xi32, #tpu.memory_space<vmem>>
    %dma_start3A_32 = tpu.memref_squeeze %dma_start3A_31 : memref<1x128xi32, #tpu.memory_space<vmem>> -> memref<128xi32, #tpu.memory_space<vmem>>
    %dma_start3A_33 = arith.constant 0 : i32
    %dma_start3A_34 = arith.constant 0 : i32
    %dma_start3A_35 = tpu.memref_slice %arg2[%dma_start3A_33, %dma_start3A_34] : memref<10000x128xf32, #tpu.memory_space<hbm>> -> memref<10000x128xf32, #tpu.memory_space<hbm>>
    tpu.enqueue_indirect_dma source(%dma_start3A_35 : memref<10000x128xf32, #tpu.memory_space<hbm>>) target(%dma_start3A_29 : memref<128x128xf32, #tpu.memory_space<vmem>>) offsets(%dma_start3A_32 : memref<128xi32, #tpu.memory_space<vmem>>) semaphore(%arg10 : memref<!tpu.dma_semaphore, #tpu.memory_space<semaphore_mem>>)
    %scan3A_36 = arith.constant 0 : i32
    %scan3A_37 = arith.constant 79 : i32
    %scan3A_38 = arith.addi %scan3A_36, %scan3A_37 : i32
    %scan3A_39 = arith.constant 1 : i32
    scf.for %scan3A_72 = %scan3A_36 to %scan3A_38 step %scan3A_39  : i32 {
      %mul3A_73 = arith.constant 1 : i32
      %mul3A_74 = arith.muli %scan3A_72, %mul3A_73 : i32
      %add3A_75 = arith.constant 0 : i32
      %add3A_76 = arith.addi %add3A_75, %mul3A_74 : i32
      %rem3A = arith.constant 2 : i32
      %rem3A_77 = arith.remsi %add3A_76, %rem3A : i32
      %add3A_78 = arith.constant 1 : i32
      %add3A_79 = arith.addi %add3A_76, %add3A_78 : i32
      %rem3A_80 = arith.constant 2 : i32
      %rem3A_81 = arith.remsi %add3A_79, %rem3A_80 : i32
      %add3A_82 = arith.constant 1 : i32
      %add3A_83 = arith.addi %add3A_76, %add3A_82 : i32
      %lt3A = arith.constant 79 : i32
      %lt3A_84 = arith.cmpi slt, %add3A_83, %lt3A : i32
      %convert_element_type3A = arith.extui %lt3A_84 : i1 to i32
      %cond3A = arith.constant 0 : i32
      %cond3A_85 = arith.cmpi ne, %convert_element_type3A, %cond3A : i32
      scf.if %cond3A_85 {
        %add3A_96 = arith.constant 1 : i32
        %add3A_97 = arith.addi %add3A_76, %add3A_96 : i32
        "tpu.region"() ({
          %run_scoped3A_108 = tpu.sem_alloc : memref<!tpu.dma_semaphore, #tpu.memory_space<semaphore_mem>>
          %dma_start3A_109 = arith.constant 0 : i32
          %dma_start3A_110 = tpu.memref_slice %arg7[%rem3A_81, %dma_start3A_109] : memref<2x128xi32, #tpu.memory_space<vmem>> -> memref<1x128xi32, #tpu.memory_space<vmem>>
          %dma_start3A_111 = tpu.memref_squeeze %dma_start3A_110 : memref<1x128xi32, #tpu.memory_space<vmem>> -> memref<128xi32, #tpu.memory_space<vmem>>
          %dma_start3A_112 = arith.constant 0 : i32
          %dma_start3A_113 = tpu.memref_slice %arg3[%add3A, %add3A_97, %dma_start3A_112] : memref<32x79x128xi32, #tpu.memory_space<hbm>> -> memref<1x1x128xi32, #tpu.memory_space<hbm>>
          %dma_start3A_114 = tpu.memref_squeeze %dma_start3A_113 : memref<1x1x128xi32, #tpu.memory_space<hbm>> -> memref<128xi32, #tpu.memory_space<hbm>>
          %dma_start3A_115 = arith.constant 0 : i32
          %dma_start3A_116 = tpu.memref_slice %arg7[%rem3A_81, %dma_start3A_115] : memref<2x128xi32, #tpu.memory_space<vmem>> -> memref<1x128xi32, #tpu.memory_space<vmem>>
          %dma_start3A_117 = tpu.memref_squeeze %dma_start3A_116 : memref<1x128xi32, #tpu.memory_space<vmem>> -> memref<128xi32, #tpu.memory_space<vmem>>
          %dma_start3A_118 = arith.constant 0 : i32
          %dma_start3A_119 = tpu.memref_slice %arg3[%add3A, %add3A_97, %dma_start3A_118] : memref<32x79x128xi32, #tpu.memory_space<hbm>> -> memref<1x1x128xi32, #tpu.memory_space<hbm>>
          %dma_start3A_120 = tpu.memref_squeeze %dma_start3A_119 : memref<1x1x128xi32, #tpu.memory_space<hbm>> -> memref<128xi32, #tpu.memory_space<hbm>>
          tpu.enqueue_dma source(%dma_start3A_120 : memref<128xi32, #tpu.memory_space<hbm>>) target(%dma_start3A_117 : memref<128xi32, #tpu.memory_space<vmem>>) target_semaphore(%run_scoped3A_108 : memref<!tpu.dma_semaphore, #tpu.memory_space<semaphore_mem>>)
          %dma_wait3A_121 = arith.constant 0 : i32
          %dma_wait3A_122 = tpu.memref_slice %arg7[%rem3A_81, %dma_wait3A_121] : memref<2x128xi32, #tpu.memory_space<vmem>> -> memref<1x128xi32, #tpu.memory_space<vmem>>
          %dma_wait3A_123 = tpu.memref_squeeze %dma_wait3A_122 : memref<1x128xi32, #tpu.memory_space<vmem>> -> memref<128xi32, #tpu.memory_space<vmem>>
          %dma_wait3A_124 = arith.constant 0 : i32
          %dma_wait3A_125 = tpu.memref_slice %arg3[%add3A, %add3A_97, %dma_wait3A_124] : memref<32x79x128xi32, #tpu.memory_space<hbm>> -> memref<1x1x128xi32, #tpu.memory_space<hbm>>
          %dma_wait3A_126 = tpu.memref_squeeze %dma_wait3A_125 : memref<1x1x128xi32, #tpu.memory_space<hbm>> -> memref<128xi32, #tpu.memory_space<hbm>>
          %dma_wait3A_127 = arith.constant 0 : i32
          %dma_wait3A_128 = tpu.memref_slice %arg7[%rem3A_81, %dma_wait3A_127] : memref<2x128xi32, #tpu.memory_space<vmem>> -> memref<1x128xi32, #tpu.memory_space<vmem>>
          %dma_wait3A_129 = tpu.memref_squeeze %dma_wait3A_128 : memref<1x128xi32, #tpu.memory_space<vmem>> -> memref<128xi32, #tpu.memory_space<vmem>>
          %dma_wait3A_130 = arith.constant 0 : i32
          %dma_wait3A_131 = tpu.memref_slice %arg3[%add3A, %add3A_97, %dma_wait3A_130] : memref<32x79x128xi32, #tpu.memory_space<hbm>> -> memref<1x1x128xi32, #tpu.memory_space<hbm>>
          %dma_wait3A_132 = tpu.memref_squeeze %dma_wait3A_131 : memref<1x1x128xi32, #tpu.memory_space<hbm>> -> memref<128xi32, #tpu.memory_space<hbm>>
          tpu.wait_dma2 semaphore(%run_scoped3A_108 : memref<!tpu.dma_semaphore, #tpu.memory_space<semaphore_mem>>) src(%dma_wait3A_132 : memref<128xi32, #tpu.memory_space<hbm>>) dst(%dma_wait3A_129 : memref<128xi32, #tpu.memory_space<vmem>>)
          tpu.yield
        }) : () -> ()
        %dma_start3A_98 = arith.constant 0 : i32
        %dma_start3A_99 = arith.constant 0 : i32
        %dma_start3A_100 = tpu.memref_slice %arg9[%rem3A_81, %dma_start3A_98, %dma_start3A_99] : memref<2x128x128xf32, #tpu.memory_space<vmem>> -> memref<1x128x128xf32, #tpu.memory_space<vmem>>
        %dma_start3A_101 = tpu.memref_squeeze %dma_start3A_100 : memref<1x128x128xf32, #tpu.memory_space<vmem>> -> memref<128x128xf32, #tpu.memory_space<vmem>>
        %dma_start3A_102 = arith.constant 0 : i32
        %dma_start3A_103 = tpu.memref_slice %arg7[%rem3A_81, %dma_start3A_102] : memref<2x128xi32, #tpu.memory_space<vmem>> -> memref<1x128xi32, #tpu.memory_space<vmem>>
        %dma_start3A_104 = tpu.memref_squeeze %dma_start3A_103 : memref<1x128xi32, #tpu.memory_space<vmem>> -> memref<128xi32, #tpu.memory_space<vmem>>
        %dma_start3A_105 = arith.constant 0 : i32
        %dma_start3A_106 = arith.constant 0 : i32
        %dma_start3A_107 = tpu.memref_slice %arg2[%dma_start3A_105, %dma_start3A_106] : memref<10000x128xf32, #tpu.memory_space<hbm>> -> memref<10000x128xf32, #tpu.memory_space<hbm>>
        tpu.enqueue_indirect_dma source(%dma_start3A_107 : memref<10000x128xf32, #tpu.memory_space<hbm>>) target(%dma_start3A_101 : memref<128x128xf32, #tpu.memory_space<vmem>>) offsets(%dma_start3A_104 : memref<128xi32, #tpu.memory_space<vmem>>) semaphore(%arg10 : memref<!tpu.dma_semaphore, #tpu.memory_space<semaphore_mem>>)
      } else {
      }
      "tpu.region"() ({
        %run_scoped3A_96 = tpu.sem_alloc : memref<!tpu.dma_semaphore, #tpu.memory_space<semaphore_mem>>
        %dma_start3A_97 = arith.constant 0 : i32
        %dma_start3A_98 = tpu.memref_slice %arg4[%add3A, %add3A_76, %dma_start3A_97] : memref<32x79x128xi32, #tpu.memory_space<hbm>> -> memref<1x1x128xi32, #tpu.memory_space<hbm>>
        %dma_start3A_99 = tpu.memref_squeeze %dma_start3A_98 : memref<1x1x128xi32, #tpu.memory_space<hbm>> -> memref<128xi32, #tpu.memory_space<hbm>>
        %dma_start3A_100 = arith.constant 0 : i32
        %dma_start3A_101 = tpu.memref_slice %arg4[%add3A, %add3A_76, %dma_start3A_100] : memref<32x79x128xi32, #tpu.memory_space<hbm>> -> memref<1x1x128xi32, #tpu.memory_space<hbm>>
        %dma_start3A_102 = tpu.memref_squeeze %dma_start3A_101 : memref<1x1x128xi32, #tpu.memory_space<hbm>> -> memref<128xi32, #tpu.memory_space<hbm>>
        tpu.enqueue_dma source(%dma_start3A_102 : memref<128xi32, #tpu.memory_space<hbm>>) target(%arg8 : memref<128xi32, #tpu.memory_space<vmem>>) target_semaphore(%run_scoped3A_96 : memref<!tpu.dma_semaphore, #tpu.memory_space<semaphore_mem>>)
        %dma_wait3A_103 = arith.constant 0 : i32
        %dma_wait3A_104 = tpu.memref_slice %arg4[%add3A, %add3A_76, %dma_wait3A_103] : memref<32x79x128xi32, #tpu.memory_space<hbm>> -> memref<1x1x128xi32, #tpu.memory_space<hbm>>
        %dma_wait3A_105 = tpu.memref_squeeze %dma_wait3A_104 : memref<1x1x128xi32, #tpu.memory_space<hbm>> -> memref<128xi32, #tpu.memory_space<hbm>>
        %dma_wait3A_106 = arith.constant 0 : i32
        %dma_wait3A_107 = tpu.memref_slice %arg4[%add3A, %add3A_76, %dma_wait3A_106] : memref<32x79x128xi32, #tpu.memory_space<hbm>> -> memref<1x1x128xi32, #tpu.memory_space<hbm>>
        %dma_wait3A_108 = tpu.memref_squeeze %dma_wait3A_107 : memref<1x1x128xi32, #tpu.memory_space<hbm>> -> memref<128xi32, #tpu.memory_space<hbm>>
        tpu.wait_dma2 semaphore(%run_scoped3A_96 : memref<!tpu.dma_semaphore, #tpu.memory_space<semaphore_mem>>) src(%dma_wait3A_108 : memref<128xi32, #tpu.memory_space<hbm>>) dst(%arg8 : memref<128xi32, #tpu.memory_space<vmem>>)
        tpu.yield
      }) : () -> ()
      %dma_wait3A = arith.constant 0 : i32
      %dma_wait3A_86 = arith.constant 0 : i32
      %dma_wait3A_87 = arith.constant 0 : i32
      %dma_wait3A_88 = tpu.memref_slice %arg9[%rem3A_77, %dma_wait3A_86, %dma_wait3A_87] : memref<2x128x128xf32, #tpu.memory_space<vmem>> -> memref<1x128x128xf32, #tpu.memory_space<vmem>>
      %dma_wait3A_89 = tpu.memref_squeeze %dma_wait3A_88 : memref<1x128x128xf32, #tpu.memory_space<vmem>> -> memref<128x128xf32, #tpu.memory_space<vmem>>
      %dma_wait3A_90 = arith.constant 0 : i32
      %dma_wait3A_91 = tpu.memref_slice %arg7[%dma_wait3A, %dma_wait3A_90] : memref<2x128xi32, #tpu.memory_space<vmem>> -> memref<1x128xi32, #tpu.memory_space<vmem>>
      %dma_wait3A_92 = tpu.memref_squeeze %dma_wait3A_91 : memref<1x128xi32, #tpu.memory_space<vmem>> -> memref<128xi32, #tpu.memory_space<vmem>>
      %dma_wait3A_93 = arith.constant 0 : i32
      %dma_wait3A_94 = arith.constant 0 : i32
      %dma_wait3A_95 = tpu.memref_slice %arg2[%dma_wait3A_93, %dma_wait3A_94] : memref<10000x128xf32, #tpu.memory_space<hbm>> -> memref<10000x128xf32, #tpu.memory_space<hbm>>
      tpu.wait_indirect_dma semaphore(%arg10 : memref<!tpu.dma_semaphore, #tpu.memory_space<semaphore_mem>>) src(%dma_wait3A_95 : memref<10000x128xf32, #tpu.memory_space<hbm>>) dst(%dma_wait3A_89 : memref<128x128xf32, #tpu.memory_space<vmem>>)
      "tpu.region"() ({
        %run_scoped3A_96 = tpu.sem_alloc : memref<!tpu.dma_semaphore, #tpu.memory_space<semaphore_mem>>
        %dma_start3A_97 = arith.constant 0 : i32
        %dma_start3A_98 = arith.constant 0 : i32
        %dma_start3A_99 = tpu.memref_slice %arg9[%rem3A_77, %dma_start3A_97, %dma_start3A_98] : memref<2x128x128xf32, #tpu.memory_space<vmem>> -> memref<1x128x128xf32, #tpu.memory_space<vmem>>
        %dma_start3A_100 = tpu.memref_squeeze %dma_start3A_99 : memref<1x128x128xf32, #tpu.memory_space<vmem>> -> memref<128x128xf32, #tpu.memory_space<vmem>>
        %dma_start3A_101 = arith.constant 0 : i32
        %dma_start3A_102 = arith.constant 0 : i32
        %dma_start3A_103 = tpu.memref_slice %arg6[%dma_start3A_101, %dma_start3A_102] : memref<10240x128xf32, #tpu.memory_space<vmem_shared>> -> memref<10240x128xf32, #tpu.memory_space<vmem_shared>>
        tpu.enqueue_indirect_dma source(%dma_start3A_100 : memref<128x128xf32, #tpu.memory_space<vmem>>) target(%dma_start3A_103 : memref<10240x128xf32, #tpu.memory_space<vmem_shared>>) offsets(%arg8 : memref<128xi32, #tpu.memory_space<vmem>>) semaphore(%run_scoped3A_96 : memref<!tpu.dma_semaphore, #tpu.memory_space<semaphore_mem>>) {add = true}
        %dma_wait3A_104 = arith.constant 0 : i32
        %dma_wait3A_105 = arith.constant 0 : i32
        %dma_wait3A_106 = tpu.memref_slice %arg9[%rem3A_77, %dma_wait3A_104, %dma_wait3A_105] : memref<2x128x128xf32, #tpu.memory_space<vmem>> -> memref<1x128x128xf32, #tpu.memory_space<vmem>>
        %dma_wait3A_107 = tpu.memref_squeeze %dma_wait3A_106 : memref<1x128x128xf32, #tpu.memory_space<vmem>> -> memref<128x128xf32, #tpu.memory_space<vmem>>
        %dma_wait3A_108 = arith.constant 0 : i32
        %dma_wait3A_109 = arith.constant 0 : i32
        %dma_wait3A_110 = tpu.memref_slice %arg6[%dma_wait3A_108, %dma_wait3A_109] : memref<10240x128xf32, #tpu.memory_space<vmem_shared>> -> memref<10240x128xf32, #tpu.memory_space<vmem_shared>>
        tpu.wait_indirect_dma semaphore(%run_scoped3A_96 : memref<!tpu.dma_semaphore, #tpu.memory_space<semaphore_mem>>) src(%dma_wait3A_107 : memref<128x128xf32, #tpu.memory_space<vmem>>) dst(%dma_wait3A_110 : memref<10240x128xf32, #tpu.memory_space<vmem_shared>>)
        tpu.yield
      }) : () -> ()
    }
    %scan3A_40 = arith.constant 79 : i32
    %barrier3A_41 = arith.constant 0 : index
    tpu.barrier barrier_id(%barrier3A_41)
    %add3A_42 = arith.constant 0 : i32
    %add3A_43 = arith.addi %mul3A_2, %add3A_42 : i32
    %run_scoped3A_44 = arith.constant 0 : i32
    "tpu.region"() ({
      %run_scoped3A_72 = tpu.sem_alloc : memref<!tpu.dma_semaphore, #tpu.memory_space<semaphore_mem>>
      %dma_start3A_73 = arith.constant 0 : i32
      %dma_start3A_74 = arith.constant 0 : i32
      %dma_start3A_75 = tpu.memref_slice %arg9[%run_scoped3A_44, %dma_start3A_73, %dma_start3A_74] : memref<2x128x128xf32, #tpu.memory_space<vmem>> -> memref<1x128x128xf32, #tpu.memory_space<vmem>>
      %dma_start3A_76 = tpu.memref_squeeze %dma_start3A_75 : memref<1x128x128xf32, #tpu.memory_space<vmem>> -> memref<128x128xf32, #tpu.memory_space<vmem>>
      %dma_start3A_77 = arith.constant 0 : i32
      %dma_start3A_78 = tpu.memref_slice %arg6[%add3A_43, %dma_start3A_77] : memref<10240x128xf32, #tpu.memory_space<vmem_shared>> -> memref<128x128xf32, #tpu.memory_space<vmem_shared>>
      %dma_start3A_79 = arith.constant 0 : i32
      %dma_start3A_80 = arith.constant 0 : i32
      %dma_start3A_81 = tpu.memref_slice %arg9[%run_scoped3A_44, %dma_start3A_79, %dma_start3A_80] : memref<2x128x128xf32, #tpu.memory_space<vmem>> -> memref<1x128x128xf32, #tpu.memory_space<vmem>>
      %dma_start3A_82 = tpu.memref_squeeze %dma_start3A_81 : memref<1x128x128xf32, #tpu.memory_space<vmem>> -> memref<128x128xf32, #tpu.memory_space<vmem>>
      %dma_start3A_83 = arith.constant 0 : i32
      %dma_start3A_84 = tpu.memref_slice %arg6[%add3A_43, %dma_start3A_83] : memref<10240x128xf32, #tpu.memory_space<vmem_shared>> -> memref<128x128xf32, #tpu.memory_space<vmem_shared>>
      tpu.enqueue_dma source(%dma_start3A_84 : memref<128x128xf32, #tpu.memory_space<vmem_shared>>) target(%dma_start3A_82 : memref<128x128xf32, #tpu.memory_space<vmem>>) target_semaphore(%run_scoped3A_72 : memref<!tpu.dma_semaphore, #tpu.memory_space<semaphore_mem>>)
      %dma_wait3A = arith.constant 0 : i32
      %dma_wait3A_85 = arith.constant 0 : i32
      %dma_wait3A_86 = tpu.memref_slice %arg9[%run_scoped3A_44, %dma_wait3A, %dma_wait3A_85] : memref<2x128x128xf32, #tpu.memory_space<vmem>> -> memref<1x128x128xf32, #tpu.memory_space<vmem>>
      %dma_wait3A_87 = tpu.memref_squeeze %dma_wait3A_86 : memref<1x128x128xf32, #tpu.memory_space<vmem>> -> memref<128x128xf32, #tpu.memory_space<vmem>>
      %dma_wait3A_88 = arith.constant 0 : i32
      %dma_wait3A_89 = tpu.memref_slice %arg6[%add3A_43, %dma_wait3A_88] : memref<10240x128xf32, #tpu.memory_space<vmem_shared>> -> memref<128x128xf32, #tpu.memory_space<vmem_shared>>
      %dma_wait3A_90 = arith.constant 0 : i32
      %dma_wait3A_91 = arith.constant 0 : i32
      %dma_wait3A_92 = tpu.memref_slice %arg9[%run_scoped3A_44, %dma_wait3A_90, %dma_wait3A_91] : memref<2x128x128xf32, #tpu.memory_space<vmem>> -> memref<1x128x128xf32, #tpu.memory_space<vmem>>
      %dma_wait3A_93 = tpu.memref_squeeze %dma_wait3A_92 : memref<1x128x128xf32, #tpu.memory_space<vmem>> -> memref<128x128xf32, #tpu.memory_space<vmem>>
      %dma_wait3A_94 = arith.constant 0 : i32
      %dma_wait3A_95 = tpu.memref_slice %arg6[%add3A_43, %dma_wait3A_94] : memref<10240x128xf32, #tpu.memory_space<vmem_shared>> -> memref<128x128xf32, #tpu.memory_space<vmem_shared>>
      tpu.wait_dma2 semaphore(%run_scoped3A_72 : memref<!tpu.dma_semaphore, #tpu.memory_space<semaphore_mem>>) src(%dma_wait3A_95 : memref<128x128xf32, #tpu.memory_space<vmem_shared>>) dst(%dma_wait3A_93 : memref<128x128xf32, #tpu.memory_space<vmem>>)
      tpu.yield
    }) : () -> ()
    %add3A_45 = arith.constant 0 : i32
    %add3A_46 = arith.addi %mul3A_2, %add3A_45 : i32
    %run_scoped3A_47 = arith.constant 0 : i32
    "tpu.region"() ({
      %run_scoped3A_72 = tpu.sem_alloc : memref<!tpu.dma_semaphore, #tpu.memory_space<semaphore_mem>>
      %dma_start3A_73 = arith.constant 0 : i32
      %dma_start3A_74 = arith.constant 0 : i32
      %dma_start3A_75 = tpu.memref_slice %arg9[%run_scoped3A_47, %dma_start3A_73, %dma_start3A_74] : memref<2x128x128xf32, #tpu.memory_space<vmem>> -> memref<1x128x128xf32, #tpu.memory_space<vmem>>
      %dma_start3A_76 = tpu.memref_squeeze %dma_start3A_75 : memref<1x128x128xf32, #tpu.memory_space<vmem>> -> memref<128x128xf32, #tpu.memory_space<vmem>>
      %dma_start3A_77 = arith.constant 0 : i32
      %dma_start3A_78 = tpu.memref_slice %arg5[%arg0, %add3A_46, %dma_start3A_77] : memref<2x10240x128xf32, #tpu.memory_space<hbm>> -> memref<1x128x128xf32, #tpu.memory_space<hbm>>
      %dma_start3A_79 = tpu.memref_squeeze %dma_start3A_78 : memref<1x128x128xf32, #tpu.memory_space<hbm>> -> memref<128x128xf32, #tpu.memory_space<hbm>>
      %dma_start3A_80 = arith.constant 0 : i32
      %dma_start3A_81 = tpu.memref_slice %arg5[%arg0, %add3A_46, %dma_start3A_80] : memref<2x10240x128xf32, #tpu.memory_space<hbm>> -> memref<1x128x128xf32, #tpu.memory_space<hbm>>
      %dma_start3A_82 = tpu.memref_squeeze %dma_start3A_81 : memref<1x128x128xf32, #tpu.memory_space<hbm>> -> memref<128x128xf32, #tpu.memory_space<hbm>>
      %dma_start3A_83 = arith.constant 0 : i32
      %dma_start3A_84 = arith.constant 0 : i32
      %dma_start3A_85 = tpu.memref_slice %arg9[%run_scoped3A_47, %dma_start3A_83, %dma_start3A_84] : memref<2x128x128xf32, #tpu.memory_space<vmem>> -> memref<1x128x128xf32, #tpu.memory_space<vmem>>
      %dma_start3A_86 = tpu.memref_squeeze %dma_start3A_85 : memref<1x128x128xf32, #tpu.memory_space<vmem>> -> memref<128x128xf32, #tpu.memory_space<vmem>>
      tpu.enqueue_dma source(%dma_start3A_86 : memref<128x128xf32, #tpu.memory_space<vmem>>) target(%dma_start3A_82 : memref<128x128xf32, #tpu.memory_space<hbm>>) target_semaphore(%run_scoped3A_72 : memref<!tpu.dma_semaphore, #tpu.memory_space<semaphore_mem>>)
      %dma_wait3A = arith.constant 0 : i32
      %dma_wait3A_87 = arith.constant 0 : i32
      %dma_wait3A_88 = tpu.memref_slice %arg9[%run_scoped3A_47, %dma_wait3A, %dma_wait3A_87] : memref<2x128x128xf32, #tpu.memory_space<vmem>> -> memref<1x128x128xf32, #tpu.memory_space<vmem>>
      %dma_wait3A_89 = tpu.memref_squeeze %dma_wait3A_88 : memref<1x128x128xf32, #tpu.memory_space<vmem>> -> memref<128x128xf32, #tpu.memory_space<vmem>>
      %dma_wait3A_90 = arith.constant 0 : i32
      %dma_wait3A_91 = tpu.memref_slice %arg5[%arg0, %add3A_46, %dma_wait3A_90] : memref<2x10240x128xf32, #tpu.memory_space<hbm>> -> memref<1x128x128xf32, #tpu.memory_space<hbm>>
      %dma_wait3A_92 = tpu.memref_squeeze %dma_wait3A_91 : memref<1x128x128xf32, #tpu.memory_space<hbm>> -> memref<128x128xf32, #tpu.memory_space<hbm>>
      %dma_wait3A_93 = arith.constant 0 : i32
      %dma_wait3A_94 = tpu.memref_slice %arg5[%arg0, %add3A_46, %dma_wait3A_93] : memref<2x10240x128xf32, #tpu.memory_space<hbm>> -> memref<1x128x128xf32, #tpu.memory_space<hbm>>
      %dma_wait3A_95 = tpu.memref_squeeze %dma_wait3A_94 : memref<1x128x128xf32, #tpu.memory_space<hbm>> -> memref<128x128xf32, #tpu.memory_space<hbm>>
      %dma_wait3A_96 = arith.constant 0 : i32
      %dma_wait3A_97 = arith.constant 0 : i32
      %dma_wait3A_98 = tpu.memref_slice %arg9[%run_scoped3A_47, %dma_wait3A_96, %dma_wait3A_97] : memref<2x128x128xf32, #tpu.memory_space<vmem>> -> memref<1x128x128xf32, #tpu.memory_space<vmem>>
      %dma_wait3A_99 = tpu.memref_squeeze %dma_wait3A_98 : memref<1x128x128xf32, #tpu.memory_space<vmem>> -> memref<128x128xf32, #tpu.memory_space<vmem>>
      tpu.wait_dma2 semaphore(%run_scoped3A_72 : memref<!tpu.dma_semaphore, #tpu.memory_space<semaphore_mem>>) src(%dma_wait3A_99 : memref<128x128xf32, #tpu.memory_space<vmem>>) dst(%dma_wait3A_95 : memref<128x128xf32, #tpu.memory_space<hbm>>)
      tpu.yield
    }) : () -> ()
    %add3A_48 = arith.constant 128 : i32
    %add3A_49 = arith.addi %mul3A_2, %add3A_48 : i32
    %run_scoped3A_50 = arith.constant 0 : i32
    "tpu.region"() ({
      %run_scoped3A_72 = tpu.sem_alloc : memref<!tpu.dma_semaphore, #tpu.memory_space<semaphore_mem>>
      %dma_start3A_73 = arith.constant 0 : i32
      %dma_start3A_74 = arith.constant 0 : i32
      %dma_start3A_75 = tpu.memref_slice %arg9[%run_scoped3A_50, %dma_start3A_73, %dma_start3A_74] : memref<2x128x128xf32, #tpu.memory_space<vmem>> -> memref<1x128x128xf32, #tpu.memory_space<vmem>>
      %dma_start3A_76 = tpu.memref_squeeze %dma_start3A_75 : memref<1x128x128xf32, #tpu.memory_space<vmem>> -> memref<128x128xf32, #tpu.memory_space<vmem>>
      %dma_start3A_77 = arith.constant 0 : i32
      %dma_start3A_78 = tpu.memref_slice %arg6[%add3A_49, %dma_start3A_77] : memref<10240x128xf32, #tpu.memory_space<vmem_shared>> -> memref<128x128xf32, #tpu.memory_space<vmem_shared>>
      %dma_start3A_79 = arith.constant 0 : i32
      %dma_start3A_80 = arith.constant 0 : i32
      %dma_start3A_81 = tpu.memref_slice %arg9[%run_scoped3A_50, %dma_start3A_79, %dma_start3A_80] : memref<2x128x128xf32, #tpu.memory_space<vmem>> -> memref<1x128x128xf32, #tpu.memory_space<vmem>>
      %dma_start3A_82 = tpu.memref_squeeze %dma_start3A_81 : memref<1x128x128xf32, #tpu.memory_space<vmem>> -> memref<128x128xf32, #tpu.memory_space<vmem>>
      %dma_start3A_83 = arith.constant 0 : i32
      %dma_start3A_84 = tpu.memref_slice %arg6[%add3A_49, %dma_start3A_83] : memref<10240x128xf32, #tpu.memory_space<vmem_shared>> -> memref<128x128xf32, #tpu.memory_space<vmem_shared>>
      tpu.enqueue_dma source(%dma_start3A_84 : memref<128x128xf32, #tpu.memory_space<vmem_shared>>) target(%dma_start3A_82 : memref<128x128xf32, #tpu.memory_space<vmem>>) target_semaphore(%run_scoped3A_72 : memref<!tpu.dma_semaphore, #tpu.memory_space<semaphore_mem>>)
      %dma_wait3A = arith.constant 0 : i32
      %dma_wait3A_85 = arith.constant 0 : i32
      %dma_wait3A_86 = tpu.memref_slice %arg9[%run_scoped3A_50, %dma_wait3A, %dma_wait3A_85] : memref<2x128x128xf32, #tpu.memory_space<vmem>> -> memref<1x128x128xf32, #tpu.memory_space<vmem>>
      %dma_wait3A_87 = tpu.memref_squeeze %dma_wait3A_86 : memref<1x128x128xf32, #tpu.memory_space<vmem>> -> memref<128x128xf32, #tpu.memory_space<vmem>>
      %dma_wait3A_88 = arith.constant 0 : i32
      %dma_wait3A_89 = tpu.memref_slice %arg6[%add3A_49, %dma_wait3A_88] : memref<10240x128xf32, #tpu.memory_space<vmem_shared>> -> memref<128x128xf32, #tpu.memory_space<vmem_shared>>
      %dma_wait3A_90 = arith.constant 0 : i32
      %dma_wait3A_91 = arith.constant 0 : i32
      %dma_wait3A_92 = tpu.memref_slice %arg9[%run_scoped3A_50, %dma_wait3A_90, %dma_wait3A_91] : memref<2x128x128xf32, #tpu.memory_space<vmem>> -> memref<1x128x128xf32, #tpu.memory_space<vmem>>
      %dma_wait3A_93 = tpu.memref_squeeze %dma_wait3A_92 : memref<1x128x128xf32, #tpu.memory_space<vmem>> -> memref<128x128xf32, #tpu.memory_space<vmem>>
      %dma_wait3A_94 = arith.constant 0 : i32
      %dma_wait3A_95 = tpu.memref_slice %arg6[%add3A_49, %dma_wait3A_94] : memref<10240x128xf32, #tpu.memory_space<vmem_shared>> -> memref<128x128xf32, #tpu.memory_space<vmem_shared>>
      tpu.wait_dma2 semaphore(%run_scoped3A_72 : memref<!tpu.dma_semaphore, #tpu.memory_space<semaphore_mem>>) src(%dma_wait3A_95 : memref<128x128xf32, #tpu.memory_space<vmem_shared>>) dst(%dma_wait3A_93 : memref<128x128xf32, #tpu.memory_space<vmem>>)
      tpu.yield
    }) : () -> ()
    %add3A_51 = arith.constant 128 : i32
    %add3A_52 = arith.addi %mul3A_2, %add3A_51 : i32
    %run_scoped3A_53 = arith.constant 0 : i32
    "tpu.region"() ({
      %run_scoped3A_72 = tpu.sem_alloc : memref<!tpu.dma_semaphore, #tpu.memory_space<semaphore_mem>>
      %dma_start3A_73 = arith.constant 0 : i32
      %dma_start3A_74 = arith.constant 0 : i32
      %dma_start3A_75 = tpu.memref_slice %arg9[%run_scoped3A_53, %dma_start3A_73, %dma_start3A_74] : memref<2x128x128xf32, #tpu.memory_space<vmem>> -> memref<1x128x128xf32, #tpu.memory_space<vmem>>
      %dma_start3A_76 = tpu.memref_squeeze %dma_start3A_75 : memref<1x128x128xf32, #tpu.memory_space<vmem>> -> memref<128x128xf32, #tpu.memory_space<vmem>>
      %dma_start3A_77 = arith.constant 0 : i32
      %dma_start3A_78 = tpu.memref_slice %arg5[%arg0, %add3A_52, %dma_start3A_77] : memref<2x10240x128xf32, #tpu.memory_space<hbm>> -> memref<1x128x128xf32, #tpu.memory_space<hbm>>
      %dma_start3A_79 = tpu.memref_squeeze %dma_start3A_78 : memref<1x128x128xf32, #tpu.memory_space<hbm>> -> memref<128x128xf32, #tpu.memory_space<hbm>>
      %dma_start3A_80 = arith.constant 0 : i32
      %dma_start3A_81 = tpu.memref_slice %arg5[%arg0, %add3A_52, %dma_start3A_80] : memref<2x10240x128xf32, #tpu.memory_space<hbm>> -> memref<1x128x128xf32, #tpu.memory_space<hbm>>
      %dma_start3A_82 = tpu.memref_squeeze %dma_start3A_81 : memref<1x128x128xf32, #tpu.memory_space<hbm>> -> memref<128x128xf32, #tpu.memory_space<hbm>>
      %dma_start3A_83 = arith.constant 0 : i32
      %dma_start3A_84 = arith.constant 0 : i32
      %dma_start3A_85 = tpu.memref_slice %arg9[%run_scoped3A_53, %dma_start3A_83, %dma_start3A_84] : memref<2x128x128xf32, #tpu.memory_space<vmem>> -> memref<1x128x128xf32, #tpu.memory_space<vmem>>
      %dma_start3A_86 = tpu.memref_squeeze %dma_start3A_85 : memref<1x128x128xf32, #tpu.memory_space<vmem>> -> memref<128x128xf32, #tpu.memory_space<vmem>>
      tpu.enqueue_dma source(%dma_start3A_86 : memref<128x128xf32, #tpu.memory_space<vmem>>) target(%dma_start3A_82 : memref<128x128xf32, #tpu.memory_space<hbm>>) target_semaphore(%run_scoped3A_72 : memref<!tpu.dma_semaphore, #tpu.memory_space<semaphore_mem>>)
      %dma_wait3A = arith.constant 0 : i32
      %dma_wait3A_87 = arith.constant 0 : i32
      %dma_wait3A_88 = tpu.memref_slice %arg9[%run_scoped3A_53, %dma_wait3A, %dma_wait3A_87] : memref<2x128x128xf32, #tpu.memory_space<vmem>> -> memref<1x128x128xf32, #tpu.memory_space<vmem>>
      %dma_wait3A_89 = tpu.memref_squeeze %dma_wait3A_88 : memref<1x128x128xf32, #tpu.memory_space<vmem>> -> memref<128x128xf32, #tpu.memory_space<vmem>>
      %dma_wait3A_90 = arith.constant 0 : i32
      %dma_wait3A_91 = tpu.memref_slice %arg5[%arg0, %add3A_52, %dma_wait3A_90] : memref<2x10240x128xf32, #tpu.memory_space<hbm>> -> memref<1x128x128xf32, #tpu.memory_space<hbm>>
      %dma_wait3A_92 = tpu.memref_squeeze %dma_wait3A_91 : memref<1x128x128xf32, #tpu.memory_space<hbm>> -> memref<128x128xf32, #tpu.memory_space<hbm>>
      %dma_wait3A_93 = arith.constant 0 : i32
      %dma_wait3A_94 = tpu.memref_slice %arg5[%arg0, %add3A_52, %dma_wait3A_93] : memref<2x10240x128xf32, #tpu.memory_space<hbm>> -> memref<1x128x128xf32, #tpu.memory_space<hbm>>
      %dma_wait3A_95 = tpu.memref_squeeze %dma_wait3A_94 : memref<1x128x128xf32, #tpu.memory_space<hbm>> -> memref<128x128xf32, #tpu.memory_space<hbm>>
      %dma_wait3A_96 = arith.constant 0 : i32
      %dma_wait3A_97 = arith.constant 0 : i32
      %dma_wait3A_98 = tpu.memref_slice %arg9[%run_scoped3A_53, %dma_wait3A_96, %dma_wait3A_97] : memref<2x128x128xf32, #tpu.memory_space<vmem>> -> memref<1x128x128xf32, #tpu.memory_space<vmem>>
      %dma_wait3A_99 = tpu.memref_squeeze %dma_wait3A_98 : memref<1x128x128xf32, #tpu.memory_space<vmem>> -> memref<128x128xf32, #tpu.memory_space<vmem>>
      tpu.wait_dma2 semaphore(%run_scoped3A_72 : memref<!tpu.dma_semaphore, #tpu.memory_space<semaphore_mem>>) src(%dma_wait3A_99 : memref<128x128xf32, #tpu.memory_space<vmem>>) dst(%dma_wait3A_95 : memref<128x128xf32, #tpu.memory_space<hbm>>)
      tpu.yield
    }) : () -> ()
    %add3A_54 = arith.constant 256 : i32
    %add3A_55 = arith.addi %mul3A_2, %add3A_54 : i32
    %run_scoped3A_56 = arith.constant 0 : i32
    "tpu.region"() ({
      %run_scoped3A_72 = tpu.sem_alloc : memref<!tpu.dma_semaphore, #tpu.memory_space<semaphore_mem>>
      %dma_start3A_73 = arith.constant 0 : i32
      %dma_start3A_74 = arith.constant 0 : i32
      %dma_start3A_75 = tpu.memref_slice %arg9[%run_scoped3A_56, %dma_start3A_73, %dma_start3A_74] : memref<2x128x128xf32, #tpu.memory_space<vmem>> -> memref<1x128x128xf32, #tpu.memory_space<vmem>>
      %dma_start3A_76 = tpu.memref_squeeze %dma_start3A_75 : memref<1x128x128xf32, #tpu.memory_space<vmem>> -> memref<128x128xf32, #tpu.memory_space<vmem>>
      %dma_start3A_77 = arith.constant 0 : i32
      %dma_start3A_78 = tpu.memref_slice %arg6[%add3A_55, %dma_start3A_77] : memref<10240x128xf32, #tpu.memory_space<vmem_shared>> -> memref<128x128xf32, #tpu.memory_space<vmem_shared>>
      %dma_start3A_79 = arith.constant 0 : i32
      %dma_start3A_80 = arith.constant 0 : i32
      %dma_start3A_81 = tpu.memref_slice %arg9[%run_scoped3A_56, %dma_start3A_79, %dma_start3A_80] : memref<2x128x128xf32, #tpu.memory_space<vmem>> -> memref<1x128x128xf32, #tpu.memory_space<vmem>>
      %dma_start3A_82 = tpu.memref_squeeze %dma_start3A_81 : memref<1x128x128xf32, #tpu.memory_space<vmem>> -> memref<128x128xf32, #tpu.memory_space<vmem>>
      %dma_start3A_83 = arith.constant 0 : i32
      %dma_start3A_84 = tpu.memref_slice %arg6[%add3A_55, %dma_start3A_83] : memref<10240x128xf32, #tpu.memory_space<vmem_shared>> -> memref<128x128xf32, #tpu.memory_space<vmem_shared>>
      tpu.enqueue_dma source(%dma_start3A_84 : memref<128x128xf32, #tpu.memory_space<vmem_shared>>) target(%dma_start3A_82 : memref<128x128xf32, #tpu.memory_space<vmem>>) target_semaphore(%run_scoped3A_72 : memref<!tpu.dma_semaphore, #tpu.memory_space<semaphore_mem>>)
      %dma_wait3A = arith.constant 0 : i32
      %dma_wait3A_85 = arith.constant 0 : i32
      %dma_wait3A_86 = tpu.memref_slice %arg9[%run_scoped3A_56, %dma_wait3A, %dma_wait3A_85] : memref<2x128x128xf32, #tpu.memory_space<vmem>> -> memref<1x128x128xf32, #tpu.memory_space<vmem>>
      %dma_wait3A_87 = tpu.memref_squeeze %dma_wait3A_86 : memref<1x128x128xf32, #tpu.memory_space<vmem>> -> memref<128x128xf32, #tpu.memory_space<vmem>>
      %dma_wait3A_88 = arith.constant 0 : i32
      %dma_wait3A_89 = tpu.memref_slice %arg6[%add3A_55, %dma_wait3A_88] : memref<10240x128xf32, #tpu.memory_space<vmem_shared>> -> memref<128x128xf32, #tpu.memory_space<vmem_shared>>
      %dma_wait3A_90 = arith.constant 0 : i32
      %dma_wait3A_91 = arith.constant 0 : i32
      %dma_wait3A_92 = tpu.memref_slice %arg9[%run_scoped3A_56, %dma_wait3A_90, %dma_wait3A_91] : memref<2x128x128xf32, #tpu.memory_space<vmem>> -> memref<1x128x128xf32, #tpu.memory_space<vmem>>
      %dma_wait3A_93 = tpu.memref_squeeze %dma_wait3A_92 : memref<1x128x128xf32, #tpu.memory_space<vmem>> -> memref<128x128xf32, #tpu.memory_space<vmem>>
      %dma_wait3A_94 = arith.constant 0 : i32
      %dma_wait3A_95 = tpu.memref_slice %arg6[%add3A_55, %dma_wait3A_94] : memref<10240x128xf32, #tpu.memory_space<vmem_shared>> -> memref<128x128xf32, #tpu.memory_space<vmem_shared>>
      tpu.wait_dma2 semaphore(%run_scoped3A_72 : memref<!tpu.dma_semaphore, #tpu.memory_space<semaphore_mem>>) src(%dma_wait3A_95 : memref<128x128xf32, #tpu.memory_space<vmem_shared>>) dst(%dma_wait3A_93 : memref<128x128xf32, #tpu.memory_space<vmem>>)
      tpu.yield
    }) : () -> ()
    %add3A_57 = arith.constant 256 : i32
    %add3A_58 = arith.addi %mul3A_2, %add3A_57 : i32
    %run_scoped3A_59 = arith.constant 0 : i32
    "tpu.region"() ({
      %run_scoped3A_72 = tpu.sem_alloc : memref<!tpu.dma_semaphore, #tpu.memory_space<semaphore_mem>>
      %dma_start3A_73 = arith.constant 0 : i32
      %dma_start3A_74 = arith.constant 0 : i32
      %dma_start3A_75 = tpu.memref_slice %arg9[%run_scoped3A_59, %dma_start3A_73, %dma_start3A_74] : memref<2x128x128xf32, #tpu.memory_space<vmem>> -> memref<1x128x128xf32, #tpu.memory_space<vmem>>
      %dma_start3A_76 = tpu.memref_squeeze %dma_start3A_75 : memref<1x128x128xf32, #tpu.memory_space<vmem>> -> memref<128x128xf32, #tpu.memory_space<vmem>>
      %dma_start3A_77 = arith.constant 0 : i32
      %dma_start3A_78 = tpu.memref_slice %arg5[%arg0, %add3A_58, %dma_start3A_77] : memref<2x10240x128xf32, #tpu.memory_space<hbm>> -> memref<1x128x128xf32, #tpu.memory_space<hbm>>
      %dma_start3A_79 = tpu.memref_squeeze %dma_start3A_78 : memref<1x128x128xf32, #tpu.memory_space<hbm>> -> memref<128x128xf32, #tpu.memory_space<hbm>>
      %dma_start3A_80 = arith.constant 0 : i32
      %dma_start3A_81 = tpu.memref_slice %arg5[%arg0, %add3A_58, %dma_start3A_80] : memref<2x10240x128xf32, #tpu.memory_space<hbm>> -> memref<1x128x128xf32, #tpu.memory_space<hbm>>
      %dma_start3A_82 = tpu.memref_squeeze %dma_start3A_81 : memref<1x128x128xf32, #tpu.memory_space<hbm>> -> memref<128x128xf32, #tpu.memory_space<hbm>>
      %dma_start3A_83 = arith.constant 0 : i32
      %dma_start3A_84 = arith.constant 0 : i32
      %dma_start3A_85 = tpu.memref_slice %arg9[%run_scoped3A_59, %dma_start3A_83, %dma_start3A_84] : memref<2x128x128xf32, #tpu.memory_space<vmem>> -> memref<1x128x128xf32, #tpu.memory_space<vmem>>
      %dma_start3A_86 = tpu.memref_squeeze %dma_start3A_85 : memref<1x128x128xf32, #tpu.memory_space<vmem>> -> memref<128x128xf32, #tpu.memory_space<vmem>>
      tpu.enqueue_dma source(%dma_start3A_86 : memref<128x128xf32, #tpu.memory_space<vmem>>) target(%dma_start3A_82 : memref<128x128xf32, #tpu.memory_space<hbm>>) target_semaphore(%run_scoped3A_72 : memref<!tpu.dma_semaphore, #tpu.memory_space<semaphore_mem>>)
      %dma_wait3A = arith.constant 0 : i32
      %dma_wait3A_87 = arith.constant 0 : i32
      %dma_wait3A_88 = tpu.memref_slice %arg9[%run_scoped3A_59, %dma_wait3A, %dma_wait3A_87] : memref<2x128x128xf32, #tpu.memory_space<vmem>> -> memref<1x128x128xf32, #tpu.memory_space<vmem>>
      %dma_wait3A_89 = tpu.memref_squeeze %dma_wait3A_88 : memref<1x128x128xf32, #tpu.memory_space<vmem>> -> memref<128x128xf32, #tpu.memory_space<vmem>>
      %dma_wait3A_90 = arith.constant 0 : i32
      %dma_wait3A_91 = tpu.memref_slice %arg5[%arg0, %add3A_58, %dma_wait3A_90] : memref<2x10240x128xf32, #tpu.memory_space<hbm>> -> memref<1x128x128xf32, #tpu.memory_space<hbm>>
      %dma_wait3A_92 = tpu.memref_squeeze %dma_wait3A_91 : memref<1x128x128xf32, #tpu.memory_space<hbm>> -> memref<128x128xf32, #tpu.memory_space<hbm>>
      %dma_wait3A_93 = arith.constant 0 : i32
      %dma_wait3A_94 = tpu.memref_slice %arg5[%arg0, %add3A_58, %dma_wait3A_93] : memref<2x10240x128xf32, #tpu.memory_space<hbm>> -> memref<1x128x128xf32, #tpu.memory_space<hbm>>
      %dma_wait3A_95 = tpu.memref_squeeze %dma_wait3A_94 : memref<1x128x128xf32, #tpu.memory_space<hbm>> -> memref<128x128xf32, #tpu.memory_space<hbm>>
      %dma_wait3A_96 = arith.constant 0 : i32
      %dma_wait3A_97 = arith.constant 0 : i32
      %dma_wait3A_98 = tpu.memref_slice %arg9[%run_scoped3A_59, %dma_wait3A_96, %dma_wait3A_97] : memref<2x128x128xf32, #tpu.memory_space<vmem>> -> memref<1x128x128xf32, #tpu.memory_space<vmem>>
      %dma_wait3A_99 = tpu.memref_squeeze %dma_wait3A_98 : memref<1x128x128xf32, #tpu.memory_space<vmem>> -> memref<128x128xf32, #tpu.memory_space<vmem>>
      tpu.wait_dma2 semaphore(%run_scoped3A_72 : memref<!tpu.dma_semaphore, #tpu.memory_space<semaphore_mem>>) src(%dma_wait3A_99 : memref<128x128xf32, #tpu.memory_space<vmem>>) dst(%dma_wait3A_95 : memref<128x128xf32, #tpu.memory_space<hbm>>)
      tpu.yield
    }) : () -> ()
    %add3A_60 = arith.constant 384 : i32
    %add3A_61 = arith.addi %mul3A_2, %add3A_60 : i32
    %run_scoped3A_62 = arith.constant 0 : i32
    "tpu.region"() ({
      %run_scoped3A_72 = tpu.sem_alloc : memref<!tpu.dma_semaphore, #tpu.memory_space<semaphore_mem>>
      %dma_start3A_73 = arith.constant 0 : i32
      %dma_start3A_74 = arith.constant 0 : i32
      %dma_start3A_75 = tpu.memref_slice %arg9[%run_scoped3A_62, %dma_start3A_73, %dma_start3A_74] : memref<2x128x128xf32, #tpu.memory_space<vmem>> -> memref<1x128x128xf32, #tpu.memory_space<vmem>>
      %dma_start3A_76 = tpu.memref_squeeze %dma_start3A_75 : memref<1x128x128xf32, #tpu.memory_space<vmem>> -> memref<128x128xf32, #tpu.memory_space<vmem>>
      %dma_start3A_77 = arith.constant 0 : i32
      %dma_start3A_78 = tpu.memref_slice %arg6[%add3A_61, %dma_start3A_77] : memref<10240x128xf32, #tpu.memory_space<vmem_shared>> -> memref<128x128xf32, #tpu.memory_space<vmem_shared>>
      %dma_start3A_79 = arith.constant 0 : i32
      %dma_start3A_80 = arith.constant 0 : i32
      %dma_start3A_81 = tpu.memref_slice %arg9[%run_scoped3A_62, %dma_start3A_79, %dma_start3A_80] : memref<2x128x128xf32, #tpu.memory_space<vmem>> -> memref<1x128x128xf32, #tpu.memory_space<vmem>>
      %dma_start3A_82 = tpu.memref_squeeze %dma_start3A_81 : memref<1x128x128xf32, #tpu.memory_space<vmem>> -> memref<128x128xf32, #tpu.memory_space<vmem>>
      %dma_start3A_83 = arith.constant 0 : i32
      %dma_start3A_84 = tpu.memref_slice %arg6[%add3A_61, %dma_start3A_83] : memref<10240x128xf32, #tpu.memory_space<vmem_shared>> -> memref<128x128xf32, #tpu.memory_space<vmem_shared>>
      tpu.enqueue_dma source(%dma_start3A_84 : memref<128x128xf32, #tpu.memory_space<vmem_shared>>) target(%dma_start3A_82 : memref<128x128xf32, #tpu.memory_space<vmem>>) target_semaphore(%run_scoped3A_72 : memref<!tpu.dma_semaphore, #tpu.memory_space<semaphore_mem>>)
      %dma_wait3A = arith.constant 0 : i32
      %dma_wait3A_85 = arith.constant 0 : i32
      %dma_wait3A_86 = tpu.memref_slice %arg9[%run_scoped3A_62, %dma_wait3A, %dma_wait3A_85] : memref<2x128x128xf32, #tpu.memory_space<vmem>> -> memref<1x128x128xf32, #tpu.memory_space<vmem>>
      %dma_wait3A_87 = tpu.memref_squeeze %dma_wait3A_86 : memref<1x128x128xf32, #tpu.memory_space<vmem>> -> memref<128x128xf32, #tpu.memory_space<vmem>>
      %dma_wait3A_88 = arith.constant 0 : i32
      %dma_wait3A_89 = tpu.memref_slice %arg6[%add3A_61, %dma_wait3A_88] : memref<10240x128xf32, #tpu.memory_space<vmem_shared>> -> memref<128x128xf32, #tpu.memory_space<vmem_shared>>
      %dma_wait3A_90 = arith.constant 0 : i32
      %dma_wait3A_91 = arith.constant 0 : i32
      %dma_wait3A_92 = tpu.memref_slice %arg9[%run_scoped3A_62, %dma_wait3A_90, %dma_wait3A_91] : memref<2x128x128xf32, #tpu.memory_space<vmem>> -> memref<1x128x128xf32, #tpu.memory_space<vmem>>
      %dma_wait3A_93 = tpu.memref_squeeze %dma_wait3A_92 : memref<1x128x128xf32, #tpu.memory_space<vmem>> -> memref<128x128xf32, #tpu.memory_space<vmem>>
      %dma_wait3A_94 = arith.constant 0 : i32
      %dma_wait3A_95 = tpu.memref_slice %arg6[%add3A_61, %dma_wait3A_94] : memref<10240x128xf32, #tpu.memory_space<vmem_shared>> -> memref<128x128xf32, #tpu.memory_space<vmem_shared>>
      tpu.wait_dma2 semaphore(%run_scoped3A_72 : memref<!tpu.dma_semaphore, #tpu.memory_space<semaphore_mem>>) src(%dma_wait3A_95 : memref<128x128xf32, #tpu.memory_space<vmem_shared>>) dst(%dma_wait3A_93 : memref<128x128xf32, #tpu.memory_space<vmem>>)
      tpu.yield
    }) : () -> ()
    %add3A_63 = arith.constant 384 : i32
    %add3A_64 = arith.addi %mul3A_2, %add3A_63 : i32
    %run_scoped3A_65 = arith.constant 0 : i32
    "tpu.region"() ({
      %run_scoped3A_72 = tpu.sem_alloc : memref<!tpu.dma_semaphore, #tpu.memory_space<semaphore_mem>>
      %dma_start3A_73 = arith.constant 0 : i32
      %dma_start3A_74 = arith.constant 0 : i32
      %dma_start3A_75 = tpu.memref_slice %arg9[%run_scoped3A_65, %dma_start3A_73, %dma_start3A_74] : memref<2x128x128xf32, #tpu.memory_space<vmem>> -> memref<1x128x128xf32, #tpu.memory_space<vmem>>
      %dma_start3A_76 = tpu.memref_squeeze %dma_start3A_75 : memref<1x128x128xf32, #tpu.memory_space<vmem>> -> memref<128x128xf32, #tpu.memory_space<vmem>>
      %dma_start3A_77 = arith.constant 0 : i32
      %dma_start3A_78 = tpu.memref_slice %arg5[%arg0, %add3A_64, %dma_start3A_77] : memref<2x10240x128xf32, #tpu.memory_space<hbm>> -> memref<1x128x128xf32, #tpu.memory_space<hbm>>
      %dma_start3A_79 = tpu.memref_squeeze %dma_start3A_78 : memref<1x128x128xf32, #tpu.memory_space<hbm>> -> memref<128x128xf32, #tpu.memory_space<hbm>>
      %dma_start3A_80 = arith.constant 0 : i32
      %dma_start3A_81 = tpu.memref_slice %arg5[%arg0, %add3A_64, %dma_start3A_80] : memref<2x10240x128xf32, #tpu.memory_space<hbm>> -> memref<1x128x128xf32, #tpu.memory_space<hbm>>
      %dma_start3A_82 = tpu.memref_squeeze %dma_start3A_81 : memref<1x128x128xf32, #tpu.memory_space<hbm>> -> memref<128x128xf32, #tpu.memory_space<hbm>>
      %dma_start3A_83 = arith.constant 0 : i32
      %dma_start3A_84 = arith.constant 0 : i32
      %dma_start3A_85 = tpu.memref_slice %arg9[%run_scoped3A_65, %dma_start3A_83, %dma_start3A_84] : memref<2x128x128xf32, #tpu.memory_space<vmem>> -> memref<1x128x128xf32, #tpu.memory_space<vmem>>
      %dma_start3A_86 = tpu.memref_squeeze %dma_start3A_85 : memref<1x128x128xf32, #tpu.memory_space<vmem>> -> memref<128x128xf32, #tpu.memory_space<vmem>>
      tpu.enqueue_dma source(%dma_start3A_86 : memref<128x128xf32, #tpu.memory_space<vmem>>) target(%dma_start3A_82 : memref<128x128xf32, #tpu.memory_space<hbm>>) target_semaphore(%run_scoped3A_72 : memref<!tpu.dma_semaphore, #tpu.memory_space<semaphore_mem>>)
      %dma_wait3A = arith.constant 0 : i32
      %dma_wait3A_87 = arith.constant 0 : i32
      %dma_wait3A_88 = tpu.memref_slice %arg9[%run_scoped3A_65, %dma_wait3A, %dma_wait3A_87] : memref<2x128x128xf32, #tpu.memory_space<vmem>> -> memref<1x128x128xf32, #tpu.memory_space<vmem>>
      %dma_wait3A_89 = tpu.memref_squeeze %dma_wait3A_88 : memref<1x128x128xf32, #tpu.memory_space<vmem>> -> memref<128x128xf32, #tpu.memory_space<vmem>>
      %dma_wait3A_90 = arith.constant 0 : i32
      %dma_wait3A_91 = tpu.memref_slice %arg5[%arg0, %add3A_64, %dma_wait3A_90] : memref<2x10240x128xf32, #tpu.memory_space<hbm>> -> memref<1x128x128xf32, #tpu.memory_space<hbm>>
      %dma_wait3A_92 = tpu.memref_squeeze %dma_wait3A_91 : memref<1x128x128xf32, #tpu.memory_space<hbm>> -> memref<128x128xf32, #tpu.memory_space<hbm>>
      %dma_wait3A_93 = arith.constant 0 : i32
      %dma_wait3A_94 = tpu.memref_slice %arg5[%arg0, %add3A_64, %dma_wait3A_93] : memref<2x10240x128xf32, #tpu.memory_space<hbm>> -> memref<1x128x128xf32, #tpu.memory_space<hbm>>
      %dma_wait3A_95 = tpu.memref_squeeze %dma_wait3A_94 : memref<1x128x128xf32, #tpu.memory_space<hbm>> -> memref<128x128xf32, #tpu.memory_space<hbm>>
      %dma_wait3A_96 = arith.constant 0 : i32
      %dma_wait3A_97 = arith.constant 0 : i32
      %dma_wait3A_98 = tpu.memref_slice %arg9[%run_scoped3A_65, %dma_wait3A_96, %dma_wait3A_97] : memref<2x128x128xf32, #tpu.memory_space<vmem>> -> memref<1x128x128xf32, #tpu.memory_space<vmem>>
      %dma_wait3A_99 = tpu.memref_squeeze %dma_wait3A_98 : memref<1x128x128xf32, #tpu.memory_space<vmem>> -> memref<128x128xf32, #tpu.memory_space<vmem>>
      tpu.wait_dma2 semaphore(%run_scoped3A_72 : memref<!tpu.dma_semaphore, #tpu.memory_space<semaphore_mem>>) src(%dma_wait3A_99 : memref<128x128xf32, #tpu.memory_space<vmem>>) dst(%dma_wait3A_95 : memref<128x128xf32, #tpu.memory_space<hbm>>)
      tpu.yield
    }) : () -> ()
    %add3A_66 = arith.constant 512 : i32
    %add3A_67 = arith.addi %mul3A_2, %add3A_66 : i32
    %run_scoped3A_68 = arith.constant 0 : i32
    "tpu.region"() ({
      %run_scoped3A_72 = tpu.sem_alloc : memref<!tpu.dma_semaphore, #tpu.memory_space<semaphore_mem>>
      %dma_start3A_73 = arith.constant 0 : i32
      %dma_start3A_74 = arith.constant 0 : i32
      %dma_start3A_75 = tpu.memref_slice %arg9[%run_scoped3A_68, %dma_start3A_73, %dma_start3A_74] : memref<2x128x128xf32, #tpu.memory_space<vmem>> -> memref<1x128x128xf32, #tpu.memory_space<vmem>>
      %dma_start3A_76 = tpu.memref_squeeze %dma_start3A_75 : memref<1x128x128xf32, #tpu.memory_space<vmem>> -> memref<128x128xf32, #tpu.memory_space<vmem>>
      %dma_start3A_77 = arith.constant 0 : i32
      %dma_start3A_78 = tpu.memref_slice %arg6[%add3A_67, %dma_start3A_77] : memref<10240x128xf32, #tpu.memory_space<vmem_shared>> -> memref<128x128xf32, #tpu.memory_space<vmem_shared>>
      %dma_start3A_79 = arith.constant 0 : i32
      %dma_start3A_80 = arith.constant 0 : i32
      %dma_start3A_81 = tpu.memref_slice %arg9[%run_scoped3A_68, %dma_start3A_79, %dma_start3A_80] : memref<2x128x128xf32, #tpu.memory_space<vmem>> -> memref<1x128x128xf32, #tpu.memory_space<vmem>>
      %dma_start3A_82 = tpu.memref_squeeze %dma_start3A_81 : memref<1x128x128xf32, #tpu.memory_space<vmem>> -> memref<128x128xf32, #tpu.memory_space<vmem>>
      %dma_start3A_83 = arith.constant 0 : i32
      %dma_start3A_84 = tpu.memref_slice %arg6[%add3A_67, %dma_start3A_83] : memref<10240x128xf32, #tpu.memory_space<vmem_shared>> -> memref<128x128xf32, #tpu.memory_space<vmem_shared>>
      tpu.enqueue_dma source(%dma_start3A_84 : memref<128x128xf32, #tpu.memory_space<vmem_shared>>) target(%dma_start3A_82 : memref<128x128xf32, #tpu.memory_space<vmem>>) target_semaphore(%run_scoped3A_72 : memref<!tpu.dma_semaphore, #tpu.memory_space<semaphore_mem>>)
      %dma_wait3A = arith.constant 0 : i32
      %dma_wait3A_85 = arith.constant 0 : i32
      %dma_wait3A_86 = tpu.memref_slice %arg9[%run_scoped3A_68, %dma_wait3A, %dma_wait3A_85] : memref<2x128x128xf32, #tpu.memory_space<vmem>> -> memref<1x128x128xf32, #tpu.memory_space<vmem>>
      %dma_wait3A_87 = tpu.memref_squeeze %dma_wait3A_86 : memref<1x128x128xf32, #tpu.memory_space<vmem>> -> memref<128x128xf32, #tpu.memory_space<vmem>>
      %dma_wait3A_88 = arith.constant 0 : i32
      %dma_wait3A_89 = tpu.memref_slice %arg6[%add3A_67, %dma_wait3A_88] : memref<10240x128xf32, #tpu.memory_space<vmem_shared>> -> memref<128x128xf32, #tpu.memory_space<vmem_shared>>
      %dma_wait3A_90 = arith.constant 0 : i32
      %dma_wait3A_91 = arith.constant 0 : i32
      %dma_wait3A_92 = tpu.memref_slice %arg9[%run_scoped3A_68, %dma_wait3A_90, %dma_wait3A_91] : memref<2x128x128xf32, #tpu.memory_space<vmem>> -> memref<1x128x128xf32, #tpu.memory_space<vmem>>
      %dma_wait3A_93 = tpu.memref_squeeze %dma_wait3A_92 : memref<1x128x128xf32, #tpu.memory_space<vmem>> -> memref<128x128xf32, #tpu.memory_space<vmem>>
      %dma_wait3A_94 = arith.constant 0 : i32
      %dma_wait3A_95 = tpu.memref_slice %arg6[%add3A_67, %dma_wait3A_94] : memref<10240x128xf32, #tpu.memory_space<vmem_shared>> -> memref<128x128xf32, #tpu.memory_space<vmem_shared>>
      tpu.wait_dma2 semaphore(%run_scoped3A_72 : memref<!tpu.dma_semaphore, #tpu.memory_space<semaphore_mem>>) src(%dma_wait3A_95 : memref<128x128xf32, #tpu.memory_space<vmem_shared>>) dst(%dma_wait3A_93 : memref<128x128xf32, #tpu.memory_space<vmem>>)
      tpu.yield
    }) : () -> ()
    %add3A_69 = arith.constant 512 : i32
    %add3A_70 = arith.addi %mul3A_2, %add3A_69 : i32
    %run_scoped3A_71 = arith.constant 0 : i32
    "tpu.region"() ({
      %run_scoped3A_72 = tpu.sem_alloc : memref<!tpu.dma_semaphore, #tpu.memory_space<semaphore_mem>>
      %dma_start3A_73 = arith.constant 0 : i32
      %dma_start3A_74 = arith.constant 0 : i32
      %dma_start3A_75 = tpu.memref_slice %arg9[%run_scoped3A_71, %dma_start3A_73, %dma_start3A_74] : memref<2x128x128xf32, #tpu.memory_space<vmem>> -> memref<1x128x128xf32, #tpu.memory_space<vmem>>
      %dma_start3A_76 = tpu.memref_squeeze %dma_start3A_75 : memref<1x128x128xf32, #tpu.memory_space<vmem>> -> memref<128x128xf32, #tpu.memory_space<vmem>>
      %dma_start3A_77 = arith.constant 0 : i32
      %dma_start3A_78 = tpu.memref_slice %arg5[%arg0, %add3A_70, %dma_start3A_77] : memref<2x10240x128xf32, #tpu.memory_space<hbm>> -> memref<1x128x128xf32, #tpu.memory_space<hbm>>
      %dma_start3A_79 = tpu.memref_squeeze %dma_start3A_78 : memref<1x128x128xf32, #tpu.memory_space<hbm>> -> memref<128x128xf32, #tpu.memory_space<hbm>>
      %dma_start3A_80 = arith.constant 0 : i32
      %dma_start3A_81 = tpu.memref_slice %arg5[%arg0, %add3A_70, %dma_start3A_80] : memref<2x10240x128xf32, #tpu.memory_space<hbm>> -> memref<1x128x128xf32, #tpu.memory_space<hbm>>
      %dma_start3A_82 = tpu.memref_squeeze %dma_start3A_81 : memref<1x128x128xf32, #tpu.memory_space<hbm>> -> memref<128x128xf32, #tpu.memory_space<hbm>>
      %dma_start3A_83 = arith.constant 0 : i32
      %dma_start3A_84 = arith.constant 0 : i32
      %dma_start3A_85 = tpu.memref_slice %arg9[%run_scoped3A_71, %dma_start3A_83, %dma_start3A_84] : memref<2x128x128xf32, #tpu.memory_space<vmem>> -> memref<1x128x128xf32, #tpu.memory_space<vmem>>
      %dma_start3A_86 = tpu.memref_squeeze %dma_start3A_85 : memref<1x128x128xf32, #tpu.memory_space<vmem>> -> memref<128x128xf32, #tpu.memory_space<vmem>>
      tpu.enqueue_dma source(%dma_start3A_86 : memref<128x128xf32, #tpu.memory_space<vmem>>) target(%dma_start3A_82 : memref<128x128xf32, #tpu.memory_space<hbm>>) target_semaphore(%run_scoped3A_72 : memref<!tpu.dma_semaphore, #tpu.memory_space<semaphore_mem>>)
      %dma_wait3A = arith.constant 0 : i32
      %dma_wait3A_87 = arith.constant 0 : i32
      %dma_wait3A_88 = tpu.memref_slice %arg9[%run_scoped3A_71, %dma_wait3A, %dma_wait3A_87] : memref<2x128x128xf32, #tpu.memory_space<vmem>> -> memref<1x128x128xf32, #tpu.memory_space<vmem>>
      %dma_wait3A_89 = tpu.memref_squeeze %dma_wait3A_88 : memref<1x128x128xf32, #tpu.memory_space<vmem>> -> memref<128x128xf32, #tpu.memory_space<vmem>>
      %dma_wait3A_90 = arith.constant 0 : i32
      %dma_wait3A_91 = tpu.memref_slice %arg5[%arg0, %add3A_70, %dma_wait3A_90] : memref<2x10240x128xf32, #tpu.memory_space<hbm>> -> memref<1x128x128xf32, #tpu.memory_space<hbm>>
      %dma_wait3A_92 = tpu.memref_squeeze %dma_wait3A_91 : memref<1x128x128xf32, #tpu.memory_space<hbm>> -> memref<128x128xf32, #tpu.memory_space<hbm>>
      %dma_wait3A_93 = arith.constant 0 : i32
      %dma_wait3A_94 = tpu.memref_slice %arg5[%arg0, %add3A_70, %dma_wait3A_93] : memref<2x10240x128xf32, #tpu.memory_space<hbm>> -> memref<1x128x128xf32, #tpu.memory_space<hbm>>
      %dma_wait3A_95 = tpu.memref_squeeze %dma_wait3A_94 : memref<1x128x128xf32, #tpu.memory_space<hbm>> -> memref<128x128xf32, #tpu.memory_space<hbm>>
      %dma_wait3A_96 = arith.constant 0 : i32
      %dma_wait3A_97 = arith.constant 0 : i32
      %dma_wait3A_98 = tpu.memref_slice %arg9[%run_scoped3A_71, %dma_wait3A_96, %dma_wait3A_97] : memref<2x128x128xf32, #tpu.memory_space<vmem>> -> memref<1x128x128xf32, #tpu.memory_space<vmem>>
      %dma_wait3A_99 = tpu.memref_squeeze %dma_wait3A_98 : memref<1x128x128xf32, #tpu.memory_space<vmem>> -> memref<128x128xf32, #tpu.memory_space<vmem>>
      tpu.wait_dma2 semaphore(%run_scoped3A_72 : memref<!tpu.dma_semaphore, #tpu.memory_space<semaphore_mem>>) src(%dma_wait3A_99 : memref<128x128xf32, #tpu.memory_space<vmem>>) dst(%dma_wait3A_95 : memref<128x128xf32, #tpu.memory_space<hbm>>)
      tpu.yield
    }) : () -> ()
    return
  }
}

#map = affine_map<(d0, d1) -> (0, 0)>
#map1 = affine_map<(d0, d1) -> (0, 0, 0)>
module attributes {stable_mosaic.version = 14 : i64} {
  func.func @fn(%arg0: i32, %arg1: i32, %arg2: memref<10000x128xf32, #tpu.memory_space<hbm>>, %arg3: memref<32x79x128xi32, #tpu.memory_space<hbm>>, %arg4: memref<32x79x128xi32, #tpu.memory_space<hbm>>, %arg5: memref<2x10240x128xf32, #tpu.memory_space<hbm>>, %arg6: memref<10240x128xf32, #tpu.memory_space<vmem_shared>>, %arg7: memref<2x128xi32, #tpu.memory_space<vmem>>, %arg8: memref<128xi32, #tpu.memory_space<vmem>>, %arg9: memref<2x128x128xf32, #tpu.memory_space<vmem>>, %arg10: memref<!tpu.dma_semaphore, #tpu.memory_space<semaphore_mem>>) attributes {dimension_semantics = [#tpu.dimension_semantics<core_parallel>, #tpu.dimension_semantics<subcore_parallel>], iteration_bounds = array<i64: 2, 16>, scalar_prefetch = 0 : i64, scratch_operands = 5 : i64, tpu.core_type = #tpu.core_type<sc_vector_subcore>, window_params = [{transform_indices = #map}, {transform_indices = #map1}, {transform_indices = #map1}, {transform_indices = #map1}]} {
    %mul3A = arith.constant 2 : i32
    %mul3A_0 = arith.muli %arg1, %mul3A : i32
    %add3A = arith.addi %mul3A_0, %arg0 : i32
    %mul3A_1 = arith.constant 640 : i32
    %mul3A_2 = arith.muli %arg1, %mul3A_1 : i32
    %broadcast_in_dim3A = arith.constant 0.000000e+00 : f32
    %broadcast_in_dim3A_3 = vector.broadcast %broadcast_in_dim3A : f32 to vector<16xf32>
    %scan3A = arith.constant 0 : i32
    %scan3A_4 = arith.constant 0 : i32
    %scan3A_5 = arith.constant 128 : i32
    %scan3A_6 = arith.addi %scan3A_4, %scan3A_5 : i32
    %scan3A_7 = arith.constant 1 : i32
    scf.for %scan3A_72 = %scan3A_4 to %scan3A_6 step %scan3A_7  : i32 {
      %mul3A_73 = arith.constant 1 : i32
      %mul3A_74 = arith.muli %scan3A_72, %mul3A_73 : i32
      %add3A_75 = arith.constant 0 : i32
      %add3A_76 = arith.addi %add3A_75, %mul3A_74 : i32
      %swap3A = arith.constant 0 : i32
      %swap3A_77 = arith.constant 0 : i32
      %swap3A_78 = tpu.memref_slice %arg9[%scan3A, %swap3A, %swap3A_77] : memref<2x128x128xf32, #tpu.memory_space<vmem>> -> memref<1x128x128xf32, #tpu.memory_space<vmem>>
      %swap3A_79 = tpu.memref_squeeze %swap3A_78 : memref<1x128x128xf32, #tpu.memory_space<vmem>> -> memref<128x128xf32, #tpu.memory_space<vmem>>
      %swap3A_80 = arith.index_cast %add3A_76 : i32 to index
      %swap3A_81 = arith.constant 0 : index
      %swap3A_82 = tpu.vector_load %swap3A_79[%swap3A_80, %swap3A_81] {strides = array<i32>} : memref<128x128xf32, #tpu.memory_space<vmem>>, vector<1x16xf32>,
      %swap3A_83 = vector.shape_cast %swap3A_82 : vector<1x16xf32> to vector<16xf32>
      %swap3A_84 = vector.shape_cast %broadcast_in_dim3A_3 : vector<16xf32> to vector<1x16xf32>
      tpu.vector_store %swap3A_79[%swap3A_80, %swap3A_81], %swap3A_84 {strides = array<i32>} : memref<128x128xf32, #tpu.memory_space<vmem>>, vector<1x16xf32>,
      %swap3A_85 = arith.constant 0 : i32
      %swap3A_86 = arith.constant 0 : i32
      %swap3A_87 = tpu.memref_slice %arg9[%scan3A, %swap3A_85, %swap3A_86] : memref<2x128x128xf32, #tpu.memory_space<vmem>> -> memref<1x128x128xf32, #tpu.memory_space<vmem>>
      %swap3A_88 = tpu.memref_squeeze %swap3A_87 : memref<1x128x128xf32, #tpu.memory_space<vmem>> -> memref<128x128xf32, #tpu.memory_space<vmem>>
      %swap3A_89 = arith.index_cast %add3A_76 : i32 to index
      %swap3A_90 = arith.constant 16 : index
      %swap3A_91 = tpu.vector_load %swap3A_88[%swap3A_89, %swap3A_90] {strides = array<i32>} : memref<128x128xf32, #tpu.memory_space<vmem>>, vector<1x16xf32>,
      %swap3A_92 = vector.shape_cast %swap3A_91 : vector<1x16xf32> to vector<16xf32>
      %swap3A_93 = vector.shape_cast %broadcast_in_dim3A_3 : vector<16xf32> to vector<1x16xf32>
      tpu.vector_store %swap3A_88[%swap3A_89, %swap3A_90], %swap3A_93 {strides = array<i32>} : memref<128x128xf32, #tpu.memory_space<vmem>>, vector<1x16xf32>,
      %swap3A_94 = arith.constant 0 : i32
      %swap3A_95 = arith.constant 0 : i32
      %swap3A_96 = tpu.memref_slice %arg9[%scan3A, %swap3A_94, %swap3A_95] : memref<2x128x128xf32, #tpu.memory_space<vmem>> -> memref<1x128x128xf32, #tpu.memory_space<vmem>>
      %swap3A_97 = tpu.memref_squeeze %swap3A_96 : memref<1x128x128xf32, #tpu.memory_space<vmem>> -> memref<128x128xf32, #tpu.memory_space<vmem>>
      %swap3A_98 = arith.index_cast %add3A_76 : i32 to index
      %swap3A_99 = arith.constant 32 : index
      %swap3A_100 = tpu.vector_load %swap3A_97[%swap3A_98, %swap3A_99] {strides = array<i32>} : memref<128x128xf32, #tpu.memory_space<vmem>>, vector<1x16xf32>,
      %swap3A_101 = vector.shape_cast %swap3A_100 : vector<1x16xf32> to vector<16xf32>
      %swap3A_102 = vector.shape_cast %broadcast_in_dim3A_3 : vector<16xf32> to vector<1x16xf32>
      tpu.vector_store %swap3A_97[%swap3A_98, %swap3A_99], %swap3A_102 {strides = array<i32>} : memref<128x128xf32, #tpu.memory_space<vmem>>, vector<1x16xf32>,
      %swap3A_103 = arith.constant 0 : i32
      %swap3A_104 = arith.constant 0 : i32
      %swap3A_105 = tpu.memref_slice %arg9[%scan3A, %swap3A_103, %swap3A_104] : memref<2x128x128xf32, #tpu.memory_space<vmem>> -> memref<1x128x128xf32, #tpu.memory_space<vmem>>
      %swap3A_106 = tpu.memref_squeeze %swap3A_105 : memref<1x128x128xf32, #tpu.memory_space<vmem>> -> memref<128x128xf32, #tpu.memory_space<vmem>>
      %swap3A_107 = arith.index_cast %add3A_76 : i32 to index
      %swap3A_108 = arith.constant 48 : index
      %swap3A_109 = tpu.vector_load %swap3A_106[%swap3A_107, %swap3A_108] {strides = array<i32>} : memref<128x128xf32, #tpu.memory_space<vmem>>, vector<1x16xf32>,
      %swap3A_110 = vector.shape_cast %swap3A_109 : vector<1x16xf32> to vector<16xf32>
      %swap3A_111 = vector.shape_cast %broadcast_in_dim3A_3 : vector<16xf32> to vector<1x16xf32>
      tpu.vector_store %swap3A_106[%swap3A_107, %swap3A_108], %swap3A_111 {strides = array<i32>} : memref<128x128xf32, #tpu.memory_space<vmem>>, vector<1x16xf32>,
      %swap3A_112 = arith.constant 0 : i32
      %swap3A_113 = arith.constant 0 : i32
      %swap3A_114 = tpu.memref_slice %arg9[%scan3A, %swap3A_112, %swap3A_113] : memref<2x128x128xf32, #tpu.memory_space<vmem>> -> memref<1x128x128xf32, #tpu.memory_space<vmem>>
      %swap3A_115 = tpu.memref_squeeze %swap3A_114 : memref<1x128x128xf32, #tpu.memory_space<vmem>> -> memref<128x128xf32, #tpu.memory_space<vmem>>
      %swap3A_116 = arith.index_cast %add3A_76 : i32 to index
      %swap3A_117 = arith.constant 64 : index
      %swap3A_118 = tpu.vector_load %swap3A_115[%swap3A_116, %swap3A_117] {strides = array<i32>} : memref<128x128xf32, #tpu.memory_space<vmem>>, vector<1x16xf32>,
      %swap3A_119 = vector.shape_cast %swap3A_118 : vector<1x16xf32> to vector<16xf32>
      %swap3A_120 = vector.shape_cast %broadcast_in_dim3A_3 : vector<16xf32> to vector<1x16xf32>
      tpu.vector_store %swap3A_115[%swap3A_116, %swap3A_117], %swap3A_120 {strides = array<i32>} : memref<128x128xf32, #tpu.memory_space<vmem>>, vector<1x16xf32>,
      %swap3A_121 = arith.constant 0 : i32
      %swap3A_122 = arith.constant 0 : i32
      %swap3A_123 = tpu.memref_slice %arg9[%scan3A, %swap3A_121, %swap3A_122] : memref<2x128x128xf32, #tpu.memory_space<vmem>> -> memref<1x128x128xf32, #tpu.memory_space<vmem>>
      %swap3A_124 = tpu.memref_squeeze %swap3A_123 : memref<1x128x128xf32, #tpu.memory_space<vmem>> -> memref<128x128xf32, #tpu.memory_space<vmem>>
      %swap3A_125 = arith.index_cast %add3A_76 : i32 to index
      %swap3A_126 = arith.constant 80 : index
      %swap3A_127 = tpu.vector_load %swap3A_124[%swap3A_125, %swap3A_126] {strides = array<i32>} : memref<128x128xf32, #tpu.memory_space<vmem>>, vector<1x16xf32>,
      %swap3A_128 = vector.shape_cast %swap3A_127 : vector<1x16xf32> to vector<16xf32>
      %swap3A_129 = vector.shape_cast %broadcast_in_dim3A_3 : vector<16xf32> to vector<1x16xf32>
      tpu.vector_store %swap3A_124[%swap3A_125, %swap3A_126], %swap3A_129 {strides = array<i32>} : memref<128x128xf32, #tpu.memory_space<vmem>>, vector<1x16xf32>,
      %swap3A_130 = arith.constant 0 : i32
      %swap3A_131 = arith.constant 0 : i32
      %swap3A_132 = tpu.memref_slice %arg9[%scan3A, %swap3A_130, %swap3A_131] : memref<2x128x128xf32, #tpu.memory_space<vmem>> -> memref<1x128x128xf32, #tpu.memory_space<vmem>>
      %swap3A_133 = tpu.memref_squeeze %swap3A_132 : memref<1x128x128xf32, #tpu.memory_space<vmem>> -> memref<128x128xf32, #tpu.memory_space<vmem>>
      %swap3A_134 = arith.index_cast %add3A_76 : i32 to index
      %swap3A_135 = arith.constant 96 : index
      %swap3A_136 = tpu.vector_load %swap3A_133[%swap3A_134, %swap3A_135] {strides = array<i32>} : memref<128x128xf32, #tpu.memory_space<vmem>>, vector<1x16xf32>,
      %swap3A_137 = vector.shape_cast %swap3A_136 : vector<1x16xf32> to vector<16xf32>
      %swap3A_138 = vector.shape_cast %broadcast_in_dim3A_3 : vector<16xf32> to vector<1x16xf32>
      tpu.vector_store %swap3A_133[%swap3A_134, %swap3A_135], %swap3A_138 {strides = array<i32>} : memref<128x128xf32, #tpu.memory_space<vmem>>, vector<1x16xf32>,
      %swap3A_139 = arith.constant 0 : i32
      %swap3A_140 = arith.constant 0 : i32
      %swap3A_141 = tpu.memref_slice %arg9[%scan3A, %swap3A_139, %swap3A_140] : memref<2x128x128xf32, #tpu.memory_space<vmem>> -> memref<1x128x128xf32, #tpu.memory_space<vmem>>
      %swap3A_142 = tpu.memref_squeeze %swap3A_141 : memref<1x128x128xf32, #tpu.memory_space<vmem>> -> memref<128x128xf32, #tpu.memory_space<vmem>>
      %swap3A_143 = arith.index_cast %add3A_76 : i32 to index
      %swap3A_144 = arith.constant 112 : index
      %swap3A_145 = tpu.vector_load %swap3A_142[%swap3A_143, %swap3A_144] {strides = array<i32>} : memref<128x128xf32, #tpu.memory_space<vmem>>, vector<1x16xf32>,
      %swap3A_146 = vector.shape_cast %swap3A_145 : vector<1x16xf32> to vector<16xf32>
      %swap3A_147 = vector.shape_cast %broadcast_in_dim3A_3 : vector<16xf32> to vector<1x16xf32>
      tpu.vector_store %swap3A_142[%swap3A_143, %swap3A_144], %swap3A_147 {strides = array<i32>} : memref<128x128xf32, #tpu.memory_space<vmem>>, vector<1x16xf32>,
    }
    %scan3A_8 = arith.constant 128 : i32
    %add3A_9 = arith.constant 0 : i32
    %add3A_10 = arith.addi %mul3A_2, %add3A_9 : i32
    %run_scoped3A = arith.constant 0 : i32
    "tpu.region"() ({
      %run_scoped3A_72 = tpu.sem_alloc : memref<!tpu.dma_semaphore, #tpu.memory_space<semaphore_mem>>
      %dma_start3A_73 = arith.constant 0 : i32
      %dma_start3A_74 = arith.constant 0 : i32
      %dma_start3A_75 = tpu.memref_slice %arg9[%run_scoped3A, %dma_start3A_73, %dma_start3A_74] : memref<2x128x128xf32, #tpu.memory_space<vmem>> -> memref<1x128x128xf32, #tpu.memory_space<vmem>>
      %dma_start3A_76 = tpu.memref_squeeze %dma_start3A_75 : memref<1x128x128xf32, #tpu.memory_space<vmem>> -> memref<128x128xf32, #tpu.memory_space<vmem>>
      %dma_start3A_77 = arith.constant 0 : i32
      %dma_start3A_78 = tpu.memref_slice %arg6[%add3A_10, %dma_start3A_77] : memref<10240x128xf32, #tpu.memory_space<vmem_shared>> -> memref<128x128xf32, #tpu.memory_space<vmem_shared>>
      %dma_start3A_79 = arith.constant 0 : i32
      %dma_start3A_80 = tpu.memref_slice %arg6[%add3A_10, %dma_start3A_79] : memref<10240x128xf32, #tpu.memory_space<vmem_shared>> -> memref<128x128xf32, #tpu.memory_space<vmem_shared>>
      %dma_start3A_81 = arith.constant 0 : i32
      %dma_start3A_82 = arith.constant 0 : i32
      %dma_start3A_83 = tpu.memref_slice %arg9[%run_scoped3A, %dma_start3A_81, %dma_start3A_82] : memref<2x128x128xf32, #tpu.memory_space<vmem>> -> memref<1x128x128xf32, #tpu.memory_space<vmem>>
      %dma_start3A_84 = tpu.memref_squeeze %dma_start3A_83 : memref<1x128x128xf32, #tpu.memory_space<vmem>> -> memref<128x128xf32, #tpu.memory_space<vmem>>
      tpu.enqueue_dma source(%dma_start3A_84 : memref<128x128xf32, #tpu.memory_space<vmem>>) target(%dma_start3A_80 : memref<128x128xf32, #tpu.memory_space<vmem_shared>>) target_semaphore(%run_scoped3A_72 : memref<!tpu.dma_semaphore, #tpu.memory_space<semaphore_mem>>)
      %dma_wait3A = arith.constant 0 : i32
      %dma_wait3A_85 = arith.constant 0 : i32
      %dma_wait3A_86 = tpu.memref_slice %arg9[%run_scoped3A, %dma_wait3A, %dma_wait3A_85] : memref<2x128x128xf32, #tpu.memory_space<vmem>> -> memref<1x128x128xf32, #tpu.memory_space<vmem>>
      %dma_wait3A_87 = tpu.memref_squeeze %dma_wait3A_86 : memref<1x128x128xf32, #tpu.memory_space<vmem>> -> memref<128x128xf32, #tpu.memory_space<vmem>>
      %dma_wait3A_88 = arith.constant 0 : i32
      %dma_wait3A_89 = tpu.memref_slice %arg6[%add3A_10, %dma_wait3A_88] : memref<10240x128xf32, #tpu.memory_space<vmem_shared>> -> memref<128x128xf32, #tpu.memory_space<vmem_shared>>
      %dma_wait3A_90 = arith.constant 0 : i32
      %dma_wait3A_91 = tpu.memref_slice %arg6[%add3A_10, %dma_wait3A_90] : memref<10240x128xf32, #tpu.memory_space<vmem_shared>> -> memref<128x128xf32, #tpu.memory_space<vmem_shared>>
      %dma_wait3A_92 = arith.constant 0 : i32
      %dma_wait3A_93 = arith.constant 0 : i32
      %dma_wait3A_94 = tpu.memref_slice %arg9[%run_scoped3A, %dma_wait3A_92, %dma_wait3A_93] : memref<2x128x128xf32, #tpu.memory_space<vmem>> -> memref<1x128x128xf32, #tpu.memory_space<vmem>>
      %dma_wait3A_95 = tpu.memref_squeeze %dma_wait3A_94 : memref<1x128x128xf32, #tpu.memory_space<vmem>> -> memref<128x128xf32, #tpu.memory_space<vmem>>
      tpu.wait_dma2 semaphore(%run_scoped3A_72 : memref<!tpu.dma_semaphore, #tpu.memory_space<semaphore_mem>>) src(%dma_wait3A_95 : memref<128x128xf32, #tpu.memory_space<vmem>>) dst(%dma_wait3A_91 : memref<128x128xf32, #tpu.memory_space<vmem_shared>>)
      tpu.yield
    }) : () -> ()
    %add3A_11 = arith.constant 128 : i32
    %add3A_12 = arith.addi %mul3A_2, %add3A_11 : i32
    %run_scoped3A_13 = arith.constant 0 : i32
    "tpu.region"() ({
      %run_scoped3A_72 = tpu.sem_alloc : memref<!tpu.dma_semaphore, #tpu.memory_space<semaphore_mem>>
      %dma_start3A_73 = arith.constant 0 : i32
      %dma_start3A_74 = arith.constant 0 : i32
      %dma_start3A_75 = tpu.memref_slice %arg9[%run_scoped3A_13, %dma_start3A_73, %dma_start3A_74] : memref<2x128x128xf32, #tpu.memory_space<vmem>> -> memref<1x128x128xf32, #tpu.memory_space<vmem>>
      %dma_start3A_76 = tpu.memref_squeeze %dma_start3A_75 : memref<1x128x128xf32, #tpu.memory_space<vmem>> -> memref<128x128xf32, #tpu.memory_space<vmem>>
      %dma_start3A_77 = arith.constant 0 : i32
      %dma_start3A_78 = tpu.memref_slice %arg6[%add3A_12, %dma_start3A_77] : memref<10240x128xf32, #tpu.memory_space<vmem_shared>> -> memref<128x128xf32, #tpu.memory_space<vmem_shared>>
      %dma_start3A_79 = arith.constant 0 : i32
      %dma_start3A_80 = tpu.memref_slice %arg6[%add3A_12, %dma_start3A_79] : memref<10240x128xf32, #tpu.memory_space<vmem_shared>> -> memref<128x128xf32, #tpu.memory_space<vmem_shared>>
      %dma_start3A_81 = arith.constant 0 : i32
      %dma_start3A_82 = arith.constant 0 : i32
      %dma_start3A_83 = tpu.memref_slice %arg9[%run_scoped3A_13, %dma_start3A_81, %dma_start3A_82] : memref<2x128x128xf32, #tpu.memory_space<vmem>> -> memref<1x128x128xf32, #tpu.memory_space<vmem>>
      %dma_start3A_84 = tpu.memref_squeeze %dma_start3A_83 : memref<1x128x128xf32, #tpu.memory_space<vmem>> -> memref<128x128xf32, #tpu.memory_space<vmem>>
      tpu.enqueue_dma source(%dma_start3A_84 : memref<128x128xf32, #tpu.memory_space<vmem>>) target(%dma_start3A_80 : memref<128x128xf32, #tpu.memory_space<vmem_shared>>) target_semaphore(%run_scoped3A_72 : memref<!tpu.dma_semaphore, #tpu.memory_space<semaphore_mem>>)
      %dma_wait3A = arith.constant 0 : i32
      %dma_wait3A_85 = arith.constant 0 : i32
      %dma_wait3A_86 = tpu.memref_slice %arg9[%run_scoped3A_13, %dma_wait3A, %dma_wait3A_85] : memref<2x128x128xf32, #tpu.memory_space<vmem>> -> memref<1x128x128xf32, #tpu.memory_space<vmem>>
      %dma_wait3A_87 = tpu.memref_squeeze %dma_wait3A_86 : memref<1x128x128xf32, #tpu.memory_space<vmem>> -> memref<128x128xf32, #tpu.memory_space<vmem>>
      %dma_wait3A_88 = arith.constant 0 : i32
      %dma_wait3A_89 = tpu.memref_slice %arg6[%add3A_12, %dma_wait3A_88] : memref<10240x128xf32, #tpu.memory_space<vmem_shared>> -> memref<128x128xf32, #tpu.memory_space<vmem_shared>>
      %dma_wait3A_90 = arith.constant 0 : i32
      %dma_wait3A_91 = tpu.memref_slice %arg6[%add3A_12, %dma_wait3A_90] : memref<10240x128xf32, #tpu.memory_space<vmem_shared>> -> memref<128x128xf32, #tpu.memory_space<vmem_shared>>
      %dma_wait3A_92 = arith.constant 0 : i32
      %dma_wait3A_93 = arith.constant 0 : i32
      %dma_wait3A_94 = tpu.memref_slice %arg9[%run_scoped3A_13, %dma_wait3A_92, %dma_wait3A_93] : memref<2x128x128xf32, #tpu.memory_space<vmem>> -> memref<1x128x128xf32, #tpu.memory_space<vmem>>
      %dma_wait3A_95 = tpu.memref_squeeze %dma_wait3A_94 : memref<1x128x128xf32, #tpu.memory_space<vmem>> -> memref<128x128xf32, #tpu.memory_space<vmem>>
      tpu.wait_dma2 semaphore(%run_scoped3A_72 : memref<!tpu.dma_semaphore, #tpu.memory_space<semaphore_mem>>) src(%dma_wait3A_95 : memref<128x128xf32, #tpu.memory_space<vmem>>) dst(%dma_wait3A_91 : memref<128x128xf32, #tpu.memory_space<vmem_shared>>)
      tpu.yield
    }) : () -> ()
    %add3A_14 = arith.constant 256 : i32
    %add3A_15 = arith.addi %mul3A_2, %add3A_14 : i32
    %run_scoped3A_16 = arith.constant 0 : i32
    "tpu.region"() ({
      %run_scoped3A_72 = tpu.sem_alloc : memref<!tpu.dma_semaphore, #tpu.memory_space<semaphore_mem>>
      %dma_start3A_73 = arith.constant 0 : i32
      %dma_start3A_74 = arith.constant 0 : i32
      %dma_start3A_75 = tpu.memref_slice %arg9[%run_scoped3A_16, %dma_start3A_73, %dma_start3A_74] : memref<2x128x128xf32, #tpu.memory_space<vmem>> -> memref<1x128x128xf32, #tpu.memory_space<vmem>>
      %dma_start3A_76 = tpu.memref_squeeze %dma_start3A_75 : memref<1x128x128xf32, #tpu.memory_space<vmem>> -> memref<128x128xf32, #tpu.memory_space<vmem>>
      %dma_start3A_77 = arith.constant 0 : i32
      %dma_start3A_78 = tpu.memref_slice %arg6[%add3A_15, %dma_start3A_77] : memref<10240x128xf32, #tpu.memory_space<vmem_shared>> -> memref<128x128xf32, #tpu.memory_space<vmem_shared>>
      %dma_start3A_79 = arith.constant 0 : i32
      %dma_start3A_80 = tpu.memref_slice %arg6[%add3A_15, %dma_start3A_79] : memref<10240x128xf32, #tpu.memory_space<vmem_shared>> -> memref<128x128xf32, #tpu.memory_space<vmem_shared>>
      %dma_start3A_81 = arith.constant 0 : i32
      %dma_start3A_82 = arith.constant 0 : i32
      %dma_start3A_83 = tpu.memref_slice %arg9[%run_scoped3A_16, %dma_start3A_81, %dma_start3A_82] : memref<2x128x128xf32, #tpu.memory_space<vmem>> -> memref<1x128x128xf32, #tpu.memory_space<vmem>>
      %dma_start3A_84 = tpu.memref_squeeze %dma_start3A_83 : memref<1x128x128xf32, #tpu.memory_space<vmem>> -> memref<128x128xf32, #tpu.memory_space<vmem>>
      tpu.enqueue_dma source(%dma_start3A_84 : memref<128x128xf32, #tpu.memory_space<vmem>>) target(%dma_start3A_80 : memref<128x128xf32, #tpu.memory_space<vmem_shared>>) target_semaphore(%run_scoped3A_72 : memref<!tpu.dma_semaphore, #tpu.memory_space<semaphore_mem>>)
      %dma_wait3A = arith.constant 0 : i32
      %dma_wait3A_85 = arith.constant 0 : i32
      %dma_wait3A_86 = tpu.memref_slice %arg9[%run_scoped3A_16, %dma_wait3A, %dma_wait3A_85] : memref<2x128x128xf32, #tpu.memory_space<vmem>> -> memref<1x128x128xf32, #tpu.memory_space<vmem>>
      %dma_wait3A_87 = tpu.memref_squeeze %dma_wait3A_86 : memref<1x128x128xf32, #tpu.memory_space<vmem>> -> memref<128x128xf32, #tpu.memory_space<vmem>>
      %dma_wait3A_88 = arith.constant 0 : i32
      %dma_wait3A_89 = tpu.memref_slice %arg6[%add3A_15, %dma_wait3A_88] : memref<10240x128xf32, #tpu.memory_space<vmem_shared>> -> memref<128x128xf32, #tpu.memory_space<vmem_shared>>
      %dma_wait3A_90 = arith.constant 0 : i32
      %dma_wait3A_91 = tpu.memref_slice %arg6[%add3A_15, %dma_wait3A_90] : memref<10240x128xf32, #tpu.memory_space<vmem_shared>> -> memref<128x128xf32, #tpu.memory_space<vmem_shared>>
      %dma_wait3A_92 = arith.constant 0 : i32
      %dma_wait3A_93 = arith.constant 0 : i32
      %dma_wait3A_94 = tpu.memref_slice %arg9[%run_scoped3A_16, %dma_wait3A_92, %dma_wait3A_93] : memref<2x128x128xf32, #tpu.memory_space<vmem>> -> memref<1x128x128xf32, #tpu.memory_space<vmem>>
      %dma_wait3A_95 = tpu.memref_squeeze %dma_wait3A_94 : memref<1x128x128xf32, #tpu.memory_space<vmem>> -> memref<128x128xf32, #tpu.memory_space<vmem>>
      tpu.wait_dma2 semaphore(%run_scoped3A_72 : memref<!tpu.dma_semaphore, #tpu.memory_space<semaphore_mem>>) src(%dma_wait3A_95 : memref<128x128xf32, #tpu.memory_space<vmem>>) dst(%dma_wait3A_91 : memref<128x128xf32, #tpu.memory_space<vmem_shared>>)
      tpu.yield
    }) : () -> ()
    %add3A_17 = arith.constant 384 : i32
    %add3A_18 = arith.addi %mul3A_2, %add3A_17 : i32
    %run_scoped3A_19 = arith.constant 0 : i32
    "tpu.region"() ({
      %run_scoped3A_72 = tpu.sem_alloc : memref<!tpu.dma_semaphore, #tpu.memory_space<semaphore_mem>>
      %dma_start3A_73 = arith.constant 0 : i32
      %dma_start3A_74 = arith.constant 0 : i32
      %dma_start3A_75 = tpu.memref_slice %arg9[%run_scoped3A_19, %dma_start3A_73, %dma_start3A_74] : memref<2x128x128xf32, #tpu.memory_space<vmem>> -> memref<1x128x128xf32, #tpu.memory_space<vmem>>
      %dma_start3A_76 = tpu.memref_squeeze %dma_start3A_75 : memref<1x128x128xf32, #tpu.memory_space<vmem>> -> memref<128x128xf32, #tpu.memory_space<vmem>>
      %dma_start3A_77 = arith.constant 0 : i32
      %dma_start3A_78 = tpu.memref_slice %arg6[%add3A_18, %dma_start3A_77] : memref<10240x128xf32, #tpu.memory_space<vmem_shared>> -> memref<128x128xf32, #tpu.memory_space<vmem_shared>>
      %dma_start3A_79 = arith.constant 0 : i32
      %dma_start3A_80 = tpu.memref_slice %arg6[%add3A_18, %dma_start3A_79] : memref<10240x128xf32, #tpu.memory_space<vmem_shared>> -> memref<128x128xf32, #tpu.memory_space<vmem_shared>>
      %dma_start3A_81 = arith.constant 0 : i32
      %dma_start3A_82 = arith.constant 0 : i32
      %dma_start3A_83 = tpu.memref_slice %arg9[%run_scoped3A_19, %dma_start3A_81, %dma_start3A_82] : memref<2x128x128xf32, #tpu.memory_space<vmem>> -> memref<1x128x128xf32, #tpu.memory_space<vmem>>
      %dma_start3A_84 = tpu.memref_squeeze %dma_start3A_83 : memref<1x128x128xf32, #tpu.memory_space<vmem>> -> memref<128x128xf32, #tpu.memory_space<vmem>>
      tpu.enqueue_dma source(%dma_start3A_84 : memref<128x128xf32, #tpu.memory_space<vmem>>) target(%dma_start3A_80 : memref<128x128xf32, #tpu.memory_space<vmem_shared>>) target_semaphore(%run_scoped3A_72 : memref<!tpu.dma_semaphore, #tpu.memory_space<semaphore_mem>>)
      %dma_wait3A = arith.constant 0 : i32
      %dma_wait3A_85 = arith.constant 0 : i32
      %dma_wait3A_86 = tpu.memref_slice %arg9[%run_scoped3A_19, %dma_wait3A, %dma_wait3A_85] : memref<2x128x128xf32, #tpu.memory_space<vmem>> -> memref<1x128x128xf32, #tpu.memory_space<vmem>>
      %dma_wait3A_87 = tpu.memref_squeeze %dma_wait3A_86 : memref<1x128x128xf32, #tpu.memory_space<vmem>> -> memref<128x128xf32, #tpu.memory_space<vmem>>
      %dma_wait3A_88 = arith.constant 0 : i32
      %dma_wait3A_89 = tpu.memref_slice %arg6[%add3A_18, %dma_wait3A_88] : memref<10240x128xf32, #tpu.memory_space<vmem_shared>> -> memref<128x128xf32, #tpu.memory_space<vmem_shared>>
      %dma_wait3A_90 = arith.constant 0 : i32
      %dma_wait3A_91 = tpu.memref_slice %arg6[%add3A_18, %dma_wait3A_90] : memref<10240x128xf32, #tpu.memory_space<vmem_shared>> -> memref<128x128xf32, #tpu.memory_space<vmem_shared>>
      %dma_wait3A_92 = arith.constant 0 : i32
      %dma_wait3A_93 = arith.constant 0 : i32
      %dma_wait3A_94 = tpu.memref_slice %arg9[%run_scoped3A_19, %dma_wait3A_92, %dma_wait3A_93] : memref<2x128x128xf32, #tpu.memory_space<vmem>> -> memref<1x128x128xf32, #tpu.memory_space<vmem>>
      %dma_wait3A_95 = tpu.memref_squeeze %dma_wait3A_94 : memref<1x128x128xf32, #tpu.memory_space<vmem>> -> memref<128x128xf32, #tpu.memory_space<vmem>>
      tpu.wait_dma2 semaphore(%run_scoped3A_72 : memref<!tpu.dma_semaphore, #tpu.memory_space<semaphore_mem>>) src(%dma_wait3A_95 : memref<128x128xf32, #tpu.memory_space<vmem>>) dst(%dma_wait3A_91 : memref<128x128xf32, #tpu.memory_space<vmem_shared>>)
      tpu.yield
    }) : () -> ()
    %add3A_20 = arith.constant 512 : i32
    %add3A_21 = arith.addi %mul3A_2, %add3A_20 : i32
    %run_scoped3A_22 = arith.constant 0 : i32
    "tpu.region"() ({
      %run_scoped3A_72 = tpu.sem_alloc : memref<!tpu.dma_semaphore, #tpu.memory_space<semaphore_mem>>
      %dma_start3A_73 = arith.constant 0 : i32
      %dma_start3A_74 = arith.constant 0 : i32
      %dma_start3A_75 = tpu.memref_slice %arg9[%run_scoped3A_22, %dma_start3A_73, %dma_start3A_74] : memref<2x128x128xf32, #tpu.memory_space<vmem>> -> memref<1x128x128xf32, #tpu.memory_space<vmem>>
      %dma_start3A_76 = tpu.memref_squeeze %dma_start3A_75 : memref<1x128x128xf32, #tpu.memory_space<vmem>> -> memref<128x128xf32, #tpu.memory_space<vmem>>
      %dma_start3A_77 = arith.constant 0 : i32
      %dma_start3A_78 = tpu.memref_slice %arg6[%add3A_21, %dma_start3A_77] : memref<10240x128xf32, #tpu.memory_space<vmem_shared>> -> memref<128x128xf32, #tpu.memory_space<vmem_shared>>
      %dma_start3A_79 = arith.constant 0 : i32
      %dma_start3A_80 = tpu.memref_slice %arg6[%add3A_21, %dma_start3A_79] : memref<10240x128xf32, #tpu.memory_space<vmem_shared>> -> memref<128x128xf32, #tpu.memory_space<vmem_shared>>
      %dma_start3A_81 = arith.constant 0 : i32
      %dma_start3A_82 = arith.constant 0 : i32
      %dma_start3A_83 = tpu.memref_slice %arg9[%run_scoped3A_22, %dma_start3A_81, %dma_start3A_82] : memref<2x128x128xf32, #tpu.memory_space<vmem>> -> memref<1x128x128xf32, #tpu.memory_space<vmem>>
      %dma_start3A_84 = tpu.memref_squeeze %dma_start3A_83 : memref<1x128x128xf32, #tpu.memory_space<vmem>> -> memref<128x128xf32, #tpu.memory_space<vmem>>
      tpu.enqueue_dma source(%dma_start3A_84 : memref<128x128xf32, #tpu.memory_space<vmem>>) target(%dma_start3A_80 : memref<128x128xf32, #tpu.memory_space<vmem_shared>>) target_semaphore(%run_scoped3A_72 : memref<!tpu.dma_semaphore, #tpu.memory_space<semaphore_mem>>)
      %dma_wait3A = arith.constant 0 : i32
      %dma_wait3A_85 = arith.constant 0 : i32
      %dma_wait3A_86 = tpu.memref_slice %arg9[%run_scoped3A_22, %dma_wait3A, %dma_wait3A_85] : memref<2x128x128xf32, #tpu.memory_space<vmem>> -> memref<1x128x128xf32, #tpu.memory_space<vmem>>
      %dma_wait3A_87 = tpu.memref_squeeze %dma_wait3A_86 : memref<1x128x128xf32, #tpu.memory_space<vmem>> -> memref<128x128xf32, #tpu.memory_space<vmem>>
      %dma_wait3A_88 = arith.constant 0 : i32
      %dma_wait3A_89 = tpu.memref_slice %arg6[%add3A_21, %dma_wait3A_88] : memref<10240x128xf32, #tpu.memory_space<vmem_shared>> -> memref<128x128xf32, #tpu.memory_space<vmem_shared>>
      %dma_wait3A_90 = arith.constant 0 : i32
      %dma_wait3A_91 = tpu.memref_slice %arg6[%add3A_21, %dma_wait3A_90] : memref<10240x128xf32, #tpu.memory_space<vmem_shared>> -> memref<128x128xf32, #tpu.memory_space<vmem_shared>>
      %dma_wait3A_92 = arith.constant 0 : i32
      %dma_wait3A_93 = arith.constant 0 : i32
      %dma_wait3A_94 = tpu.memref_slice %arg9[%run_scoped3A_22, %dma_wait3A_92, %dma_wait3A_93] : memref<2x128x128xf32, #tpu.memory_space<vmem>> -> memref<1x128x128xf32, #tpu.memory_space<vmem>>
      %dma_wait3A_95 = tpu.memref_squeeze %dma_wait3A_94 : memref<1x128x128xf32, #tpu.memory_space<vmem>> -> memref<128x128xf32, #tpu.memory_space<vmem>>
      tpu.wait_dma2 semaphore(%run_scoped3A_72 : memref<!tpu.dma_semaphore, #tpu.memory_space<semaphore_mem>>) src(%dma_wait3A_95 : memref<128x128xf32, #tpu.memory_space<vmem>>) dst(%dma_wait3A_91 : memref<128x128xf32, #tpu.memory_space<vmem_shared>>)
      tpu.yield
    }) : () -> ()
    %barrier3A = arith.constant 0 : index
    tpu.barrier barrier_id(%barrier3A)
    %run_scoped3A_23 = arith.constant 0 : i32
    %run_scoped3A_24 = arith.constant 0 : i32
    "tpu.region"() ({
      %run_scoped3A_72 = tpu.sem_alloc : memref<!tpu.dma_semaphore, #tpu.memory_space<semaphore_mem>>
      %dma_start3A_73 = arith.constant 0 : i32
      %dma_start3A_74 = tpu.memref_slice %arg7[%run_scoped3A_24, %dma_start3A_73] : memref<2x128xi32, #tpu.memory_space<vmem>> -> memref<1x128xi32, #tpu.memory_space<vmem>>
      %dma_start3A_75 = tpu.memref_squeeze %dma_start3A_74 : memref<1x128xi32, #tpu.memory_space<vmem>> -> memref<128xi32, #tpu.memory_space<vmem>>
      %dma_start3A_76 = arith.constant 0 : i32
      %dma_start3A_77 = tpu.memref_slice %arg3[%add3A, %run_scoped3A_23, %dma_start3A_76] : memref<32x79x128xi32, #tpu.memory_space<hbm>> -> memref<1x1x128xi32, #tpu.memory_space<hbm>>
      %dma_start3A_78 = tpu.memref_squeeze %dma_start3A_77 : memref<1x1x128xi32, #tpu.memory_space<hbm>> -> memref<128xi32, #tpu.memory_space<hbm>>
      %dma_start3A_79 = arith.constant 0 : i32
      %dma_start3A_80 = tpu.memref_slice %arg7[%run_scoped3A_24, %dma_start3A_79] : memref<2x128xi32, #tpu.memory_space<vmem>> -> memref<1x128xi32, #tpu.memory_space<vmem>>
      %dma_start3A_81 = tpu.memref_squeeze %dma_start3A_80 : memref<1x128xi32, #tpu.memory_space<vmem>> -> memref<128xi32, #tpu.memory_space<vmem>>
      %dma_start3A_82 = arith.constant 0 : i32
      %dma_start3A_83 = tpu.memref_slice %arg3[%add3A, %run_scoped3A_23, %dma_start3A_82] : memref<32x79x128xi32, #tpu.memory_space<hbm>> -> memref<1x1x128xi32, #tpu.memory_space<hbm>>
      %dma_start3A_84 = tpu.memref_squeeze %dma_start3A_83 : memref<1x1x128xi32, #tpu.memory_space<hbm>> -> memref<128xi32, #tpu.memory_space<hbm>>
      tpu.enqueue_dma source(%dma_start3A_84 : memref<128xi32, #tpu.memory_space<hbm>>) target(%dma_start3A_81 : memref<128xi32, #tpu.memory_space<vmem>>) target_semaphore(%run_scoped3A_72 : memref<!tpu.dma_semaphore, #tpu.memory_space<semaphore_mem>>)
      %dma_wait3A = arith.constant 0 : i32
      %dma_wait3A_85 = tpu.memref_slice %arg7[%run_scoped3A_24, %dma_wait3A] : memref<2x128xi32, #tpu.memory_space<vmem>> -> memref<1x128xi32, #tpu.memory_space<vmem>>
      %dma_wait3A_86 = tpu.memref_squeeze %dma_wait3A_85 : memref<1x128xi32, #tpu.memory_space<vmem>> -> memref<128xi32, #tpu.memory_space<vmem>>
      %dma_wait3A_87 = arith.constant 0 : i32
      %dma_wait3A_88 = tpu.memref_slice %arg3[%add3A, %run_scoped3A_23, %dma_wait3A_87] : memref<32x79x128xi32, #tpu.memory_space<hbm>> -> memref<1x1x128xi32, #tpu.memory_space<hbm>>
      %dma_wait3A_89 = tpu.memref_squeeze %dma_wait3A_88 : memref<1x1x128xi32, #tpu.memory_space<hbm>> -> memref<128xi32, #tpu.memory_space<hbm>>
      %dma_wait3A_90 = arith.constant 0 : i32
      %dma_wait3A_91 = tpu.memref_slice %arg7[%run_scoped3A_24, %dma_wait3A_90] : memref<2x128xi32, #tpu.memory_space<vmem>> -> memref<1x128xi32, #tpu.memory_space<vmem>>
      %dma_wait3A_92 = tpu.memref_squeeze %dma_wait3A_91 : memref<1x128xi32, #tpu.memory_space<vmem>> -> memref<128xi32, #tpu.memory_space<vmem>>
      %dma_wait3A_93 = arith.constant 0 : i32
      %dma_wait3A_94 = tpu.memref_slice %arg3[%add3A, %run_scoped3A_23, %dma_wait3A_93] : memref<32x79x128xi32, #tpu.memory_space<hbm>> -> memref<1x1x128xi32, #tpu.memory_space<hbm>>
      %dma_wait3A_95 = tpu.memref_squeeze %dma_wait3A_94 : memref<1x1x128xi32, #tpu.memory_space<hbm>> -> memref<128xi32, #tpu.memory_space<hbm>>
      tpu.wait_dma2 semaphore(%run_scoped3A_72 : memref<!tpu.dma_semaphore, #tpu.memory_space<semaphore_mem>>) src(%dma_wait3A_95 : memref<128xi32, #tpu.memory_space<hbm>>) dst(%dma_wait3A_92 : memref<128xi32, #tpu.memory_space<vmem>>)
      tpu.yield
    }) : () -> ()
    %dma_start3A = arith.constant 0 : i32
    %dma_start3A_25 = arith.constant 0 : i32
    %dma_start3A_26 = arith.constant 0 : i32
    %dma_start3A_27 = arith.constant 0 : i32
    %dma_start3A_28 = tpu.memref_slice %arg9[%dma_start3A_25, %dma_start3A_26, %dma_start3A_27] : memref<2x128x128xf32, #tpu.memory_space<vmem>> -> memref<1x128x128xf32, #tpu.memory_space<vmem>>
    %dma_start3A_29 = tpu.memref_squeeze %dma_start3A_28 : memref<1x128x128xf32, #tpu.memory_space<vmem>> -> memref<128x128xf32, #tpu.memory_space<vmem>>
    %dma_start3A_30 = arith.constant 0 : i32
    %dma_start3A_31 = tpu.memref_slice %arg7[%dma_start3A, %dma_start3A_30] : memref<2x128xi32, #tpu.memory_space<vmem>> -> memref<1x128xi32, #tpu.memory_space<vmem>>
    %dma_start3A_32 = tpu.memref_squeeze %dma_start3A_31 : memref<1x128xi32, #tpu.memory_space<vmem>> -> memref<128xi32, #tpu.memory_space<vmem>>
    %dma_start3A_33 = arith.constant 0 : i32
    %dma_start3A_34 = arith.constant 0 : i32
    %dma_start3A_35 = tpu.memref_slice %arg2[%dma_start3A_33, %dma_start3A_34] : memref<10000x128xf32, #tpu.memory_space<hbm>> -> memref<10000x128xf32, #tpu.memory_space<hbm>>
    tpu.enqueue_indirect_dma source(%dma_start3A_35 : memref<10000x128xf32, #tpu.memory_space<hbm>>) target(%dma_start3A_29 : memref<128x128xf32, #tpu.memory_space<vmem>>) offsets(%dma_start3A_32 : memref<128xi32, #tpu.memory_space<vmem>>) semaphore(%arg10 : memref<!tpu.dma_semaphore, #tpu.memory_space<semaphore_mem>>)
    %scan3A_36 = arith.constant 0 : i32
    %scan3A_37 = arith.constant 79 : i32
    %scan3A_38 = arith.addi %scan3A_36, %scan3A_37 : i32
    %scan3A_39 = arith.constant 1 : i32
    scf.for %scan3A_72 = %scan3A_36 to %scan3A_38 step %scan3A_39  : i32 {
      %mul3A_73 = arith.constant 1 : i32
      %mul3A_74 = arith.muli %scan3A_72, %mul3A_73 : i32
      %add3A_75 = arith.constant 0 : i32
      %add3A_76 = arith.addi %add3A_75, %mul3A_74 : i32
      %rem3A = arith.constant 2 : i32
      %rem3A_77 = arith.remsi %add3A_76, %rem3A : i32
      %add3A_78 = arith.constant 1 : i32
      %add3A_79 = arith.addi %add3A_76, %add3A_78 : i32
      %rem3A_80 = arith.constant 2 : i32
      %rem3A_81 = arith.remsi %add3A_79, %rem3A_80 : i32
      %add3A_82 = arith.constant 1 : i32
      %add3A_83 = arith.addi %add3A_76, %add3A_82 : i32
      %lt3A = arith.constant 79 : i32
      %lt3A_84 = arith.cmpi slt, %add3A_83, %lt3A : i32
      %convert_element_type3A = arith.extui %lt3A_84 : i1 to i32
      %cond3A = arith.constant 0 : i32
      %cond3A_85 = arith.cmpi ne, %convert_element_type3A, %cond3A : i32
      scf.if %cond3A_85 {
        %add3A_96 = arith.constant 1 : i32
        %add3A_97 = arith.addi %add3A_76, %add3A_96 : i32
        "tpu.region"() ({
          %run_scoped3A_108 = tpu.sem_alloc : memref<!tpu.dma_semaphore, #tpu.memory_space<semaphore_mem>>
          %dma_start3A_109 = arith.constant 0 : i32
          %dma_start3A_110 = tpu.memref_slice %arg7[%rem3A_81, %dma_start3A_109] : memref<2x128xi32, #tpu.memory_space<vmem>> -> memref<1x128xi32, #tpu.memory_space<vmem>>
          %dma_start3A_111 = tpu.memref_squeeze %dma_start3A_110 : memref<1x128xi32, #tpu.memory_space<vmem>> -> memref<128xi32, #tpu.memory_space<vmem>>
          %dma_start3A_112 = arith.constant 0 : i32
          %dma_start3A_113 = tpu.memref_slice %arg3[%add3A, %add3A_97, %dma_start3A_112] : memref<32x79x128xi32, #tpu.memory_space<hbm>> -> memref<1x1x128xi32, #tpu.memory_space<hbm>>
          %dma_start3A_114 = tpu.memref_squeeze %dma_start3A_113 : memref<1x1x128xi32, #tpu.memory_space<hbm>> -> memref<128xi32, #tpu.memory_space<hbm>>
          %dma_start3A_115 = arith.constant 0 : i32
          %dma_start3A_116 = tpu.memref_slice %arg7[%rem3A_81, %dma_start3A_115] : memref<2x128xi32, #tpu.memory_space<vmem>> -> memref<1x128xi32, #tpu.memory_space<vmem>>
          %dma_start3A_117 = tpu.memref_squeeze %dma_start3A_116 : memref<1x128xi32, #tpu.memory_space<vmem>> -> memref<128xi32, #tpu.memory_space<vmem>>
          %dma_start3A_118 = arith.constant 0 : i32
          %dma_start3A_119 = tpu.memref_slice %arg3[%add3A, %add3A_97, %dma_start3A_118] : memref<32x79x128xi32, #tpu.memory_space<hbm>> -> memref<1x1x128xi32, #tpu.memory_space<hbm>>
          %dma_start3A_120 = tpu.memref_squeeze %dma_start3A_119 : memref<1x1x128xi32, #tpu.memory_space<hbm>> -> memref<128xi32, #tpu.memory_space<hbm>>
          tpu.enqueue_dma source(%dma_start3A_120 : memref<128xi32, #tpu.memory_space<hbm>>) target(%dma_start3A_117 : memref<128xi32, #tpu.memory_space<vmem>>) target_semaphore(%run_scoped3A_108 : memref<!tpu.dma_semaphore, #tpu.memory_space<semaphore_mem>>)
          %dma_wait3A_121 = arith.constant 0 : i32
          %dma_wait3A_122 = tpu.memref_slice %arg7[%rem3A_81, %dma_wait3A_121] : memref<2x128xi32, #tpu.memory_space<vmem>> -> memref<1x128xi32, #tpu.memory_space<vmem>>
          %dma_wait3A_123 = tpu.memref_squeeze %dma_wait3A_122 : memref<1x128xi32, #tpu.memory_space<vmem>> -> memref<128xi32, #tpu.memory_space<vmem>>
          %dma_wait3A_124 = arith.constant 0 : i32
          %dma_wait3A_125 = tpu.memref_slice %arg3[%add3A, %add3A_97, %dma_wait3A_124] : memref<32x79x128xi32, #tpu.memory_space<hbm>> -> memref<1x1x128xi32, #tpu.memory_space<hbm>>
          %dma_wait3A_126 = tpu.memref_squeeze %dma_wait3A_125 : memref<1x1x128xi32, #tpu.memory_space<hbm>> -> memref<128xi32, #tpu.memory_space<hbm>>
          %dma_wait3A_127 = arith.constant 0 : i32
          %dma_wait3A_128 = tpu.memref_slice %arg7[%rem3A_81, %dma_wait3A_127] : memref<2x128xi32, #tpu.memory_space<vmem>> -> memref<1x128xi32, #tpu.memory_space<vmem>>
          %dma_wait3A_129 = tpu.memref_squeeze %dma_wait3A_128 : memref<1x128xi32, #tpu.memory_space<vmem>> -> memref<128xi32, #tpu.memory_space<vmem>>
          %dma_wait3A_130 = arith.constant 0 : i32
          %dma_wait3A_131 = tpu.memref_slice %arg3[%add3A, %add3A_97, %dma_wait3A_130] : memref<32x79x128xi32, #tpu.memory_space<hbm>> -> memref<1x1x128xi32, #tpu.memory_space<hbm>>
          %dma_wait3A_132 = tpu.memref_squeeze %dma_wait3A_131 : memref<1x1x128xi32, #tpu.memory_space<hbm>> -> memref<128xi32, #tpu.memory_space<hbm>>
          tpu.wait_dma2 semaphore(%run_scoped3A_108 : memref<!tpu.dma_semaphore, #tpu.memory_space<semaphore_mem>>) src(%dma_wait3A_132 : memref<128xi32, #tpu.memory_space<hbm>>) dst(%dma_wait3A_129 : memref<128xi32, #tpu.memory_space<vmem>>)
          tpu.yield
        }) : () -> ()
        %dma_start3A_98 = arith.constant 0 : i32
        %dma_start3A_99 = arith.constant 0 : i32
        %dma_start3A_100 = tpu.memref_slice %arg9[%rem3A_81, %dma_start3A_98, %dma_start3A_99] : memref<2x128x128xf32, #tpu.memory_space<vmem>> -> memref<1x128x128xf32, #tpu.memory_space<vmem>>
        %dma_start3A_101 = tpu.memref_squeeze %dma_start3A_100 : memref<1x128x128xf32, #tpu.memory_space<vmem>> -> memref<128x128xf32, #tpu.memory_space<vmem>>
        %dma_start3A_102 = arith.constant 0 : i32
        %dma_start3A_103 = tpu.memref_slice %arg7[%rem3A_81, %dma_start3A_102] : memref<2x128xi32, #tpu.memory_space<vmem>> -> memref<1x128xi32, #tpu.memory_space<vmem>>
        %dma_start3A_104 = tpu.memref_squeeze %dma_start3A_103 : memref<1x128xi32, #tpu.memory_space<vmem>> -> memref<128xi32, #tpu.memory_space<vmem>>
        %dma_start3A_105 = arith.constant 0 : i32
        %dma_start3A_106 = arith.constant 0 : i32
        %dma_start3A_107 = tpu.memref_slice %arg2[%dma_start3A_105, %dma_start3A_106] : memref<10000x128xf32, #tpu.memory_space<hbm>> -> memref<10000x128xf32, #tpu.memory_space<hbm>>
        tpu.enqueue_indirect_dma source(%dma_start3A_107 : memref<10000x128xf32, #tpu.memory_space<hbm>>) target(%dma_start3A_101 : memref<128x128xf32, #tpu.memory_space<vmem>>) offsets(%dma_start3A_104 : memref<128xi32, #tpu.memory_space<vmem>>) semaphore(%arg10 : memref<!tpu.dma_semaphore, #tpu.memory_space<semaphore_mem>>)
      } else {
      }
      "tpu.region"() ({
        %run_scoped3A_96 = tpu.sem_alloc : memref<!tpu.dma_semaphore, #tpu.memory_space<semaphore_mem>>
        %dma_start3A_97 = arith.constant 0 : i32
        %dma_start3A_98 = tpu.memref_slice %arg4[%add3A, %add3A_76, %dma_start3A_97] : memref<32x79x128xi32, #tpu.memory_space<hbm>> -> memref<1x1x128xi32, #tpu.memory_space<hbm>>
        %dma_start3A_99 = tpu.memref_squeeze %dma_start3A_98 : memref<1x1x128xi32, #tpu.memory_space<hbm>> -> memref<128xi32, #tpu.memory_space<hbm>>
        %dma_start3A_100 = arith.constant 0 : i32
        %dma_start3A_101 = tpu.memref_slice %arg4[%add3A, %add3A_76, %dma_start3A_100] : memref<32x79x128xi32, #tpu.memory_space<hbm>> -> memref<1x1x128xi32, #tpu.memory_space<hbm>>
        %dma_start3A_102 = tpu.memref_squeeze %dma_start3A_101 : memref<1x1x128xi32, #tpu.memory_space<hbm>> -> memref<128xi32, #tpu.memory_space<hbm>>
        tpu.enqueue_dma source(%dma_start3A_102 : memref<128xi32, #tpu.memory_space<hbm>>) target(%arg8 : memref<128xi32, #tpu.memory_space<vmem>>) target_semaphore(%run_scoped3A_96 : memref<!tpu.dma_semaphore, #tpu.memory_space<semaphore_mem>>)
        %dma_wait3A_103 = arith.constant 0 : i32
        %dma_wait3A_104 = tpu.memref_slice %arg4[%add3A, %add3A_76, %dma_wait3A_103] : memref<32x79x128xi32, #tpu.memory_space<hbm>> -> memref<1x1x128xi32, #tpu.memory_space<hbm>>
        %dma_wait3A_105 = tpu.memref_squeeze %dma_wait3A_104 : memref<1x1x128xi32, #tpu.memory_space<hbm>> -> memref<128xi32, #tpu.memory_space<hbm>>
        %dma_wait3A_106 = arith.constant 0 : i32
        %dma_wait3A_107 = tpu.memref_slice %arg4[%add3A, %add3A_76, %dma_wait3A_106] : memref<32x79x128xi32, #tpu.memory_space<hbm>> -> memref<1x1x128xi32, #tpu.memory_space<hbm>>
        %dma_wait3A_108 = tpu.memref_squeeze %dma_wait3A_107 : memref<1x1x128xi32, #tpu.memory_space<hbm>> -> memref<128xi32, #tpu.memory_space<hbm>>
        tpu.wait_dma2 semaphore(%run_scoped3A_96 : memref<!tpu.dma_semaphore, #tpu.memory_space<semaphore_mem>>) src(%dma_wait3A_108 : memref<128xi32, #tpu.memory_space<hbm>>) dst(%arg8 : memref<128xi32, #tpu.memory_space<vmem>>)
        tpu.yield
      }) : () -> ()
      %dma_wait3A = arith.constant 0 : i32
      %dma_wait3A_86 = arith.constant 0 : i32
      %dma_wait3A_87 = arith.constant 0 : i32
      %dma_wait3A_88 = tpu.memref_slice %arg9[%rem3A_77, %dma_wait3A_86, %dma_wait3A_87] : memref<2x128x128xf32, #tpu.memory_space<vmem>> -> memref<1x128x128xf32, #tpu.memory_space<vmem>>
      %dma_wait3A_89 = tpu.memref_squeeze %dma_wait3A_88 : memref<1x128x128xf32, #tpu.memory_space<vmem>> -> memref<128x128xf32, #tpu.memory_space<vmem>>
      %dma_wait3A_90 = arith.constant 0 : i32
      %dma_wait3A_91 = tpu.memref_slice %arg7[%dma_wait3A, %dma_wait3A_90] : memref<2x128xi32, #tpu.memory_space<vmem>> -> memref<1x128xi32, #tpu.memory_space<vmem>>
      %dma_wait3A_92 = tpu.memref_squeeze %dma_wait3A_91 : memref<1x128xi32, #tpu.memory_space<vmem>> -> memref<128xi32, #tpu.memory_space<vmem>>
      %dma_wait3A_93 = arith.constant 0 : i32
      %dma_wait3A_94 = arith.constant 0 : i32
      %dma_wait3A_95 = tpu.memref_slice %arg2[%dma_wait3A_93, %dma_wait3A_94] : memref<10000x128xf32, #tpu.memory_space<hbm>> -> memref<10000x128xf32, #tpu.memory_space<hbm>>
      tpu.wait_indirect_dma semaphore(%arg10 : memref<!tpu.dma_semaphore, #tpu.memory_space<semaphore_mem>>) src(%dma_wait3A_95 : memref<10000x128xf32, #tpu.memory_space<hbm>>) dst(%dma_wait3A_89 : memref<128x128xf32, #tpu.memory_space<vmem>>)
      "tpu.region"() ({
        %run_scoped3A_96 = tpu.sem_alloc : memref<!tpu.dma_semaphore, #tpu.memory_space<semaphore_mem>>
        %dma_start3A_97 = arith.constant 0 : i32
        %dma_start3A_98 = arith.constant 0 : i32
        %dma_start3A_99 = tpu.memref_slice %arg9[%rem3A_77, %dma_start3A_97, %dma_start3A_98] : memref<2x128x128xf32, #tpu.memory_space<vmem>> -> memref<1x128x128xf32, #tpu.memory_space<vmem>>
        %dma_start3A_100 = tpu.memref_squeeze %dma_start3A_99 : memref<1x128x128xf32, #tpu.memory_space<vmem>> -> memref<128x128xf32, #tpu.memory_space<vmem>>
        %dma_start3A_101 = arith.constant 0 : i32
        %dma_start3A_102 = arith.constant 0 : i32
        %dma_start3A_103 = tpu.memref_slice %arg6[%dma_start3A_101, %dma_start3A_102] : memref<10240x128xf32, #tpu.memory_space<vmem_shared>> -> memref<10240x128xf32, #tpu.memory_space<vmem_shared>>
        tpu.enqueue_indirect_dma source(%dma_start3A_100 : memref<128x128xf32, #tpu.memory_space<vmem>>) target(%dma_start3A_103 : memref<10240x128xf32, #tpu.memory_space<vmem_shared>>) offsets(%arg8 : memref<128xi32, #tpu.memory_space<vmem>>) semaphore(%run_scoped3A_96 : memref<!tpu.dma_semaphore, #tpu.memory_space<semaphore_mem>>) {add = true}
        %dma_wait3A_104 = arith.constant 0 : i32
        %dma_wait3A_105 = arith.constant 0 : i32
        %dma_wait3A_106 = tpu.memref_slice %arg9[%rem3A_77, %dma_wait3A_104, %dma_wait3A_105] : memref<2x128x128xf32, #tpu.memory_space<vmem>> -> memref<1x128x128xf32, #tpu.memory_space<vmem>>
        %dma_wait3A_107 = tpu.memref_squeeze %dma_wait3A_106 : memref<1x128x128xf32, #tpu.memory_space<vmem>> -> memref<128x128xf32, #tpu.memory_space<vmem>>
        %dma_wait3A_108 = arith.constant 0 : i32
        %dma_wait3A_109 = arith.constant 0 : i32
        %dma_wait3A_110 = tpu.memref_slice %arg6[%dma_wait3A_108, %dma_wait3A_109] : memref<10240x128xf32, #tpu.memory_space<vmem_shared>> -> memref<10240x128xf32, #tpu.memory_space<vmem_shared>>
        tpu.wait_indirect_dma semaphore(%run_scoped3A_96 : memref<!tpu.dma_semaphore, #tpu.memory_space<semaphore_mem>>) src(%dma_wait3A_107 : memref<128x128xf32, #tpu.memory_space<vmem>>) dst(%dma_wait3A_110 : memref<10240x128xf32, #tpu.memory_space<vmem_shared>>)
        tpu.yield
      }) : () -> ()
    }
    %scan3A_40 = arith.constant 79 : i32
    %barrier3A_41 = arith.constant 0 : index
    tpu.barrier barrier_id(%barrier3A_41)
    %add3A_42 = arith.constant 0 : i32
    %add3A_43 = arith.addi %mul3A_2, %add3A_42 : i32
    %run_scoped3A_44 = arith.constant 0 : i32
    "tpu.region"() ({
      %run_scoped3A_72 = tpu.sem_alloc : memref<!tpu.dma_semaphore, #tpu.memory_space<semaphore_mem>>
      %dma_start3A_73 = arith.constant 0 : i32
      %dma_start3A_74 = arith.constant 0 : i32
      %dma_start3A_75 = tpu.memref_slice %arg9[%run_scoped3A_44, %dma_start3A_73, %dma_start3A_74] : memref<2x128x128xf32, #tpu.memory_space<vmem>> -> memref<1x128x128xf32, #tpu.memory_space<vmem>>
      %dma_start3A_76 = tpu.memref_squeeze %dma_start3A_75 : memref<1x128x128xf32, #tpu.memory_space<vmem>> -> memref<128x128xf32, #tpu.memory_space<vmem>>
      %dma_start3A_77 = arith.constant 0 : i32
      %dma_start3A_78 = tpu.memref_slice %arg6[%add3A_43, %dma_start3A_77] : memref<10240x128xf32, #tpu.memory_space<vmem_shared>> -> memref<128x128xf32, #tpu.memory_space<vmem_shared>>
      %dma_start3A_79 = arith.constant 0 : i32
      %dma_start3A_80 = arith.constant 0 : i32
      %dma_start3A_81 = tpu.memref_slice %arg9[%run_scoped3A_44, %dma_start3A_79, %dma_start3A_80] : memref<2x128x128xf32, #tpu.memory_space<vmem>> -> memref<1x128x128xf32, #tpu.memory_space<vmem>>
      %dma_start3A_82 = tpu.memref_squeeze %dma_start3A_81 : memref<1x128x128xf32, #tpu.memory_space<vmem>> -> memref<128x128xf32, #tpu.memory_space<vmem>>
      %dma_start3A_83 = arith.constant 0 : i32
      %dma_start3A_84 = tpu.memref_slice %arg6[%add3A_43, %dma_start3A_83] : memref<10240x128xf32, #tpu.memory_space<vmem_shared>> -> memref<128x128xf32, #tpu.memory_space<vmem_shared>>
      tpu.enqueue_dma source(%dma_start3A_84 : memref<128x128xf32, #tpu.memory_space<vmem_shared>>) target(%dma_start3A_82 : memref<128x128xf32, #tpu.memory_space<vmem>>) target_semaphore(%run_scoped3A_72 : memref<!tpu.dma_semaphore, #tpu.memory_space<semaphore_mem>>)
      %dma_wait3A = arith.constant 0 : i32
      %dma_wait3A_85 = arith.constant 0 : i32
      %dma_wait3A_86 = tpu.memref_slice %arg9[%run_scoped3A_44, %dma_wait3A, %dma_wait3A_85] : memref<2x128x128xf32, #tpu.memory_space<vmem>> -> memref<1x128x128xf32, #tpu.memory_space<vmem>>
      %dma_wait3A_87 = tpu.memref_squeeze %dma_wait3A_86 : memref<1x128x128xf32, #tpu.memory_space<vmem>> -> memref<128x128xf32, #tpu.memory_space<vmem>>
      %dma_wait3A_88 = arith.constant 0 : i32
      %dma_wait3A_89 = tpu.memref_slice %arg6[%add3A_43, %dma_wait3A_88] : memref<10240x128xf32, #tpu.memory_space<vmem_shared>> -> memref<128x128xf32, #tpu.memory_space<vmem_shared>>
      %dma_wait3A_90 = arith.constant 0 : i32
      %dma_wait3A_91 = arith.constant 0 : i32
      %dma_wait3A_92 = tpu.memref_slice %arg9[%run_scoped3A_44, %dma_wait3A_90, %dma_wait3A_91] : memref<2x128x128xf32, #tpu.memory_space<vmem>> -> memref<1x128x128xf32, #tpu.memory_space<vmem>>
      %dma_wait3A_93 = tpu.memref_squeeze %dma_wait3A_92 : memref<1x128x128xf32, #tpu.memory_space<vmem>> -> memref<128x128xf32, #tpu.memory_space<vmem>>
      %dma_wait3A_94 = arith.constant 0 : i32
      %dma_wait3A_95 = tpu.memref_slice %arg6[%add3A_43, %dma_wait3A_94] : memref<10240x128xf32, #tpu.memory_space<vmem_shared>> -> memref<128x128xf32, #tpu.memory_space<vmem_shared>>
      tpu.wait_dma2 semaphore(%run_scoped3A_72 : memref<!tpu.dma_semaphore, #tpu.memory_space<semaphore_mem>>) src(%dma_wait3A_95 : memref<128x128xf32, #tpu.memory_space<vmem_shared>>) dst(%dma_wait3A_93 : memref<128x128xf32, #tpu.memory_space<vmem>>)
      tpu.yield
    }) : () -> ()
    %add3A_45 = arith.constant 0 : i32
    %add3A_46 = arith.addi %mul3A_2, %add3A_45 : i32
    %run_scoped3A_47 = arith.constant 0 : i32
    "tpu.region"() ({
      %run_scoped3A_72 = tpu.sem_alloc : memref<!tpu.dma_semaphore, #tpu.memory_space<semaphore_mem>>
      %dma_start3A_73 = arith.constant 0 : i32
      %dma_start3A_74 = arith.constant 0 : i32
      %dma_start3A_75 = tpu.memref_slice %arg9[%run_scoped3A_47, %dma_start3A_73, %dma_start3A_74] : memref<2x128x128xf32, #tpu.memory_space<vmem>> -> memref<1x128x128xf32, #tpu.memory_space<vmem>>
      %dma_start3A_76 = tpu.memref_squeeze %dma_start3A_75 : memref<1x128x128xf32, #tpu.memory_space<vmem>> -> memref<128x128xf32, #tpu.memory_space<vmem>>
      %dma_start3A_77 = arith.constant 0 : i32
      %dma_start3A_78 = tpu.memref_slice %arg5[%arg0, %add3A_46, %dma_start3A_77] : memref<2x10240x128xf32, #tpu.memory_space<hbm>> -> memref<1x128x128xf32, #tpu.memory_space<hbm>>
      %dma_start3A_79 = tpu.memref_squeeze %dma_start3A_78 : memref<1x128x128xf32, #tpu.memory_space<hbm>> -> memref<128x128xf32, #tpu.memory_space<hbm>>
      %dma_start3A_80 = arith.constant 0 : i32
      %dma_start3A_81 = tpu.memref_slice %arg5[%arg0, %add3A_46, %dma_start3A_80] : memref<2x10240x128xf32, #tpu.memory_space<hbm>> -> memref<1x128x128xf32, #tpu.memory_space<hbm>>
      %dma_start3A_82 = tpu.memref_squeeze %dma_start3A_81 : memref<1x128x128xf32, #tpu.memory_space<hbm>> -> memref<128x128xf32, #tpu.memory_space<hbm>>
      %dma_start3A_83 = arith.constant 0 : i32
      %dma_start3A_84 = arith.constant 0 : i32
      %dma_start3A_85 = tpu.memref_slice %arg9[%run_scoped3A_47, %dma_start3A_83, %dma_start3A_84] : memref<2x128x128xf32, #tpu.memory_space<vmem>> -> memref<1x128x128xf32, #tpu.memory_space<vmem>>
      %dma_start3A_86 = tpu.memref_squeeze %dma_start3A_85 : memref<1x128x128xf32, #tpu.memory_space<vmem>> -> memref<128x128xf32, #tpu.memory_space<vmem>>
      tpu.enqueue_dma source(%dma_start3A_86 : memref<128x128xf32, #tpu.memory_space<vmem>>) target(%dma_start3A_82 : memref<128x128xf32, #tpu.memory_space<hbm>>) target_semaphore(%run_scoped3A_72 : memref<!tpu.dma_semaphore, #tpu.memory_space<semaphore_mem>>)
      %dma_wait3A = arith.constant 0 : i32
      %dma_wait3A_87 = arith.constant 0 : i32
      %dma_wait3A_88 = tpu.memref_slice %arg9[%run_scoped3A_47, %dma_wait3A, %dma_wait3A_87] : memref<2x128x128xf32, #tpu.memory_space<vmem>> -> memref<1x128x128xf32, #tpu.memory_space<vmem>>
      %dma_wait3A_89 = tpu.memref_squeeze %dma_wait3A_88 : memref<1x128x128xf32, #tpu.memory_space<vmem>> -> memref<128x128xf32, #tpu.memory_space<vmem>>
      %dma_wait3A_90 = arith.constant 0 : i32
      %dma_wait3A_91 = tpu.memref_slice %arg5[%arg0, %add3A_46, %dma_wait3A_90] : memref<2x10240x128xf32, #tpu.memory_space<hbm>> -> memref<1x128x128xf32, #tpu.memory_space<hbm>>
      %dma_wait3A_92 = tpu.memref_squeeze %dma_wait3A_91 : memref<1x128x128xf32, #tpu.memory_space<hbm>> -> memref<128x128xf32, #tpu.memory_space<hbm>>
      %dma_wait3A_93 = arith.constant 0 : i32
      %dma_wait3A_94 = tpu.memref_slice %arg5[%arg0, %add3A_46, %dma_wait3A_93] : memref<2x10240x128xf32, #tpu.memory_space<hbm>> -> memref<1x128x128xf32, #tpu.memory_space<hbm>>
      %dma_wait3A_95 = tpu.memref_squeeze %dma_wait3A_94 : memref<1x128x128xf32, #tpu.memory_space<hbm>> -> memref<128x128xf32, #tpu.memory_space<hbm>>
      %dma_wait3A_96 = arith.constant 0 : i32
      %dma_wait3A_97 = arith.constant 0 : i32
      %dma_wait3A_98 = tpu.memref_slice %arg9[%run_scoped3A_47, %dma_wait3A_96, %dma_wait3A_97] : memref<2x128x128xf32, #tpu.memory_space<vmem>> -> memref<1x128x128xf32, #tpu.memory_space<vmem>>
      %dma_wait3A_99 = tpu.memref_squeeze %dma_wait3A_98 : memref<1x128x128xf32, #tpu.memory_space<vmem>> -> memref<128x128xf32, #tpu.memory_space<vmem>>
      tpu.wait_dma2 semaphore(%run_scoped3A_72 : memref<!tpu.dma_semaphore, #tpu.memory_space<semaphore_mem>>) src(%dma_wait3A_99 : memref<128x128xf32, #tpu.memory_space<vmem>>) dst(%dma_wait3A_95 : memref<128x128xf32, #tpu.memory_space<hbm>>)
      tpu.yield
    }) : () -> ()
    %add3A_48 = arith.constant 128 : i32
    %add3A_49 = arith.addi %mul3A_2, %add3A_48 : i32
    %run_scoped3A_50 = arith.constant 0 : i32
    "tpu.region"() ({
      %run_scoped3A_72 = tpu.sem_alloc : memref<!tpu.dma_semaphore, #tpu.memory_space<semaphore_mem>>
      %dma_start3A_73 = arith.constant 0 : i32
      %dma_start3A_74 = arith.constant 0 : i32
      %dma_start3A_75 = tpu.memref_slice %arg9[%run_scoped3A_50, %dma_start3A_73, %dma_start3A_74] : memref<2x128x128xf32, #tpu.memory_space<vmem>> -> memref<1x128x128xf32, #tpu.memory_space<vmem>>
      %dma_start3A_76 = tpu.memref_squeeze %dma_start3A_75 : memref<1x128x128xf32, #tpu.memory_space<vmem>> -> memref<128x128xf32, #tpu.memory_space<vmem>>
      %dma_start3A_77 = arith.constant 0 : i32
      %dma_start3A_78 = tpu.memref_slice %arg6[%add3A_49, %dma_start3A_77] : memref<10240x128xf32, #tpu.memory_space<vmem_shared>> -> memref<128x128xf32, #tpu.memory_space<vmem_shared>>
      %dma_start3A_79 = arith.constant 0 : i32
      %dma_start3A_80 = arith.constant 0 : i32
      %dma_start3A_81 = tpu.memref_slice %arg9[%run_scoped3A_50, %dma_start3A_79, %dma_start3A_80] : memref<2x128x128xf32, #tpu.memory_space<vmem>> -> memref<1x128x128xf32, #tpu.memory_space<vmem>>
      %dma_start3A_82 = tpu.memref_squeeze %dma_start3A_81 : memref<1x128x128xf32, #tpu.memory_space<vmem>> -> memref<128x128xf32, #tpu.memory_space<vmem>>
      %dma_start3A_83 = arith.constant 0 : i32
      %dma_start3A_84 = tpu.memref_slice %arg6[%add3A_49, %dma_start3A_83] : memref<10240x128xf32, #tpu.memory_space<vmem_shared>> -> memref<128x128xf32, #tpu.memory_space<vmem_shared>>
      tpu.enqueue_dma source(%dma_start3A_84 : memref<128x128xf32, #tpu.memory_space<vmem_shared>>) target(%dma_start3A_82 : memref<128x128xf32, #tpu.memory_space<vmem>>) target_semaphore(%run_scoped3A_72 : memref<!tpu.dma_semaphore, #tpu.memory_space<semaphore_mem>>)
      %dma_wait3A = arith.constant 0 : i32
      %dma_wait3A_85 = arith.constant 0 : i32
      %dma_wait3A_86 = tpu.memref_slice %arg9[%run_scoped3A_50, %dma_wait3A, %dma_wait3A_85] : memref<2x128x128xf32, #tpu.memory_space<vmem>> -> memref<1x128x128xf32, #tpu.memory_space<vmem>>
      %dma_wait3A_87 = tpu.memref_squeeze %dma_wait3A_86 : memref<1x128x128xf32, #tpu.memory_space<vmem>> -> memref<128x128xf32, #tpu.memory_space<vmem>>
      %dma_wait3A_88 = arith.constant 0 : i32
      %dma_wait3A_89 = tpu.memref_slice %arg6[%add3A_49, %dma_wait3A_88] : memref<10240x128xf32, #tpu.memory_space<vmem_shared>> -> memref<128x128xf32, #tpu.memory_space<vmem_shared>>
      %dma_wait3A_90 = arith.constant 0 : i32
      %dma_wait3A_91 = arith.constant 0 : i32
      %dma_wait3A_92 = tpu.memref_slice %arg9[%run_scoped3A_50, %dma_wait3A_90, %dma_wait3A_91] : memref<2x128x128xf32, #tpu.memory_space<vmem>> -> memref<1x128x128xf32, #tpu.memory_space<vmem>>
      %dma_wait3A_93 = tpu.memref_squeeze %dma_wait3A_92 : memref<1x128x128xf32, #tpu.memory_space<vmem>> -> memref<128x128xf32, #tpu.memory_space<vmem>>
      %dma_wait3A_94 = arith.constant 0 : i32
      %dma_wait3A_95 = tpu.memref_slice %arg6[%add3A_49, %dma_wait3A_94] : memref<10240x128xf32, #tpu.memory_space<vmem_shared>> -> memref<128x128xf32, #tpu.memory_space<vmem_shared>>
      tpu.wait_dma2 semaphore(%run_scoped3A_72 : memref<!tpu.dma_semaphore, #tpu.memory_space<semaphore_mem>>) src(%dma_wait3A_95 : memref<128x128xf32, #tpu.memory_space<vmem_shared>>) dst(%dma_wait3A_93 : memref<128x128xf32, #tpu.memory_space<vmem>>)
      tpu.yield
    }) : () -> ()
    %add3A_51 = arith.constant 128 : i32
    %add3A_52 = arith.addi %mul3A_2, %add3A_51 : i32
    %run_scoped3A_53 = arith.constant 0 : i32
    "tpu.region"() ({
      %run_scoped3A_72 = tpu.sem_alloc : memref<!tpu.dma_semaphore, #tpu.memory_space<semaphore_mem>>
      %dma_start3A_73 = arith.constant 0 : i32
      %dma_start3A_74 = arith.constant 0 : i32
      %dma_start3A_75 = tpu.memref_slice %arg9[%run_scoped3A_53, %dma_start3A_73, %dma_start3A_74] : memref<2x128x128xf32, #tpu.memory_space<vmem>> -> memref<1x128x128xf32, #tpu.memory_space<vmem>>
      %dma_start3A_76 = tpu.memref_squeeze %dma_start3A_75 : memref<1x128x128xf32, #tpu.memory_space<vmem>> -> memref<128x128xf32, #tpu.memory_space<vmem>>
      %dma_start3A_77 = arith.constant 0 : i32
      %dma_start3A_78 = tpu.memref_slice %arg5[%arg0, %add3A_52, %dma_start3A_77] : memref<2x10240x128xf32, #tpu.memory_space<hbm>> -> memref<1x128x128xf32, #tpu.memory_space<hbm>>
      %dma_start3A_79 = tpu.memref_squeeze %dma_start3A_78 : memref<1x128x128xf32, #tpu.memory_space<hbm>> -> memref<128x128xf32, #tpu.memory_space<hbm>>
      %dma_start3A_80 = arith.constant 0 : i32
      %dma_start3A_81 = tpu.memref_slice %arg5[%arg0, %add3A_52, %dma_start3A_80] : memref<2x10240x128xf32, #tpu.memory_space<hbm>> -> memref<1x128x128xf32, #tpu.memory_space<hbm>>
      %dma_start3A_82 = tpu.memref_squeeze %dma_start3A_81 : memref<1x128x128xf32, #tpu.memory_space<hbm>> -> memref<128x128xf32, #tpu.memory_space<hbm>>
      %dma_start3A_83 = arith.constant 0 : i32
      %dma_start3A_84 = arith.constant 0 : i32
      %dma_start3A_85 = tpu.memref_slice %arg9[%run_scoped3A_53, %dma_start3A_83, %dma_start3A_84] : memref<2x128x128xf32, #tpu.memory_space<vmem>> -> memref<1x128x128xf32, #tpu.memory_space<vmem>>
      %dma_start3A_86 = tpu.memref_squeeze %dma_start3A_85 : memref<1x128x128xf32, #tpu.memory_space<vmem>> -> memref<128x128xf32, #tpu.memory_space<vmem>>
      tpu.enqueue_dma source(%dma_start3A_86 : memref<128x128xf32, #tpu.memory_space<vmem>>) target(%dma_start3A_82 : memref<128x128xf32, #tpu.memory_space<hbm>>) target_semaphore(%run_scoped3A_72 : memref<!tpu.dma_semaphore, #tpu.memory_space<semaphore_mem>>)
      %dma_wait3A = arith.constant 0 : i32
      %dma_wait3A_87 = arith.constant 0 : i32
      %dma_wait3A_88 = tpu.memref_slice %arg9[%run_scoped3A_53, %dma_wait3A, %dma_wait3A_87] : memref<2x128x128xf32, #tpu.memory_space<vmem>> -> memref<1x128x128xf32, #tpu.memory_space<vmem>>
      %dma_wait3A_89 = tpu.memref_squeeze %dma_wait3A_88 : memref<1x128x128xf32, #tpu.memory_space<vmem>> -> memref<128x128xf32, #tpu.memory_space<vmem>>
      %dma_wait3A_90 = arith.constant 0 : i32
      %dma_wait3A_91 = tpu.memref_slice %arg5[%arg0, %add3A_52, %dma_wait3A_90] : memref<2x10240x128xf32, #tpu.memory_space<hbm>> -> memref<1x128x128xf32, #tpu.memory_space<hbm>>
      %dma_wait3A_92 = tpu.memref_squeeze %dma_wait3A_91 : memref<1x128x128xf32, #tpu.memory_space<hbm>> -> memref<128x128xf32, #tpu.memory_space<hbm>>
      %dma_wait3A_93 = arith.constant 0 : i32
      %dma_wait3A_94 = tpu.memref_slice %arg5[%arg0, %add3A_52, %dma_wait3A_93] : memref<2x10240x128xf32, #tpu.memory_space<hbm>> -> memref<1x128x128xf32, #tpu.memory_space<hbm>>
      %dma_wait3A_95 = tpu.memref_squeeze %dma_wait3A_94 : memref<1x128x128xf32, #tpu.memory_space<hbm>> -> memref<128x128xf32, #tpu.memory_space<hbm>>
      %dma_wait3A_96 = arith.constant 0 : i32
      %dma_wait3A_97 = arith.constant 0 : i32
      %dma_wait3A_98 = tpu.memref_slice %arg9[%run_scoped3A_53, %dma_wait3A_96, %dma_wait3A_97] : memref<2x128x128xf32, #tpu.memory_space<vmem>> -> memref<1x128x128xf32, #tpu.memory_space<vmem>>
      %dma_wait3A_99 = tpu.memref_squeeze %dma_wait3A_98 : memref<1x128x128xf32, #tpu.memory_space<vmem>> -> memref<128x128xf32, #tpu.memory_space<vmem>>
      tpu.wait_dma2 semaphore(%run_scoped3A_72 : memref<!tpu.dma_semaphore, #tpu.memory_space<semaphore_mem>>) src(%dma_wait3A_99 : memref<128x128xf32, #tpu.memory_space<vmem>>) dst(%dma_wait3A_95 : memref<128x128xf32, #tpu.memory_space<hbm>>)
      tpu.yield
    }) : () -> ()
    %add3A_54 = arith.constant 256 : i32
    %add3A_55 = arith.addi %mul3A_2, %add3A_54 : i32
    %run_scoped3A_56 = arith.constant 0 : i32
    "tpu.region"() ({
      %run_scoped3A_72 = tpu.sem_alloc : memref<!tpu.dma_semaphore, #tpu.memory_space<semaphore_mem>>
      %dma_start3A_73 = arith.constant 0 : i32
      %dma_start3A_74 = arith.constant 0 : i32
      %dma_start3A_75 = tpu.memref_slice %arg9[%run_scoped3A_56, %dma_start3A_73, %dma_start3A_74] : memref<2x128x128xf32, #tpu.memory_space<vmem>> -> memref<1x128x128xf32, #tpu.memory_space<vmem>>
      %dma_start3A_76 = tpu.memref_squeeze %dma_start3A_75 : memref<1x128x128xf32, #tpu.memory_space<vmem>> -> memref<128x128xf32, #tpu.memory_space<vmem>>
      %dma_start3A_77 = arith.constant 0 : i32
      %dma_start3A_78 = tpu.memref_slice %arg6[%add3A_55, %dma_start3A_77] : memref<10240x128xf32, #tpu.memory_space<vmem_shared>> -> memref<128x128xf32, #tpu.memory_space<vmem_shared>>
      %dma_start3A_79 = arith.constant 0 : i32
      %dma_start3A_80 = arith.constant 0 : i32
      %dma_start3A_81 = tpu.memref_slice %arg9[%run_scoped3A_56, %dma_start3A_79, %dma_start3A_80] : memref<2x128x128xf32, #tpu.memory_space<vmem>> -> memref<1x128x128xf32, #tpu.memory_space<vmem>>
      %dma_start3A_82 = tpu.memref_squeeze %dma_start3A_81 : memref<1x128x128xf32, #tpu.memory_space<vmem>> -> memref<128x128xf32, #tpu.memory_space<vmem>>
      %dma_start3A_83 = arith.constant 0 : i32
      %dma_start3A_84 = tpu.memref_slice %arg6[%add3A_55, %dma_start3A_83] : memref<10240x128xf32, #tpu.memory_space<vmem_shared>> -> memref<128x128xf32, #tpu.memory_space<vmem_shared>>
      tpu.enqueue_dma source(%dma_start3A_84 : memref<128x128xf32, #tpu.memory_space<vmem_shared>>) target(%dma_start3A_82 : memref<128x128xf32, #tpu.memory_space<vmem>>) target_semaphore(%run_scoped3A_72 : memref<!tpu.dma_semaphore, #tpu.memory_space<semaphore_mem>>)
      %dma_wait3A = arith.constant 0 : i32
      %dma_wait3A_85 = arith.constant 0 : i32
      %dma_wait3A_86 = tpu.memref_slice %arg9[%run_scoped3A_56, %dma_wait3A, %dma_wait3A_85] : memref<2x128x128xf32, #tpu.memory_space<vmem>> -> memref<1x128x128xf32, #tpu.memory_space<vmem>>
      %dma_wait3A_87 = tpu.memref_squeeze %dma_wait3A_86 : memref<1x128x128xf32, #tpu.memory_space<vmem>> -> memref<128x128xf32, #tpu.memory_space<vmem>>
      %dma_wait3A_88 = arith.constant 0 : i32
      %dma_wait3A_89 = tpu.memref_slice %arg6[%add3A_55, %dma_wait3A_88] : memref<10240x128xf32, #tpu.memory_space<vmem_shared>> -> memref<128x128xf32, #tpu.memory_space<vmem_shared>>
      %dma_wait3A_90 = arith.constant 0 : i32
      %dma_wait3A_91 = arith.constant 0 : i32
      %dma_wait3A_92 = tpu.memref_slice %arg9[%run_scoped3A_56, %dma_wait3A_90, %dma_wait3A_91] : memref<2x128x128xf32, #tpu.memory_space<vmem>> -> memref<1x128x128xf32, #tpu.memory_space<vmem>>
      %dma_wait3A_93 = tpu.memref_squeeze %dma_wait3A_92 : memref<1x128x128xf32, #tpu.memory_space<vmem>> -> memref<128x128xf32, #tpu.memory_space<vmem>>
      %dma_wait3A_94 = arith.constant 0 : i32
      %dma_wait3A_95 = tpu.memref_slice %arg6[%add3A_55, %dma_wait3A_94] : memref<10240x128xf32, #tpu.memory_space<vmem_shared>> -> memref<128x128xf32, #tpu.memory_space<vmem_shared>>
      tpu.wait_dma2 semaphore(%run_scoped3A_72 : memref<!tpu.dma_semaphore, #tpu.memory_space<semaphore_mem>>) src(%dma_wait3A_95 : memref<128x128xf32, #tpu.memory_space<vmem_shared>>) dst(%dma_wait3A_93 : memref<128x128xf32, #tpu.memory_space<vmem>>)
      tpu.yield
    }) : () -> ()
    %add3A_57 = arith.constant 256 : i32
    %add3A_58 = arith.addi %mul3A_2, %add3A_57 : i32
    %run_scoped3A_59 = arith.constant 0 : i32
    "tpu.region"() ({
      %run_scoped3A_72 = tpu.sem_alloc : memref<!tpu.dma_semaphore, #tpu.memory_space<semaphore_mem>>
      %dma_start3A_73 = arith.constant 0 : i32
      %dma_start3A_74 = arith.constant 0 : i32
      %dma_start3A_75 = tpu.memref_slice %arg9[%run_scoped3A_59, %dma_start3A_73, %dma_start3A_74] : memref<2x128x128xf32, #tpu.memory_space<vmem>> -> memref<1x128x128xf32, #tpu.memory_space<vmem>>
      %dma_start3A_76 = tpu.memref_squeeze %dma_start3A_75 : memref<1x128x128xf32, #tpu.memory_space<vmem>> -> memref<128x128xf32, #tpu.memory_space<vmem>>
      %dma_start3A_77 = arith.constant 0 : i32
      %dma_start3A_78 = tpu.memref_slice %arg5[%arg0, %add3A_58, %dma_start3A_77] : memref<2x10240x128xf32, #tpu.memory_space<hbm>> -> memref<1x128x128xf32, #tpu.memory_space<hbm>>
      %dma_start3A_79 = tpu.memref_squeeze %dma_start3A_78 : memref<1x128x128xf32, #tpu.memory_space<hbm>> -> memref<128x128xf32, #tpu.memory_space<hbm>>
      %dma_start3A_80 = arith.constant 0 : i32
      %dma_start3A_81 = tpu.memref_slice %arg5[%arg0, %add3A_58, %dma_start3A_80] : memref<2x10240x128xf32, #tpu.memory_space<hbm>> -> memref<1x128x128xf32, #tpu.memory_space<hbm>>
      %dma_start3A_82 = tpu.memref_squeeze %dma_start3A_81 : memref<1x128x128xf32, #tpu.memory_space<hbm>> -> memref<128x128xf32, #tpu.memory_space<hbm>>
      %dma_start3A_83 = arith.constant 0 : i32
      %dma_start3A_84 = arith.constant 0 : i32
      %dma_start3A_85 = tpu.memref_slice %arg9[%run_scoped3A_59, %dma_start3A_83, %dma_start3A_84] : memref<2x128x128xf32, #tpu.memory_space<vmem>> -> memref<1x128x128xf32, #tpu.memory_space<vmem>>
      %dma_start3A_86 = tpu.memref_squeeze %dma_start3A_85 : memref<1x128x128xf32, #tpu.memory_space<vmem>> -> memref<128x128xf32, #tpu.memory_space<vmem>>
      tpu.enqueue_dma source(%dma_start3A_86 : memref<128x128xf32, #tpu.memory_space<vmem>>) target(%dma_start3A_82 : memref<128x128xf32, #tpu.memory_space<hbm>>) target_semaphore(%run_scoped3A_72 : memref<!tpu.dma_semaphore, #tpu.memory_space<semaphore_mem>>)
      %dma_wait3A = arith.constant 0 : i32
      %dma_wait3A_87 = arith.constant 0 : i32
      %dma_wait3A_88 = tpu.memref_slice %arg9[%run_scoped3A_59, %dma_wait3A, %dma_wait3A_87] : memref<2x128x128xf32, #tpu.memory_space<vmem>> -> memref<1x128x128xf32, #tpu.memory_space<vmem>>
      %dma_wait3A_89 = tpu.memref_squeeze %dma_wait3A_88 : memref<1x128x128xf32, #tpu.memory_space<vmem>> -> memref<128x128xf32, #tpu.memory_space<vmem>>
      %dma_wait3A_90 = arith.constant 0 : i32
      %dma_wait3A_91 = tpu.memref_slice %arg5[%arg0, %add3A_58, %dma_wait3A_90] : memref<2x10240x128xf32, #tpu.memory_space<hbm>> -> memref<1x128x128xf32, #tpu.memory_space<hbm>>
      %dma_wait3A_92 = tpu.memref_squeeze %dma_wait3A_91 : memref<1x128x128xf32, #tpu.memory_space<hbm>> -> memref<128x128xf32, #tpu.memory_space<hbm>>
      %dma_wait3A_93 = arith.constant 0 : i32
      %dma_wait3A_94 = tpu.memref_slice %arg5[%arg0, %add3A_58, %dma_wait3A_93] : memref<2x10240x128xf32, #tpu.memory_space<hbm>> -> memref<1x128x128xf32, #tpu.memory_space<hbm>>
      %dma_wait3A_95 = tpu.memref_squeeze %dma_wait3A_94 : memref<1x128x128xf32, #tpu.memory_space<hbm>> -> memref<128x128xf32, #tpu.memory_space<hbm>>
      %dma_wait3A_96 = arith.constant 0 : i32
      %dma_wait3A_97 = arith.constant 0 : i32
      %dma_wait3A_98 = tpu.memref_slice %arg9[%run_scoped3A_59, %dma_wait3A_96, %dma_wait3A_97] : memref<2x128x128xf32, #tpu.memory_space<vmem>> -> memref<1x128x128xf32, #tpu.memory_space<vmem>>
      %dma_wait3A_99 = tpu.memref_squeeze %dma_wait3A_98 : memref<1x128x128xf32, #tpu.memory_space<vmem>> -> memref<128x128xf32, #tpu.memory_space<vmem>>
      tpu.wait_dma2 semaphore(%run_scoped3A_72 : memref<!tpu.dma_semaphore, #tpu.memory_space<semaphore_mem>>) src(%dma_wait3A_99 : memref<128x128xf32, #tpu.memory_space<vmem>>) dst(%dma_wait3A_95 : memref<128x128xf32, #tpu.memory_space<hbm>>)
      tpu.yield
    }) : () -> ()
    %add3A_60 = arith.constant 384 : i32
    %add3A_61 = arith.addi %mul3A_2, %add3A_60 : i32
    %run_scoped3A_62 = arith.constant 0 : i32
    "tpu.region"() ({
      %run_scoped3A_72 = tpu.sem_alloc : memref<!tpu.dma_semaphore, #tpu.memory_space<semaphore_mem>>
      %dma_start3A_73 = arith.constant 0 : i32
      %dma_start3A_74 = arith.constant 0 : i32
      %dma_start3A_75 = tpu.memref_slice %arg9[%run_scoped3A_62, %dma_start3A_73, %dma_start3A_74] : memref<2x128x128xf32, #tpu.memory_space<vmem>> -> memref<1x128x128xf32, #tpu.memory_space<vmem>>
      %dma_start3A_76 = tpu.memref_squeeze %dma_start3A_75 : memref<1x128x128xf32, #tpu.memory_space<vmem>> -> memref<128x128xf32, #tpu.memory_space<vmem>>
      %dma_start3A_77 = arith.constant 0 : i32
      %dma_start3A_78 = tpu.memref_slice %arg6[%add3A_61, %dma_start3A_77] : memref<10240x128xf32, #tpu.memory_space<vmem_shared>> -> memref<128x128xf32, #tpu.memory_space<vmem_shared>>
      %dma_start3A_79 = arith.constant 0 : i32
      %dma_start3A_80 = arith.constant 0 : i32
      %dma_start3A_81 = tpu.memref_slice %arg9[%run_scoped3A_62, %dma_start3A_79, %dma_start3A_80] : memref<2x128x128xf32, #tpu.memory_space<vmem>> -> memref<1x128x128xf32, #tpu.memory_space<vmem>>
      %dma_start3A_82 = tpu.memref_squeeze %dma_start3A_81 : memref<1x128x128xf32, #tpu.memory_space<vmem>> -> memref<128x128xf32, #tpu.memory_space<vmem>>
      %dma_start3A_83 = arith.constant 0 : i32
      %dma_start3A_84 = tpu.memref_slice %arg6[%add3A_61, %dma_start3A_83] : memref<10240x128xf32, #tpu.memory_space<vmem_shared>> -> memref<128x128xf32, #tpu.memory_space<vmem_shared>>
      tpu.enqueue_dma source(%dma_start3A_84 : memref<128x128xf32, #tpu.memory_space<vmem_shared>>) target(%dma_start3A_82 : memref<128x128xf32, #tpu.memory_space<vmem>>) target_semaphore(%run_scoped3A_72 : memref<!tpu.dma_semaphore, #tpu.memory_space<semaphore_mem>>)
      %dma_wait3A = arith.constant 0 : i32
      %dma_wait3A_85 = arith.constant 0 : i32
      %dma_wait3A_86 = tpu.memref_slice %arg9[%run_scoped3A_62, %dma_wait3A, %dma_wait3A_85] : memref<2x128x128xf32, #tpu.memory_space<vmem>> -> memref<1x128x128xf32, #tpu.memory_space<vmem>>
      %dma_wait3A_87 = tpu.memref_squeeze %dma_wait3A_86 : memref<1x128x128xf32, #tpu.memory_space<vmem>> -> memref<128x128xf32, #tpu.memory_space<vmem>>
      %dma_wait3A_88 = arith.constant 0 : i32
      %dma_wait3A_89 = tpu.memref_slice %arg6[%add3A_61, %dma_wait3A_88] : memref<10240x128xf32, #tpu.memory_space<vmem_shared>> -> memref<128x128xf32, #tpu.memory_space<vmem_shared>>
      %dma_wait3A_90 = arith.constant 0 : i32
      %dma_wait3A_91 = arith.constant 0 : i32
      %dma_wait3A_92 = tpu.memref_slice %arg9[%run_scoped3A_62, %dma_wait3A_90, %dma_wait3A_91] : memref<2x128x128xf32, #tpu.memory_space<vmem>> -> memref<1x128x128xf32, #tpu.memory_space<vmem>>
      %dma_wait3A_93 = tpu.memref_squeeze %dma_wait3A_92 : memref<1x128x128xf32, #tpu.memory_space<vmem>> -> memref<128x128xf32, #tpu.memory_space<vmem>>
      %dma_wait3A_94 = arith.constant 0 : i32
      %dma_wait3A_95 = tpu.memref_slice %arg6[%add3A_61, %dma_wait3A_94] : memref<10240x128xf32, #tpu.memory_space<vmem_shared>> -> memref<128x128xf32, #tpu.memory_space<vmem_shared>>
      tpu.wait_dma2 semaphore(%run_scoped3A_72 : memref<!tpu.dma_semaphore, #tpu.memory_space<semaphore_mem>>) src(%dma_wait3A_95 : memref<128x128xf32, #tpu.memory_space<vmem_shared>>) dst(%dma_wait3A_93 : memref<128x128xf32, #tpu.memory_space<vmem>>)
      tpu.yield
    }) : () -> ()
    %add3A_63 = arith.constant 384 : i32
    %add3A_64 = arith.addi %mul3A_2, %add3A_63 : i32
    %run_scoped3A_65 = arith.constant 0 : i32
    "tpu.region"() ({
      %run_scoped3A_72 = tpu.sem_alloc : memref<!tpu.dma_semaphore, #tpu.memory_space<semaphore_mem>>
      %dma_start3A_73 = arith.constant 0 : i32
      %dma_start3A_74 = arith.constant 0 : i32
      %dma_start3A_75 = tpu.memref_slice %arg9[%run_scoped3A_65, %dma_start3A_73, %dma_start3A_74] : memref<2x128x128xf32, #tpu.memory_space<vmem>> -> memref<1x128x128xf32, #tpu.memory_space<vmem>>
      %dma_start3A_76 = tpu.memref_squeeze %dma_start3A_75 : memref<1x128x128xf32, #tpu.memory_space<vmem>> -> memref<128x128xf32, #tpu.memory_space<vmem>>
      %dma_start3A_77 = arith.constant 0 : i32
      %dma_start3A_78 = tpu.memref_slice %arg5[%arg0, %add3A_64, %dma_start3A_77] : memref<2x10240x128xf32, #tpu.memory_space<hbm>> -> memref<1x128x128xf32, #tpu.memory_space<hbm>>
      %dma_start3A_79 = tpu.memref_squeeze %dma_start3A_78 : memref<1x128x128xf32, #tpu.memory_space<hbm>> -> memref<128x128xf32, #tpu.memory_space<hbm>>
      %dma_start3A_80 = arith.constant 0 : i32
      %dma_start3A_81 = tpu.memref_slice %arg5[%arg0, %add3A_64, %dma_start3A_80] : memref<2x10240x128xf32, #tpu.memory_space<hbm>> -> memref<1x128x128xf32, #tpu.memory_space<hbm>>
      %dma_start3A_82 = tpu.memref_squeeze %dma_start3A_81 : memref<1x128x128xf32, #tpu.memory_space<hbm>> -> memref<128x128xf32, #tpu.memory_space<hbm>>
      %dma_start3A_83 = arith.constant 0 : i32
      %dma_start3A_84 = arith.constant 0 : i32
      %dma_start3A_85 = tpu.memref_slice %arg9[%run_scoped3A_65, %dma_start3A_83, %dma_start3A_84] : memref<2x128x128xf32, #tpu.memory_space<vmem>> -> memref<1x128x128xf32, #tpu.memory_space<vmem>>
      %dma_start3A_86 = tpu.memref_squeeze %dma_start3A_85 : memref<1x128x128xf32, #tpu.memory_space<vmem>> -> memref<128x128xf32, #tpu.memory_space<vmem>>
      tpu.enqueue_dma source(%dma_start3A_86 : memref<128x128xf32, #tpu.memory_space<vmem>>) target(%dma_start3A_82 : memref<128x128xf32, #tpu.memory_space<hbm>>) target_semaphore(%run_scoped3A_72 : memref<!tpu.dma_semaphore, #tpu.memory_space<semaphore_mem>>)
      %dma_wait3A = arith.constant 0 : i32
      %dma_wait3A_87 = arith.constant 0 : i32
      %dma_wait3A_88 = tpu.memref_slice %arg9[%run_scoped3A_65, %dma_wait3A, %dma_wait3A_87] : memref<2x128x128xf32, #tpu.memory_space<vmem>> -> memref<1x128x128xf32, #tpu.memory_space<vmem>>
      %dma_wait3A_89 = tpu.memref_squeeze %dma_wait3A_88 : memref<1x128x128xf32, #tpu.memory_space<vmem>> -> memref<128x128xf32, #tpu.memory_space<vmem>>
      %dma_wait3A_90 = arith.constant 0 : i32
      %dma_wait3A_91 = tpu.memref_slice %arg5[%arg0, %add3A_64, %dma_wait3A_90] : memref<2x10240x128xf32, #tpu.memory_space<hbm>> -> memref<1x128x128xf32, #tpu.memory_space<hbm>>
      %dma_wait3A_92 = tpu.memref_squeeze %dma_wait3A_91 : memref<1x128x128xf32, #tpu.memory_space<hbm>> -> memref<128x128xf32, #tpu.memory_space<hbm>>
      %dma_wait3A_93 = arith.constant 0 : i32
      %dma_wait3A_94 = tpu.memref_slice %arg5[%arg0, %add3A_64, %dma_wait3A_93] : memref<2x10240x128xf32, #tpu.memory_space<hbm>> -> memref<1x128x128xf32, #tpu.memory_space<hbm>>
      %dma_wait3A_95 = tpu.memref_squeeze %dma_wait3A_94 : memref<1x128x128xf32, #tpu.memory_space<hbm>> -> memref<128x128xf32, #tpu.memory_space<hbm>>
      %dma_wait3A_96 = arith.constant 0 : i32
      %dma_wait3A_97 = arith.constant 0 : i32
      %dma_wait3A_98 = tpu.memref_slice %arg9[%run_scoped3A_65, %dma_wait3A_96, %dma_wait3A_97] : memref<2x128x128xf32, #tpu.memory_space<vmem>> -> memref<1x128x128xf32, #tpu.memory_space<vmem>>
      %dma_wait3A_99 = tpu.memref_squeeze %dma_wait3A_98 : memref<1x128x128xf32, #tpu.memory_space<vmem>> -> memref<128x128xf32, #tpu.memory_space<vmem>>
      tpu.wait_dma2 semaphore(%run_scoped3A_72 : memref<!tpu.dma_semaphore, #tpu.memory_space<semaphore_mem>>) src(%dma_wait3A_99 : memref<128x128xf32, #tpu.memory_space<vmem>>) dst(%dma_wait3A_95 : memref<128x128xf32, #tpu.memory_space<hbm>>)
      tpu.yield
    }) : () -> ()
    %add3A_66 = arith.constant 512 : i32
    %add3A_67 = arith.addi %mul3A_2, %add3A_66 : i32
    %run_scoped3A_68 = arith.constant 0 : i32
    "tpu.region"() ({
      %run_scoped3A_72 = tpu.sem_alloc : memref<!tpu.dma_semaphore, #tpu.memory_space<semaphore_mem>>
      %dma_start3A_73 = arith.constant 0 : i32
      %dma_start3A_74 = arith.constant 0 : i32
      %dma_start3A_75 = tpu.memref_slice %arg9[%run_scoped3A_68, %dma_start3A_73, %dma_start3A_74] : memref<2x128x128xf32, #tpu.memory_space<vmem>> -> memref<1x128x128xf32, #tpu.memory_space<vmem>>
      %dma_start3A_76 = tpu.memref_squeeze %dma_start3A_75 : memref<1x128x128xf32, #tpu.memory_space<vmem>> -> memref<128x128xf32, #tpu.memory_space<vmem>>
      %dma_start3A_77 = arith.constant 0 : i32
      %dma_start3A_78 = tpu.memref_slice %arg6[%add3A_67, %dma_start3A_77] : memref<10240x128xf32, #tpu.memory_space<vmem_shared>> -> memref<128x128xf32, #tpu.memory_space<vmem_shared>>
      %dma_start3A_79 = arith.constant 0 : i32
      %dma_start3A_80 = arith.constant 0 : i32
      %dma_start3A_81 = tpu.memref_slice %arg9[%run_scoped3A_68, %dma_start3A_79, %dma_start3A_80] : memref<2x128x128xf32, #tpu.memory_space<vmem>> -> memref<1x128x128xf32, #tpu.memory_space<vmem>>
      %dma_start3A_82 = tpu.memref_squeeze %dma_start3A_81 : memref<1x128x128xf32, #tpu.memory_space<vmem>> -> memref<128x128xf32, #tpu.memory_space<vmem>>
      %dma_start3A_83 = arith.constant 0 : i32
      %dma_start3A_84 = tpu.memref_slice %arg6[%add3A_67, %dma_start3A_83] : memref<10240x128xf32, #tpu.memory_space<vmem_shared>> -> memref<128x128xf32, #tpu.memory_space<vmem_shared>>
      tpu.enqueue_dma source(%dma_start3A_84 : memref<128x128xf32, #tpu.memory_space<vmem_shared>>) target(%dma_start3A_82 : memref<128x128xf32, #tpu.memory_space<vmem>>) target_semaphore(%run_scoped3A_72 : memref<!tpu.dma_semaphore, #tpu.memory_space<semaphore_mem>>)
      %dma_wait3A = arith.constant 0 : i32
      %dma_wait3A_85 = arith.constant 0 : i32
      %dma_wait3A_86 = tpu.memref_slice %arg9[%run_scoped3A_68, %dma_wait3A, %dma_wait3A_85] : memref<2x128x128xf32, #tpu.memory_space<vmem>> -> memref<1x128x128xf32, #tpu.memory_space<vmem>>
      %dma_wait3A_87 = tpu.memref_squeeze %dma_wait3A_86 : memref<1x128x128xf32, #tpu.memory_space<vmem>> -> memref<128x128xf32, #tpu.memory_space<vmem>>
      %dma_wait3A_88 = arith.constant 0 : i32
      %dma_wait3A_89 = tpu.memref_slice %arg6[%add3A_67, %dma_wait3A_88] : memref<10240x128xf32, #tpu.memory_space<vmem_shared>> -> memref<128x128xf32, #tpu.memory_space<vmem_shared>>
      %dma_wait3A_90 = arith.constant 0 : i32
      %dma_wait3A_91 = arith.constant 0 : i32
      %dma_wait3A_92 = tpu.memref_slice %arg9[%run_scoped3A_68, %dma_wait3A_90, %dma_wait3A_91] : memref<2x128x128xf32, #tpu.memory_space<vmem>> -> memref<1x128x128xf32, #tpu.memory_space<vmem>>
      %dma_wait3A_93 = tpu.memref_squeeze %dma_wait3A_92 : memref<1x128x128xf32, #tpu.memory_space<vmem>> -> memref<128x128xf32, #tpu.memory_space<vmem>>
      %dma_wait3A_94 = arith.constant 0 : i32
      %dma_wait3A_95 = tpu.memref_slice %arg6[%add3A_67, %dma_wait3A_94] : memref<10240x128xf32, #tpu.memory_space<vmem_shared>> -> memref<128x128xf32, #tpu.memory_space<vmem_shared>>
      tpu.wait_dma2 semaphore(%run_scoped3A_72 : memref<!tpu.dma_semaphore, #tpu.memory_space<semaphore_mem>>) src(%dma_wait3A_95 : memref<128x128xf32, #tpu.memory_space<vmem_shared>>) dst(%dma_wait3A_93 : memref<128x128xf32, #tpu.memory_space<vmem>>)
      tpu.yield
    }) : () -> ()
    %add3A_69 = arith.constant 512 : i32
    %add3A_70 = arith.addi %mul3A_2, %add3A_69 : i32
    %run_scoped3A_71 = arith.constant 0 : i32
    "tpu.region"() ({
      %run_scoped3A_72 = tpu.sem_alloc : memref<!tpu.dma_semaphore, #tpu.memory_space<semaphore_mem>>
      %dma_start3A_73 = arith.constant 0 : i32
      %dma_start3A_74 = arith.constant 0 : i32
      %dma_start3A_75 = tpu.memref_slice %arg9[%run_scoped3A_71, %dma_start3A_73, %dma_start3A_74] : memref<2x128x128xf32, #tpu.memory_space<vmem>> -> memref<1x128x128xf32, #tpu.memory_space<vmem>>
      %dma_start3A_76 = tpu.memref_squeeze %dma_start3A_75 : memref<1x128x128xf32, #tpu.memory_space<vmem>> -> memref<128x128xf32, #tpu.memory_space<vmem>>
      %dma_start3A_77 = arith.constant 0 : i32
      %dma_start3A_78 = tpu.memref_slice %arg5[%arg0, %add3A_70, %dma_start3A_77] : memref<2x10240x128xf32, #tpu.memory_space<hbm>> -> memref<1x128x128xf32, #tpu.memory_space<hbm>>
      %dma_start3A_79 = tpu.memref_squeeze %dma_start3A_78 : memref<1x128x128xf32, #tpu.memory_space<hbm>> -> memref<128x128xf32, #tpu.memory_space<hbm>>
      %dma_start3A_80 = arith.constant 0 : i32
      %dma_start3A_81 = tpu.memref_slice %arg5[%arg0, %add3A_70, %dma_start3A_80] : memref<2x10240x128xf32, #tpu.memory_space<hbm>> -> memref<1x128x128xf32, #tpu.memory_space<hbm>>
      %dma_start3A_82 = tpu.memref_squeeze %dma_start3A_81 : memref<1x128x128xf32, #tpu.memory_space<hbm>> -> memref<128x128xf32, #tpu.memory_space<hbm>>
      %dma_start3A_83 = arith.constant 0 : i32
      %dma_start3A_84 = arith.constant 0 : i32
      %dma_start3A_85 = tpu.memref_slice %arg9[%run_scoped3A_71, %dma_start3A_83, %dma_start3A_84] : memref<2x128x128xf32, #tpu.memory_space<vmem>> -> memref<1x128x128xf32, #tpu.memory_space<vmem>>
      %dma_start3A_86 = tpu.memref_squeeze %dma_start3A_85 : memref<1x128x128xf32, #tpu.memory_space<vmem>> -> memref<128x128xf32, #tpu.memory_space<vmem>>
      tpu.enqueue_dma source(%dma_start3A_86 : memref<128x128xf32, #tpu.memory_space<vmem>>) target(%dma_start3A_82 : memref<128x128xf32, #tpu.memory_space<hbm>>) target_semaphore(%run_scoped3A_72 : memref<!tpu.dma_semaphore, #tpu.memory_space<semaphore_mem>>)
      %dma_wait3A = arith.constant 0 : i32
      %dma_wait3A_87 = arith.constant 0 : i32
      %dma_wait3A_88 = tpu.memref_slice %arg9[%run_scoped3A_71, %dma_wait3A, %dma_wait3A_87] : memref<2x128x128xf32, #tpu.memory_space<vmem>> -> memref<1x128x128xf32, #tpu.memory_space<vmem>>
      %dma_wait3A_89 = tpu.memref_squeeze %dma_wait3A_88 : memref<1x128x128xf32, #tpu.memory_space<vmem>> -> memref<128x128xf32, #tpu.memory_space<vmem>>
      %dma_wait3A_90 = arith.constant 0 : i32
      %dma_wait3A_91 = tpu.memref_slice %arg5[%arg0, %add3A_70, %dma_wait3A_90] : memref<2x10240x128xf32, #tpu.memory_space<hbm>> -> memref<1x128x128xf32, #tpu.memory_space<hbm>>
      %dma_wait3A_92 = tpu.memref_squeeze %dma_wait3A_91 : memref<1x128x128xf32, #tpu.memory_space<hbm>> -> memref<128x128xf32, #tpu.memory_space<hbm>>
      %dma_wait3A_93 = arith.constant 0 : i32
      %dma_wait3A_94 = tpu.memref_slice %arg5[%arg0, %add3A_70, %dma_wait3A_93] : memref<2x10240x128xf32, #tpu.memory_space<hbm>> -> memref<1x128x128xf32, #tpu.memory_space<hbm>>
      %dma_wait3A_95 = tpu.memref_squeeze %dma_wait3A_94 : memref<1x128x128xf32, #tpu.memory_space<hbm>> -> memref<128x128xf32, #tpu.memory_space<hbm>>
      %dma_wait3A_96 = arith.constant 0 : i32
      %dma_wait3A_97 = arith.constant 0 : i32
      %dma_wait3A_98 = tpu.memref_slice %arg9[%run_scoped3A_71, %dma_wait3A_96, %dma_wait3A_97] : memref<2x128x128xf32, #tpu.memory_space<vmem>> -> memref<1x128x128xf32, #tpu.memory_space<vmem>>
      %dma_wait3A_99 = tpu.memref_squeeze %dma_wait3A_98 : memref<1x128x128xf32, #tpu.memory_space<vmem>> -> memref<128x128xf32, #tpu.memory_space<vmem>>
      tpu.wait_dma2 semaphore(%run_scoped3A_72 : memref<!tpu.dma_semaphore, #tpu.memory_space<semaphore_mem>>) src(%dma_wait3A_99 : memref<128x128xf32, #tpu.memory_space<vmem>>) dst(%dma_wait3A_95 : memref<128x128xf32, #tpu.memory_space<hbm>>)
      tpu.yield
    }) : () -> ()
    return
  }
}

module attributes {stable_mosaic.version = 14 : i64} {
  func.func @body(%arg0: i32, %arg1: memref<2x1000x128xf32, #tpu.memory_space<vmem>>, %arg2: memref<2x1000x128xf32, #tpu.memory_space<vmem>>, %arg3: memref<1000x128xf32, #tpu.memory_space<vmem>>, %arg4: memref<128x128xf32, #tpu.memory_space<vmem>>, %arg5: memref<128x128xf32, #tpu.memory_space<vmem>>, %arg6: memref<1x128xf32, #tpu.memory_space<vmem>>, %arg7: memref<1000x128xf32, #tpu.memory_space<vmem>>) attributes {dimension_semantics = [#tpu.dimension_semantics<arbitrary>], iteration_bounds = array<i64: 10>, scalar_prefetch = 0 : i64, scratch_operands = 0 : i64, tpu.core_type = #tpu.core_type<tc>, window_params = [{transform_indices = @transform_0, window_bounds = array<i64: 2, 1000, 128>}, {transform_indices = @transform_1, window_bounds = array<i64: 2, 1000, 128>}, {transform_indices = @transform_2, window_bounds = array<i64: 1000, 128>}, {pipeline_mode = #tpu.pipeline_mode<synchronous>, transform_indices = @transform_3, window_bounds = array<i64: 128, 128>}, {pipeline_mode = #tpu.pipeline_mode<synchronous>, transform_indices = @transform_4, window_bounds = array<i64: 128, 128>}, {pipeline_mode = #tpu.pipeline_mode<synchronous>, transform_indices = @transform_5, window_bounds = array<i64: 1, 128>}, {transform_indices = @transform_6, window_bounds = array<i64: 1000, 128>}]} {
    %get3A = arith.constant 0 : index
    %get3A_0 = arith.constant 0 : index
    %get3A_1 = arith.constant 0 : index
    %get3A_2 = vector.load %arg1[%get3A, %get3A_0, %get3A_1] : memref<2x1000x128xf32, #tpu.memory_space<vmem>>, vector<1x1000x128xf32>
    %get3A_3 = vector.shape_cast %get3A_2 : vector<1x1000x128xf32> to vector<1000x128xf32>
    %get3A_4 = arith.constant 1 : index
    %get3A_5 = arith.constant 0 : index
    %get3A_6 = arith.constant 0 : index
    %get3A_7 = vector.load %arg1[%get3A_4, %get3A_5, %get3A_6] : memref<2x1000x128xf32, #tpu.memory_space<vmem>>, vector<1x1000x128xf32>
    %get3A_8 = vector.shape_cast %get3A_7 : vector<1x1000x128xf32> to vector<1000x128xf32>
    %add3A = arith.addf %get3A_3, %get3A_8 : vector<1000x128xf32>
    %get3A_9 = arith.constant 0 : index
    %get3A_10 = arith.constant 0 : index
    %get3A_11 = arith.constant 0 : index
    %get3A_12 = vector.load %arg2[%get3A_9, %get3A_10, %get3A_11] : memref<2x1000x128xf32, #tpu.memory_space<vmem>>, vector<1x1000x1xf32>
    %get3A_13 = vector.shape_cast %get3A_12 : vector<1x1000x1xf32> to vector<1000x1xf32>
    %get3A_14 = arith.constant 1 : index
    %get3A_15 = arith.constant 0 : index
    %get3A_16 = arith.constant 0 : index
    %get3A_17 = vector.load %arg2[%get3A_14, %get3A_15, %get3A_16] : memref<2x1000x128xf32, #tpu.memory_space<vmem>>, vector<1x1000x1xf32>
    %get3A_18 = vector.shape_cast %get3A_17 : vector<1x1000x1xf32> to vector<1000x1xf32>
    %add3A_19 = arith.addf %get3A_13, %get3A_18 : vector<1000x1xf32>
    %max3A = arith.constant 1.000000e+00 : f32
    %max3A_20 = vector.broadcast %max3A : f32 to vector<1000x1xf32>
    %max3A_21 = arith.maximumf %add3A_19, %max3A_20 : vector<1000x1xf32>
    %div3A = vector.broadcast %max3A_21 : vector<1000x1xf32> to vector<1000x128xf32>
    %div3A_22 = arith.divf %add3A, %div3A : vector<1000x128xf32>
    %get3A_23 = arith.constant 0 : index
    %get3A_24 = arith.constant 0 : index
    %get3A_25 = vector.load %arg4[%get3A_23, %get3A_24] : memref<128x128xf32, #tpu.memory_space<vmem>>, vector<128x128xf32>
    %dot_general3A = arith.constant dense<0.000000e+00> : vector<1000x128xf32>
    %dot_general3A_26 = tpu.matmul %div3A_22, %get3A_25, %dot_general3A {dimension_numbers = #tpu.dot_dimension_numbers<[1], [0], [0], [1], [0, 0, 1, 1], [], []>, transpose_lhs_hint = false} : vector<1000x128xf32>, vector<128x128xf32>, vector<1000x128xf32> -> vector<1000x128xf32>
    %get3A_27 = arith.constant 0 : index
    %get3A_28 = arith.constant 0 : index
    %get3A_29 = vector.load %arg3[%get3A_27, %get3A_28] : memref<1000x128xf32, #tpu.memory_space<vmem>>, vector<1000x128xf32>
    %get3A_30 = arith.constant 0 : index
    %get3A_31 = arith.constant 0 : index
    %get3A_32 = vector.load %arg5[%get3A_30, %get3A_31] : memref<128x128xf32, #tpu.memory_space<vmem>>, vector<128x128xf32>
    %dot_general3A_33 = arith.constant dense<0.000000e+00> : vector<1000x128xf32>
    %dot_general3A_34 = tpu.matmul %get3A_29, %get3A_32, %dot_general3A_33 {dimension_numbers = #tpu.dot_dimension_numbers<[1], [0], [0], [1], [0, 0, 1, 1], [], []>, transpose_lhs_hint = false} : vector<1000x128xf32>, vector<128x128xf32>, vector<1000x128xf32> -> vector<1000x128xf32>
    %add3A_35 = arith.addf %dot_general3A_26, %dot_general3A_34 : vector<1000x128xf32>
    %get3A_36 = arith.constant 0 : index
    %get3A_37 = arith.constant 0 : index
    %get3A_38 = vector.load %arg6[%get3A_36, %get3A_37] : memref<1x128xf32, #tpu.memory_space<vmem>>, vector<1x128xf32>
    %add3A_39 = vector.broadcast %get3A_38 : vector<1x128xf32> to vector<1000x128xf32>
    %add3A_40 = arith.addf %add3A_35, %add3A_39 : vector<1000x128xf32>
    %max3A_41 = arith.constant 0.000000e+00 : f32
    %max3A_42 = vector.broadcast %max3A_41 : f32 to vector<1000x128xf32>
    %max3A_43 = arith.maximumf %add3A_40, %max3A_42 : vector<1000x128xf32>
    %swap3A = arith.constant 0 : index
    %swap3A_44 = arith.constant 0 : index
    %swap3A_45 = vector.load %arg7[%swap3A, %swap3A_44] : memref<1000x128xf32, #tpu.memory_space<vmem>>, vector<1000x128xf32>
    tpu.vector_store %arg7[%swap3A, %swap3A_44], %max3A_43 {strides = array<i32>} : memref<1000x128xf32, #tpu.memory_space<vmem>>, vector<1000x128xf32>,
    return
  }
  func.func @transform_0(%arg0: i32) -> (i32, i32, i32) {
    %c0_i32 = arith.constant 0 : i32
    %c0_i32_0 = arith.constant 0 : i32
    %c0_i32_1 = arith.constant 0 : i32
    return %c0_i32, %arg0, %c0_i32_0 : i32, i32, i32
  }
  func.func @transform_1(%arg0: i32) -> (i32, i32, i32) {
    %c0_i32 = arith.constant 0 : i32
    %c0_i32_0 = arith.constant 0 : i32
    %c0_i32_1 = arith.constant 0 : i32
    return %c0_i32, %arg0, %c0_i32_0 : i32, i32, i32
  }
  func.func @transform_2(%arg0: i32) -> (i32, i32) {
    %c0_i32 = arith.constant 0 : i32
    %c0_i32_0 = arith.constant 0 : i32
    return %arg0, %c0_i32 : i32, i32
  }
  func.func @transform_3(%arg0: i32) -> (i32, i32) {
    %c0_i32 = arith.constant 0 : i32
    %c0_i32_0 = arith.constant 0 : i32
    %c0_i32_1 = arith.constant 0 : i32
    return %c0_i32, %c0_i32_0 : i32, i32
  }
  func.func @transform_4(%arg0: i32) -> (i32, i32) {
    %c0_i32 = arith.constant 0 : i32
    %c0_i32_0 = arith.constant 0 : i32
    %c0_i32_1 = arith.constant 0 : i32
    return %c0_i32, %c0_i32_0 : i32, i32
  }
  func.func @transform_5(%arg0: i32) -> (i32, i32) {
    %c0_i32 = arith.constant 0 : i32
    %c0_i32_0 = arith.constant 0 : i32
    %c0_i32_1 = arith.constant 0 : i32
    return %c0_i32, %c0_i32_0 : i32, i32
  }
  func.func @transform_6(%arg0: i32) -> (i32, i32) {
    %c0_i32 = arith.constant 0 : i32
    %c0_i32_0 = arith.constant 0 : i32
    return %arg0, %c0_i32 : i32, i32
  }
}

module attributes {stable_mosaic.version = 14 : i64} {
  func.func @body(%arg0: i32, %arg1: memref<2x1000x128xf32, #tpu.memory_space<vmem>>, %arg2: memref<2x1000x128xf32, #tpu.memory_space<vmem>>, %arg3: memref<1000x128xf32, #tpu.memory_space<vmem>>, %arg4: memref<128x128xf32, #tpu.memory_space<vmem>>, %arg5: memref<128x128xf32, #tpu.memory_space<vmem>>, %arg6: memref<1x128xf32, #tpu.memory_space<vmem>>, %arg7: memref<1000x128xf32, #tpu.memory_space<vmem>>) attributes {dimension_semantics = [#tpu.dimension_semantics<arbitrary>], iteration_bounds = array<i64: 10>, scalar_prefetch = 0 : i64, scratch_operands = 0 : i64, tpu.core_type = #tpu.core_type<tc>, window_params = [{transform_indices = @transform_0, window_bounds = array<i64: 2, 1000, 128>}, {transform_indices = @transform_1, window_bounds = array<i64: 2, 1000, 128>}, {transform_indices = @transform_2, window_bounds = array<i64: 1000, 128>}, {pipeline_mode = #tpu.pipeline_mode<synchronous>, transform_indices = @transform_3, window_bounds = array<i64: 128, 128>}, {pipeline_mode = #tpu.pipeline_mode<synchronous>, transform_indices = @transform_4, window_bounds = array<i64: 128, 128>}, {pipeline_mode = #tpu.pipeline_mode<synchronous>, transform_indices = @transform_5, window_bounds = array<i64: 1, 128>}, {transform_indices = @transform_6, window_bounds = array<i64: 1000, 128>}]} {
    %get3A = arith.constant 0 : index
    %get3A_0 = arith.constant 0 : index
    %get3A_1 = arith.constant 0 : index
    %get3A_2 = vector.load %arg1[%get3A, %get3A_0, %get3A_1] : memref<2x1000x128xf32, #tpu.memory_space<vmem>>, vector<1x1000x128xf32>
    %get3A_3 = vector.shape_cast %get3A_2 : vector<1x1000x128xf32> to vector<1000x128xf32>
    %get3A_4 = arith.constant 1 : index
    %get3A_5 = arith.constant 0 : index
    %get3A_6 = arith.constant 0 : index
    %get3A_7 = vector.load %arg1[%get3A_4, %get3A_5, %get3A_6] : memref<2x1000x128xf32, #tpu.memory_space<vmem>>, vector<1x1000x128xf32>
    %get3A_8 = vector.shape_cast %get3A_7 : vector<1x1000x128xf32> to vector<1000x128xf32>
    %add3A = arith.addf %get3A_3, %get3A_8 : vector<1000x128xf32>
    %get3A_9 = arith.constant 0 : index
    %get3A_10 = arith.constant 0 : index
    %get3A_11 = arith.constant 0 : index
    %get3A_12 = vector.load %arg2[%get3A_9, %get3A_10, %get3A_11] : memref<2x1000x128xf32, #tpu.memory_space<vmem>>, vector<1x1000x1xf32>
    %get3A_13 = vector.shape_cast %get3A_12 : vector<1x1000x1xf32> to vector<1000x1xf32>
    %get3A_14 = arith.constant 1 : index
    %get3A_15 = arith.constant 0 : index
    %get3A_16 = arith.constant 0 : index
    %get3A_17 = vector.load %arg2[%get3A_14, %get3A_15, %get3A_16] : memref<2x1000x128xf32, #tpu.memory_space<vmem>>, vector<1x1000x1xf32>
    %get3A_18 = vector.shape_cast %get3A_17 : vector<1x1000x1xf32> to vector<1000x1xf32>
    %add3A_19 = arith.addf %get3A_13, %get3A_18 : vector<1000x1xf32>
    %max3A = arith.constant 1.000000e+00 : f32
    %max3A_20 = vector.broadcast %max3A : f32 to vector<1000x1xf32>
    %max3A_21 = arith.maximumf %add3A_19, %max3A_20 : vector<1000x1xf32>
    %div3A = vector.broadcast %max3A_21 : vector<1000x1xf32> to vector<1000x128xf32>
    %div3A_22 = arith.divf %add3A, %div3A : vector<1000x128xf32>
    %get3A_23 = arith.constant 0 : index
    %get3A_24 = arith.constant 0 : index
    %get3A_25 = vector.load %arg4[%get3A_23, %get3A_24] : memref<128x128xf32, #tpu.memory_space<vmem>>, vector<128x128xf32>
    %dot_general3A = arith.constant dense<0.000000e+00> : vector<1000x128xf32>
    %dot_general3A_26 = tpu.matmul %div3A_22, %get3A_25, %dot_general3A {dimension_numbers = #tpu.dot_dimension_numbers<[1], [0], [0], [1], [0, 0, 1, 1], [], []>, transpose_lhs_hint = false} : vector<1000x128xf32>, vector<128x128xf32>, vector<1000x128xf32> -> vector<1000x128xf32>
    %get3A_27 = arith.constant 0 : index
    %get3A_28 = arith.constant 0 : index
    %get3A_29 = vector.load %arg3[%get3A_27, %get3A_28] : memref<1000x128xf32, #tpu.memory_space<vmem>>, vector<1000x128xf32>
    %get3A_30 = arith.constant 0 : index
    %get3A_31 = arith.constant 0 : index
    %get3A_32 = vector.load %arg5[%get3A_30, %get3A_31] : memref<128x128xf32, #tpu.memory_space<vmem>>, vector<128x128xf32>
    %dot_general3A_33 = arith.constant dense<0.000000e+00> : vector<1000x128xf32>
    %dot_general3A_34 = tpu.matmul %get3A_29, %get3A_32, %dot_general3A_33 {dimension_numbers = #tpu.dot_dimension_numbers<[1], [0], [0], [1], [0, 0, 1, 1], [], []>, transpose_lhs_hint = false} : vector<1000x128xf32>, vector<128x128xf32>, vector<1000x128xf32> -> vector<1000x128xf32>
    %add3A_35 = arith.addf %dot_general3A_26, %dot_general3A_34 : vector<1000x128xf32>
    %get3A_36 = arith.constant 0 : index
    %get3A_37 = arith.constant 0 : index
    %get3A_38 = vector.load %arg6[%get3A_36, %get3A_37] : memref<1x128xf32, #tpu.memory_space<vmem>>, vector<1x128xf32>
    %add3A_39 = vector.broadcast %get3A_38 : vector<1x128xf32> to vector<1000x128xf32>
    %add3A_40 = arith.addf %add3A_35, %add3A_39 : vector<1000x128xf32>
    %swap3A = arith.constant 0 : index
    %swap3A_41 = arith.constant 0 : index
    %swap3A_42 = vector.load %arg7[%swap3A, %swap3A_41] : memref<1000x128xf32, #tpu.memory_space<vmem>>, vector<1000x128xf32>
    tpu.vector_store %arg7[%swap3A, %swap3A_41], %add3A_40 {strides = array<i32>} : memref<1000x128xf32, #tpu.memory_space<vmem>>, vector<1000x128xf32>,
    return
  }
  func.func @transform_0(%arg0: i32) -> (i32, i32, i32) {
    %c0_i32 = arith.constant 0 : i32
    %c0_i32_0 = arith.constant 0 : i32
    %c0_i32_1 = arith.constant 0 : i32
    return %c0_i32, %arg0, %c0_i32_0 : i32, i32, i32
  }
  func.func @transform_1(%arg0: i32) -> (i32, i32, i32) {
    %c0_i32 = arith.constant 0 : i32
    %c0_i32_0 = arith.constant 0 : i32
    %c0_i32_1 = arith.constant 0 : i32
    return %c0_i32, %arg0, %c0_i32_0 : i32, i32, i32
  }
  func.func @transform_2(%arg0: i32) -> (i32, i32) {
    %c0_i32 = arith.constant 0 : i32
    %c0_i32_0 = arith.constant 0 : i32
    return %arg0, %c0_i32 : i32, i32
  }
  func.func @transform_3(%arg0: i32) -> (i32, i32) {
    %c0_i32 = arith.constant 0 : i32
    %c0_i32_0 = arith.constant 0 : i32
    %c0_i32_1 = arith.constant 0 : i32
    return %c0_i32, %c0_i32_0 : i32, i32
  }
  func.func @transform_4(%arg0: i32) -> (i32, i32) {
    %c0_i32 = arith.constant 0 : i32
    %c0_i32_0 = arith.constant 0 : i32
    %c0_i32_1 = arith.constant 0 : i32
    return %c0_i32, %c0_i32_0 : i32, i32
  }
  func.func @transform_5(%arg0: i32) -> (i32, i32) {
    %c0_i32 = arith.constant 0 : i32
    %c0_i32_0 = arith.constant 0 : i32
    %c0_i32_1 = arith.constant 0 : i32
    return %c0_i32, %c0_i32_0 : i32, i32
  }
  func.func @transform_6(%arg0: i32) -> (i32, i32) {
    %c0_i32 = arith.constant 0 : i32
    %c0_i32_0 = arith.constant 0 : i32
    return %arg0, %c0_i32 : i32, i32
  }
}

</mosaic_0001>

<sc_bundles>
// kernel: kernel.10.cloned.1.call-start
scs
__scs_entry_jumppad:
0x0: {  	(pc) =	sbr.rel $0x88, $3  }
0x1: {  	(tag) =	ssettag $0x0;
	lr =	simm.s32 $0x1  }
0x2: {  	[smem:$0x3F99] =	sst lr;
	_ =	strace $0xD0000000  }
0x3: {  	_ = 	snop  }
0x4: {  	_ = 	snop  }
0x5: {  	_ = 	snop  }
0x6: {  	_ = 	snop  }
0x7: {  	_ = 	snop  }
__scs_overlays_trampoline_lowered:
0x8: {  	[smem:$0x3FA8] =	sst s0  }
0x9: {  	[smem:$0x3FA9] =	sst s1  }
0xa: {  	[smem:$0x3FAA] =	sst s2  }
0xb: {  	[smem:$0x3FAB] =	sst s3  }
0xc: {  	[smem:$0x3FAC] =	sst s4  }
0xd: {  	[smem:$0x3FAD] =	sst s5  }
0xe: {  	[smem:$0x3FAE] =	sst s6  }
0xf: {  	[smem:$0x3FAF] =	sst s7  }
0x10: {  	[smem:$0x3FB0] =	sst s8  }
0x11: {  	[smem:$0x3FB1] =	sst s9;
	s0 =	simm.s32 @!p0 $0x0  }
0x12: {  	s1 =	sld [smem:$0x3F97];
	s0 =	simm.s32 @p0 $0x1  }
0x13: {  	[smem:$0x3FB2] =	sst s0;
	s0 =	simm.s32 @!p1 $0x0  }
0x14: {  	s2 =	sld [smem:$0x3F96];
	s0 =	simm.s32 @p1 $0x1  }
0x15: {  	[smem:$0x3FB3] =	sst s0;
	s0 =	simm.s32 @!p2 $0x0  }
0x16: {  	s3 =	sld [smem:$0x3FDB];
	s0 =	simm.s32 @p2 $0x1  }
0x17: {  	s4 =	simm.s32 $0x1BF5;
	[smem:$0x3FB5] =	sst s0  }
0x18: {  	s0 =	sld [smem:$0x3F98];
	_ =	swait.ge [sflag:s4], $0x0  }
0x19: {  	s7 =	sld [smem:$0x3F99]  }
0x1a: {  	s8 =	sadd.s32 $0xFFFFE003, lr  }
0x1b: {  	s9 =	sadd.s32 $0xFFFFFEF7, lr;
	s5 =	simm.s32 $0xFFFFFFFF;
	p2 =	slt.u32 s8, $0xFFFFF086  }
0x1c: {  	p1 =	slt.u32 s9, $0xF7A;
	s5 =	simm.s32 @!p2 $0x0  }
0x1d: {  	s5 =	simm.s32 @p1 $0x1;
	p0 =	seq.s32 s7, s2  }
0x1e: {  	s7 =	smul.u32 @!p0 $0xF7A, s2;
	p2 =	seq.s32 @!p0 s5, $0x0  }
0x1f: {  	s9 =	smul.u32 $0xF7A, s1;
	s8 =	simm.s32 @!p0 $0x1BF5;
	p2 =	por !p2, p0  }
0x20: {  	[sflag:s8] =	ssyncset.s32 @!p0 $0xFFFFF086;
	s6 =	sadd.s32 @!p0 s3, s7;
	s7 =	simm.s32 @!p0 $0x108  }
0x21: {  	s3 =	sadd.s32 s3, s9;
	s6 =	sadd.s32 @!p0 $0x88, s6;
	s7 =	simm.s32 @p2 $0x1082  }
0x22: {  	[simem:s7], [sflag:s8] =	dma.local @!p0 [hbm:s6], $0xF7A  }
0x23: {  	s9 =	sor.u32 $0xD0000000, s2;
	s6 =	simm.s32 $0x108;
	_ =	swait.ge @!p0 [sflag:s8], $0x0  }
0x24: {  	s3 =	sadd.s32 $0x88, s3;
	s6 =	simm.s32 @!p1 $0x1082;
	[sflag:s4] =	ssyncset.s32 $0xFFFFF086  }
0x25: {  	[simem:s6], [sflag:s4] =	dma.local [hbm:s3], $0xF7A  }
0x26: {  	[smem:$0x3F99] =	sst s1;
	(tag) =	ssettag s2;
	_ =	strace s9  }
0x27: {  	s1 =	sld [smem:$0x3FA9]  }
0x28: {  	s2 =	sld [smem:$0x3FAA]  }
0x29: {  	s4 =	sld [smem:$0x3FAC]  }
0x2a: {  	p0 =	seq.s32 s5, $0x0;
	s5 =	sld [smem:$0x3FAD]  }
0x2b: {  	s6 =	sld [smem:$0x3FAE]  }
0x2c: {  	s7 =	sld [smem:$0x3FAF]  }
0x2d: {  	s3 =	simm.s32 $0x108;
	s8 =	sld [smem:$0x3FB0]  }
0x2e: {  	s3 =	simm.s32 @!p0 $0x1082;
	s9 =	sld [smem:$0x3FB1]  }
0x2f: {  	lr =	sadd.s32 s0, s3;
	s0 =	sld [smem:$0x3FA8]  }
0x30: {  	s3 =	sld [smem:$0x3FAB]  }
0x31: {  	[smem:$0x3FB4] =	sst s10  }
0x32: {  	s10 =	sld [smem:$0x3FB2];
	_ =	sdelay $0x3  }
0x33: {  	p0 =	seq.s32 s10, $0x1;
	s10 =	sld [smem:$0x3FB4];
	_ =	sdelay $0x3  }
0x34: {  	[smem:$0x3FB4] =	sst s10  }
0x35: {  	s10 =	sld [smem:$0x3FB3];
	_ =	sdelay $0x3  }
0x36: {  	p1 =	seq.s32 s10, $0x1;
	s10 =	sld [smem:$0x3FB4];
	_ =	sdelay $0x3  }
0x37: {  	[smem:$0x3FB4] =	sst s10  }
0x38: {  	s10 =	sld [smem:$0x3FB5]  }
0x39: {  	_ = 	snop;
	(pc) =	sbr.ind lr, $3  }
0x3a: {  	_ = 	snop  }
0x3b: {  	_ = 	snop  }
0x3c: {  	p2 =	seq.s32 s10, $0x1;
	s10 =	sld [smem:$0x3FB4]  }
0x3d: {  	_ =	shalt  }
0x3e: {  	_ =	shalt  }
0x3f: {  	_ =	shalt  }
0x40: {  	_ =	shalt  }
0x41: {  	_ =	shalt  }
0x42: {  	_ =	shalt  }
0x43: {  	_ =	shalt  }
0x44: {  	_ =	shalt  }
0x45: {  	_ =	shalt  }
0x46: {  	_ =	shalt  }
0x47: {  	_ =	shalt  }
0x48: {  	_ =	shalt  }
0x49: {  	_ =	shalt  }
0x4a: {  	_ =	shalt  }
0x4b: {  	_ =	shalt  }
0x4c: {  	_ =	shalt  }
0x4d: {  	_ =	shalt  }
0x4e: {  	_ =	shalt  }
0x4f: {  	_ =	shalt  }
0x50: {  	_ =	shalt  }
0x51: {  	_ =	shalt  }
0x52: {  	_ =	shalt  }
0x53: {  	_ =	shalt  }
0x54: {  	_ =	shalt  }
0x55: {  	_ =	shalt  }
0x56: {  	_ =	shalt  }
0x57: {  	_ =	shalt  }
0x58: {  	_ =	shalt  }
0x59: {  	_ =	shalt  }
0x5a: {  	_ =	shalt  }
0x5b: {  	_ =	shalt  }
0x5c: {  	_ =	shalt  }
0x5d: {  	_ =	shalt  }
0x5e: {  	_ =	shalt  }
0x5f: {  	_ =	shalt  }
0x60: {  	_ =	shalt  }
0x61: {  	_ =	shalt  }
0x62: {  	_ =	shalt  }
0x63: {  	_ =	shalt  }
0x64: {  	_ =	shalt  }
0x65: {  	_ =	shalt  }
0x66: {  	_ =	shalt  }
0x67: {  	_ =	shalt  }
0x68: {  	_ =	shalt  }
0x69: {  	_ =	shalt  }
0x6a: {  	_ =	shalt  }
0x6b: {  	_ =	shalt  }
0x6c: {  	_ =	shalt  }
0x6d: {  	_ =	shalt  }
0x6e: {  	_ =	shalt  }
0x6f: {  	_ =	shalt  }
0x70: {  	_ =	shalt  }
0x71: {  	_ =	shalt  }
0x72: {  	_ =	shalt  }
0x73: {  	_ =	shalt  }
0x74: {  	_ =	shalt  }
0x75: {  	_ =	shalt  }
0x76: {  	_ =	shalt  }
0x77: {  	_ =	shalt  }
0x78: {  	_ =	shalt  }
0x79: {  	_ =	shalt  }
0x7a: {  	_ =	shalt  }
0x7b: {  	_ =	shalt  }
0x7c: {  	_ =	shalt  }
0x7d: {  	_ =	shalt  }
0x7e: {  	_ =	shalt  }
0x7f: {  	_ =	shalt  }
0x80: {  	_ =	shalt  }
0x81: {  	_ =	shalt  }
0x82: {  	_ =	shalt  }
0x83: {  	_ =	shalt  }
0x84: {  	_ =	shalt  }
0x85: {  	_ =	shalt  }
0x86: {  	_ =	shalt  }
0x87: {  	_ =	shalt  }
.Lfunc_end0:
.L_simem_size_0:
called_computation.1_lowered:
.L_overlay_start_0:
0x88: {  	s2 =	sld [smem:$0x3FD9]  }
0x89: {  	s3 =	sld [smem:$0x3FFE];
	_ =	sdelay $0x1  }
0x8a: {  	s1 =	srdreg.scid  }
0x8b: {  	s0 =	sand.u32 $0x1, s1  }
0x8c: {  	s17 =	sshll.u32 s0, $0xA;
	s2 =	sadd.s32 s3, s2  }
0x8d: {  	s2 =	sadd.s32 s2, s17  }
0x8e: {  	[smem:$0x3FC0] =	sst s2  }
0x8f: {  	_ = 	snop  }
0x90: {  	s2 =	sld [smem:$0x3FC8];
	(tm) =	ssettm $0x1  }
0x91: {  	s18 =	sld [smem:$0x3FFB];
	_ =	sdelay $0x3  }
0x92: {  	_ =	strace s18  }
0x93: {  	s3 =	sld [smem:$0x3FFC];
	_ =	sdelay $0x3  }
0x94: {  	_ =	strace s3  }
0x95: {  	s3 =	sld [smem:$0x3FFD];
	_ =	sdelay $0x3  }
0x96: {  	_ =	strace s3  }
0x97: {  	_ =	strace $0x8FFFFFFF  }
0x98: {  	s19 =	sld [smem:$0x3FDB];
	_ =	sdelay $0x1  }
0x99: {  	s4 =	simm.s32 $_scs_section_size  }
0x9a: {  	s5 =	simm.s32 $_size__tile_overlayer_lowered;
	s6 =	simm.s32 $_tile_overlayer_lowered  }
0x9b: {  	s22 =	simm.s32 $0x1BFF;
	s21 =	sshll.u32 s6, $0x1;
	s3 =	sadd.s32 s4, s19  }
0x9c: {  	s7 =	simm.s32 $0x0;
	s20 =	sshll.u32 s5, $0x1;
	s5 =	sadd.s32 s21, s3  }
0x9d: {  	[timem:s7], [sflag:s22] =	dma.local [hbm:s5], s20  }
0x9e: {  	_ =	swait.ge [sflag:s22], s20  }
0x9f: {  	s4 =	ssub.s32 $0x0, s20;
	[sflag:s22] =	ssyncset.done $0x0  }
0xa0: {  	[sflag:s22] =	ssyncadd.s32 s4;
	_ =	sdelay $0x1  }
0xa1: {  	s23 =	simm.s32 $0x1B8B  }
0xa2: {  	_ =	swait.ge [sflag:s23], $0x1  }
0xa3: {  	[sflag:s23] =	ssyncset.done $0x0  }
0xa4: {  	s25 =	simm.s32 $0x1B8E;
	s24 =	sld [smem:$0x3FFE];
	[sflag:s23] =	ssyncadd.s32 $0xFFFFFFFF  }
0xa5: {  	s26 =	simm.s32 $execute0_lowered;
	[smem:$0x3FD2] =	sst s25  }
0xa6: {  	s5 =	sshll.u32 s26, $0x1;
	_ =	strace $0x80000046;
	[dreg:$0x1] =	wrdreg $0xFFFFFFFF  }
0xa7: {  	s28 =	simm.s32 $_size_execute0_lowered;
	s3 =	sadd.s32 s3, s5;
	[dreg:$0x0] =	wrdreg $0x0  }
0xa8: {  	s5 =	sshll.u32 s28, $0x1;
	[dreg:$0x2] =	wrdreg s3  }
0xa9: {  	[dreg:$0x3] =	wrdreg s5  }
0xaa: {  	[dreg:$0x4] =	wrdreg $0xC0  }
0xab: {  	_ =	task [dreg:s7], $0x5FFFF  }
0xac: {  	[dreg:$0x1] =	wrdreg $0xFFFFFFFF  }
0xad: {  	[dreg:$0x0] =	wrdreg $0x60  }
0xae: {  	[dreg:$0x2] =	wrdreg s2  }
0xaf: {  	[dreg:$0x3] =	wrdreg s24  }
0xb0: {  	[dreg:$0x4] =	wrdreg $0x0  }
0xb1: {  	[dreg:$0x5] =	wrdreg $0xA  }
0xb2: {  	_ =	task.clear_ibuf [dreg:s7], $0x6FFFF;
	_ =	strace $0x90000046  }
0xb3: {  	s29 =	simm.s32 $0xA;
	_ =	strace $0x80000048  }
0xb4: {  	_ =	swait.ge [sflag:s29], $0x1  }
0xb5: {  	[sflag:s29] =	ssyncadd.s32 $0xFFFFFFFF  }
0xb6: {  	_ =	strace $0x90000048  }
0xb7: {  	_ =	sfence  }
0xb8: {  	s30 =	sld [smem:$0x0];
	_ =	sdelay $0x2  }
0xb9: {  	s31 =	sshll.u32 s1, $0xD;
	s1 =	sshrl.u32 s1, $0x2  }
0xba: {  	s3 =	sand.u32 $0x4000, s31;
	s1 =	sadd.s32 s1, s30  }
0xbb: {  	s0 =	sor.u32 s3, s0;
	s1 =	sshll.u32 s1, $0x11  }
0xbc: {  	s0 =	sor.u32 s1, s0  }
0xbd: {  	s0 =	sadd.s32 $0x8F2B, s0  }
0xbe: {  	[sflag:s0] =	ssyncadd.remote.s32 $0x1  }
0xbf: {  	_ =	sfence.sel $0xFFFF  }
0xc0: {  	[dreg:$0x0] =	wrdreg $0xFFFFFFFF;
	(pc) =	sbr.abs _section_cstart, $3  }
0xc1: {  	[dreg:$0x1] =	wrdreg $0xFFFFFFFF  }
0xc2: {  	_ =	task.clear_ibuf [dreg:s7], $0x2FFFF;
	_ =	strace $0x9FFFFFFF  }
0xc3: {  	(tm) =	ssettm $0x7FFFFFFF  }
tec
execute0_lowered:
.L_overlay_start_1:
0x0: {  	(tag) =	ssettag $0x1  }
0x1: {  	s1 =	rddreg [dreg:$0x0]  }
0x2: {  	s0 =	rddreg [dreg:$0x1]  }
0x3: {  	s2 =	rddreg [dreg:$0x2]  }
0x4: {  	s3 =	simm.s32 $0x0;
	s4 =	srdreg.scid;
	s10 =	stileid.u32  }
0x5: {  	s21 =	simm.s32 $0x14180;
	s22 =	simm.s32 $0x2;
	s23 =	simm.s32 $0x14000  }
0x6: {  	s28 =	simm.s32 $0x0;
	[smem:$0x7FF] =	sst s3;
	s5 =	sadd.s32 $0xC000, s0  }
0x7: {  	s4 =	sand.u32 $0x1, s4;
	s6 =	sadd.s32 $0x2000, s0;
	s8 =	smul.u32 $0x50000, s10  }
0x8: {  	s0 =	sadd.s32 $0x16000, s0;
	s13 =	smul.u32 $0x14000, s10;
	s24 =	sshll.u32 s10, $0x1  }
0x9: {  	_ =	strace $0x80000047;
	s7 =	ssub.s32 $0x2, s4;
	s25 =	sor.u32 s4, s24  }
0xa: {  	s4 =	smul.u32 $0x140000, s4;
	s24 =	simm.s32 $0x80;
	s9 =	sshrl.u32 s7, $0x1  }
0xb: {  	s8 =	sshrl.u32 s8, $0x2;
	s15 =	sadd.s32 $0x4000, s13;
	s16 =	sadd.s32 $0x8000, s13  }
0xc: {  	s17 =	sadd.s32 $0xC000, s13;
	s18 =	sadd.s32 $0x10000, s13;
	s14 =	ssub.s32 s7, s9  }
0xd: {  	s7 =	sadd.s32 s8, s2;
	s8 =	sadd.s32 s15, s2;
	s9 =	smul.u32 $0x2800, s25  }
0xe: {  	s10 =	sadd.s32 s16, s2;
	s11 =	sadd.s32 s17, s2;
	s12 =	sadd.s32 s18, s2  }
0xf: {  	s13 =	sadd.s32 s13, s4;
	s15 =	sadd.s32 s4, s15;
	s29 =	sadd.s32 s4, s16  }
0x10: {  	s17 =	sadd.s32 s4, s17;
	s4 =	sadd.s32 s4, s18;
	s25 =	simm.s32 $0x14100  }
0x11: {  	s13 =	sshrl.u32 s13, $0x3;
	s15 =	sshrl.u32 s15, $0x3;
	s30 =	sshrl.u32 s17, $0x3  }
0x12: {  	s4 =	sshrl.u32 s4, $0x3;
	s19 =	sshrl.u32 s9, $0x3;
	s13 =	sadd.s32 s0, s13  }
0x13: {  	s26 =	sadd.s32 s0, s15;
	s18 =	sadd.s32 s0, s4;
	[dreg:$0x5] =	wrdreg s13  }
0x14: {  	s20 =	sadd.s32 s5, s19;
	[dreg:$0x6] =	wrdreg s26;
	s13 =	sshrl.u32 s29, $0x3  }
0x15: {  	s31 =	sadd.s32 s6, s19;
	[dreg:$0x4] =	wrdreg s20;
	s13 =	sadd.s32 s0, s13  }
0x16: {  	s19 =	smax.u32 s14, $0x1;
	[dreg:$0x7] =	wrdreg s13;
	s13 =	sadd.s32 s0, s30  }
0x17: {  	v0 =	vimm.f32 $0.0e+00;
	s26 =	simm.s32 $0x1;
	s20 =	sadd.s32 $0x4E0, s31;
	[dreg:$0x8] =	wrdreg s13  }
.LBB2_1:
0x18: {  	s0 =	simm.s32 $0x0;
	s4 =	simm.s32 $0x200  }
.LBB2_2:
0x19: {  	p0 =	sne.s32 s4, $0xFE00;
	[tilespmem:s0+$0x141F0] =	vst v0  }
0x1a: {  	[tilespmem:s0+$0x14180] =	vst v0  }
0x1b: {  	[tilespmem:s0+$0x14190] =	vst v0  }
.Ltmp0:
0x1c: {  	[tilespmem:s0+$0x141A0] =	vst v0;
	(pc) =	sbr.rel @p0 .LBB2_2-.Ltmp0, $4  }
0x1d: {  	[tilespmem:s0+$0x141B0] =	vst v0  }
0x1e: {  	[tilespmem:s0+$0x141C0] =	vst v0  }
0x1f: {  	[tilespmem:s0+$0x141D0] =	vst v0  }
0x20: {  	[tilespmem:s0+$0x141E0] =	vst v0;
	s0 =	sshra.s32 s4, $0x2;
	s4 =	sadd.s32 $0x200, s4  }
0x21: {  	[tilespmem:s0+$0x141F0] =	vst v0  }
0x22: {  	[tilespmem:s0+$0x14180] =	vst v0  }
0x23: {  	[tilespmem:s0+$0x14190] =	vst v0  }
0x24: {  	[tilespmem:s0+$0x141A0] =	vst v0  }
0x25: {  	[tilespmem:s0+$0x141B0] =	vst v0  }
0x26: {  	[tilespmem:s0+$0x141C0] =	vst v0  }
0x27: {  	[tilespmem:s0+$0x141D0] =	vst v0  }
0x28: {  	[tilespmem:s0+$0x141E0] =	vst v0  }
0x29: {  	[spmem:s7] =	stream.linear.scatter [tilespmem:s21], [sflag:$0x2], $0x4000, $0x38;
	[tilespmem:$0x1C180] =	vst v63  }
0x2a: {  	_ =	swait.ge [sflag:s22], $0x4000  }
0x2b: {  	[sflag:s22] =	ssyncset.done $0x0  }
0x2c: {  	[sflag:s22] =	ssyncadd.s32 $0xFFFFC000  }
0x2d: {  	[spmem:s8] =	stream.linear.scatter [tilespmem:s21], [sflag:$0x2], $0x4000, $0x38;
	[tilespmem:$0x1C180] =	vst v63  }
0x2e: {  	_ =	swait.ge [sflag:s22], $0x4000  }
0x2f: {  	[sflag:s22] =	ssyncset.done $0x0  }
0x30: {  	[sflag:s22] =	ssyncadd.s32 $0xFFFFC000  }
0x31: {  	[spmem:s10] =	stream.linear.scatter [tilespmem:s21], [sflag:$0x2], $0x4000, $0x38;
	[tilespmem:$0x1C180] =	vst v63  }
0x32: {  	_ =	swait.ge [sflag:s22], $0x4000  }
0x33: {  	[sflag:s22] =	ssyncset.done $0x0  }
0x34: {  	[sflag:s22] =	ssyncadd.s32 $0xFFFFC000  }
0x35: {  	[spmem:s11] =	stream.linear.scatter [tilespmem:s21], [sflag:$0x2], $0x4000, $0x38;
	[tilespmem:$0x1C180] =	vst v63  }
0x36: {  	_ =	swait.ge [sflag:s22], $0x4000  }
0x37: {  	[sflag:s22] =	ssyncset.done $0x0  }
0x38: {  	[sflag:s22] =	ssyncadd.s32 $0xFFFFC000  }
0x39: {  	[spmem:s12] =	stream.linear.scatter [tilespmem:s21], [sflag:$0x2], $0x4000, $0x38;
	[tilespmem:$0x1C180] =	vst v63  }
0x3a: {  	_ =	swait.ge [sflag:s22], $0x4000  }
0x3b: {  	s29 =	simm.s32 $0x0;
	s15 =	simm.s32 $0x1;
	[sflag:s22] =	ssyncset.done $0x0  }
0x3c: {  	s31 =	simm.s32 $0x80;
	s0 =	sand.u32 $0x1, s15;
	[sflag:s22] =	ssyncadd.s32 $0xFFFFC000  }
0x3d: {  	s4 =	sand.u32 $0x7C00, s31;
	s13 =	sand.u32 $0x380, s31;
	[bflag:$0x0] =	sbarrier.arrive $0xFFFF  }
0x3e: {  	s16 =	sand.u32 $0x3C00, s29;
	s15 =	sand.u32 $0x380, s29;
	s14 =	rddreg [dreg:$0x4]  }
0x3f: {  	[tilespmem:s23], [sflag:$0x2] =	stream.linear.gather [hbm4b:s14+s29], $0x80, $0x38;
	[tilespmem:$0x1C180] =	vst v63  }
0x40: {  	s4 =	sadd.s32 s9, s4;
	s30 =	sadd.s32 s9, s16;
	_ =	swait.ge [sflag:s22], $0x80  }
0x41: {  	s4 =	sor.u32 s13, s4;
	s13 =	sshll.u32 s0, $0xE;
	[sflag:s22] =	ssyncset.done $0x0  }
0x42: {  	s4 =	sshrl.u32 s4, $0x3;
	s14 =	sshll.u32 s0, $0x7;
	[sflag:s22] =	ssyncadd.s32 $0xFFFFFF80  }
0x43: {  	[tilespmem:s21], [sflag:$0x1] =	stream.indirect.gather [hbm4b:s1+s24], $0x80, s23, s24, $0xb8;
	[tilespmem:$0x1C180] =	vst v63  }
0x44: {  	s17 =	sor.u32 s15, s30;
	s4 =	sadd.s32 s5, s4;
	s0 =	sor.u32 $0x14000, s14  }
0x45: {  	[tilespmem:s0], [sflag:$0x2] =	stream.linear.gather [hbm4b:s4+s3], $0x80, $0x38;
	[tilespmem:$0x1C180] =	vst v63  }
0x46: {  	s30 =	simm.s32 $0x2;
	s14 =	sshrl.u32 s17, $0x3;
	_ =	swait.ge [sflag:s22], $0x80  }
0x47: {  	s4 =	sadd.s32 $0x14180, s13;
	s13 =	sand.u32 $0x10000, s29;
	[sflag:s22] =	ssyncset.done $0x0  }
.LBB2_4:
0x48: {  	[sflag:s22] =	ssyncadd.s32 $0xFFFFFF80  }
0x49: {  	s14 =	sadd.s32 s6, s14;
	s15 =	smov.u32 s31;
	s16 =	sadd.s32 $0x80, s31  }
0x4a: {  	[tilespmem:s4], [sflag:$0x1] =	stream.indirect.gather [hbm4b:s1+s24], $0x80, s0, s24, $0xb8;
	[tilespmem:$0x1C180] =	vst v63  }
0x4b: {  	s0 =	sand.u32 $0x1, s30;
	s4 =	sand.u32 $0x7C00, s16;
	s17 =	sand.u32 $0x380, s16  }
0x4c: {  	[tilespmem:s25], [sflag:$0x2] =	stream.linear.gather [hbm4b:s14+s3], $0x80, $0x38;
	[tilespmem:$0x1C180] =	vst v63  }
0x4d: {  	s4 =	sadd.s32 s9, s4;
	s14 =	sshll.u32 s0, $0x7;
	_ =	swait.ge [sflag:s22], $0x80  }
0x4e: {  	s13 =	sshrl.u32 s13, $0x2;
	s4 =	sor.u32 s17, s4;
	[sflag:s22] =	ssyncset.done $0x0  }
0x4f: {  	s13 =	sadd.s32 $0x14180, s13;
	s0 =	sshll.u32 s0, $0xE;
	[sflag:s22] =	ssyncadd.s32 $0xFFFFFF80  }
0x50: {  	s17 =	sshrl.u32 s4, $0x3;
	s4 =	sadd.s32 $0x14180, s0;
	_ =	swait.ge [sflag:s26], $0x4000  }
0x51: {  	p0 =	sne.s32 s31, $0x2680;
	s0 =	sor.u32 $0x14000, s14;
	[sflag:s26] =	ssyncset.done $0x0  }
0x52: {  	s14 =	sand.u32 $0x3C00, s15;
	[sflag:s26] =	ssyncadd.s32 $0xFFFFC000  }
0x53: {  	[spmem:s2] =	stream.indirect.scatter.add.f32 [tilespmem:s13], [sflag:$0x2], $0x80, s25, s24, $0xb8;
	[tilespmem:$0x1C180] =	vst v63  }
0x54: {  	s13 =	sadd.s32 s9, s14;
	s14 =	sand.u32 $0x380, s15;
	_ =	swait.ge [sflag:s22], $0x4000  }
0x55: {  	s13 =	sor.u32 s14, s13;
	[sflag:s22] =	ssyncset.done $0x0  }
.Ltmp1:
0x56: {  	s14 =	sadd.s32 s5, s17;
	[sflag:s22] =	ssyncadd.s32 $0xFFFFC000;
	(pc) =	sbr.rel @p0 .LBB2_4-.Ltmp1, $4  }
0x57: {  	[tilespmem:s0], [sflag:$0x2] =	stream.linear.gather [hbm4b:s14+s3], $0x80, $0x38;
	[tilespmem:$0x1C180] =	vst v63  }
0x58: {  	s29 =	sadd.s32 $0x10000, s29;
	s14 =	sshrl.u32 s13, $0x3  }
0x59: {  	s30 =	sadd.s32 $0x1, s30;
	_ =	swait.ge [sflag:s22], $0x80  }
0x5a: {  	s31 =	smov.u32 s16;
	s13 =	sand.u32 $0x10000, s29;
	[sflag:s22] =	ssyncset.done $0x0  }
0x5b: {  	[sflag:s22] =	ssyncadd.s32 $0xFFFFFF80  }
0x5c: {  	[tilespmem:s4], [sflag:$0x1] =	stream.indirect.gather [hbm4b:s1+s24], $0x80, s0, s24, $0xb8;
	[tilespmem:$0x1C180] =	vst v63  }
0x5d: {  	s15 =	sadd.s32 s6, s14  }
0x5e: {  	[tilespmem:s25], [sflag:$0x2] =	stream.linear.gather [hbm4b:s15+s3], $0x80, $0x38;
	[tilespmem:$0x1C180] =	vst v63  }
0x5f: {  	_ =	swait.ge [sflag:s22], $0x80  }
0x60: {  	[sflag:s22] =	ssyncset.done $0x0  }
0x61: {  	[sflag:s22] =	ssyncadd.s32 $0xFFFFFF80  }
0x62: {  	_ =	swait.ge [sflag:s26], $0x4000  }
0x63: {  	s16 =	sshrl.u32 s13, $0x2;
	[sflag:s26] =	ssyncset.done $0x0  }
0x64: {  	s0 =	sadd.s32 $0x14180, s16;
	[sflag:s26] =	ssyncadd.s32 $0xFFFFC000  }
0x65: {  	[spmem:s2] =	stream.indirect.scatter.add.f32 [tilespmem:s0], [sflag:$0x2], $0x80, s25, s24, $0xb8;
	[tilespmem:$0x1C180] =	vst v63  }
0x66: {  	_ =	swait.ge [sflag:s22], $0x4000  }
0x67: {  	[sflag:s22] =	ssyncset.done $0x0  }
0x68: {  	[sflag:s22] =	ssyncadd.s32 $0xFFFFC000  }
0x69: {  	[tilespmem:s25], [sflag:$0x2] =	stream.linear.gather [hbm4b:s20+s3], $0x80, $0x38;
	[tilespmem:$0x1C180] =	vst v63  }
0x6a: {  	_ =	swait.ge [sflag:s22], $0x80  }
0x6b: {  	[sflag:s22] =	ssyncset.done $0x0  }
0x6c: {  	[sflag:s22] =	ssyncadd.s32 $0xFFFFFF80  }
0x6d: {  	_ =	swait.ge [sflag:s26], $0x4000  }
0x6e: {  	[sflag:s26] =	ssyncset.done $0x0  }
0x6f: {  	[sflag:s26] =	ssyncadd.s32 $0xFFFFC000  }
0x70: {  	[spmem:s2] =	stream.indirect.scatter.add.f32 [tilespmem:s21], [sflag:$0x2], $0x80, s25, s24, $0xb8;
	[tilespmem:$0x1C180] =	vst v63  }
0x71: {  	_ =	swait.ge [sflag:s22], $0x4000  }
0x72: {  	[sflag:s22] =	ssyncset.done $0x0  }
0x73: {  	[sflag:s22] =	ssyncadd.s32 $0xFFFFC000  }
0x74: {  	[bflag:$0x0] =	sbarrier.arrive $0xFFFF  }
0x75: {  	[tilespmem:s21], [sflag:$0x2] =	stream.linear.gather [spmem:s7], $0x4000, $0x38;
	[tilespmem:$0x1C180] =	vst v63  }
0x76: {  	_ =	swait.ge [sflag:s22], $0x4000  }
0x77: {  	[sflag:s22] =	ssyncset.done $0x0  }
0x78: {  	s17 =	rddreg [dreg:$0x5];
	[sflag:s22] =	ssyncadd.s32 $0xFFFFC000  }
0x79: {  	[hbm4b:s17+s3] =	stream.linear.scatter [tilespmem:s21], [sflag:$0x2], $0x4000, $0x38;
	[tilespmem:$0x1C180] =	vst v63  }
0x7a: {  	_ =	swait.ge [sflag:s22], $0x4000  }
0x7b: {  	[sflag:s22] =	ssyncset.done $0x0  }
0x7c: {  	[sflag:s22] =	ssyncadd.s32 $0xFFFFC000  }
0x7d: {  	[tilespmem:s21], [sflag:$0x2] =	stream.linear.gather [spmem:s8], $0x4000, $0x38;
	[tilespmem:$0x1C180] =	vst v63  }
0x7e: {  	_ =	swait.ge [sflag:s22], $0x4000  }
0x7f: {  	[sflag:s22] =	ssyncset.done $0x0  }
0x80: {  	s29 =	rddreg [dreg:$0x6];
	[sflag:s22] =	ssyncadd.s32 $0xFFFFC000  }
0x81: {  	[hbm4b:s29+s3] =	stream.linear.scatter [tilespmem:s21], [sflag:$0x2], $0x4000, $0x38;
	[tilespmem:$0x1C180] =	vst v63  }
0x82: {  	_ =	swait.ge [sflag:s22], $0x4000  }
0x83: {  	[sflag:s22] =	ssyncset.done $0x0  }
0x84: {  	[sflag:s22] =	ssyncadd.s32 $0xFFFFC000  }
0x85: {  	[tilespmem:s21], [sflag:$0x2] =	stream.linear.gather [spmem:s10], $0x4000, $0x38;
	[tilespmem:$0x1C180] =	vst v63  }
0x86: {  	_ =	swait.ge [sflag:s22], $0x4000  }
0x87: {  	[sflag:s22] =	ssyncset.done $0x0  }
0x88: {  	s30 =	rddreg [dreg:$0x7];
	[sflag:s22] =	ssyncadd.s32 $0xFFFFC000  }
0x89: {  	[hbm4b:s30+s3] =	stream.linear.scatter [tilespmem:s21], [sflag:$0x2], $0x4000, $0x38;
	[tilespmem:$0x1C180] =	vst v63  }
0x8a: {  	_ =	swait.ge [sflag:s22], $0x4000  }
0x8b: {  	[sflag:s22] =	ssyncset.done $0x0  }
0x8c: {  	[sflag:s22] =	ssyncadd.s32 $0xFFFFC000  }
0x8d: {  	[tilespmem:s21], [sflag:$0x2] =	stream.linear.gather [spmem:s11], $0x4000, $0x38;
	[tilespmem:$0x1C180] =	vst v63  }
0x8e: {  	_ =	swait.ge [sflag:s22], $0x4000  }
0x8f: {  	[sflag:s22] =	ssyncset.done $0x0  }
0x90: {  	s31 =	rddreg [dreg:$0x8];
	[sflag:s22] =	ssyncadd.s32 $0xFFFFC000  }
0x91: {  	[hbm4b:s31+s3] =	stream.linear.scatter [tilespmem:s21], [sflag:$0x2], $0x4000, $0x38;
	[tilespmem:$0x1C180] =	vst v63  }
0x92: {  	_ =	swait.ge [sflag:s22], $0x4000  }
0x93: {  	[sflag:s22] =	ssyncset.done $0x0  }
0x94: {  	[sflag:s22] =	ssyncadd.s32 $0xFFFFC000  }
0x95: {  	[tilespmem:s21], [sflag:$0x2] =	stream.linear.gather [spmem:s12], $0x4000, $0x38;
	[tilespmem:$0x1C180] =	vst v63  }
0x96: {  	s28 =	sadd.s32 $0x1, s28;
	_ =	swait.ge [sflag:s22], $0x4000  }
0x97: {  	p0 =	sne.s32 s28, s19;
	[sflag:s22] =	ssyncset.done $0x0  }
.Ltmp2:
0x98: {  	[sflag:s22] =	ssyncadd.s32 $0xFFFFC000;
	(pc) =	sbr.rel @p0 .LBB2_1-.Ltmp2, $4  }
0x99: {  	[hbm4b:s18+s3] =	stream.linear.scatter [tilespmem:s21], [sflag:$0x2], $0x4000, $0x38;
	[tilespmem:$0x1C180] =	vst v63  }
0x9a: {  	_ =	swait.ge [sflag:s22], $0x4000  }
0x9b: {  	[sflag:s22] =	ssyncset.done $0x0  }
0x9c: {  	[sflag:s22] =	ssyncadd.s32 $0xFFFFC000  }
0x9d: {  	_ =	sfence.sel $0x180000  }
0x9e: {  	[bflag:$0x0] =	sbarrier.arrive $0xFFFF  }
0x9f: {  	_ =	strace $0x90000047  }
0xa0: {  	s0 =	stileid.u32;
	[bflag:$0x2] =	sbarrier.arrive $0xFFFF  }
0xa1: {  	p0 =	sne.s32 s0, $0x0;
	s0 =	rddreg [dreg:$0x3]  }
0xa2: {  	s0 =	sadd.s32 @!p0 $0x100000, s0  }
0xa3: {  	[sflag:s0] =	ssyncadd.tile.s32 @!p0 $0x1;
	_ =	shalt  }
.Lfunc_end2:
_tile_overlayer_lowered:
.L_overlay_start_2:
0xa4: {  	(tag) =	ssettag $0x2  }
0xa5: {  	s0 =	rddreg [dreg:$0x0];
	s2 =	stileid.u32  }
0xa6: {  	s1 =	rddreg [dreg:$0x1];
	p0 =	sne.s32 s2, $0x0  }
0xa7: {  	s3 =	rddreg [dreg:$0x2];
	[bflag:$0x3] =	sbarrier.arrive $0xFFFF;
	s2 =	simm.s32 @!p0 $0x1C02  }
0xa8: {  	[timem:s3], [sflag:s2] =	dma.local @!p0 [hbm:s0], s1  }
0xa9: {  	s0 =	simm.s32 @!p0 $0x2  }
0xaa: {  	_ =	swait.ge @!p0 [sflag:s0], s1  }
0xab: {  	s1 =	ssub.s32 @!p0 $0x0, s1;
	[sflag:s0] =	ssyncset.done @!p0 $0x0  }
0xac: {  	[sflag:s0] =	ssyncadd.s32 @!p0 s1  }
0xad: {  	[bflag:$0x3] =	sbarrier.arrive $0xFFFF  }
0xae: {  	_ =	shalt  }

// kernel: kernel.13.cloned.1.call-start
scs
__scs_entry_jumppad:
0x0: {  	(pc) =	sbr.rel $0x88, $3  }
0x1: {  	(tag) =	ssettag $0x0;
	lr =	simm.s32 $0x1  }
0x2: {  	[smem:$0x3F99] =	sst lr;
	_ =	strace $0xD0000000  }
0x3: {  	_ = 	snop  }
0x4: {  	_ = 	snop  }
0x5: {  	_ = 	snop  }
0x6: {  	_ = 	snop  }
0x7: {  	_ = 	snop  }
__scs_overlays_trampoline_lowered:
0x8: {  	[smem:$0x3FA8] =	sst s0  }
0x9: {  	[smem:$0x3FA9] =	sst s1  }
0xa: {  	[smem:$0x3FAA] =	sst s2  }
0xb: {  	[smem:$0x3FAB] =	sst s3  }
0xc: {  	[smem:$0x3FAC] =	sst s4  }
0xd: {  	[smem:$0x3FAD] =	sst s5  }
0xe: {  	[smem:$0x3FAE] =	sst s6  }
0xf: {  	[smem:$0x3FAF] =	sst s7  }
0x10: {  	[smem:$0x3FB0] =	sst s8  }
0x11: {  	[smem:$0x3FB1] =	sst s9;
	s0 =	simm.s32 @!p0 $0x0  }
0x12: {  	s1 =	sld [smem:$0x3F97];
	s0 =	simm.s32 @p0 $0x1  }
0x13: {  	[smem:$0x3FB2] =	sst s0;
	s0 =	simm.s32 @!p1 $0x0  }
0x14: {  	s2 =	sld [smem:$0x3F96];
	s0 =	simm.s32 @p1 $0x1  }
0x15: {  	[smem:$0x3FB3] =	sst s0;
	s0 =	simm.s32 @!p2 $0x0  }
0x16: {  	s3 =	sld [smem:$0x3FDB];
	s0 =	simm.s32 @p2 $0x1  }
0x17: {  	s4 =	simm.s32 $0x1BF5;
	[smem:$0x3FB5] =	sst s0  }
0x18: {  	s0 =	sld [smem:$0x3F98];
	_ =	swait.ge [sflag:s4], $0x0  }
0x19: {  	s7 =	sld [smem:$0x3F99]  }
0x1a: {  	s8 =	sadd.s32 $0xFFFFE003, lr  }
0x1b: {  	s9 =	sadd.s32 $0xFFFFFEF7, lr;
	s5 =	simm.s32 $0xFFFFFFFF;
	p2 =	slt.u32 s8, $0xFFFFF086  }
0x1c: {  	p1 =	slt.u32 s9, $0xF7A;
	s5 =	simm.s32 @!p2 $0x0  }
0x1d: {  	s5 =	simm.s32 @p1 $0x1;
	p0 =	seq.s32 s7, s2  }
0x1e: {  	s7 =	smul.u32 @!p0 $0xF7A, s2;
	p2 =	seq.s32 @!p0 s5, $0x0  }
0x1f: {  	s9 =	smul.u32 $0xF7A, s1;
	s8 =	simm.s32 @!p0 $0x1BF5;
	p2 =	por !p2, p0  }
0x20: {  	[sflag:s8] =	ssyncset.s32 @!p0 $0xFFFFF086;
	s6 =	sadd.s32 @!p0 s3, s7;
	s7 =	simm.s32 @!p0 $0x108  }
0x21: {  	s3 =	sadd.s32 s3, s9;
	s6 =	sadd.s32 @!p0 $0x88, s6;
	s7 =	simm.s32 @p2 $0x1082  }
0x22: {  	[simem:s7], [sflag:s8] =	dma.local @!p0 [hbm:s6], $0xF7A  }
0x23: {  	s9 =	sor.u32 $0xD0000000, s2;
	s6 =	simm.s32 $0x108;
	_ =	swait.ge @!p0 [sflag:s8], $0x0  }
0x24: {  	s3 =	sadd.s32 $0x88, s3;
	s6 =	simm.s32 @!p1 $0x1082;
	[sflag:s4] =	ssyncset.s32 $0xFFFFF086  }
0x25: {  	[simem:s6], [sflag:s4] =	dma.local [hbm:s3], $0xF7A  }
0x26: {  	[smem:$0x3F99] =	sst s1;
	(tag) =	ssettag s2;
	_ =	strace s9  }
0x27: {  	s1 =	sld [smem:$0x3FA9]  }
0x28: {  	s2 =	sld [smem:$0x3FAA]  }
0x29: {  	s4 =	sld [smem:$0x3FAC]  }
0x2a: {  	p0 =	seq.s32 s5, $0x0;
	s5 =	sld [smem:$0x3FAD]  }
0x2b: {  	s6 =	sld [smem:$0x3FAE]  }
0x2c: {  	s7 =	sld [smem:$0x3FAF]  }
0x2d: {  	s3 =	simm.s32 $0x108;
	s8 =	sld [smem:$0x3FB0]  }
0x2e: {  	s3 =	simm.s32 @!p0 $0x1082;
	s9 =	sld [smem:$0x3FB1]  }
0x2f: {  	lr =	sadd.s32 s0, s3;
	s0 =	sld [smem:$0x3FA8]  }
0x30: {  	s3 =	sld [smem:$0x3FAB]  }
0x31: {  	[smem:$0x3FB4] =	sst s10  }
0x32: {  	s10 =	sld [smem:$0x3FB2];
	_ =	sdelay $0x3  }
0x33: {  	p0 =	seq.s32 s10, $0x1;
	s10 =	sld [smem:$0x3FB4];
	_ =	sdelay $0x3  }
0x34: {  	[smem:$0x3FB4] =	sst s10  }
0x35: {  	s10 =	sld [smem:$0x3FB3];
	_ =	sdelay $0x3  }
0x36: {  	p1 =	seq.s32 s10, $0x1;
	s10 =	sld [smem:$0x3FB4];
	_ =	sdelay $0x3  }
0x37: {  	[smem:$0x3FB4] =	sst s10  }
0x38: {  	s10 =	sld [smem:$0x3FB5]  }
0x39: {  	_ = 	snop;
	(pc) =	sbr.ind lr, $3  }
0x3a: {  	_ = 	snop  }
0x3b: {  	_ = 	snop  }
0x3c: {  	p2 =	seq.s32 s10, $0x1;
	s10 =	sld [smem:$0x3FB4]  }
0x3d: {  	_ =	shalt  }
0x3e: {  	_ =	shalt  }
0x3f: {  	_ =	shalt  }
0x40: {  	_ =	shalt  }
0x41: {  	_ =	shalt  }
0x42: {  	_ =	shalt  }
0x43: {  	_ =	shalt  }
0x44: {  	_ =	shalt  }
0x45: {  	_ =	shalt  }
0x46: {  	_ =	shalt  }
0x47: {  	_ =	shalt  }
0x48: {  	_ =	shalt  }
0x49: {  	_ =	shalt  }
0x4a: {  	_ =	shalt  }
0x4b: {  	_ =	shalt  }
0x4c: {  	_ =	shalt  }
0x4d: {  	_ =	shalt  }
0x4e: {  	_ =	shalt  }
0x4f: {  	_ =	shalt  }
0x50: {  	_ =	shalt  }
0x51: {  	_ =	shalt  }
0x52: {  	_ =	shalt  }
0x53: {  	_ =	shalt  }
0x54: {  	_ =	shalt  }
0x55: {  	_ =	shalt  }
0x56: {  	_ =	shalt  }
0x57: {  	_ =	shalt  }
0x58: {  	_ =	shalt  }
0x59: {  	_ =	shalt  }
0x5a: {  	_ =	shalt  }
0x5b: {  	_ =	shalt  }
0x5c: {  	_ =	shalt  }
0x5d: {  	_ =	shalt  }
0x5e: {  	_ =	shalt  }
0x5f: {  	_ =	shalt  }
0x60: {  	_ =	shalt  }
0x61: {  	_ =	shalt  }
0x62: {  	_ =	shalt  }
0x63: {  	_ =	shalt  }
0x64: {  	_ =	shalt  }
0x65: {  	_ =	shalt  }
0x66: {  	_ =	shalt  }
0x67: {  	_ =	shalt  }
0x68: {  	_ =	shalt  }
0x69: {  	_ =	shalt  }
0x6a: {  	_ =	shalt  }
0x6b: {  	_ =	shalt  }
0x6c: {  	_ =	shalt  }
0x6d: {  	_ =	shalt  }
0x6e: {  	_ =	shalt  }
0x6f: {  	_ =	shalt  }
0x70: {  	_ =	shalt  }
0x71: {  	_ =	shalt  }
0x72: {  	_ =	shalt  }
0x73: {  	_ =	shalt  }
0x74: {  	_ =	shalt  }
0x75: {  	_ =	shalt  }
0x76: {  	_ =	shalt  }
0x77: {  	_ =	shalt  }
0x78: {  	_ =	shalt  }
0x79: {  	_ =	shalt  }
0x7a: {  	_ =	shalt  }
0x7b: {  	_ =	shalt  }
0x7c: {  	_ =	shalt  }
0x7d: {  	_ =	shalt  }
0x7e: {  	_ =	shalt  }
0x7f: {  	_ =	shalt  }
0x80: {  	_ =	shalt  }
0x81: {  	_ =	shalt  }
0x82: {  	_ =	shalt  }
0x83: {  	_ =	shalt  }
0x84: {  	_ =	shalt  }
0x85: {  	_ =	shalt  }
0x86: {  	_ =	shalt  }
0x87: {  	_ =	shalt  }
.Lfunc_end0:
.L_simem_size_0:
called_computation.2_lowered:
.L_overlay_start_0:
0x88: {  	s2 =	sld [smem:$0x3FD9]  }
0x89: {  	s3 =	sld [smem:$0x3FFE];
	_ =	sdelay $0x1  }
0x8a: {  	s1 =	srdreg.scid  }
0x8b: {  	s0 =	sand.u32 $0x1, s1  }
0x8c: {  	s17 =	sshll.u32 s0, $0xA;
	s2 =	sadd.s32 s3, s2  }
0x8d: {  	s2 =	sadd.s32 s2, s17  }
0x8e: {  	[smem:$0x3FC0] =	sst s2  }
0x8f: {  	_ = 	snop  }
0x90: {  	s2 =	sld [smem:$0x3FD0];
	(tm) =	ssettm $0x1  }
0x91: {  	s18 =	sld [smem:$0x3FFB];
	_ =	sdelay $0x3  }
0x92: {  	_ =	strace s18  }
0x93: {  	s3 =	sld [smem:$0x3FFC];
	_ =	sdelay $0x3  }
0x94: {  	_ =	strace s3  }
0x95: {  	s3 =	sld [smem:$0x3FFD];
	_ =	sdelay $0x3  }
0x96: {  	_ =	strace s3  }
0x97: {  	_ =	strace $0x8FFFFFFF  }
0x98: {  	s19 =	sld [smem:$0x3FDB];
	_ =	sdelay $0x1  }
0x99: {  	s4 =	simm.s32 $_scs_section_size  }
0x9a: {  	s5 =	simm.s32 $_size__tile_overlayer_lowered;
	s6 =	simm.s32 $_tile_overlayer_lowered  }
0x9b: {  	s22 =	simm.s32 $0x1BFF;
	s21 =	sshll.u32 s6, $0x1;
	s3 =	sadd.s32 s4, s19  }
0x9c: {  	s7 =	simm.s32 $0x0;
	s20 =	sshll.u32 s5, $0x1;
	s5 =	sadd.s32 s21, s3  }
0x9d: {  	[timem:s7], [sflag:s22] =	dma.local [hbm:s5], s20  }
0x9e: {  	_ =	swait.ge [sflag:s22], s20  }
0x9f: {  	s4 =	ssub.s32 $0x0, s20;
	[sflag:s22] =	ssyncset.done $0x0  }
0xa0: {  	[sflag:s22] =	ssyncadd.s32 s4;
	_ =	sdelay $0x1  }
0xa1: {  	s23 =	simm.s32 $0x1B8B  }
0xa2: {  	_ =	swait.ge [sflag:s23], $0x1  }
0xa3: {  	[sflag:s23] =	ssyncset.done $0x0  }
0xa4: {  	s25 =	simm.s32 $0x1B8E;
	s24 =	sld [smem:$0x3FFE];
	[sflag:s23] =	ssyncadd.s32 $0xFFFFFFFF  }
0xa5: {  	s26 =	simm.s32 $execute0_lowered;
	[smem:$0x3FD2] =	sst s25  }
0xa6: {  	s5 =	sshll.u32 s26, $0x1;
	_ =	strace $0x8000004C;
	[dreg:$0x1] =	wrdreg $0xFFFFFFFF  }
0xa7: {  	s28 =	simm.s32 $_size_execute0_lowered;
	s3 =	sadd.s32 s3, s5;
	[dreg:$0x0] =	wrdreg $0x0  }
0xa8: {  	s5 =	sshll.u32 s28, $0x1;
	[dreg:$0x2] =	wrdreg s3  }
0xa9: {  	[dreg:$0x3] =	wrdreg s5  }
0xaa: {  	[dreg:$0x4] =	wrdreg $0xC0  }
0xab: {  	_ =	task [dreg:s7], $0x5FFFF  }
0xac: {  	[dreg:$0x1] =	wrdreg $0xFFFFFFFF  }
0xad: {  	[dreg:$0x0] =	wrdreg $0x60  }
0xae: {  	[dreg:$0x2] =	wrdreg s2  }
0xaf: {  	[dreg:$0x3] =	wrdreg s24  }
0xb0: {  	[dreg:$0x4] =	wrdreg $0x0  }
0xb1: {  	[dreg:$0x5] =	wrdreg $0x9  }
0xb2: {  	_ =	task.clear_ibuf [dreg:s7], $0x6FFFF;
	_ =	strace $0x9000004C  }
0xb3: {  	s29 =	simm.s32 $0x9;
	_ =	strace $0x8000004E  }
0xb4: {  	_ =	swait.ge [sflag:s29], $0x1  }
0xb5: {  	[sflag:s29] =	ssyncadd.s32 $0xFFFFFFFF  }
0xb6: {  	_ =	strace $0x9000004E  }
0xb7: {  	_ =	sfence  }
0xb8: {  	s30 =	sld [smem:$0x0];
	_ =	sdelay $0x2  }
0xb9: {  	s31 =	sshll.u32 s1, $0xD;
	s1 =	sshrl.u32 s1, $0x2  }
0xba: {  	s3 =	sand.u32 $0x4000, s31;
	s1 =	sadd.s32 s1, s30  }
0xbb: {  	s0 =	sor.u32 s3, s0;
	s1 =	sshll.u32 s1, $0x11  }
0xbc: {  	s0 =	sor.u32 s1, s0  }
0xbd: {  	s0 =	sadd.s32 $0x8F2B, s0  }
0xbe: {  	[sflag:s0] =	ssyncadd.remote.s32 $0x1  }
0xbf: {  	_ =	sfence.sel $0xFFFF  }
0xc0: {  	[dreg:$0x0] =	wrdreg $0xFFFFFFFF;
	(pc) =	sbr.abs _section_cstart, $3  }
0xc1: {  	[dreg:$0x1] =	wrdreg $0xFFFFFFFF  }
0xc2: {  	_ =	task.clear_ibuf [dreg:s7], $0x2FFFF;
	_ =	strace $0x9FFFFFFF  }
0xc3: {  	(tm) =	ssettm $0x7FFFFFFF  }
tec
execute0_lowered:
.L_overlay_start_1:
0x0: {  	(tag) =	ssettag $0x1  }
0x1: {  	s1 =	rddreg [dreg:$0x0]  }
0x2: {  	s0 =	rddreg [dreg:$0x1]  }
0x3: {  	s2 =	rddreg [dreg:$0x2]  }
0x4: {  	s3 =	simm.s32 $0x0;
	s4 =	srdreg.scid;
	s10 =	stileid.u32  }
0x5: {  	s21 =	simm.s32 $0x14180;
	s22 =	simm.s32 $0x2;
	s23 =	simm.s32 $0x14000  }
0x6: {  	s28 =	simm.s32 $0x0;
	[smem:$0x7FF] =	sst s3;
	s5 =	sadd.s32 $0xC000, s0  }
0x7: {  	s4 =	sand.u32 $0x1, s4;
	s6 =	sadd.s32 $0x2000, s0;
	s8 =	smul.u32 $0x50000, s10  }
0x8: {  	s0 =	sadd.s32 $0x16000, s0;
	s13 =	smul.u32 $0x14000, s10;
	s24 =	sshll.u32 s10, $0x1  }
0x9: {  	_ =	strace $0x8000004D;
	s7 =	ssub.s32 $0x2, s4;
	s25 =	sor.u32 s4, s24  }
0xa: {  	s4 =	smul.u32 $0x140000, s4;
	s24 =	simm.s32 $0x80;
	s9 =	sshrl.u32 s7, $0x1  }
0xb: {  	s8 =	sshrl.u32 s8, $0x2;
	s15 =	sadd.s32 $0x4000, s13;
	s16 =	sadd.s32 $0x8000, s13  }
0xc: {  	s17 =	sadd.s32 $0xC000, s13;
	s18 =	sadd.s32 $0x10000, s13;
	s14 =	ssub.s32 s7, s9  }
0xd: {  	s7 =	sadd.s32 s8, s2;
	s8 =	sadd.s32 s15, s2;
	s9 =	smul.u32 $0x2800, s25  }
0xe: {  	s10 =	sadd.s32 s16, s2;
	s11 =	sadd.s32 s17, s2;
	s12 =	sadd.s32 s18, s2  }
0xf: {  	s13 =	sadd.s32 s13, s4;
	s15 =	sadd.s32 s4, s15;
	s29 =	sadd.s32 s4, s16  }
0x10: {  	s17 =	sadd.s32 s4, s17;
	s4 =	sadd.s32 s4, s18;
	s25 =	simm.s32 $0x14100  }
0x11: {  	s13 =	sshrl.u32 s13, $0x3;
	s15 =	sshrl.u32 s15, $0x3;
	s30 =	sshrl.u32 s17, $0x3  }
0x12: {  	s4 =	sshrl.u32 s4, $0x3;
	s19 =	sshrl.u32 s9, $0x3;
	s13 =	sadd.s32 s0, s13  }
0x13: {  	s26 =	sadd.s32 s0, s15;
	s18 =	sadd.s32 s0, s4;
	[dreg:$0x5] =	wrdreg s13  }
0x14: {  	s20 =	sadd.s32 s5, s19;
	[dreg:$0x6] =	wrdreg s26;
	s13 =	sshrl.u32 s29, $0x3  }
0x15: {  	s31 =	sadd.s32 s6, s19;
	[dreg:$0x4] =	wrdreg s20;
	s13 =	sadd.s32 s0, s13  }
0x16: {  	s19 =	smax.u32 s14, $0x1;
	[dreg:$0x7] =	wrdreg s13;
	s13 =	sadd.s32 s0, s30  }
0x17: {  	v0 =	vimm.f32 $0.0e+00;
	s26 =	simm.s32 $0x1;
	s20 =	sadd.s32 $0x4E0, s31;
	[dreg:$0x8] =	wrdreg s13  }
.LBB2_1:
0x18: {  	s0 =	simm.s32 $0x0;
	s4 =	simm.s32 $0x200  }
.LBB2_2:
0x19: {  	p0 =	sne.s32 s4, $0xFE00;
	[tilespmem:s0+$0x141F0] =	vst v0  }
0x1a: {  	[tilespmem:s0+$0x14180] =	vst v0  }
0x1b: {  	[tilespmem:s0+$0x14190] =	vst v0  }
.Ltmp0:
0x1c: {  	[tilespmem:s0+$0x141A0] =	vst v0;
	(pc) =	sbr.rel @p0 .LBB2_2-.Ltmp0, $4  }
0x1d: {  	[tilespmem:s0+$0x141B0] =	vst v0  }
0x1e: {  	[tilespmem:s0+$0x141C0] =	vst v0  }
0x1f: {  	[tilespmem:s0+$0x141D0] =	vst v0  }
0x20: {  	[tilespmem:s0+$0x141E0] =	vst v0;
	s0 =	sshra.s32 s4, $0x2;
	s4 =	sadd.s32 $0x200, s4  }
0x21: {  	[tilespmem:s0+$0x141F0] =	vst v0  }
0x22: {  	[tilespmem:s0+$0x14180] =	vst v0  }
0x23: {  	[tilespmem:s0+$0x14190] =	vst v0  }
0x24: {  	[tilespmem:s0+$0x141A0] =	vst v0  }
0x25: {  	[tilespmem:s0+$0x141B0] =	vst v0  }
0x26: {  	[tilespmem:s0+$0x141C0] =	vst v0  }
0x27: {  	[tilespmem:s0+$0x141D0] =	vst v0  }
0x28: {  	[tilespmem:s0+$0x141E0] =	vst v0  }
0x29: {  	[spmem:s7] =	stream.linear.scatter [tilespmem:s21], [sflag:$0x2], $0x4000, $0x38;
	[tilespmem:$0x1C180] =	vst v63  }
0x2a: {  	_ =	swait.ge [sflag:s22], $0x4000  }
0x2b: {  	[sflag:s22] =	ssyncset.done $0x0  }
0x2c: {  	[sflag:s22] =	ssyncadd.s32 $0xFFFFC000  }
0x2d: {  	[spmem:s8] =	stream.linear.scatter [tilespmem:s21], [sflag:$0x2], $0x4000, $0x38;
	[tilespmem:$0x1C180] =	vst v63  }
0x2e: {  	_ =	swait.ge [sflag:s22], $0x4000  }
0x2f: {  	[sflag:s22] =	ssyncset.done $0x0  }
0x30: {  	[sflag:s22] =	ssyncadd.s32 $0xFFFFC000  }
0x31: {  	[spmem:s10] =	stream.linear.scatter [tilespmem:s21], [sflag:$0x2], $0x4000, $0x38;
	[tilespmem:$0x1C180] =	vst v63  }
0x32: {  	_ =	swait.ge [sflag:s22], $0x4000  }
0x33: {  	[sflag:s22] =	ssyncset.done $0x0  }
0x34: {  	[sflag:s22] =	ssyncadd.s32 $0xFFFFC000  }
0x35: {  	[spmem:s11] =	stream.linear.scatter [tilespmem:s21], [sflag:$0x2], $0x4000, $0x38;
	[tilespmem:$0x1C180] =	vst v63  }
0x36: {  	_ =	swait.ge [sflag:s22], $0x4000  }
0x37: {  	[sflag:s22] =	ssyncset.done $0x0  }
0x38: {  	[sflag:s22] =	ssyncadd.s32 $0xFFFFC000  }
0x39: {  	[spmem:s12] =	stream.linear.scatter [tilespmem:s21], [sflag:$0x2], $0x4000, $0x38;
	[tilespmem:$0x1C180] =	vst v63  }
0x3a: {  	_ =	swait.ge [sflag:s22], $0x4000  }
0x3b: {  	s29 =	simm.s32 $0x0;
	s15 =	simm.s32 $0x1;
	[sflag:s22] =	ssyncset.done $0x0  }
0x3c: {  	s31 =	simm.s32 $0x80;
	s0 =	sand.u32 $0x1, s15;
	[sflag:s22] =	ssyncadd.s32 $0xFFFFC000  }
0x3d: {  	s4 =	sand.u32 $0x7C00, s31;
	s13 =	sand.u32 $0x380, s31;
	[bflag:$0x0] =	sbarrier.arrive $0xFFFF  }
0x3e: {  	s16 =	sand.u32 $0x3C00, s29;
	s15 =	sand.u32 $0x380, s29;
	s14 =	rddreg [dreg:$0x4]  }
0x3f: {  	[tilespmem:s23], [sflag:$0x2] =	stream.linear.gather [hbm4b:s14+s29], $0x80, $0x38;
	[tilespmem:$0x1C180] =	vst v63  }
0x40: {  	s4 =	sadd.s32 s9, s4;
	s30 =	sadd.s32 s9, s16;
	_ =	swait.ge [sflag:s22], $0x80  }
0x41: {  	s4 =	sor.u32 s13, s4;
	s13 =	sshll.u32 s0, $0xE;
	[sflag:s22] =	ssyncset.done $0x0  }
0x42: {  	s4 =	sshrl.u32 s4, $0x3;
	s14 =	sshll.u32 s0, $0x7;
	[sflag:s22] =	ssyncadd.s32 $0xFFFFFF80  }
0x43: {  	[tilespmem:s21], [sflag:$0x1] =	stream.indirect.gather [hbm4b:s1+s24], $0x80, s23, s24, $0xb8;
	[tilespmem:$0x1C180] =	vst v63  }
0x44: {  	s17 =	sor.u32 s15, s30;
	s4 =	sadd.s32 s5, s4;
	s0 =	sor.u32 $0x14000, s14  }
0x45: {  	[tilespmem:s0], [sflag:$0x2] =	stream.linear.gather [hbm4b:s4+s3], $0x80, $0x38;
	[tilespmem:$0x1C180] =	vst v63  }
0x46: {  	s30 =	simm.s32 $0x2;
	s14 =	sshrl.u32 s17, $0x3;
	_ =	swait.ge [sflag:s22], $0x80  }
0x47: {  	s4 =	sadd.s32 $0x14180, s13;
	s13 =	sand.u32 $0x10000, s29;
	[sflag:s22] =	ssyncset.done $0x0  }
.LBB2_4:
0x48: {  	[sflag:s22] =	ssyncadd.s32 $0xFFFFFF80  }
0x49: {  	s14 =	sadd.s32 s6, s14;
	s15 =	smov.u32 s31;
	s16 =	sadd.s32 $0x80, s31  }
0x4a: {  	[tilespmem:s4], [sflag:$0x1] =	stream.indirect.gather [hbm4b:s1+s24], $0x80, s0, s24, $0xb8;
	[tilespmem:$0x1C180] =	vst v63  }
0x4b: {  	s0 =	sand.u32 $0x1, s30;
	s4 =	sand.u32 $0x7C00, s16;
	s17 =	sand.u32 $0x380, s16  }
0x4c: {  	[tilespmem:s25], [sflag:$0x2] =	stream.linear.gather [hbm4b:s14+s3], $0x80, $0x38;
	[tilespmem:$0x1C180] =	vst v63  }
0x4d: {  	s4 =	sadd.s32 s9, s4;
	s14 =	sshll.u32 s0, $0x7;
	_ =	swait.ge [sflag:s22], $0x80  }
0x4e: {  	s13 =	sshrl.u32 s13, $0x2;
	s4 =	sor.u32 s17, s4;
	[sflag:s22] =	ssyncset.done $0x0  }
0x4f: {  	s13 =	sadd.s32 $0x14180, s13;
	s0 =	sshll.u32 s0, $0xE;
	[sflag:s22] =	ssyncadd.s32 $0xFFFFFF80  }
0x50: {  	s17 =	sshrl.u32 s4, $0x3;
	s4 =	sadd.s32 $0x14180, s0;
	_ =	swait.ge [sflag:s26], $0x4000  }
0x51: {  	p0 =	sne.s32 s31, $0x2680;
	s0 =	sor.u32 $0x14000, s14;
	[sflag:s26] =	ssyncset.done $0x0  }
0x52: {  	s14 =	sand.u32 $0x3C00, s15;
	[sflag:s26] =	ssyncadd.s32 $0xFFFFC000  }
0x53: {  	[spmem:s2] =	stream.indirect.scatter.add.f32 [tilespmem:s13], [sflag:$0x2], $0x80, s25, s24, $0xb8;
	[tilespmem:$0x1C180] =	vst v63  }
0x54: {  	s13 =	sadd.s32 s9, s14;
	s14 =	sand.u32 $0x380, s15;
	_ =	swait.ge [sflag:s22], $0x4000  }
0x55: {  	s13 =	sor.u32 s14, s13;
	[sflag:s22] =	ssyncset.done $0x0  }
.Ltmp1:
0x56: {  	s14 =	sadd.s32 s5, s17;
	[sflag:s22] =	ssyncadd.s32 $0xFFFFC000;
	(pc) =	sbr.rel @p0 .LBB2_4-.Ltmp1, $4  }
0x57: {  	[tilespmem:s0], [sflag:$0x2] =	stream.linear.gather [hbm4b:s14+s3], $0x80, $0x38;
	[tilespmem:$0x1C180] =	vst v63  }
0x58: {  	s29 =	sadd.s32 $0x10000, s29;
	s14 =	sshrl.u32 s13, $0x3  }
0x59: {  	s30 =	sadd.s32 $0x1, s30;
	_ =	swait.ge [sflag:s22], $0x80  }
0x5a: {  	s31 =	smov.u32 s16;
	s13 =	sand.u32 $0x10000, s29;
	[sflag:s22] =	ssyncset.done $0x0  }
0x5b: {  	[sflag:s22] =	ssyncadd.s32 $0xFFFFFF80  }
0x5c: {  	[tilespmem:s4], [sflag:$0x1] =	stream.indirect.gather [hbm4b:s1+s24], $0x80, s0, s24, $0xb8;
	[tilespmem:$0x1C180] =	vst v63  }
0x5d: {  	s15 =	sadd.s32 s6, s14  }
0x5e: {  	[tilespmem:s25], [sflag:$0x2] =	stream.linear.gather [hbm4b:s15+s3], $0x80, $0x38;
	[tilespmem:$0x1C180] =	vst v63  }
0x5f: {  	_ =	swait.ge [sflag:s22], $0x80  }
0x60: {  	[sflag:s22] =	ssyncset.done $0x0  }
0x61: {  	[sflag:s22] =	ssyncadd.s32 $0xFFFFFF80  }
0x62: {  	_ =	swait.ge [sflag:s26], $0x4000  }
0x63: {  	s16 =	sshrl.u32 s13, $0x2;
	[sflag:s26] =	ssyncset.done $0x0  }
0x64: {  	s0 =	sadd.s32 $0x14180, s16;
	[sflag:s26] =	ssyncadd.s32 $0xFFFFC000  }
0x65: {  	[spmem:s2] =	stream.indirect.scatter.add.f32 [tilespmem:s0], [sflag:$0x2], $0x80, s25, s24, $0xb8;
	[tilespmem:$0x1C180] =	vst v63  }
0x66: {  	_ =	swait.ge [sflag:s22], $0x4000  }
0x67: {  	[sflag:s22] =	ssyncset.done $0x0  }
0x68: {  	[sflag:s22] =	ssyncadd.s32 $0xFFFFC000  }
0x69: {  	[tilespmem:s25], [sflag:$0x2] =	stream.linear.gather [hbm4b:s20+s3], $0x80, $0x38;
	[tilespmem:$0x1C180] =	vst v63  }
0x6a: {  	_ =	swait.ge [sflag:s22], $0x80  }
0x6b: {  	[sflag:s22] =	ssyncset.done $0x0  }
0x6c: {  	[sflag:s22] =	ssyncadd.s32 $0xFFFFFF80  }
0x6d: {  	_ =	swait.ge [sflag:s26], $0x4000  }
0x6e: {  	[sflag:s26] =	ssyncset.done $0x0  }
0x6f: {  	[sflag:s26] =	ssyncadd.s32 $0xFFFFC000  }
0x70: {  	[spmem:s2] =	stream.indirect.scatter.add.f32 [tilespmem:s21], [sflag:$0x2], $0x80, s25, s24, $0xb8;
	[tilespmem:$0x1C180] =	vst v63  }
0x71: {  	_ =	swait.ge [sflag:s22], $0x4000  }
0x72: {  	[sflag:s22] =	ssyncset.done $0x0  }
0x73: {  	[sflag:s22] =	ssyncadd.s32 $0xFFFFC000  }
0x74: {  	[bflag:$0x0] =	sbarrier.arrive $0xFFFF  }
0x75: {  	[tilespmem:s21], [sflag:$0x2] =	stream.linear.gather [spmem:s7], $0x4000, $0x38;
	[tilespmem:$0x1C180] =	vst v63  }
0x76: {  	_ =	swait.ge [sflag:s22], $0x4000  }
0x77: {  	[sflag:s22] =	ssyncset.done $0x0  }
0x78: {  	s17 =	rddreg [dreg:$0x5];
	[sflag:s22] =	ssyncadd.s32 $0xFFFFC000  }
0x79: {  	[hbm4b:s17+s3] =	stream.linear.scatter [tilespmem:s21], [sflag:$0x2], $0x4000, $0x38;
	[tilespmem:$0x1C180] =	vst v63  }
0x7a: {  	_ =	swait.ge [sflag:s22], $0x4000  }
0x7b: {  	[sflag:s22] =	ssyncset.done $0x0  }
0x7c: {  	[sflag:s22] =	ssyncadd.s32 $0xFFFFC000  }
0x7d: {  	[tilespmem:s21], [sflag:$0x2] =	stream.linear.gather [spmem:s8], $0x4000, $0x38;
	[tilespmem:$0x1C180] =	vst v63  }
0x7e: {  	_ =	swait.ge [sflag:s22], $0x4000  }
0x7f: {  	[sflag:s22] =	ssyncset.done $0x0  }
0x80: {  	s29 =	rddreg [dreg:$0x6];
	[sflag:s22] =	ssyncadd.s32 $0xFFFFC000  }
0x81: {  	[hbm4b:s29+s3] =	stream.linear.scatter [tilespmem:s21], [sflag:$0x2], $0x4000, $0x38;
	[tilespmem:$0x1C180] =	vst v63  }
0x82: {  	_ =	swait.ge [sflag:s22], $0x4000  }
0x83: {  	[sflag:s22] =	ssyncset.done $0x0  }
0x84: {  	[sflag:s22] =	ssyncadd.s32 $0xFFFFC000  }
0x85: {  	[tilespmem:s21], [sflag:$0x2] =	stream.linear.gather [spmem:s10], $0x4000, $0x38;
	[tilespmem:$0x1C180] =	vst v63  }
0x86: {  	_ =	swait.ge [sflag:s22], $0x4000  }
0x87: {  	[sflag:s22] =	ssyncset.done $0x0  }
0x88: {  	s30 =	rddreg [dreg:$0x7];
	[sflag:s22] =	ssyncadd.s32 $0xFFFFC000  }
0x89: {  	[hbm4b:s30+s3] =	stream.linear.scatter [tilespmem:s21], [sflag:$0x2], $0x4000, $0x38;
	[tilespmem:$0x1C180] =	vst v63  }
0x8a: {  	_ =	swait.ge [sflag:s22], $0x4000  }
0x8b: {  	[sflag:s22] =	ssyncset.done $0x0  }
0x8c: {  	[sflag:s22] =	ssyncadd.s32 $0xFFFFC000  }
0x8d: {  	[tilespmem:s21], [sflag:$0x2] =	stream.linear.gather [spmem:s11], $0x4000, $0x38;
	[tilespmem:$0x1C180] =	vst v63  }
0x8e: {  	_ =	swait.ge [sflag:s22], $0x4000  }
0x8f: {  	[sflag:s22] =	ssyncset.done $0x0  }
0x90: {  	s31 =	rddreg [dreg:$0x8];
	[sflag:s22] =	ssyncadd.s32 $0xFFFFC000  }
0x91: {  	[hbm4b:s31+s3] =	stream.linear.scatter [tilespmem:s21], [sflag:$0x2], $0x4000, $0x38;
	[tilespmem:$0x1C180] =	vst v63  }
0x92: {  	_ =	swait.ge [sflag:s22], $0x4000  }
0x93: {  	[sflag:s22] =	ssyncset.done $0x0  }
0x94: {  	[sflag:s22] =	ssyncadd.s32 $0xFFFFC000  }
0x95: {  	[tilespmem:s21], [sflag:$0x2] =	stream.linear.gather [spmem:s12], $0x4000, $0x38;
	[tilespmem:$0x1C180] =	vst v63  }
0x96: {  	s28 =	sadd.s32 $0x1, s28;
	_ =	swait.ge [sflag:s22], $0x4000  }
0x97: {  	p0 =	sne.s32 s28, s19;
	[sflag:s22] =	ssyncset.done $0x0  }
.Ltmp2:
0x98: {  	[sflag:s22] =	ssyncadd.s32 $0xFFFFC000;
	(pc) =	sbr.rel @p0 .LBB2_1-.Ltmp2, $4  }
0x99: {  	[hbm4b:s18+s3] =	stream.linear.scatter [tilespmem:s21], [sflag:$0x2], $0x4000, $0x38;
	[tilespmem:$0x1C180] =	vst v63  }
0x9a: {  	_ =	swait.ge [sflag:s22], $0x4000  }
0x9b: {  	[sflag:s22] =	ssyncset.done $0x0  }
0x9c: {  	[sflag:s22] =	ssyncadd.s32 $0xFFFFC000  }
0x9d: {  	_ =	sfence.sel $0x180000  }
0x9e: {  	[bflag:$0x0] =	sbarrier.arrive $0xFFFF  }
0x9f: {  	_ =	strace $0x9000004D  }
0xa0: {  	s0 =	stileid.u32;
	[bflag:$0x2] =	sbarrier.arrive $0xFFFF  }
0xa1: {  	p0 =	sne.s32 s0, $0x0;
	s0 =	rddreg [dreg:$0x3]  }
0xa2: {  	s0 =	sadd.s32 @!p0 $0x100000, s0  }
0xa3: {  	[sflag:s0] =	ssyncadd.tile.s32 @!p0 $0x1;
	_ =	shalt  }
.Lfunc_end2:
_tile_overlayer_lowered:
.L_overlay_start_2:
0xa4: {  	(tag) =	ssettag $0x2  }
0xa5: {  	s0 =	rddreg [dreg:$0x0];
	s2 =	stileid.u32  }
0xa6: {  	s1 =	rddreg [dreg:$0x1];
	p0 =	sne.s32 s2, $0x0  }
0xa7: {  	s3 =	rddreg [dreg:$0x2];
	[bflag:$0x3] =	sbarrier.arrive $0xFFFF;
	s2 =	simm.s32 @!p0 $0x1C02  }
0xa8: {  	[timem:s3], [sflag:s2] =	dma.local @!p0 [hbm:s0], s1  }
0xa9: {  	s0 =	simm.s32 @!p0 $0x2  }
0xaa: {  	_ =	swait.ge @!p0 [sflag:s0], s1  }
0xab: {  	s1 =	ssub.s32 @!p0 $0x0, s1;
	[sflag:s0] =	ssyncset.done @!p0 $0x0  }
0xac: {  	[sflag:s0] =	ssyncadd.s32 @!p0 s1  }
0xad: {  	[bflag:$0x3] =	sbarrier.arrive $0xFFFF  }
0xae: {  	_ =	shalt  }

// kernel: kernel.7.cloned.1.call-start
scs
__scs_entry_jumppad:
0x0: {  	(pc) =	sbr.rel $0x88, $3  }
0x1: {  	(tag) =	ssettag $0x0;
	lr =	simm.s32 $0x1  }
0x2: {  	[smem:$0x3F99] =	sst lr;
	_ =	strace $0xD0000000  }
0x3: {  	_ = 	snop  }
0x4: {  	_ = 	snop  }
0x5: {  	_ = 	snop  }
0x6: {  	_ = 	snop  }
0x7: {  	_ = 	snop  }
__scs_overlays_trampoline_lowered:
0x8: {  	[smem:$0x3FA8] =	sst s0  }
0x9: {  	[smem:$0x3FA9] =	sst s1  }
0xa: {  	[smem:$0x3FAA] =	sst s2  }
0xb: {  	[smem:$0x3FAB] =	sst s3  }
0xc: {  	[smem:$0x3FAC] =	sst s4  }
0xd: {  	[smem:$0x3FAD] =	sst s5  }
0xe: {  	[smem:$0x3FAE] =	sst s6  }
0xf: {  	[smem:$0x3FAF] =	sst s7  }
0x10: {  	[smem:$0x3FB0] =	sst s8  }
0x11: {  	[smem:$0x3FB1] =	sst s9;
	s0 =	simm.s32 @!p0 $0x0  }
0x12: {  	s1 =	sld [smem:$0x3F97];
	s0 =	simm.s32 @p0 $0x1  }
0x13: {  	[smem:$0x3FB2] =	sst s0;
	s0 =	simm.s32 @!p1 $0x0  }
0x14: {  	s2 =	sld [smem:$0x3F96];
	s0 =	simm.s32 @p1 $0x1  }
0x15: {  	[smem:$0x3FB3] =	sst s0;
	s0 =	simm.s32 @!p2 $0x0  }
0x16: {  	s3 =	sld [smem:$0x3FDB];
	s0 =	simm.s32 @p2 $0x1  }
0x17: {  	s4 =	simm.s32 $0x1BF5;
	[smem:$0x3FB5] =	sst s0  }
0x18: {  	s0 =	sld [smem:$0x3F98];
	_ =	swait.ge [sflag:s4], $0x0  }
0x19: {  	s7 =	sld [smem:$0x3F99]  }
0x1a: {  	s8 =	sadd.s32 $0xFFFFE003, lr  }
0x1b: {  	s9 =	sadd.s32 $0xFFFFFEF7, lr;
	s5 =	simm.s32 $0xFFFFFFFF;
	p2 =	slt.u32 s8, $0xFFFFF086  }
0x1c: {  	p1 =	slt.u32 s9, $0xF7A;
	s5 =	simm.s32 @!p2 $0x0  }
0x1d: {  	s5 =	simm.s32 @p1 $0x1;
	p0 =	seq.s32 s7, s2  }
0x1e: {  	s7 =	smul.u32 @!p0 $0xF7A, s2;
	p2 =	seq.s32 @!p0 s5, $0x0  }
0x1f: {  	s9 =	smul.u32 $0xF7A, s1;
	s8 =	simm.s32 @!p0 $0x1BF5;
	p2 =	por !p2, p0  }
0x20: {  	[sflag:s8] =	ssyncset.s32 @!p0 $0xFFFFF086;
	s6 =	sadd.s32 @!p0 s3, s7;
	s7 =	simm.s32 @!p0 $0x108  }
0x21: {  	s3 =	sadd.s32 s3, s9;
	s6 =	sadd.s32 @!p0 $0x88, s6;
	s7 =	simm.s32 @p2 $0x1082  }
0x22: {  	[simem:s7], [sflag:s8] =	dma.local @!p0 [hbm:s6], $0xF7A  }
0x23: {  	s9 =	sor.u32 $0xD0000000, s2;
	s6 =	simm.s32 $0x108;
	_ =	swait.ge @!p0 [sflag:s8], $0x0  }
0x24: {  	s3 =	sadd.s32 $0x88, s3;
	s6 =	simm.s32 @!p1 $0x1082;
	[sflag:s4] =	ssyncset.s32 $0xFFFFF086  }
0x25: {  	[simem:s6], [sflag:s4] =	dma.local [hbm:s3], $0xF7A  }
0x26: {  	[smem:$0x3F99] =	sst s1;
	(tag) =	ssettag s2;
	_ =	strace s9  }
0x27: {  	s1 =	sld [smem:$0x3FA9]  }
0x28: {  	s2 =	sld [smem:$0x3FAA]  }
0x29: {  	s4 =	sld [smem:$0x3FAC]  }
0x2a: {  	p0 =	seq.s32 s5, $0x0;
	s5 =	sld [smem:$0x3FAD]  }
0x2b: {  	s6 =	sld [smem:$0x3FAE]  }
0x2c: {  	s7 =	sld [smem:$0x3FAF]  }
0x2d: {  	s3 =	simm.s32 $0x108;
	s8 =	sld [smem:$0x3FB0]  }
0x2e: {  	s3 =	simm.s32 @!p0 $0x1082;
	s9 =	sld [smem:$0x3FB1]  }
0x2f: {  	lr =	sadd.s32 s0, s3;
	s0 =	sld [smem:$0x3FA8]  }
0x30: {  	s3 =	sld [smem:$0x3FAB]  }
0x31: {  	[smem:$0x3FB4] =	sst s10  }
0x32: {  	s10 =	sld [smem:$0x3FB2];
	_ =	sdelay $0x3  }
0x33: {  	p0 =	seq.s32 s10, $0x1;
	s10 =	sld [smem:$0x3FB4];
	_ =	sdelay $0x3  }
0x34: {  	[smem:$0x3FB4] =	sst s10  }
0x35: {  	s10 =	sld [smem:$0x3FB3];
	_ =	sdelay $0x3  }
0x36: {  	p1 =	seq.s32 s10, $0x1;
	s10 =	sld [smem:$0x3FB4];
	_ =	sdelay $0x3  }
0x37: {  	[smem:$0x3FB4] =	sst s10  }
0x38: {  	s10 =	sld [smem:$0x3FB5]  }
0x39: {  	_ = 	snop;
	(pc) =	sbr.ind lr, $3  }
0x3a: {  	_ = 	snop  }
0x3b: {  	_ = 	snop  }
0x3c: {  	p2 =	seq.s32 s10, $0x1;
	s10 =	sld [smem:$0x3FB4]  }
0x3d: {  	_ =	shalt  }
0x3e: {  	_ =	shalt  }
0x3f: {  	_ =	shalt  }
0x40: {  	_ =	shalt  }
0x41: {  	_ =	shalt  }
0x42: {  	_ =	shalt  }
0x43: {  	_ =	shalt  }
0x44: {  	_ =	shalt  }
0x45: {  	_ =	shalt  }
0x46: {  	_ =	shalt  }
0x47: {  	_ =	shalt  }
0x48: {  	_ =	shalt  }
0x49: {  	_ =	shalt  }
0x4a: {  	_ =	shalt  }
0x4b: {  	_ =	shalt  }
0x4c: {  	_ =	shalt  }
0x4d: {  	_ =	shalt  }
0x4e: {  	_ =	shalt  }
0x4f: {  	_ =	shalt  }
0x50: {  	_ =	shalt  }
0x51: {  	_ =	shalt  }
0x52: {  	_ =	shalt  }
0x53: {  	_ =	shalt  }
0x54: {  	_ =	shalt  }
0x55: {  	_ =	shalt  }
0x56: {  	_ =	shalt  }
0x57: {  	_ =	shalt  }
0x58: {  	_ =	shalt  }
0x59: {  	_ =	shalt  }
0x5a: {  	_ =	shalt  }
0x5b: {  	_ =	shalt  }
0x5c: {  	_ =	shalt  }
0x5d: {  	_ =	shalt  }
0x5e: {  	_ =	shalt  }
0x5f: {  	_ =	shalt  }
0x60: {  	_ =	shalt  }
0x61: {  	_ =	shalt  }
0x62: {  	_ =	shalt  }
0x63: {  	_ =	shalt  }
0x64: {  	_ =	shalt  }
0x65: {  	_ =	shalt  }
0x66: {  	_ =	shalt  }
0x67: {  	_ =	shalt  }
0x68: {  	_ =	shalt  }
0x69: {  	_ =	shalt  }
0x6a: {  	_ =	shalt  }
0x6b: {  	_ =	shalt  }
0x6c: {  	_ =	shalt  }
0x6d: {  	_ =	shalt  }
0x6e: {  	_ =	shalt  }
0x6f: {  	_ =	shalt  }
0x70: {  	_ =	shalt  }
0x71: {  	_ =	shalt  }
0x72: {  	_ =	shalt  }
0x73: {  	_ =	shalt  }
0x74: {  	_ =	shalt  }
0x75: {  	_ =	shalt  }
0x76: {  	_ =	shalt  }
0x77: {  	_ =	shalt  }
0x78: {  	_ =	shalt  }
0x79: {  	_ =	shalt  }
0x7a: {  	_ =	shalt  }
0x7b: {  	_ =	shalt  }
0x7c: {  	_ =	shalt  }
0x7d: {  	_ =	shalt  }
0x7e: {  	_ =	shalt  }
0x7f: {  	_ =	shalt  }
0x80: {  	_ =	shalt  }
0x81: {  	_ =	shalt  }
0x82: {  	_ =	shalt  }
0x83: {  	_ =	shalt  }
0x84: {  	_ =	shalt  }
0x85: {  	_ =	shalt  }
0x86: {  	_ =	shalt  }
0x87: {  	_ =	shalt  }
.Lfunc_end0:
.L_simem_size_0:
called_computation_lowered:
.L_overlay_start_0:
0x88: {  	s2 =	sld [smem:$0x3FD9]  }
0x89: {  	s3 =	sld [smem:$0x3FFE];
	_ =	sdelay $0x1  }
0x8a: {  	s1 =	srdreg.scid  }
0x8b: {  	s0 =	sand.u32 $0x1, s1  }
0x8c: {  	s17 =	sshll.u32 s0, $0xA;
	s2 =	sadd.s32 s3, s2  }
0x8d: {  	s2 =	sadd.s32 s2, s17  }
0x8e: {  	[smem:$0x3FC0] =	sst s2  }
0x8f: {  	_ = 	snop  }
0x90: {  	(tm) =	ssettm $0x1  }
0x91: {  	s18 =	sld [smem:$0x3FFB];
	_ =	sdelay $0x3  }
0x92: {  	_ =	strace s18  }
0x93: {  	s2 =	sld [smem:$0x3FFC];
	_ =	sdelay $0x3  }
0x94: {  	_ =	strace s2  }
0x95: {  	s2 =	sld [smem:$0x3FFD];
	_ =	sdelay $0x3  }
0x96: {  	_ =	strace s2  }
0x97: {  	_ =	strace $0x8FFFFFFF  }
0x98: {  	s19 =	sld [smem:$0x3FDB];
	_ =	sdelay $0x1  }
0x99: {  	s20 =	simm.s32 $_scs_section_size  }
0x9a: {  	s4 =	simm.s32 $_size__tile_overlayer_lowered;
	s5 =	simm.s32 $_tile_overlayer_lowered  }
0x9b: {  	s6 =	simm.s32 $0x1BFF;
	s21 =	sshll.u32 s5, $0x1;
	s3 =	sadd.s32 s20, s19  }
0x9c: {  	s22 =	simm.s32 $0x0;
	s4 =	sshll.u32 s4, $0x1;
	s5 =	sadd.s32 s21, s3  }
0x9d: {  	[timem:s22], [sflag:s6] =	dma.local [hbm:s5], s4  }
0x9e: {  	_ =	swait.ge [sflag:s6], s4  }
0x9f: {  	s4 =	ssub.s32 $0x0, s4;
	[sflag:s6] =	ssyncset.done $0x0  }
0xa0: {  	[sflag:s6] =	ssyncadd.s32 s4;
	_ =	sdelay $0x1  }
0xa1: {  	s23 =	simm.s32 $0x1B8B  }
0xa2: {  	_ =	swait.ge [sflag:s23], $0x1  }
0xa3: {  	[sflag:s23] =	ssyncset.done $0x0  }
0xa4: {  	[sflag:s23] =	ssyncadd.s32 $0xFFFFFFFF  }
0xa5: {  	s4 =	sld [smem:$0x0]  }
0xa6: {  	s5 =	sand.u32 $0xFFFFFFFE, s1  }
0xa7: {  	p0 =	sne.s32 s1, s5  }
0xa8: {  	s5 =	sshll.u32 @p0 s5, $0xE  }
0xa9: {  	s5 =	sadd.s32 @p0 $0x11B8D, s5;
	s6 =	sshll.u32 @p0 s4, $0x11  }
0xaa: {  	s5 =	sor.u32 @p0 s6, s5  }
0xab: {  	[sflag:s5] =	ssyncadd.remote.s32 @p0 $0x1;
	_ =	sdelay $0x1  }
0xac: {  	s5 =	simm.s32 @p0 $0x1B8D  }
0xad: {  	_ =	swait.eq @p0 [sflag:s5], $0x1  }
0xae: {  	[sflag:s5] =	ssyncadd.s32 @p0 $0xFFFFFFFF  }
0xaf: {  	s6 =	sshll.u32 @!p0 s1, $0xE  }
0xb0: {  	s6 =	sor.u32 @!p0 $0x4000, s6;
	s5 =	simm.s32 @!p0 $0x1B8D  }
0xb1: {  	s4 =	sshll.u32 @!p0 s4, $0x11;
	s6 =	sadd.s32 @!p0 $0x11B8D, s6;
	_ =	swait.eq @!p0 [sflag:s5], $0x1  }
0xb2: {  	s4 =	sor.u32 @!p0 s4, s6;
	[sflag:s5] =	ssyncadd.s32 @!p0 $0xFFFFFFFF  }
0xb3: {  	s25 =	simm.s32 $0x1B8E;
	s24 =	sld [smem:$0x3FFE];
	[sflag:s4] =	ssyncadd.remote.s32 @!p0 $0x1  }
0xb4: {  	s26 =	simm.s32 $execute0_lowered;
	[smem:$0x3FD2] =	sst s25  }
0xb5: {  	s5 =	sshll.u32 s26, $0x1;
	_ =	strace $0x80000049;
	[dreg:$0x1] =	wrdreg $0xFFFFFFFF  }
0xb6: {  	s28 =	simm.s32 $_size_execute0_lowered;
	s3 =	sadd.s32 s3, s5;
	[dreg:$0x0] =	wrdreg $0x0  }
0xb7: {  	s5 =	sshll.u32 s28, $0x1;
	[dreg:$0x2] =	wrdreg s3  }
0xb8: {  	[dreg:$0x3] =	wrdreg s5  }
0xb9: {  	[dreg:$0x4] =	wrdreg $0xC0  }
0xba: {  	_ =	task [dreg:s22], $0x5FFFF  }
0xbb: {  	[dreg:$0x1] =	wrdreg $0xFFFFFFFF  }
0xbc: {  	[dreg:$0x0] =	wrdreg $0x60  }
0xbd: {  	[dreg:$0x2] =	wrdreg s24  }
0xbe: {  	[dreg:$0x3] =	wrdreg $0x0  }
0xbf: {  	[dreg:$0x4] =	wrdreg $0x9  }
0xc0: {  	_ =	task.clear_ibuf [dreg:s22], $0x5FFFF;
	_ =	strace $0x90000049  }
0xc1: {  	s29 =	simm.s32 $0x9;
	_ =	strace $0x8000004B  }
0xc2: {  	_ =	swait.ge [sflag:s29], $0x1  }
0xc3: {  	[sflag:s29] =	ssyncadd.s32 $0xFFFFFFFF  }
0xc4: {  	_ =	strace $0x9000004B  }
0xc5: {  	_ =	sfence  }
0xc6: {  	s30 =	sld [smem:$0x0];
	_ =	sdelay $0x2  }
0xc7: {  	s31 =	sshll.u32 s1, $0xD;
	s1 =	sshrl.u32 s1, $0x2  }
0xc8: {  	s4 =	sand.u32 $0x4000, s31;
	s1 =	sadd.s32 s1, s30  }
0xc9: {  	s0 =	sor.u32 s4, s0;
	s1 =	sshll.u32 s1, $0x11  }
0xca: {  	s0 =	sor.u32 s1, s0  }
0xcb: {  	s0 =	sadd.s32 $0x8F2B, s0  }
0xcc: {  	[sflag:s0] =	ssyncadd.remote.s32 $0x1  }
0xcd: {  	_ =	sfence.sel $0xFFFF  }
0xce: {  	[dreg:$0x0] =	wrdreg $0xFFFFFFFF;
	(pc) =	sbr.abs _section_cstart, $3  }
0xcf: {  	[dreg:$0x1] =	wrdreg $0xFFFFFFFF  }
0xd0: {  	_ =	task.clear_ibuf [dreg:s22], $0x2FFFF;
	_ =	strace $0x9FFFFFFF  }
0xd1: {  	(tm) =	ssettm $0x7FFFFFFF  }
tec
execute0_lowered:
.L_overlay_start_1:
0x0: {  	(tag) =	ssettag $0x1  }
0x1: {  	s5 =	rddreg [dreg:$0x0]  }
0x2: {  	s1 =	rddreg [dreg:$0x1]  }
0x3: {  	s0 =	rddreg [dreg:$0x2]  }
0x4: {  	s3 =	simm.s32 $0x0;
	s4 =	srdreg.scid;
	s2 =	stileid.u32  }
0x5: {  	s21 =	simm.s32 $0x80;
	s22 =	simm.s32 $0x1;
	s23 =	simm.s32 $0x0  }
0x6: {  	[smem:$0x7FF] =	sst s3;
	s8 =	sand.u32 $0x1, s4;
	s7 =	smul.u32 $0x50000, s2  }
0x7: {  	s4 =	sadd.s32 $0x2000, s5;
	s16 =	sadd.s32 $0x66000, s5;
	s11 =	smul.u32 $0x14000, s2  }
0x8: {  	s26 =	sshll.u32 s2, $0x1;
	_ =	strace $0x8000004A;
	s6 =	ssub.s32 $0x2, s8  }
0x9: {  	s29 =	sor.u32 s8, s26;
	s19 =	smul.u32 $0x140000, s8;
	s25 =	sshrl.u32 s6, $0x1  }
0xa: {  	s28 =	sshrl.u32 s7, $0x2;
	s12 =	sadd.s32 $0x4000, s11;
	s14 =	sadd.s32 $0x8000, s11  }
0xb: {  	s7 =	smul.u32 $0x2800, s29;
	s15 =	sadd.s32 $0xC000, s11;
	s18 =	sadd.s32 $0x10000, s11  }
0xc: {  	s17 =	ssub.s32 s6, s25;
	s5 =	sadd.s32 s28, s1;
	s6 =	sadd.s32 s12, s1  }
0xd: {  	s8 =	sadd.s32 s14, s1;
	s9 =	sadd.s32 s15, s1;
	s10 =	sadd.s32 s18, s1  }
0xe: {  	s20 =	sadd.s32 s11, s19;
	s12 =	sadd.s32 s19, s12;
	s14 =	sadd.s32 s19, s14  }
0xf: {  	s15 =	sadd.s32 s19, s15;
	s18 =	sadd.s32 s19, s18;
	s19 =	simm.s32 $0x2  }
0x10: {  	s13 =	sshrl.u32 s7, $0x3;
	s30 =	sshrl.u32 s20, $0x3;
	s31 =	sshrl.u32 s12, $0x3  }
0x11: {  	s14 =	sshrl.u32 s14, $0x3;
	s15 =	sshrl.u32 s15, $0x3;
	s18 =	sshrl.u32 s18, $0x3  }
0x12: {  	s17 =	smax.u32 s17, $0x1;
	s20 =	simm.s32 $0x14000;
	s11 =	sadd.s32 s4, s13  }
0x13: {  	s12 =	sadd.s32 s16, s30;
	s13 =	sadd.s32 s16, s31;
	s14 =	sadd.s32 s16, s14  }
0x14: {  	v0 =	vimm.f32 $0.0e+00;
	v1 =	vimm.f32 $1.000000000e+00;
	s15 =	sadd.s32 s16, s15;
	s16 =	sadd.s32 s16, s18;
	s18 =	simm.s32 $0x14100  }
.LBB2_1:
0x15: {  	s24 =	simm.s32 $0x0;
	s25 =	simm.s32 $0x200  }
.LBB2_2:
0x16: {  	p0 =	sne.s32 s25, $0xFE00;
	[tilespmem:s24+$0x14170] =	vst v0  }
0x17: {  	[tilespmem:s24+$0x14100] =	vst v0  }
0x18: {  	[tilespmem:s24+$0x14110] =	vst v0  }
.Ltmp0:
0x19: {  	[tilespmem:s24+$0x14120] =	vst v0;
	(pc) =	sbr.rel @p0 .LBB2_2-.Ltmp0, $4  }
0x1a: {  	[tilespmem:s24+$0x14130] =	vst v0  }
0x1b: {  	[tilespmem:s24+$0x14140] =	vst v0  }
0x1c: {  	[tilespmem:s24+$0x14150] =	vst v0  }
0x1d: {  	[tilespmem:s24+$0x14160] =	vst v0;
	s24 =	sshra.s32 s25, $0x2;
	s25 =	sadd.s32 $0x200, s25  }
0x1e: {  	[tilespmem:s24+$0x14170] =	vst v0  }
0x1f: {  	[tilespmem:s24+$0x14100] =	vst v0  }
0x20: {  	[tilespmem:s24+$0x14110] =	vst v0  }
0x21: {  	[tilespmem:s24+$0x14120] =	vst v0  }
0x22: {  	[tilespmem:s24+$0x14130] =	vst v0  }
0x23: {  	[tilespmem:s24+$0x14140] =	vst v0  }
0x24: {  	[tilespmem:s24+$0x14150] =	vst v0  }
0x25: {  	[tilespmem:s24+$0x14160] =	vst v0  }
0x26: {  	[spmem:s5] =	stream.linear.scatter [tilespmem:s18], [sflag:$0x2], $0x4000, $0x38;
	[tilespmem:$0x18100] =	vst v63  }
0x27: {  	_ =	swait.ge [sflag:s19], $0x4000  }
0x28: {  	[sflag:s19] =	ssyncset.done $0x0  }
0x29: {  	[sflag:s19] =	ssyncadd.s32 $0xFFFFC000  }
0x2a: {  	[spmem:s6] =	stream.linear.scatter [tilespmem:s18], [sflag:$0x2], $0x4000, $0x38;
	[tilespmem:$0x18100] =	vst v63  }
0x2b: {  	_ =	swait.ge [sflag:s19], $0x4000  }
0x2c: {  	[sflag:s19] =	ssyncset.done $0x0  }
0x2d: {  	[sflag:s19] =	ssyncadd.s32 $0xFFFFC000  }
0x2e: {  	[spmem:s8] =	stream.linear.scatter [tilespmem:s18], [sflag:$0x2], $0x4000, $0x38;
	[tilespmem:$0x18100] =	vst v63  }
0x2f: {  	_ =	swait.ge [sflag:s19], $0x4000  }
0x30: {  	[sflag:s19] =	ssyncset.done $0x0  }
0x31: {  	[sflag:s19] =	ssyncadd.s32 $0xFFFFC000  }
0x32: {  	[spmem:s9] =	stream.linear.scatter [tilespmem:s18], [sflag:$0x2], $0x4000, $0x38;
	[tilespmem:$0x18100] =	vst v63  }
0x33: {  	_ =	swait.ge [sflag:s19], $0x4000  }
0x34: {  	[sflag:s19] =	ssyncset.done $0x0  }
0x35: {  	[sflag:s19] =	ssyncadd.s32 $0xFFFFC000  }
0x36: {  	[spmem:s10] =	stream.linear.scatter [tilespmem:s18], [sflag:$0x2], $0x4000, $0x38;
	[tilespmem:$0x18100] =	vst v63  }
0x37: {  	_ =	swait.ge [sflag:s19], $0x4000  }
0x38: {  	[sflag:s19] =	ssyncset.done $0x0  }
0x39: {  	s24 =	simm.s32 $0x0;
	s25 =	simm.s32 $0x200;
	[sflag:s19] =	ssyncadd.s32 $0xFFFFC000  }
.LBB2_4:
0x3a: {  	p0 =	sne.s32 s25, $0xFE00;
	[tilespmem:s24+$0x14170] =	vst v1  }
0x3b: {  	[tilespmem:s24+$0x14100] =	vst v1  }
0x3c: {  	[tilespmem:s24+$0x14110] =	vst v1  }
.Ltmp1:
0x3d: {  	[tilespmem:s24+$0x14120] =	vst v1;
	(pc) =	sbr.rel @p0 .LBB2_4-.Ltmp1, $4  }
0x3e: {  	[tilespmem:s24+$0x14130] =	vst v1  }
0x3f: {  	[tilespmem:s24+$0x14140] =	vst v1  }
0x40: {  	[tilespmem:s24+$0x14150] =	vst v1  }
0x41: {  	[tilespmem:s24+$0x14160] =	vst v1;
	s24 =	sshra.s32 s25, $0x2;
	s25 =	sadd.s32 $0x200, s25  }
0x42: {  	[tilespmem:s24+$0x14170] =	vst v1  }
0x43: {  	[tilespmem:s24+$0x14100] =	vst v1  }
0x44: {  	[tilespmem:s24+$0x14110] =	vst v1  }
0x45: {  	[tilespmem:s24+$0x14120] =	vst v1  }
0x46: {  	[tilespmem:s24+$0x14130] =	vst v1  }
0x47: {  	[tilespmem:s24+$0x14140] =	vst v1  }
0x48: {  	[tilespmem:s24+$0x14150] =	vst v1  }
0x49: {  	[tilespmem:s24+$0x14160] =	vst v1;
	s31 =	simm.s32 $0x80;
	s26 =	simm.s32 $0x200;
	s30 =	simm.s32 $0x0  }
0x4a: {  	[bflag:$0x0] =	sbarrier.arrive $0xFFFF;
	s25 =	sand.u32 $0x7C00, s31;
	s24 =	sand.u32 $0x380, s31  }
0x4b: {  	[tilespmem:s20], [sflag:$0x2] =	stream.linear.gather [hbm4b:s11+s3], $0x80, $0x38;
	[tilespmem:$0x18100] =	vst v63  }
0x4c: {  	s26 =	sand.u32 $0x200, s26;
	s25 =	sadd.s32 s7, s25;
	_ =	swait.ge [sflag:s19], $0x80  }
0x4d: {  	s24 =	sor.u32 s24, s25;
	s25 =	sshrl.u32 s26, $0x2;
	s26 =	sand.u32 $0x200, s30  }
0x4e: {  	[sflag:s19] =	ssyncset.done $0x0;
	s24 =	sshrl.u32 s24, $0x3;
	s25 =	sor.u32 $0x14000, s25  }
0x4f: {  	s31 =	sshrl.u32 s26, $0x2;
	[sflag:s19] =	ssyncadd.s32 $0xFFFFFF80;
	s24 =	sadd.s32 s4, s24  }
0x50: {  	[tilespmem:s25], [sflag:$0x1] =	stream.linear.gather [hbm4b:s24+s3], $0x80, $0x38;
	[tilespmem:$0x18100] =	vst v63  }
0x51: {  	s24 =	sor.u32 $0x14000, s31  }
0x52: {  	[spmem:s1] =	stream.indirect.scatter.add.f32 [tilespmem:s18], [sflag:$0x2], $0x80, s24, s21, $0xb8;
	[tilespmem:$0x18100] =	vst v63  }
0x53: {  	s29 =	simm.s32 $0x100;
	_ =	swait.ge [sflag:s19], $0x4000  }
0x54: {  	s28 =	sand.u32 $0x7C00, s29;
	s29 =	sand.u32 $0x380, s29;
	[sflag:s19] =	ssyncset.done $0x0  }
0x55: {  	s28 =	sadd.s32 s7, s28;
	s26 =	simm.s32 $0x200;
	[sflag:s19] =	ssyncadd.s32 $0xFFFFC000  }
0x56: {  	s25 =	simm.s32 $0x180;
	s24 =	simm.s32 $0x400;
	_ =	swait.ge [sflag:s22], $0x80  }
.LBB2_6:
0x57: {  	s28 =	sor.u32 s29, s28  }
0x58: {  	s29 =	sand.u32 $0x200, s24;
	[sflag:s22] =	ssyncset.done $0x0;
	s30 =	smov.u32 s25  }
0x59: {  	s29 =	sshrl.u32 s29, $0x2;
	s28 =	sshrl.u32 s28, $0x3;
	[sflag:s22] =	ssyncadd.s32 $0xFFFFFF80  }
0x5a: {  	s26 =	sand.u32 $0x200, s26;
	s29 =	sor.u32 $0x14000, s29;
	s28 =	sadd.s32 s4, s28  }
0x5b: {  	[tilespmem:s29], [sflag:$0x1] =	stream.linear.gather [hbm4b:s28+s3], $0x80, $0x38;
	[tilespmem:$0x18100] =	vst v63  }
0x5c: {  	p0 =	sne.s32 s25, $0x2700;
	s25 =	sadd.s32 $0x80, s25;
	s26 =	sshrl.u32 s26, $0x2  }
0x5d: {  	s26 =	sor.u32 $0x14000, s26  }
0x5e: {  	[spmem:s1] =	stream.indirect.scatter.add.f32 [tilespmem:s18], [sflag:$0x2], $0x80, s26, s21, $0xb8;
	[tilespmem:$0x18100] =	vst v63  }
.Ltmp2:
0x5f: {  	_ = 	snop;
	(pc) =	sbr.rel @p0 .LBB2_6-.Ltmp2, $4  }
0x60: {  	_ =	swait.ge [sflag:s19], $0x4000  }
0x61: {  	s24 =	sadd.s32 $0x200, s24;
	[sflag:s19] =	ssyncset.done $0x0  }
0x62: {  	s28 =	sand.u32 $0x7C00, s30;
	s26 =	sadd.s32 $0xFFFFFE00, s24;
	[sflag:s19] =	ssyncadd.s32 $0xFFFFC000  }
0x63: {  	s29 =	sand.u32 $0x380, s30;
	s28 =	sadd.s32 s7, s28;
	_ =	swait.ge [sflag:s22], $0x80  }
0x64: {  	s25 =	sor.u32 s29, s28  }
0x65: {  	s24 =	sand.u32 $0x200, s24;
	[sflag:s22] =	ssyncset.done $0x0;
	s26 =	sand.u32 $0x200, s26  }
0x66: {  	s24 =	sshrl.u32 s24, $0x2;
	s25 =	sshrl.u32 s25, $0x3;
	[sflag:s22] =	ssyncadd.s32 $0xFFFFFF80  }
0x67: {  	s31 =	sshrl.u32 s26, $0x2;
	s24 =	sor.u32 $0x14000, s24;
	s25 =	sadd.s32 s4, s25  }
0x68: {  	[tilespmem:s24], [sflag:$0x1] =	stream.linear.gather [hbm4b:s25+s3], $0x80, $0x38;
	[tilespmem:$0x18100] =	vst v63  }
0x69: {  	s24 =	sor.u32 $0x14000, s31  }
0x6a: {  	[spmem:s1] =	stream.indirect.scatter.add.f32 [tilespmem:s18], [sflag:$0x2], $0x80, s24, s21, $0xb8;
	[tilespmem:$0x18100] =	vst v63  }
0x6b: {  	_ =	swait.ge [sflag:s19], $0x4000  }
0x6c: {  	[sflag:s19] =	ssyncset.done $0x0  }
0x6d: {  	[sflag:s19] =	ssyncadd.s32 $0xFFFFC000  }
0x6e: {  	_ =	swait.ge [sflag:s22], $0x80  }
0x6f: {  	[sflag:s22] =	ssyncset.done $0x0  }
0x70: {  	[sflag:s22] =	ssyncadd.s32 $0xFFFFFF80  }
0x71: {  	[spmem:s1] =	stream.indirect.scatter.add.f32 [tilespmem:s18], [sflag:$0x2], $0x80, s20, s21, $0xb8;
	[tilespmem:$0x18100] =	vst v63  }
0x72: {  	_ =	swait.ge [sflag:s19], $0x4000  }
0x73: {  	[sflag:s19] =	ssyncset.done $0x0  }
0x74: {  	[sflag:s19] =	ssyncadd.s32 $0xFFFFC000  }
0x75: {  	[bflag:$0x0] =	sbarrier.arrive $0xFFFF  }
0x76: {  	[tilespmem:s18], [sflag:$0x2] =	stream.linear.gather [spmem:s5], $0x4000, $0x38;
	[tilespmem:$0x18100] =	vst v63  }
0x77: {  	_ =	swait.ge [sflag:s19], $0x4000  }
0x78: {  	[sflag:s19] =	ssyncset.done $0x0  }
0x79: {  	[sflag:s19] =	ssyncadd.s32 $0xFFFFC000  }
0x7a: {  	[hbm4b:s12+s3] =	stream.linear.scatter [tilespmem:s18], [sflag:$0x2], $0x4000, $0x38;
	[tilespmem:$0x18100] =	vst v63  }
0x7b: {  	_ =	swait.ge [sflag:s19], $0x4000  }
0x7c: {  	[sflag:s19] =	ssyncset.done $0x0  }
0x7d: {  	[sflag:s19] =	ssyncadd.s32 $0xFFFFC000  }
0x7e: {  	[tilespmem:s18], [sflag:$0x2] =	stream.linear.gather [spmem:s6], $0x4000, $0x38;
	[tilespmem:$0x18100] =	vst v63  }
0x7f: {  	_ =	swait.ge [sflag:s19], $0x4000  }
0x80: {  	[sflag:s19] =	ssyncset.done $0x0  }
0x81: {  	[sflag:s19] =	ssyncadd.s32 $0xFFFFC000  }
0x82: {  	[hbm4b:s13+s3] =	stream.linear.scatter [tilespmem:s18], [sflag:$0x2], $0x4000, $0x38;
	[tilespmem:$0x18100] =	vst v63  }
0x83: {  	_ =	swait.ge [sflag:s19], $0x4000  }
0x84: {  	[sflag:s19] =	ssyncset.done $0x0  }
0x85: {  	[sflag:s19] =	ssyncadd.s32 $0xFFFFC000  }
0x86: {  	[tilespmem:s18], [sflag:$0x2] =	stream.linear.gather [spmem:s8], $0x4000, $0x38;
	[tilespmem:$0x18100] =	vst v63  }
0x87: {  	_ =	swait.ge [sflag:s19], $0x4000  }
0x88: {  	[sflag:s19] =	ssyncset.done $0x0  }
0x89: {  	[sflag:s19] =	ssyncadd.s32 $0xFFFFC000  }
0x8a: {  	[hbm4b:s14+s3] =	stream.linear.scatter [tilespmem:s18], [sflag:$0x2], $0x4000, $0x38;
	[tilespmem:$0x18100] =	vst v63  }
0x8b: {  	_ =	swait.ge [sflag:s19], $0x4000  }
0x8c: {  	[sflag:s19] =	ssyncset.done $0x0  }
0x8d: {  	[sflag:s19] =	ssyncadd.s32 $0xFFFFC000  }
0x8e: {  	[tilespmem:s18], [sflag:$0x2] =	stream.linear.gather [spmem:s9], $0x4000, $0x38;
	[tilespmem:$0x18100] =	vst v63  }
0x8f: {  	_ =	swait.ge [sflag:s19], $0x4000  }
0x90: {  	[sflag:s19] =	ssyncset.done $0x0  }
0x91: {  	[sflag:s19] =	ssyncadd.s32 $0xFFFFC000  }
0x92: {  	[hbm4b:s15+s3] =	stream.linear.scatter [tilespmem:s18], [sflag:$0x2], $0x4000, $0x38;
	[tilespmem:$0x18100] =	vst v63  }
0x93: {  	_ =	swait.ge [sflag:s19], $0x4000  }
0x94: {  	[sflag:s19] =	ssyncset.done $0x0  }
0x95: {  	[sflag:s19] =	ssyncadd.s32 $0xFFFFC000  }
0x96: {  	[tilespmem:s18], [sflag:$0x2] =	stream.linear.gather [spmem:s10], $0x4000, $0x38;
	[tilespmem:$0x18100] =	vst v63  }
0x97: {  	s23 =	sadd.s32 $0x1, s23;
	_ =	swait.ge [sflag:s19], $0x4000  }
0x98: {  	p0 =	sne.s32 s23, s17;
	[sflag:s19] =	ssyncset.done $0x0  }
.Ltmp3:
0x99: {  	[sflag:s19] =	ssyncadd.s32 $0xFFFFC000;
	(pc) =	sbr.rel @p0 .LBB2_1-.Ltmp3, $4  }
0x9a: {  	[hbm4b:s16+s3] =	stream.linear.scatter [tilespmem:s18], [sflag:$0x2], $0x4000, $0x38;
	[tilespmem:$0x18100] =	vst v63  }
0x9b: {  	_ =	swait.ge [sflag:s19], $0x4000  }
0x9c: {  	[sflag:s19] =	ssyncset.done $0x0  }
0x9d: {  	[sflag:s19] =	ssyncadd.s32 $0xFFFFC000  }
0x9e: {  	_ =	sfence.sel $0x180000  }
0x9f: {  	[bflag:$0x0] =	sbarrier.arrive $0xFFFF  }
0xa0: {  	p0 =	sne.s32 s2, $0x0;
	_ =	strace $0x9000004A  }
0xa1: {  	s0 =	sadd.s32 @!p0 $0x100000, s0;
	[bflag:$0x2] =	sbarrier.arrive $0xFFFF  }
0xa2: {  	[sflag:s0] =	ssyncadd.tile.s32 @!p0 $0x1;
	_ =	shalt  }
.Lfunc_end2:
_tile_overlayer_lowered:
.L_overlay_start_2:
0xa3: {  	(tag) =	ssettag $0x2  }
0xa4: {  	s0 =	rddreg [dreg:$0x0];
	s2 =	stileid.u32  }
0xa5: {  	s1 =	rddreg [dreg:$0x1];
	p0 =	sne.s32 s2, $0x0  }
0xa6: {  	s3 =	rddreg [dreg:$0x2];
	[bflag:$0x3] =	sbarrier.arrive $0xFFFF;
	s2 =	simm.s32 @!p0 $0x1C02  }
0xa7: {  	[timem:s3], [sflag:s2] =	dma.local @!p0 [hbm:s0], s1  }
0xa8: {  	s0 =	simm.s32 @!p0 $0x2  }
0xa9: {  	_ =	swait.ge @!p0 [sflag:s0], s1  }
0xaa: {  	s1 =	ssub.s32 @!p0 $0x0, s1;
	[sflag:s0] =	ssyncset.done @!p0 $0x0  }
0xab: {  	[sflag:s0] =	ssyncadd.s32 @!p0 s1  }
0xac: {  	[bflag:$0x3] =	sbarrier.arrive $0xFFFF  }
0xad: {  	_ =	shalt  }

</sc_bundles>
